<compile_context>
chip_gen: v7x
topology: tpu7x:2x2x1
jax: 0.10.2.dev20260603
libtpu: 0.0.44.dev20260713+nightly
codegen_flags: <defaults>
</compile_context>

<pallas_src>
import functools

import jax
import jax.numpy as jnp
from jax import lax
from jax.experimental import pallas as pl
from jax.experimental.pallas import tpu as pltpu
from jax.experimental.pallas import tpu_sc as plsc

NS = 16
LANES = 16

L = 16384
D = 64
NTAGS = 16
VOCAB = 1_000_000
CPAD = 1_048_576
PER_T = L // NS
CHUNK = CPAD // NS

BLK = 32768
NBLK = (VOCAB + BLK - 1) // BLK
SUBS = BLK // 128
TAIL_SUBS = (VOCAB - (NBLK - 1) * BLK + 127) // 128


def _count_sc(words3):
    mesh = plsc.VectorSubcoreMesh(
        core_axis_name="c", subcore_axis_name="s", num_cores=1
    )

    @functools.partial(
        pl.kernel,
        out_type=jax.ShapeDtypeStruct((CPAD,), jnp.float32),
        mesh=mesh,
        scratch_types=[
            pltpu.VMEM((PER_T // 128, 128), jnp.int32),
            pltpu.VMEM((CHUNK // 4,), jnp.float32),
            pltpu.VMEM((128,), jnp.float32),
            pltpu.VMEM_SHARED((CPAD,), jnp.float32),
        ],
    )
    def k(words_hbm, cnt_hbm, idx_v, zeros_v, ones_v, cnt_s):
        sid = lax.axis_index("s")

        z16 = jnp.zeros((LANES,), jnp.float32)
        o16 = jnp.ones((LANES,), jnp.float32)

        def zbody(i, _):
            zeros_v[pl.ds(i * LANES, LANES)] = z16
            return 0

        lax.fori_loop(0, (CHUNK // 4) // LANES, zbody, 0)
        for i in range(128 // LANES):
            ones_v[pl.ds(i * LANES, LANES)] = o16

        pltpu.sync_copy(words_hbm.at[sid], idx_v)
        for q in range(4):
            pltpu.sync_copy(
                zeros_v, cnt_s.at[pl.ds(sid * CHUNK + q * (CHUNK // 4),
                                        CHUNK // 4)]
            )
        plsc.subcore_barrier()

        for j in range(PER_T // 128):
            pltpu.sync_copy(ones_v, cnt_s.at[idx_v.at[j]], add=True)
        plsc.subcore_barrier()

        pltpu.sync_copy(
            cnt_s.at[pl.ds(sid * CHUNK, CHUNK)],
            cnt_hbm.at[pl.ds(sid * CHUNK, CHUNK)],
        )

    return k(words3)


def _matvec_tc(table_t, cnt2, wt, b2):
    def body(tbl_ref, cnt_ref, wt_ref, b_ref, out_ref, acc_ref):
        j = pl.program_id(0)

        @pl.when(j == 0)
        def _():
            acc_ref[...] = jnp.zeros((D, 128), jnp.float32)

        def accumulate(nsubs, mask_tail):
            acc = acc_ref[...]
            for sub in range(nsubs):
                t = tbl_ref[:, sub * 128:(sub + 1) * 128]
                if mask_tail:
                    base = (NBLK - 1) * BLK + sub * 128
                    ok = base + lax.iota(jnp.int32, 128) < VOCAB
                    t = jnp.where(ok[None, :], t, 0.0)
                row = cnt_ref[sub * 128:(sub + 1) * 128]
                acc = acc + t * row[None, :]
            acc_ref[...] = acc

        @pl.when(j < NBLK - 1)
        def _():
            accumulate(SUBS, False)

        @pl.when(j == NBLK - 1)
        def _():
            accumulate(TAIL_SUBS, True)
            emb = jnp.sum(acc_ref[...], axis=1)
            logits = jnp.sum(wt_ref[...] * emb[:, None], axis=0)
            out_ref[...] = logits[None, :] + b_ref[...]

        return

    return pl.pallas_call(
        body,
        grid=(NBLK,),
        in_specs=[
            pl.BlockSpec((D, BLK), lambda j: (0, j)),
            pl.BlockSpec((BLK,), lambda j: (j,)),
            pl.BlockSpec((D, NTAGS), lambda j: (0, 0)),
            pl.BlockSpec((1, NTAGS), lambda j: (0, 0)),
        ],
        out_specs=pl.BlockSpec((1, NTAGS), lambda j: (0, 0)),
        out_shape=jax.ShapeDtypeStruct((1, NTAGS), jnp.float32),
        scratch_shapes=[pltpu.VMEM((D, 128), jnp.float32)],
        compiler_params=pltpu.CompilerParams(
            dimension_semantics=("arbitrary",),
        ),
    )(table_t, cnt2, wt, b2)


def kernel(words, embedding, W, b):
    words3 = words.astype(jnp.int32).reshape(NS, PER_T // 128, 128)
    cnt = _count_sc(words3)
    table_t = embedding.T
    wt = W.T
    b2 = b.reshape(1, NTAGS)
    return _matvec_tc(table_t, cnt, wt, b2)

# --- scband reference (transcript-rebuilt; emitter-appended) ---
"""Pipeline reference for scband-cbo-w-40209483825767 (READ-ONLY COPY).

The authoritative reference and input builder live on the scoring server;
editing this copy changes nothing except your own understanding.
"""

import jax, jax.numpy as jnp
import numpy as np

NWORDS = 1000000
NTAGS = 16
EMB_SIZE = 64
L = 16384

def _xavier_uniform(key, shape):
    fan_in, fan_out = shape[1], shape[0]
    a = float(np.sqrt(6.0 / (fan_in + fan_out)))
    return jax.random.uniform(key, shape, dtype=jnp.float32, minval=-a, maxval=a)

def setup_inputs(seed: int = 0) -> dict:
    key = jax.random.key(seed)
    k1, k2, k3, k4 = jax.random.split(key, 4)
    words = jax.random.randint(k1, (L,), 0, NWORDS, dtype=jnp.int64)
    # nn.Embedding weight with xavier_uniform init: shape [nwords, emb_size]
    embedding = _xavier_uniform(k2, (NWORDS, EMB_SIZE))
    # nn.Linear(emb_size, ntags): weight [ntags, emb_size], bias [ntags]
    W = _xavier_uniform(k3, (NTAGS, EMB_SIZE))
    bound = 1.0 / float(np.sqrt(EMB_SIZE))
    b = jax.random.uniform(k4, (NTAGS,), dtype=jnp.float32, minval=-bound, maxval=bound)
    return {"words": words, "embedding": embedding, "W": W, "b": b}

def reference(words, embedding, W, b):
    # emb = self.embedding(words)  -> gather rows
    emb = jnp.take(embedding, words, axis=0)          # [L, emb_size]
    # emb_sum = torch.sum(emb, dim=0)
    emb_sum = jnp.sum(emb, axis=0)                    # [emb_size]
    # emb_sum = emb_sum.view(1, -1)
    emb_sum = emb_sum.reshape(1, -1)                  # [1, emb_size]
    # out = self.linear(emb_sum)
    out = emb_sum @ W.T + b                           # [1, ntags]
    return out

if __name__ == "__main__":
    import jax
    _d = setup_inputs()
    print(jax.jit(kernel)(*tuple(_d.values())))

</pallas_src>

<mosaic_0001>
#map = affine_map<(d0, d1) -> (0, 0, 0)>
#map1 = affine_map<(d0, d1) -> (0)>
module attributes {stable_mosaic.version = 14 : i64} {
  func.func @k(%arg0: i32, %arg1: i32, %arg2: memref<16x8x128xi32, #tpu.memory_space<hbm>>, %arg3: memref<1048576xf32, #tpu.memory_space<hbm>>, %arg4: memref<8x128xi32, #tpu.memory_space<vmem>>, %arg5: memref<16384xf32, #tpu.memory_space<vmem>>, %arg6: memref<128xf32, #tpu.memory_space<vmem>>, %arg7: memref<1048576xf32, #tpu.memory_space<vmem_shared>>) attributes {dimension_semantics = [#tpu.dimension_semantics<core_parallel>, #tpu.dimension_semantics<subcore_parallel>], iteration_bounds = array<i64: 1, 16>, scalar_prefetch = 0 : i64, scratch_operands = 4 : i64, tpu.core_type = #tpu.core_type<sc_vector_subcore>, window_params = [{transform_indices = #map}, {transform_indices = #map1}]} {
    %broadcast_in_dim3A = arith.constant 0.000000e+00 : f32
    %broadcast_in_dim3A_0 = vector.broadcast %broadcast_in_dim3A : f32 to vector<16xf32>
    %broadcast_in_dim3A_1 = arith.constant 1.000000e+00 : f32
    %broadcast_in_dim3A_2 = vector.broadcast %broadcast_in_dim3A_1 : f32 to vector<16xf32>
    %scan3A = arith.constant 0 : i32
    %scan3A_3 = arith.constant 0 : i32
    %scan3A_4 = arith.constant 1024 : i32
    %scan3A_5 = arith.addi %scan3A_3, %scan3A_4 : i32
    %scan3A_6 = arith.constant 1 : i32
    %scan3A_7 = scf.for %scan3A_66 = %scan3A_3 to %scan3A_5 step %scan3A_6 iter_args(%scan3A_67 = %scan3A) -> (i32)  : i32 {
      %mul3A_68 = arith.constant 16 : i32
      %mul3A_69 = arith.muli %scan3A_66, %mul3A_68 : i32
      %swap3A_70 = arith.index_cast %mul3A_69 : i32 to index
      %swap3A_71 = tpu.vector_load %arg5[%swap3A_70] {strides = array<i32>} : memref<16384xf32, #tpu.memory_space<vmem>>, vector<16xf32>,
      %swap3A_72 = vector.shape_cast %swap3A_71 : vector<16xf32> to vector<16xf32>
      %swap3A_73 = vector.shape_cast %broadcast_in_dim3A_0 : vector<16xf32> to vector<16xf32>
      tpu.vector_store %arg5[%swap3A_70], %swap3A_73 {strides = array<i32>} : memref<16384xf32, #tpu.memory_space<vmem>>, vector<16xf32>,
      %scan3A_74 = arith.constant 0 : i32
      scf.yield %scan3A_74 : i32
    }
    %scan3A_8 = arith.constant 1024 : i32
    %swap3A = arith.constant 0 : index
    %swap3A_9 = tpu.vector_load %arg6[%swap3A] {strides = array<i32>} : memref<128xf32, #tpu.memory_space<vmem>>, vector<16xf32>,
    %swap3A_10 = vector.shape_cast %swap3A_9 : vector<16xf32> to vector<16xf32>
    %swap3A_11 = vector.shape_cast %broadcast_in_dim3A_2 : vector<16xf32> to vector<16xf32>
    tpu.vector_store %arg6[%swap3A], %swap3A_11 {strides = array<i32>} : memref<128xf32, #tpu.memory_space<vmem>>, vector<16xf32>,
    %swap3A_12 = arith.constant 16 : index
    %swap3A_13 = tpu.vector_load %arg6[%swap3A_12] {strides = array<i32>} : memref<128xf32, #tpu.memory_space<vmem>>, vector<16xf32>,
    %swap3A_14 = vector.shape_cast %swap3A_13 : vector<16xf32> to vector<16xf32>
    %swap3A_15 = vector.shape_cast %broadcast_in_dim3A_2 : vector<16xf32> to vector<16xf32>
    tpu.vector_store %arg6[%swap3A_12], %swap3A_15 {strides = array<i32>} : memref<128xf32, #tpu.memory_space<vmem>>, vector<16xf32>,
    %swap3A_16 = arith.constant 32 : index
    %swap3A_17 = tpu.vector_load %arg6[%swap3A_16] {strides = array<i32>} : memref<128xf32, #tpu.memory_space<vmem>>, vector<16xf32>,
    %swap3A_18 = vector.shape_cast %swap3A_17 : vector<16xf32> to vector<16xf32>
    %swap3A_19 = vector.shape_cast %broadcast_in_dim3A_2 : vector<16xf32> to vector<16xf32>
    tpu.vector_store %arg6[%swap3A_16], %swap3A_19 {strides = array<i32>} : memref<128xf32, #tpu.memory_space<vmem>>, vector<16xf32>,
    %swap3A_20 = arith.constant 48 : index
    %swap3A_21 = tpu.vector_load %arg6[%swap3A_20] {strides = array<i32>} : memref<128xf32, #tpu.memory_space<vmem>>, vector<16xf32>,
    %swap3A_22 = vector.shape_cast %swap3A_21 : vector<16xf32> to vector<16xf32>
    %swap3A_23 = vector.shape_cast %broadcast_in_dim3A_2 : vector<16xf32> to vector<16xf32>
    tpu.vector_store %arg6[%swap3A_20], %swap3A_23 {strides = array<i32>} : memref<128xf32, #tpu.memory_space<vmem>>, vector<16xf32>,
    %swap3A_24 = arith.constant 64 : index
    %swap3A_25 = tpu.vector_load %arg6[%swap3A_24] {strides = array<i32>} : memref<128xf32, #tpu.memory_space<vmem>>, vector<16xf32>,
    %swap3A_26 = vector.shape_cast %swap3A_25 : vector<16xf32> to vector<16xf32>
    %swap3A_27 = vector.shape_cast %broadcast_in_dim3A_2 : vector<16xf32> to vector<16xf32>
    tpu.vector_store %arg6[%swap3A_24], %swap3A_27 {strides = array<i32>} : memref<128xf32, #tpu.memory_space<vmem>>, vector<16xf32>,
    %swap3A_28 = arith.constant 80 : index
    %swap3A_29 = tpu.vector_load %arg6[%swap3A_28] {strides = array<i32>} : memref<128xf32, #tpu.memory_space<vmem>>, vector<16xf32>,
    %swap3A_30 = vector.shape_cast %swap3A_29 : vector<16xf32> to vector<16xf32>
    %swap3A_31 = vector.shape_cast %broadcast_in_dim3A_2 : vector<16xf32> to vector<16xf32>
    tpu.vector_store %arg6[%swap3A_28], %swap3A_31 {strides = array<i32>} : memref<128xf32, #tpu.memory_space<vmem>>, vector<16xf32>,
    %swap3A_32 = arith.constant 96 : index
    %swap3A_33 = tpu.vector_load %arg6[%swap3A_32] {strides = array<i32>} : memref<128xf32, #tpu.memory_space<vmem>>, vector<16xf32>,
    %swap3A_34 = vector.shape_cast %swap3A_33 : vector<16xf32> to vector<16xf32>
    %swap3A_35 = vector.shape_cast %broadcast_in_dim3A_2 : vector<16xf32> to vector<16xf32>
    tpu.vector_store %arg6[%swap3A_32], %swap3A_35 {strides = array<i32>} : memref<128xf32, #tpu.memory_space<vmem>>, vector<16xf32>,
    %swap3A_36 = arith.constant 112 : index
    %swap3A_37 = tpu.vector_load %arg6[%swap3A_36] {strides = array<i32>} : memref<128xf32, #tpu.memory_space<vmem>>, vector<16xf32>,
    %swap3A_38 = vector.shape_cast %swap3A_37 : vector<16xf32> to vector<16xf32>
    %swap3A_39 = vector.shape_cast %broadcast_in_dim3A_2 : vector<16xf32> to vector<16xf32>
    tpu.vector_store %arg6[%swap3A_36], %swap3A_39 {strides = array<i32>} : memref<128xf32, #tpu.memory_space<vmem>>, vector<16xf32>,
    "tpu.region"() ({
      %run_scoped3A_66 = tpu.sem_alloc : memref<!tpu.dma_semaphore, #tpu.memory_space<semaphore_mem>>
      %dma_start3A = arith.constant 0 : i32
      %dma_start3A_67 = arith.constant 0 : i32
      %dma_start3A_68 = tpu.memref_slice %arg2[%arg1, %dma_start3A, %dma_start3A_67] : memref<16x8x128xi32, #tpu.memory_space<hbm>> -> memref<1x8x128xi32, #tpu.memory_space<hbm>>
      %dma_start3A_69 = tpu.memref_squeeze %dma_start3A_68 : memref<1x8x128xi32, #tpu.memory_space<hbm>> -> memref<8x128xi32, #tpu.memory_space<hbm>>
      %dma_start3A_70 = arith.constant 0 : i32
      %dma_start3A_71 = arith.constant 0 : i32
      %dma_start3A_72 = tpu.memref_slice %arg2[%arg1, %dma_start3A_70, %dma_start3A_71] : memref<16x8x128xi32, #tpu.memory_space<hbm>> -> memref<1x8x128xi32, #tpu.memory_space<hbm>>
      %dma_start3A_73 = tpu.memref_squeeze %dma_start3A_72 : memref<1x8x128xi32, #tpu.memory_space<hbm>> -> memref<8x128xi32, #tpu.memory_space<hbm>>
      tpu.enqueue_dma source(%dma_start3A_73 : memref<8x128xi32, #tpu.memory_space<hbm>>) target(%arg4 : memref<8x128xi32, #tpu.memory_space<vmem>>) target_semaphore(%run_scoped3A_66 : memref<!tpu.dma_semaphore, #tpu.memory_space<semaphore_mem>>)
      %dma_wait3A = arith.constant 0 : i32
      %dma_wait3A_74 = arith.constant 0 : i32
      %dma_wait3A_75 = tpu.memref_slice %arg2[%arg1, %dma_wait3A, %dma_wait3A_74] : memref<16x8x128xi32, #tpu.memory_space<hbm>> -> memref<1x8x128xi32, #tpu.memory_space<hbm>>
      %dma_wait3A_76 = tpu.memref_squeeze %dma_wait3A_75 : memref<1x8x128xi32, #tpu.memory_space<hbm>> -> memref<8x128xi32, #tpu.memory_space<hbm>>
      %dma_wait3A_77 = arith.constant 0 : i32
      %dma_wait3A_78 = arith.constant 0 : i32
      %dma_wait3A_79 = tpu.memref_slice %arg2[%arg1, %dma_wait3A_77, %dma_wait3A_78] : memref<16x8x128xi32, #tpu.memory_space<hbm>> -> memref<1x8x128xi32, #tpu.memory_space<hbm>>
      %dma_wait3A_80 = tpu.memref_squeeze %dma_wait3A_79 : memref<1x8x128xi32, #tpu.memory_space<hbm>> -> memref<8x128xi32, #tpu.memory_space<hbm>>
      tpu.wait_dma2 semaphore(%run_scoped3A_66 : memref<!tpu.dma_semaphore, #tpu.memory_space<semaphore_mem>>) src(%dma_wait3A_80 : memref<8x128xi32, #tpu.memory_space<hbm>>) dst(%arg4 : memref<8x128xi32, #tpu.memory_space<vmem>>)
      tpu.yield
    }) : () -> ()
    %mul3A = arith.constant 65536 : i32
    %mul3A_40 = arith.muli %arg1, %mul3A : i32
    %add3A = arith.constant 0 : i32
    %add3A_41 = arith.addi %mul3A_40, %add3A : i32
    "tpu.region"() ({
      %run_scoped3A_66 = tpu.sem_alloc : memref<!tpu.dma_semaphore, #tpu.memory_space<semaphore_mem>>
      %dma_start3A = tpu.memref_slice %arg7[%add3A_41] : memref<1048576xf32, #tpu.memory_space<vmem_shared>> -> memref<16384xf32, #tpu.memory_space<vmem_shared>>
      %dma_start3A_67 = tpu.memref_slice %arg7[%add3A_41] : memref<1048576xf32, #tpu.memory_space<vmem_shared>> -> memref<16384xf32, #tpu.memory_space<vmem_shared>>
      tpu.enqueue_dma source(%arg5 : memref<16384xf32, #tpu.memory_space<vmem>>) target(%dma_start3A_67 : memref<16384xf32, #tpu.memory_space<vmem_shared>>) target_semaphore(%run_scoped3A_66 : memref<!tpu.dma_semaphore, #tpu.memory_space<semaphore_mem>>)
      %dma_wait3A = tpu.memref_slice %arg7[%add3A_41] : memref<1048576xf32, #tpu.memory_space<vmem_shared>> -> memref<16384xf32, #tpu.memory_space<vmem_shared>>
      %dma_wait3A_68 = tpu.memref_slice %arg7[%add3A_41] : memref<1048576xf32, #tpu.memory_space<vmem_shared>> -> memref<16384xf32, #tpu.memory_space<vmem_shared>>
      tpu.wait_dma2 semaphore(%run_scoped3A_66 : memref<!tpu.dma_semaphore, #tpu.memory_space<semaphore_mem>>) src(%arg5 : memref<16384xf32, #tpu.memory_space<vmem>>) dst(%dma_wait3A_68 : memref<16384xf32, #tpu.memory_space<vmem_shared>>)
      tpu.yield
    }) : () -> ()
    %mul3A_42 = arith.constant 65536 : i32
    %mul3A_43 = arith.muli %arg1, %mul3A_42 : i32
    %add3A_44 = arith.constant 16384 : i32
    %add3A_45 = arith.addi %mul3A_43, %add3A_44 : i32
    "tpu.region"() ({
      %run_scoped3A_66 = tpu.sem_alloc : memref<!tpu.dma_semaphore, #tpu.memory_space<semaphore_mem>>
      %dma_start3A = tpu.memref_slice %arg7[%add3A_45] : memref<1048576xf32, #tpu.memory_space<vmem_shared>> -> memref<16384xf32, #tpu.memory_space<vmem_shared>>
      %dma_start3A_67 = tpu.memref_slice %arg7[%add3A_45] : memref<1048576xf32, #tpu.memory_space<vmem_shared>> -> memref<16384xf32, #tpu.memory_space<vmem_shared>>
      tpu.enqueue_dma source(%arg5 : memref<16384xf32, #tpu.memory_space<vmem>>) target(%dma_start3A_67 : memref<16384xf32, #tpu.memory_space<vmem_shared>>) target_semaphore(%run_scoped3A_66 : memref<!tpu.dma_semaphore, #tpu.memory_space<semaphore_mem>>)
      %dma_wait3A = tpu.memref_slice %arg7[%add3A_45] : memref<1048576xf32, #tpu.memory_space<vmem_shared>> -> memref<16384xf32, #tpu.memory_space<vmem_shared>>
      %dma_wait3A_68 = tpu.memref_slice %arg7[%add3A_45] : memref<1048576xf32, #tpu.memory_space<vmem_shared>> -> memref<16384xf32, #tpu.memory_space<vmem_shared>>
      tpu.wait_dma2 semaphore(%run_scoped3A_66 : memref<!tpu.dma_semaphore, #tpu.memory_space<semaphore_mem>>) src(%arg5 : memref<16384xf32, #tpu.memory_space<vmem>>) dst(%dma_wait3A_68 : memref<16384xf32, #tpu.memory_space<vmem_shared>>)
      tpu.yield
    }) : () -> ()
    %mul3A_46 = arith.constant 65536 : i32
    %mul3A_47 = arith.muli %arg1, %mul3A_46 : i32
    %add3A_48 = arith.constant 32768 : i32
    %add3A_49 = arith.addi %mul3A_47, %add3A_48 : i32
    "tpu.region"() ({
      %run_scoped3A_66 = tpu.sem_alloc : memref<!tpu.dma_semaphore, #tpu.memory_space<semaphore_mem>>
      %dma_start3A = tpu.memref_slice %arg7[%add3A_49] : memref<1048576xf32, #tpu.memory_space<vmem_shared>> -> memref<16384xf32, #tpu.memory_space<vmem_shared>>
      %dma_start3A_67 = tpu.memref_slice %arg7[%add3A_49] : memref<1048576xf32, #tpu.memory_space<vmem_shared>> -> memref<16384xf32, #tpu.memory_space<vmem_shared>>
      tpu.enqueue_dma source(%arg5 : memref<16384xf32, #tpu.memory_space<vmem>>) target(%dma_start3A_67 : memref<16384xf32, #tpu.memory_space<vmem_shared>>) target_semaphore(%run_scoped3A_66 : memref<!tpu.dma_semaphore, #tpu.memory_space<semaphore_mem>>)
      %dma_wait3A = tpu.memref_slice %arg7[%add3A_49] : memref<1048576xf32, #tpu.memory_space<vmem_shared>> -> memref<16384xf32, #tpu.memory_space<vmem_shared>>
      %dma_wait3A_68 = tpu.memref_slice %arg7[%add3A_49] : memref<1048576xf32, #tpu.memory_space<vmem_shared>> -> memref<16384xf32, #tpu.memory_space<vmem_shared>>
      tpu.wait_dma2 semaphore(%run_scoped3A_66 : memref<!tpu.dma_semaphore, #tpu.memory_space<semaphore_mem>>) src(%arg5 : memref<16384xf32, #tpu.memory_space<vmem>>) dst(%dma_wait3A_68 : memref<16384xf32, #tpu.memory_space<vmem_shared>>)
      tpu.yield
    }) : () -> ()
    %mul3A_50 = arith.constant 65536 : i32
    %mul3A_51 = arith.muli %arg1, %mul3A_50 : i32
    %add3A_52 = arith.constant 49152 : i32
    %add3A_53 = arith.addi %mul3A_51, %add3A_52 : i32
    "tpu.region"() ({
      %run_scoped3A_66 = tpu.sem_alloc : memref<!tpu.dma_semaphore, #tpu.memory_space<semaphore_mem>>
      %dma_start3A = tpu.memref_slice %arg7[%add3A_53] : memref<1048576xf32, #tpu.memory_space<vmem_shared>> -> memref<16384xf32, #tpu.memory_space<vmem_shared>>
      %dma_start3A_67 = tpu.memref_slice %arg7[%add3A_53] : memref<1048576xf32, #tpu.memory_space<vmem_shared>> -> memref<16384xf32, #tpu.memory_space<vmem_shared>>
      tpu.enqueue_dma source(%arg5 : memref<16384xf32, #tpu.memory_space<vmem>>) target(%dma_start3A_67 : memref<16384xf32, #tpu.memory_space<vmem_shared>>) target_semaphore(%run_scoped3A_66 : memref<!tpu.dma_semaphore, #tpu.memory_space<semaphore_mem>>)
      %dma_wait3A = tpu.memref_slice %arg7[%add3A_53] : memref<1048576xf32, #tpu.memory_space<vmem_shared>> -> memref<16384xf32, #tpu.memory_space<vmem_shared>>
      %dma_wait3A_68 = tpu.memref_slice %arg7[%add3A_53] : memref<1048576xf32, #tpu.memory_space<vmem_shared>> -> memref<16384xf32, #tpu.memory_space<vmem_shared>>
      tpu.wait_dma2 semaphore(%run_scoped3A_66 : memref<!tpu.dma_semaphore, #tpu.memory_space<semaphore_mem>>) src(%arg5 : memref<16384xf32, #tpu.memory_space<vmem>>) dst(%dma_wait3A_68 : memref<16384xf32, #tpu.memory_space<vmem_shared>>)
      tpu.yield
    }) : () -> ()
    %barrier3A = arith.constant 0 : index
    tpu.barrier barrier_id(%barrier3A)
    %run_scoped3A = arith.constant 0 : i32
    "tpu.region"() ({
      %run_scoped3A_66 = tpu.sem_alloc : memref<!tpu.dma_semaphore, #tpu.memory_space<semaphore_mem>>
      %dma_start3A = arith.constant 0 : i32
      %dma_start3A_67 = tpu.memref_slice %arg4[%run_scoped3A, %dma_start3A] : memref<8x128xi32, #tpu.memory_space<vmem>> -> memref<1x128xi32, #tpu.memory_space<vmem>>
      %dma_start3A_68 = tpu.memref_squeeze %dma_start3A_67 : memref<1x128xi32, #tpu.memory_space<vmem>> -> memref<128xi32, #tpu.memory_space<vmem>>
      %dma_start3A_69 = arith.constant 0 : i32
      %dma_start3A_70 = tpu.memref_slice %arg7[%dma_start3A_69] : memref<1048576xf32, #tpu.memory_space<vmem_shared>> -> memref<1048576xf32, #tpu.memory_space<vmem_shared>>
      tpu.enqueue_indirect_dma source(%arg6 : memref<128xf32, #tpu.memory_space<vmem>>) target(%dma_start3A_70 : memref<1048576xf32, #tpu.memory_space<vmem_shared>>) offsets(%dma_start3A_68 : memref<128xi32, #tpu.memory_space<vmem>>) semaphore(%run_scoped3A_66 : memref<!tpu.dma_semaphore, #tpu.memory_space<semaphore_mem>>) {add = true}
      %dma_wait3A = arith.constant 0 : i32
      %dma_wait3A_71 = tpu.memref_slice %arg4[%run_scoped3A, %dma_wait3A] : memref<8x128xi32, #tpu.memory_space<vmem>> -> memref<1x128xi32, #tpu.memory_space<vmem>>
      %dma_wait3A_72 = tpu.memref_squeeze %dma_wait3A_71 : memref<1x128xi32, #tpu.memory_space<vmem>> -> memref<128xi32, #tpu.memory_space<vmem>>
      %dma_wait3A_73 = arith.constant 0 : i32
      %dma_wait3A_74 = tpu.memref_slice %arg7[%dma_wait3A_73] : memref<1048576xf32, #tpu.memory_space<vmem_shared>> -> memref<1048576xf32, #tpu.memory_space<vmem_shared>>
      tpu.wait_indirect_dma semaphore(%run_scoped3A_66 : memref<!tpu.dma_semaphore, #tpu.memory_space<semaphore_mem>>) src(%arg6 : memref<128xf32, #tpu.memory_space<vmem>>) dst(%dma_wait3A_74 : memref<1048576xf32, #tpu.memory_space<vmem_shared>>)
      tpu.yield
    }) : () -> ()
    %run_scoped3A_54 = arith.constant 1 : i32
    "tpu.region"() ({
      %run_scoped3A_66 = tpu.sem_alloc : memref<!tpu.dma_semaphore, #tpu.memory_space<semaphore_mem>>
      %dma_start3A = arith.constant 0 : i32
      %dma_start3A_67 = tpu.memref_slice %arg4[%run_scoped3A_54, %dma_start3A] : memref<8x128xi32, #tpu.memory_space<vmem>> -> memref<1x128xi32, #tpu.memory_space<vmem>>
      %dma_start3A_68 = tpu.memref_squeeze %dma_start3A_67 : memref<1x128xi32, #tpu.memory_space<vmem>> -> memref<128xi32, #tpu.memory_space<vmem>>
      %dma_start3A_69 = arith.constant 0 : i32
      %dma_start3A_70 = tpu.memref_slice %arg7[%dma_start3A_69] : memref<1048576xf32, #tpu.memory_space<vmem_shared>> -> memref<1048576xf32, #tpu.memory_space<vmem_shared>>
      tpu.enqueue_indirect_dma source(%arg6 : memref<128xf32, #tpu.memory_space<vmem>>) target(%dma_start3A_70 : memref<1048576xf32, #tpu.memory_space<vmem_shared>>) offsets(%dma_start3A_68 : memref<128xi32, #tpu.memory_space<vmem>>) semaphore(%run_scoped3A_66 : memref<!tpu.dma_semaphore, #tpu.memory_space<semaphore_mem>>) {add = true}
      %dma_wait3A = arith.constant 0 : i32
      %dma_wait3A_71 = tpu.memref_slice %arg4[%run_scoped3A_54, %dma_wait3A] : memref<8x128xi32, #tpu.memory_space<vmem>> -> memref<1x128xi32, #tpu.memory_space<vmem>>
      %dma_wait3A_72 = tpu.memref_squeeze %dma_wait3A_71 : memref<1x128xi32, #tpu.memory_space<vmem>> -> memref<128xi32, #tpu.memory_space<vmem>>
      %dma_wait3A_73 = arith.constant 0 : i32
      %dma_wait3A_74 = tpu.memref_slice %arg7[%dma_wait3A_73] : memref<1048576xf32, #tpu.memory_space<vmem_shared>> -> memref<1048576xf32, #tpu.memory_space<vmem_shared>>
      tpu.wait_indirect_dma semaphore(%run_scoped3A_66 : memref<!tpu.dma_semaphore, #tpu.memory_space<semaphore_mem>>) src(%arg6 : memref<128xf32, #tpu.memory_space<vmem>>) dst(%dma_wait3A_74 : memref<1048576xf32, #tpu.memory_space<vmem_shared>>)
      tpu.yield
    }) : () -> ()
    %run_scoped3A_55 = arith.constant 2 : i32
    "tpu.region"() ({
      %run_scoped3A_66 = tpu.sem_alloc : memref<!tpu.dma_semaphore, #tpu.memory_space<semaphore_mem>>
      %dma_start3A = arith.constant 0 : i32
      %dma_start3A_67 = tpu.memref_slice %arg4[%run_scoped3A_55, %dma_start3A] : memref<8x128xi32, #tpu.memory_space<vmem>> -> memref<1x128xi32, #tpu.memory_space<vmem>>
      %dma_start3A_68 = tpu.memref_squeeze %dma_start3A_67 : memref<1x128xi32, #tpu.memory_space<vmem>> -> memref<128xi32, #tpu.memory_space<vmem>>
      %dma_start3A_69 = arith.constant 0 : i32
      %dma_start3A_70 = tpu.memref_slice %arg7[%dma_start3A_69] : memref<1048576xf32, #tpu.memory_space<vmem_shared>> -> memref<1048576xf32, #tpu.memory_space<vmem_shared>>
      tpu.enqueue_indirect_dma source(%arg6 : memref<128xf32, #tpu.memory_space<vmem>>) target(%dma_start3A_70 : memref<1048576xf32, #tpu.memory_space<vmem_shared>>) offsets(%dma_start3A_68 : memref<128xi32, #tpu.memory_space<vmem>>) semaphore(%run_scoped3A_66 : memref<!tpu.dma_semaphore, #tpu.memory_space<semaphore_mem>>) {add = true}
      %dma_wait3A = arith.constant 0 : i32
      %dma_wait3A_71 = tpu.memref_slice %arg4[%run_scoped3A_55, %dma_wait3A] : memref<8x128xi32, #tpu.memory_space<vmem>> -> memref<1x128xi32, #tpu.memory_space<vmem>>
      %dma_wait3A_72 = tpu.memref_squeeze %dma_wait3A_71 : memref<1x128xi32, #tpu.memory_space<vmem>> -> memref<128xi32, #tpu.memory_space<vmem>>
      %dma_wait3A_73 = arith.constant 0 : i32
      %dma_wait3A_74 = tpu.memref_slice %arg7[%dma_wait3A_73] : memref<1048576xf32, #tpu.memory_space<vmem_shared>> -> memref<1048576xf32, #tpu.memory_space<vmem_shared>>
      tpu.wait_indirect_dma semaphore(%run_scoped3A_66 : memref<!tpu.dma_semaphore, #tpu.memory_space<semaphore_mem>>) src(%arg6 : memref<128xf32, #tpu.memory_space<vmem>>) dst(%dma_wait3A_74 : memref<1048576xf32, #tpu.memory_space<vmem_shared>>)
      tpu.yield
    }) : () -> ()
    %run_scoped3A_56 = arith.constant 3 : i32
    "tpu.region"() ({
      %run_scoped3A_66 = tpu.sem_alloc : memref<!tpu.dma_semaphore, #tpu.memory_space<semaphore_mem>>
      %dma_start3A = arith.constant 0 : i32
      %dma_start3A_67 = tpu.memref_slice %arg4[%run_scoped3A_56, %dma_start3A] : memref<8x128xi32, #tpu.memory_space<vmem>> -> memref<1x128xi32, #tpu.memory_space<vmem>>
      %dma_start3A_68 = tpu.memref_squeeze %dma_start3A_67 : memref<1x128xi32, #tpu.memory_space<vmem>> -> memref<128xi32, #tpu.memory_space<vmem>>
      %dma_start3A_69 = arith.constant 0 : i32
      %dma_start3A_70 = tpu.memref_slice %arg7[%dma_start3A_69] : memref<1048576xf32, #tpu.memory_space<vmem_shared>> -> memref<1048576xf32, #tpu.memory_space<vmem_shared>>
      tpu.enqueue_indirect_dma source(%arg6 : memref<128xf32, #tpu.memory_space<vmem>>) target(%dma_start3A_70 : memref<1048576xf32, #tpu.memory_space<vmem_shared>>) offsets(%dma_start3A_68 : memref<128xi32, #tpu.memory_space<vmem>>) semaphore(%run_scoped3A_66 : memref<!tpu.dma_semaphore, #tpu.memory_space<semaphore_mem>>) {add = true}
      %dma_wait3A = arith.constant 0 : i32
      %dma_wait3A_71 = tpu.memref_slice %arg4[%run_scoped3A_56, %dma_wait3A] : memref<8x128xi32, #tpu.memory_space<vmem>> -> memref<1x128xi32, #tpu.memory_space<vmem>>
      %dma_wait3A_72 = tpu.memref_squeeze %dma_wait3A_71 : memref<1x128xi32, #tpu.memory_space<vmem>> -> memref<128xi32, #tpu.memory_space<vmem>>
      %dma_wait3A_73 = arith.constant 0 : i32
      %dma_wait3A_74 = tpu.memref_slice %arg7[%dma_wait3A_73] : memref<1048576xf32, #tpu.memory_space<vmem_shared>> -> memref<1048576xf32, #tpu.memory_space<vmem_shared>>
      tpu.wait_indirect_dma semaphore(%run_scoped3A_66 : memref<!tpu.dma_semaphore, #tpu.memory_space<semaphore_mem>>) src(%arg6 : memref<128xf32, #tpu.memory_space<vmem>>) dst(%dma_wait3A_74 : memref<1048576xf32, #tpu.memory_space<vmem_shared>>)
      tpu.yield
    }) : () -> ()
    %run_scoped3A_57 = arith.constant 4 : i32
    "tpu.region"() ({
      %run_scoped3A_66 = tpu.sem_alloc : memref<!tpu.dma_semaphore, #tpu.memory_space<semaphore_mem>>
      %dma_start3A = arith.constant 0 : i32
      %dma_start3A_67 = tpu.memref_slice %arg4[%run_scoped3A_57, %dma_start3A] : memref<8x128xi32, #tpu.memory_space<vmem>> -> memref<1x128xi32, #tpu.memory_space<vmem>>
      %dma_start3A_68 = tpu.memref_squeeze %dma_start3A_67 : memref<1x128xi32, #tpu.memory_space<vmem>> -> memref<128xi32, #tpu.memory_space<vmem>>
      %dma_start3A_69 = arith.constant 0 : i32
      %dma_start3A_70 = tpu.memref_slice %arg7[%dma_start3A_69] : memref<1048576xf32, #tpu.memory_space<vmem_shared>> -> memref<1048576xf32, #tpu.memory_space<vmem_shared>>
      tpu.enqueue_indirect_dma source(%arg6 : memref<128xf32, #tpu.memory_space<vmem>>) target(%dma_start3A_70 : memref<1048576xf32, #tpu.memory_space<vmem_shared>>) offsets(%dma_start3A_68 : memref<128xi32, #tpu.memory_space<vmem>>) semaphore(%run_scoped3A_66 : memref<!tpu.dma_semaphore, #tpu.memory_space<semaphore_mem>>) {add = true}
      %dma_wait3A = arith.constant 0 : i32
      %dma_wait3A_71 = tpu.memref_slice %arg4[%run_scoped3A_57, %dma_wait3A] : memref<8x128xi32, #tpu.memory_space<vmem>> -> memref<1x128xi32, #tpu.memory_space<vmem>>
      %dma_wait3A_72 = tpu.memref_squeeze %dma_wait3A_71 : memref<1x128xi32, #tpu.memory_space<vmem>> -> memref<128xi32, #tpu.memory_space<vmem>>
      %dma_wait3A_73 = arith.constant 0 : i32
      %dma_wait3A_74 = tpu.memref_slice %arg7[%dma_wait3A_73] : memref<1048576xf32, #tpu.memory_space<vmem_shared>> -> memref<1048576xf32, #tpu.memory_space<vmem_shared>>
      tpu.wait_indirect_dma semaphore(%run_scoped3A_66 : memref<!tpu.dma_semaphore, #tpu.memory_space<semaphore_mem>>) src(%arg6 : memref<128xf32, #tpu.memory_space<vmem>>) dst(%dma_wait3A_74 : memref<1048576xf32, #tpu.memory_space<vmem_shared>>)
      tpu.yield
    }) : () -> ()
    %run_scoped3A_58 = arith.constant 5 : i32
    "tpu.region"() ({
      %run_scoped3A_66 = tpu.sem_alloc : memref<!tpu.dma_semaphore, #tpu.memory_space<semaphore_mem>>
      %dma_start3A = arith.constant 0 : i32
      %dma_start3A_67 = tpu.memref_slice %arg4[%run_scoped3A_58, %dma_start3A] : memref<8x128xi32, #tpu.memory_space<vmem>> -> memref<1x128xi32, #tpu.memory_space<vmem>>
      %dma_start3A_68 = tpu.memref_squeeze %dma_start3A_67 : memref<1x128xi32, #tpu.memory_space<vmem>> -> memref<128xi32, #tpu.memory_space<vmem>>
      %dma_start3A_69 = arith.constant 0 : i32
      %dma_start3A_70 = tpu.memref_slice %arg7[%dma_start3A_69] : memref<1048576xf32, #tpu.memory_space<vmem_shared>> -> memref<1048576xf32, #tpu.memory_space<vmem_shared>>
      tpu.enqueue_indirect_dma source(%arg6 : memref<128xf32, #tpu.memory_space<vmem>>) target(%dma_start3A_70 : memref<1048576xf32, #tpu.memory_space<vmem_shared>>) offsets(%dma_start3A_68 : memref<128xi32, #tpu.memory_space<vmem>>) semaphore(%run_scoped3A_66 : memref<!tpu.dma_semaphore, #tpu.memory_space<semaphore_mem>>) {add = true}
      %dma_wait3A = arith.constant 0 : i32
      %dma_wait3A_71 = tpu.memref_slice %arg4[%run_scoped3A_58, %dma_wait3A] : memref<8x128xi32, #tpu.memory_space<vmem>> -> memref<1x128xi32, #tpu.memory_space<vmem>>
      %dma_wait3A_72 = tpu.memref_squeeze %dma_wait3A_71 : memref<1x128xi32, #tpu.memory_space<vmem>> -> memref<128xi32, #tpu.memory_space<vmem>>
      %dma_wait3A_73 = arith.constant 0 : i32
      %dma_wait3A_74 = tpu.memref_slice %arg7[%dma_wait3A_73] : memref<1048576xf32, #tpu.memory_space<vmem_shared>> -> memref<1048576xf32, #tpu.memory_space<vmem_shared>>
      tpu.wait_indirect_dma semaphore(%run_scoped3A_66 : memref<!tpu.dma_semaphore, #tpu.memory_space<semaphore_mem>>) src(%arg6 : memref<128xf32, #tpu.memory_space<vmem>>) dst(%dma_wait3A_74 : memref<1048576xf32, #tpu.memory_space<vmem_shared>>)
      tpu.yield
    }) : () -> ()
    %run_scoped3A_59 = arith.constant 6 : i32
    "tpu.region"() ({
      %run_scoped3A_66 = tpu.sem_alloc : memref<!tpu.dma_semaphore, #tpu.memory_space<semaphore_mem>>
      %dma_start3A = arith.constant 0 : i32
      %dma_start3A_67 = tpu.memref_slice %arg4[%run_scoped3A_59, %dma_start3A] : memref<8x128xi32, #tpu.memory_space<vmem>> -> memref<1x128xi32, #tpu.memory_space<vmem>>
      %dma_start3A_68 = tpu.memref_squeeze %dma_start3A_67 : memref<1x128xi32, #tpu.memory_space<vmem>> -> memref<128xi32, #tpu.memory_space<vmem>>
      %dma_start3A_69 = arith.constant 0 : i32
      %dma_start3A_70 = tpu.memref_slice %arg7[%dma_start3A_69] : memref<1048576xf32, #tpu.memory_space<vmem_shared>> -> memref<1048576xf32, #tpu.memory_space<vmem_shared>>
      tpu.enqueue_indirect_dma source(%arg6 : memref<128xf32, #tpu.memory_space<vmem>>) target(%dma_start3A_70 : memref<1048576xf32, #tpu.memory_space<vmem_shared>>) offsets(%dma_start3A_68 : memref<128xi32, #tpu.memory_space<vmem>>) semaphore(%run_scoped3A_66 : memref<!tpu.dma_semaphore, #tpu.memory_space<semaphore_mem>>) {add = true}
      %dma_wait3A = arith.constant 0 : i32
      %dma_wait3A_71 = tpu.memref_slice %arg4[%run_scoped3A_59, %dma_wait3A] : memref<8x128xi32, #tpu.memory_space<vmem>> -> memref<1x128xi32, #tpu.memory_space<vmem>>
      %dma_wait3A_72 = tpu.memref_squeeze %dma_wait3A_71 : memref<1x128xi32, #tpu.memory_space<vmem>> -> memref<128xi32, #tpu.memory_space<vmem>>
      %dma_wait3A_73 = arith.constant 0 : i32
      %dma_wait3A_74 = tpu.memref_slice %arg7[%dma_wait3A_73] : memref<1048576xf32, #tpu.memory_space<vmem_shared>> -> memref<1048576xf32, #tpu.memory_space<vmem_shared>>
      tpu.wait_indirect_dma semaphore(%run_scoped3A_66 : memref<!tpu.dma_semaphore, #tpu.memory_space<semaphore_mem>>) src(%arg6 : memref<128xf32, #tpu.memory_space<vmem>>) dst(%dma_wait3A_74 : memref<1048576xf32, #tpu.memory_space<vmem_shared>>)
      tpu.yield
    }) : () -> ()
    %run_scoped3A_60 = arith.constant 7 : i32
    "tpu.region"() ({
      %run_scoped3A_66 = tpu.sem_alloc : memref<!tpu.dma_semaphore, #tpu.memory_space<semaphore_mem>>
      %dma_start3A = arith.constant 0 : i32
      %dma_start3A_67 = tpu.memref_slice %arg4[%run_scoped3A_60, %dma_start3A] : memref<8x128xi32, #tpu.memory_space<vmem>> -> memref<1x128xi32, #tpu.memory_space<vmem>>
      %dma_start3A_68 = tpu.memref_squeeze %dma_start3A_67 : memref<1x128xi32, #tpu.memory_space<vmem>> -> memref<128xi32, #tpu.memory_space<vmem>>
      %dma_start3A_69 = arith.constant 0 : i32
      %dma_start3A_70 = tpu.memref_slice %arg7[%dma_start3A_69] : memref<1048576xf32, #tpu.memory_space<vmem_shared>> -> memref<1048576xf32, #tpu.memory_space<vmem_shared>>
      tpu.enqueue_indirect_dma source(%arg6 : memref<128xf32, #tpu.memory_space<vmem>>) target(%dma_start3A_70 : memref<1048576xf32, #tpu.memory_space<vmem_shared>>) offsets(%dma_start3A_68 : memref<128xi32, #tpu.memory_space<vmem>>) semaphore(%run_scoped3A_66 : memref<!tpu.dma_semaphore, #tpu.memory_space<semaphore_mem>>) {add = true}
      %dma_wait3A = arith.constant 0 : i32
      %dma_wait3A_71 = tpu.memref_slice %arg4[%run_scoped3A_60, %dma_wait3A] : memref<8x128xi32, #tpu.memory_space<vmem>> -> memref<1x128xi32, #tpu.memory_space<vmem>>
      %dma_wait3A_72 = tpu.memref_squeeze %dma_wait3A_71 : memref<1x128xi32, #tpu.memory_space<vmem>> -> memref<128xi32, #tpu.memory_space<vmem>>
      %dma_wait3A_73 = arith.constant 0 : i32
      %dma_wait3A_74 = tpu.memref_slice %arg7[%dma_wait3A_73] : memref<1048576xf32, #tpu.memory_space<vmem_shared>> -> memref<1048576xf32, #tpu.memory_space<vmem_shared>>
      tpu.wait_indirect_dma semaphore(%run_scoped3A_66 : memref<!tpu.dma_semaphore, #tpu.memory_space<semaphore_mem>>) src(%arg6 : memref<128xf32, #tpu.memory_space<vmem>>) dst(%dma_wait3A_74 : memref<1048576xf32, #tpu.memory_space<vmem_shared>>)
      tpu.yield
    }) : () -> ()
    %barrier3A_61 = arith.constant 0 : index
    tpu.barrier barrier_id(%barrier3A_61)
    %mul3A_62 = arith.constant 65536 : i32
    %mul3A_63 = arith.muli %arg1, %mul3A_62 : i32
    %mul3A_64 = arith.constant 65536 : i32
    %mul3A_65 = arith.muli %arg1, %mul3A_64 : i32
    "tpu.region"() ({
      %run_scoped3A_66 = tpu.sem_alloc : memref<!tpu.dma_semaphore, #tpu.memory_space<semaphore_mem>>
      %dma_start3A = tpu.memref_slice %arg3[%mul3A_65] : memref<1048576xf32, #tpu.memory_space<hbm>> -> memref<65536xf32, #tpu.memory_space<hbm>>
      %dma_start3A_67 = tpu.memref_slice %arg7[%mul3A_63] : memref<1048576xf32, #tpu.memory_space<vmem_shared>> -> memref<65536xf32, #tpu.memory_space<vmem_shared>>
      tpu.enqueue_dma source(%dma_start3A_67 : memref<65536xf32, #tpu.memory_space<vmem_shared>>) target(%dma_start3A : memref<65536xf32, #tpu.memory_space<hbm>>) target_semaphore(%run_scoped3A_66 : memref<!tpu.dma_semaphore, #tpu.memory_space<semaphore_mem>>)
      %dma_wait3A = tpu.memref_slice %arg3[%mul3A_65] : memref<1048576xf32, #tpu.memory_space<hbm>> -> memref<65536xf32, #tpu.memory_space<hbm>>
      %dma_wait3A_68 = tpu.memref_slice %arg7[%mul3A_63] : memref<1048576xf32, #tpu.memory_space<vmem_shared>> -> memref<65536xf32, #tpu.memory_space<vmem_shared>>
      tpu.wait_dma2 semaphore(%run_scoped3A_66 : memref<!tpu.dma_semaphore, #tpu.memory_space<semaphore_mem>>) src(%dma_wait3A_68 : memref<65536xf32, #tpu.memory_space<vmem_shared>>) dst(%dma_wait3A : memref<65536xf32, #tpu.memory_space<hbm>>)
      tpu.yield
    }) : () -> ()
    return
  }
}

module attributes {stable_mosaic.version = 14 : i64} {
  func.func @body(%arg0: i32, %arg1: memref<64x32768xf32, #tpu.memory_space<vmem>>, %arg2: memref<32768xf32, #tpu.memory_space<vmem>>, %arg3: memref<64x16xf32, #tpu.memory_space<vmem>>, %arg4: memref<1x16xf32, #tpu.memory_space<vmem>>, %arg5: memref<1x16xf32, #tpu.memory_space<vmem>>, %arg6: memref<64x128xf32, #tpu.memory_space<vmem>>) attributes {dimension_semantics = [#tpu.dimension_semantics<arbitrary>], iteration_bounds = array<i64: 31>, scalar_prefetch = 0 : i64, scratch_operands = 1 : i64, tpu.core_type = #tpu.core_type<tc>, window_params = [{transform_indices = @transform_0, window_bounds = array<i64: 64, 32768>}, {transform_indices = @transform_1, window_bounds = array<i64: 32768>}, {pipeline_mode = #tpu.pipeline_mode<synchronous>, transform_indices = @transform_2, window_bounds = array<i64: 64, 16>}, {pipeline_mode = #tpu.pipeline_mode<synchronous>, transform_indices = @transform_3, window_bounds = array<i64: 1, 16>}, {pipeline_mode = #tpu.pipeline_mode<synchronous>, transform_indices = @transform_4, window_bounds = array<i64: 1, 16>}]} {
    %eq3A = arith.constant 0 : i32
    %eq3A_0 = arith.cmpi eq, %arg0, %eq3A : i32
    %convert_element_type3A = arith.extui %eq3A_0 : i1 to i32
    %cond3A = arith.constant 0 : i32
    %cond3A_1 = arith.cmpi ne, %convert_element_type3A, %cond3A : i32
    scf.if %cond3A_1 {
      %broadcast_in_dim3A = arith.constant 0.000000e+00 : f32
      %broadcast_in_dim3A_11 = vector.broadcast %broadcast_in_dim3A : f32 to vector<64x128xf32>
      %swap3A = arith.constant 0 : index
      %swap3A_12 = arith.constant 0 : index
      %swap3A_13 = vector.load %arg6[%swap3A, %swap3A_12] : memref<64x128xf32, #tpu.memory_space<vmem>>, vector<64x128xf32>
      tpu.vector_store %arg6[%swap3A, %swap3A_12], %broadcast_in_dim3A_11 {strides = array<i32>} : memref<64x128xf32, #tpu.memory_space<vmem>>, vector<64x128xf32>,
    } else {
    }
    %lt3A = arith.constant 30 : i32
    %lt3A_2 = arith.cmpi slt, %arg0, %lt3A : i32
    %convert_element_type3A_3 = arith.extui %lt3A_2 : i1 to i32
    %cond3A_4 = arith.constant 0 : i32
    %cond3A_5 = arith.cmpi ne, %convert_element_type3A_3, %cond3A_4 : i32
    scf.if %cond3A_5 {
      %get3A = arith.constant 0 : index
      %get3A_11 = arith.constant 0 : index
      %get3A_12 = vector.load %arg6[%get3A, %get3A_11] : memref<64x128xf32, #tpu.memory_space<vmem>>, vector<64x128xf32>
      %get3A_13 = arith.constant 0 : index
      %get3A_14 = arith.constant 0 : index
      %get3A_15 = vector.load %arg1[%get3A_13, %get3A_14] : memref<64x32768xf32, #tpu.memory_space<vmem>>, vector<64x128xf32>
      %get3A_16 = arith.constant 0 : index
      %get3A_17 = vector.load %arg2[%get3A_16] : memref<32768xf32, #tpu.memory_space<vmem>>, vector<128xf32>
      %broadcast_in_dim3A = vector.shape_cast %get3A_17 : vector<128xf32> to vector<1x128xf32>
      %mul3A = vector.broadcast %broadcast_in_dim3A : vector<1x128xf32> to vector<64x128xf32>
      %mul3A_18 = arith.mulf %get3A_15, %mul3A : vector<64x128xf32>
      %add3A = arith.addf %get3A_12, %mul3A_18 : vector<64x128xf32>
      %get3A_19 = arith.constant 0 : index
      %get3A_20 = arith.constant 128 : index
      %get3A_21 = vector.load %arg1[%get3A_19, %get3A_20] : memref<64x32768xf32, #tpu.memory_space<vmem>>, vector<64x128xf32>
      %get3A_22 = arith.constant 128 : index
      %get3A_23 = vector.load %arg2[%get3A_22] : memref<32768xf32, #tpu.memory_space<vmem>>, vector<128xf32>
      %broadcast_in_dim3A_24 = vector.shape_cast %get3A_23 : vector<128xf32> to vector<1x128xf32>
      %mul3A_25 = vector.broadcast %broadcast_in_dim3A_24 : vector<1x128xf32> to vector<64x128xf32>
      %mul3A_26 = arith.mulf %get3A_21, %mul3A_25 : vector<64x128xf32>
      %add3A_27 = arith.addf %add3A, %mul3A_26 : vector<64x128xf32>
      %get3A_28 = arith.constant 0 : index
      %get3A_29 = arith.constant 256 : index
      %get3A_30 = vector.load %arg1[%get3A_28, %get3A_29] : memref<64x32768xf32, #tpu.memory_space<vmem>>, vector<64x128xf32>
      %get3A_31 = arith.constant 256 : index
      %get3A_32 = vector.load %arg2[%get3A_31] : memref<32768xf32, #tpu.memory_space<vmem>>, vector<128xf32>
      %broadcast_in_dim3A_33 = vector.shape_cast %get3A_32 : vector<128xf32> to vector<1x128xf32>
      %mul3A_34 = vector.broadcast %broadcast_in_dim3A_33 : vector<1x128xf32> to vector<64x128xf32>
      %mul3A_35 = arith.mulf %get3A_30, %mul3A_34 : vector<64x128xf32>
      %add3A_36 = arith.addf %add3A_27, %mul3A_35 : vector<64x128xf32>
      %get3A_37 = arith.constant 0 : index
      %get3A_38 = arith.constant 384 : index
      %get3A_39 = vector.load %arg1[%get3A_37, %get3A_38] : memref<64x32768xf32, #tpu.memory_space<vmem>>, vector<64x128xf32>
      %get3A_40 = arith.constant 384 : index
      %get3A_41 = vector.load %arg2[%get3A_40] : memref<32768xf32, #tpu.memory_space<vmem>>, vector<128xf32>
      %broadcast_in_dim3A_42 = vector.shape_cast %get3A_41 : vector<128xf32> to vector<1x128xf32>
      %mul3A_43 = vector.broadcast %broadcast_in_dim3A_42 : vector<1x128xf32> to vector<64x128xf32>
      %mul3A_44 = arith.mulf %get3A_39, %mul3A_43 : vector<64x128xf32>
      %add3A_45 = arith.addf %add3A_36, %mul3A_44 : vector<64x128xf32>
      %get3A_46 = arith.constant 0 : index
      %get3A_47 = arith.constant 512 : index
      %get3A_48 = vector.load %arg1[%get3A_46, %get3A_47] : memref<64x32768xf32, #tpu.memory_space<vmem>>, vector<64x128xf32>
      %get3A_49 = arith.constant 512 : index
      %get3A_50 = vector.load %arg2[%get3A_49] : memref<32768xf32, #tpu.memory_space<vmem>>, vector<128xf32>
      %broadcast_in_dim3A_51 = vector.shape_cast %get3A_50 : vector<128xf32> to vector<1x128xf32>
      %mul3A_52 = vector.broadcast %broadcast_in_dim3A_51 : vector<1x128xf32> to vector<64x128xf32>
      %mul3A_53 = arith.mulf %get3A_48, %mul3A_52 : vector<64x128xf32>
      %add3A_54 = arith.addf %add3A_45, %mul3A_53 : vector<64x128xf32>
      %get3A_55 = arith.constant 0 : index
      %get3A_56 = arith.constant 640 : index
      %get3A_57 = vector.load %arg1[%get3A_55, %get3A_56] : memref<64x32768xf32, #tpu.memory_space<vmem>>, vector<64x128xf32>
      %get3A_58 = arith.constant 640 : index
      %get3A_59 = vector.load %arg2[%get3A_58] : memref<32768xf32, #tpu.memory_space<vmem>>, vector<128xf32>
      %broadcast_in_dim3A_60 = vector.shape_cast %get3A_59 : vector<128xf32> to vector<1x128xf32>
      %mul3A_61 = vector.broadcast %broadcast_in_dim3A_60 : vector<1x128xf32> to vector<64x128xf32>
      %mul3A_62 = arith.mulf %get3A_57, %mul3A_61 : vector<64x128xf32>
      %add3A_63 = arith.addf %add3A_54, %mul3A_62 : vector<64x128xf32>
      %get3A_64 = arith.constant 0 : index
      %get3A_65 = arith.constant 768 : index
      %get3A_66 = vector.load %arg1[%get3A_64, %get3A_65] : memref<64x32768xf32, #tpu.memory_space<vmem>>, vector<64x128xf32>
      %get3A_67 = arith.constant 768 : index
      %get3A_68 = vector.load %arg2[%get3A_67] : memref<32768xf32, #tpu.memory_space<vmem>>, vector<128xf32>
      %broadcast_in_dim3A_69 = vector.shape_cast %get3A_68 : vector<128xf32> to vector<1x128xf32>
      %mul3A_70 = vector.broadcast %broadcast_in_dim3A_69 : vector<1x128xf32> to vector<64x128xf32>
      %mul3A_71 = arith.mulf %get3A_66, %mul3A_70 : vector<64x128xf32>
      %add3A_72 = arith.addf %add3A_63, %mul3A_71 : vector<64x128xf32>
      %get3A_73 = arith.constant 0 : index
      %get3A_74 = arith.constant 896 : index
      %get3A_75 = vector.load %arg1[%get3A_73, %get3A_74] : memref<64x32768xf32, #tpu.memory_space<vmem>>, vector<64x128xf32>
      %get3A_76 = arith.constant 896 : index
      %get3A_77 = vector.load %arg2[%get3A_76] : memref<32768xf32, #tpu.memory_space<vmem>>, vector<128xf32>
      %broadcast_in_dim3A_78 = vector.shape_cast %get3A_77 : vector<128xf32> to vector<1x128xf32>
      %mul3A_79 = vector.broadcast %broadcast_in_dim3A_78 : vector<1x128xf32> to vector<64x128xf32>
      %mul3A_80 = arith.mulf %get3A_75, %mul3A_79 : vector<64x128xf32>
      %add3A_81 = arith.addf %add3A_72, %mul3A_80 : vector<64x128xf32>
      %get3A_82 = arith.constant 0 : index
      %get3A_83 = arith.constant 1024 : index
      %get3A_84 = vector.load %arg1[%get3A_82, %get3A_83] : memref<64x32768xf32, #tpu.memory_space<vmem>>, vector<64x128xf32>
      %get3A_85 = arith.constant 1024 : index
      %get3A_86 = vector.load %arg2[%get3A_85] : memref<32768xf32, #tpu.memory_space<vmem>>, vector<128xf32>
      %broadcast_in_dim3A_87 = vector.shape_cast %get3A_86 : vector<128xf32> to vector<1x128xf32>
      %mul3A_88 = vector.broadcast %broadcast_in_dim3A_87 : vector<1x128xf32> to vector<64x128xf32>
      %mul3A_89 = arith.mulf %get3A_84, %mul3A_88 : vector<64x128xf32>
      %add3A_90 = arith.addf %add3A_81, %mul3A_89 : vector<64x128xf32>
      %get3A_91 = arith.constant 0 : index
      %get3A_92 = arith.constant 1152 : index
      %get3A_93 = vector.load %arg1[%get3A_91, %get3A_92] : memref<64x32768xf32, #tpu.memory_space<vmem>>, vector<64x128xf32>
      %get3A_94 = arith.constant 1152 : index
      %get3A_95 = vector.load %arg2[%get3A_94] : memref<32768xf32, #tpu.memory_space<vmem>>, vector<128xf32>
      %broadcast_in_dim3A_96 = vector.shape_cast %get3A_95 : vector<128xf32> to vector<1x128xf32>
      %mul3A_97 = vector.broadcast %broadcast_in_dim3A_96 : vector<1x128xf32> to vector<64x128xf32>
      %mul3A_98 = arith.mulf %get3A_93, %mul3A_97 : vector<64x128xf32>
      %add3A_99 = arith.addf %add3A_90, %mul3A_98 : vector<64x128xf32>
      %get3A_100 = arith.constant 0 : index
      %get3A_101 = arith.constant 1280 : index
      %get3A_102 = vector.load %arg1[%get3A_100, %get3A_101] : memref<64x32768xf32, #tpu.memory_space<vmem>>, vector<64x128xf32>
      %get3A_103 = arith.constant 1280 : index
      %get3A_104 = vector.load %arg2[%get3A_103] : memref<32768xf32, #tpu.memory_space<vmem>>, vector<128xf32>
      %broadcast_in_dim3A_105 = vector.shape_cast %get3A_104 : vector<128xf32> to vector<1x128xf32>
      %mul3A_106 = vector.broadcast %broadcast_in_dim3A_105 : vector<1x128xf32> to vector<64x128xf32>
      %mul3A_107 = arith.mulf %get3A_102, %mul3A_106 : vector<64x128xf32>
      %add3A_108 = arith.addf %add3A_99, %mul3A_107 : vector<64x128xf32>
      %get3A_109 = arith.constant 0 : index
      %get3A_110 = arith.constant 1408 : index
      %get3A_111 = vector.load %arg1[%get3A_109, %get3A_110] : memref<64x32768xf32, #tpu.memory_space<vmem>>, vector<64x128xf32>
      %get3A_112 = arith.constant 1408 : index
      %get3A_113 = vector.load %arg2[%get3A_112] : memref<32768xf32, #tpu.memory_space<vmem>>, vector<128xf32>
      %broadcast_in_dim3A_114 = vector.shape_cast %get3A_113 : vector<128xf32> to vector<1x128xf32>
      %mul3A_115 = vector.broadcast %broadcast_in_dim3A_114 : vector<1x128xf32> to vector<64x128xf32>
      %mul3A_116 = arith.mulf %get3A_111, %mul3A_115 : vector<64x128xf32>
      %add3A_117 = arith.addf %add3A_108, %mul3A_116 : vector<64x128xf32>
      %get3A_118 = arith.constant 0 : index
      %get3A_119 = arith.constant 1536 : index
      %get3A_120 = vector.load %arg1[%get3A_118, %get3A_119] : memref<64x32768xf32, #tpu.memory_space<vmem>>, vector<64x128xf32>
      %get3A_121 = arith.constant 1536 : index
      %get3A_122 = vector.load %arg2[%get3A_121] : memref<32768xf32, #tpu.memory_space<vmem>>, vector<128xf32>
      %broadcast_in_dim3A_123 = vector.shape_cast %get3A_122 : vector<128xf32> to vector<1x128xf32>
      %mul3A_124 = vector.broadcast %broadcast_in_dim3A_123 : vector<1x128xf32> to vector<64x128xf32>
      %mul3A_125 = arith.mulf %get3A_120, %mul3A_124 : vector<64x128xf32>
      %add3A_126 = arith.addf %add3A_117, %mul3A_125 : vector<64x128xf32>
      %get3A_127 = arith.constant 0 : index
      %get3A_128 = arith.constant 1664 : index
      %get3A_129 = vector.load %arg1[%get3A_127, %get3A_128] : memref<64x32768xf32, #tpu.memory_space<vmem>>, vector<64x128xf32>
      %get3A_130 = arith.constant 1664 : index
      %get3A_131 = vector.load %arg2[%get3A_130] : memref<32768xf32, #tpu.memory_space<vmem>>, vector<128xf32>
      %broadcast_in_dim3A_132 = vector.shape_cast %get3A_131 : vector<128xf32> to vector<1x128xf32>
      %mul3A_133 = vector.broadcast %broadcast_in_dim3A_132 : vector<1x128xf32> to vector<64x128xf32>
      %mul3A_134 = arith.mulf %get3A_129, %mul3A_133 : vector<64x128xf32>
      %add3A_135 = arith.addf %add3A_126, %mul3A_134 : vector<64x128xf32>
      %get3A_136 = arith.constant 0 : index
      %get3A_137 = arith.constant 1792 : index
      %get3A_138 = vector.load %arg1[%get3A_136, %get3A_137] : memref<64x32768xf32, #tpu.memory_space<vmem>>, vector<64x128xf32>
      %get3A_139 = arith.constant 1792 : index
      %get3A_140 = vector.load %arg2[%get3A_139] : memref<32768xf32, #tpu.memory_space<vmem>>, vector<128xf32>
      %broadcast_in_dim3A_141 = vector.shape_cast %get3A_140 : vector<128xf32> to vector<1x128xf32>
      %mul3A_142 = vector.broadcast %broadcast_in_dim3A_141 : vector<1x128xf32> to vector<64x128xf32>
      %mul3A_143 = arith.mulf %get3A_138, %mul3A_142 : vector<64x128xf32>
      %add3A_144 = arith.addf %add3A_135, %mul3A_143 : vector<64x128xf32>
      %get3A_145 = arith.constant 0 : index
      %get3A_146 = arith.constant 1920 : index
      %get3A_147 = vector.load %arg1[%get3A_145, %get3A_146] : memref<64x32768xf32, #tpu.memory_space<vmem>>, vector<64x128xf32>
      %get3A_148 = arith.constant 1920 : index
      %get3A_149 = vector.load %arg2[%get3A_148] : memref<32768xf32, #tpu.memory_space<vmem>>, vector<128xf32>
      %broadcast_in_dim3A_150 = vector.shape_cast %get3A_149 : vector<128xf32> to vector<1x128xf32>
      %mul3A_151 = vector.broadcast %broadcast_in_dim3A_150 : vector<1x128xf32> to vector<64x128xf32>
      %mul3A_152 = arith.mulf %get3A_147, %mul3A_151 : vector<64x128xf32>
      %add3A_153 = arith.addf %add3A_144, %mul3A_152 : vector<64x128xf32>
      %get3A_154 = arith.constant 0 : index
      %get3A_155 = arith.constant 2048 : index
      %get3A_156 = vector.load %arg1[%get3A_154, %get3A_155] : memref<64x32768xf32, #tpu.memory_space<vmem>>, vector<64x128xf32>
      %get3A_157 = arith.constant 2048 : index
      %get3A_158 = vector.load %arg2[%get3A_157] : memref<32768xf32, #tpu.memory_space<vmem>>, vector<128xf32>
      %broadcast_in_dim3A_159 = vector.shape_cast %get3A_158 : vector<128xf32> to vector<1x128xf32>
      %mul3A_160 = vector.broadcast %broadcast_in_dim3A_159 : vector<1x128xf32> to vector<64x128xf32>
      %mul3A_161 = arith.mulf %get3A_156, %mul3A_160 : vector<64x128xf32>
      %add3A_162 = arith.addf %add3A_153, %mul3A_161 : vector<64x128xf32>
      %get3A_163 = arith.constant 0 : index
      %get3A_164 = arith.constant 2176 : index
      %get3A_165 = vector.load %arg1[%get3A_163, %get3A_164] : memref<64x32768xf32, #tpu.memory_space<vmem>>, vector<64x128xf32>
      %get3A_166 = arith.constant 2176 : index
      %get3A_167 = vector.load %arg2[%get3A_166] : memref<32768xf32, #tpu.memory_space<vmem>>, vector<128xf32>
      %broadcast_in_dim3A_168 = vector.shape_cast %get3A_167 : vector<128xf32> to vector<1x128xf32>
      %mul3A_169 = vector.broadcast %broadcast_in_dim3A_168 : vector<1x128xf32> to vector<64x128xf32>
      %mul3A_170 = arith.mulf %get3A_165, %mul3A_169 : vector<64x128xf32>
      %add3A_171 = arith.addf %add3A_162, %mul3A_170 : vector<64x128xf32>
      %get3A_172 = arith.constant 0 : index
      %get3A_173 = arith.constant 2304 : index
      %get3A_174 = vector.load %arg1[%get3A_172, %get3A_173] : memref<64x32768xf32, #tpu.memory_space<vmem>>, vector<64x128xf32>
      %get3A_175 = arith.constant 2304 : index
      %get3A_176 = vector.load %arg2[%get3A_175] : memref<32768xf32, #tpu.memory_space<vmem>>, vector<128xf32>
      %broadcast_in_dim3A_177 = vector.shape_cast %get3A_176 : vector<128xf32> to vector<1x128xf32>
      %mul3A_178 = vector.broadcast %broadcast_in_dim3A_177 : vector<1x128xf32> to vector<64x128xf32>
      %mul3A_179 = arith.mulf %get3A_174, %mul3A_178 : vector<64x128xf32>
      %add3A_180 = arith.addf %add3A_171, %mul3A_179 : vector<64x128xf32>
      %get3A_181 = arith.constant 0 : index
      %get3A_182 = arith.constant 2432 : index
      %get3A_183 = vector.load %arg1[%get3A_181, %get3A_182] : memref<64x32768xf32, #tpu.memory_space<vmem>>, vector<64x128xf32>
      %get3A_184 = arith.constant 2432 : index
      %get3A_185 = vector.load %arg2[%get3A_184] : memref<32768xf32, #tpu.memory_space<vmem>>, vector<128xf32>
      %broadcast_in_dim3A_186 = vector.shape_cast %get3A_185 : vector<128xf32> to vector<1x128xf32>
      %mul3A_187 = vector.broadcast %broadcast_in_dim3A_186 : vector<1x128xf32> to vector<64x128xf32>
      %mul3A_188 = arith.mulf %get3A_183, %mul3A_187 : vector<64x128xf32>
      %add3A_189 = arith.addf %add3A_180, %mul3A_188 : vector<64x128xf32>
      %get3A_190 = arith.constant 0 : index
      %get3A_191 = arith.constant 2560 : index
      %get3A_192 = vector.load %arg1[%get3A_190, %get3A_191] : memref<64x32768xf32, #tpu.memory_space<vmem>>, vector<64x128xf32>
      %get3A_193 = arith.constant 2560 : index
      %get3A_194 = vector.load %arg2[%get3A_193] : memref<32768xf32, #tpu.memory_space<vmem>>, vector<128xf32>
      %broadcast_in_dim3A_195 = vector.shape_cast %get3A_194 : vector<128xf32> to vector<1x128xf32>
      %mul3A_196 = vector.broadcast %broadcast_in_dim3A_195 : vector<1x128xf32> to vector<64x128xf32>
      %mul3A_197 = arith.mulf %get3A_192, %mul3A_196 : vector<64x128xf32>
      %add3A_198 = arith.addf %add3A_189, %mul3A_197 : vector<64x128xf32>
      %get3A_199 = arith.constant 0 : index
      %get3A_200 = arith.constant 2688 : index
      %get3A_201 = vector.load %arg1[%get3A_199, %get3A_200] : memref<64x32768xf32, #tpu.memory_space<vmem>>, vector<64x128xf32>
      %get3A_202 = arith.constant 2688 : index
      %get3A_203 = vector.load %arg2[%get3A_202] : memref<32768xf32, #tpu.memory_space<vmem>>, vector<128xf32>
      %broadcast_in_dim3A_204 = vector.shape_cast %get3A_203 : vector<128xf32> to vector<1x128xf32>
      %mul3A_205 = vector.broadcast %broadcast_in_dim3A_204 : vector<1x128xf32> to vector<64x128xf32>
      %mul3A_206 = arith.mulf %get3A_201, %mul3A_205 : vector<64x128xf32>
      %add3A_207 = arith.addf %add3A_198, %mul3A_206 : vector<64x128xf32>
      %get3A_208 = arith.constant 0 : index
      %get3A_209 = arith.constant 2816 : index
      %get3A_210 = vector.load %arg1[%get3A_208, %get3A_209] : memref<64x32768xf32, #tpu.memory_space<vmem>>, vector<64x128xf32>
      %get3A_211 = arith.constant 2816 : index
      %get3A_212 = vector.load %arg2[%get3A_211] : memref<32768xf32, #tpu.memory_space<vmem>>, vector<128xf32>
      %broadcast_in_dim3A_213 = vector.shape_cast %get3A_212 : vector<128xf32> to vector<1x128xf32>
      %mul3A_214 = vector.broadcast %broadcast_in_dim3A_213 : vector<1x128xf32> to vector<64x128xf32>
      %mul3A_215 = arith.mulf %get3A_210, %mul3A_214 : vector<64x128xf32>
      %add3A_216 = arith.addf %add3A_207, %mul3A_215 : vector<64x128xf32>
      %get3A_217 = arith.constant 0 : index
      %get3A_218 = arith.constant 2944 : index
      %get3A_219 = vector.load %arg1[%get3A_217, %get3A_218] : memref<64x32768xf32, #tpu.memory_space<vmem>>, vector<64x128xf32>
      %get3A_220 = arith.constant 2944 : index
      %get3A_221 = vector.load %arg2[%get3A_220] : memref<32768xf32, #tpu.memory_space<vmem>>, vector<128xf32>
      %broadcast_in_dim3A_222 = vector.shape_cast %get3A_221 : vector<128xf32> to vector<1x128xf32>
      %mul3A_223 = vector.broadcast %broadcast_in_dim3A_222 : vector<1x128xf32> to vector<64x128xf32>
      %mul3A_224 = arith.mulf %get3A_219, %mul3A_223 : vector<64x128xf32>
      %add3A_225 = arith.addf %add3A_216, %mul3A_224 : vector<64x128xf32>
      %get3A_226 = arith.constant 0 : index
      %get3A_227 = arith.constant 3072 : index
      %get3A_228 = vector.load %arg1[%get3A_226, %get3A_227] : memref<64x32768xf32, #tpu.memory_space<vmem>>, vector<64x128xf32>
      %get3A_229 = arith.constant 3072 : index
      %get3A_230 = vector.load %arg2[%get3A_229] : memref<32768xf32, #tpu.memory_space<vmem>>, vector<128xf32>
      %broadcast_in_dim3A_231 = vector.shape_cast %get3A_230 : vector<128xf32> to vector<1x128xf32>
      %mul3A_232 = vector.broadcast %broadcast_in_dim3A_231 : vector<1x128xf32> to vector<64x128xf32>
      %mul3A_233 = arith.mulf %get3A_228, %mul3A_232 : vector<64x128xf32>
      %add3A_234 = arith.addf %add3A_225, %mul3A_233 : vector<64x128xf32>
      %get3A_235 = arith.constant 0 : index
      %get3A_236 = arith.constant 3200 : index
      %get3A_237 = vector.load %arg1[%get3A_235, %get3A_236] : memref<64x32768xf32, #tpu.memory_space<vmem>>, vector<64x128xf32>
      %get3A_238 = arith.constant 3200 : index
      %get3A_239 = vector.load %arg2[%get3A_238] : memref<32768xf32, #tpu.memory_space<vmem>>, vector<128xf32>
      %broadcast_in_dim3A_240 = vector.shape_cast %get3A_239 : vector<128xf32> to vector<1x128xf32>
      %mul3A_241 = vector.broadcast %broadcast_in_dim3A_240 : vector<1x128xf32> to vector<64x128xf32>
      %mul3A_242 = arith.mulf %get3A_237, %mul3A_241 : vector<64x128xf32>
      %add3A_243 = arith.addf %add3A_234, %mul3A_242 : vector<64x128xf32>
      %get3A_244 = arith.constant 0 : index
      %get3A_245 = arith.constant 3328 : index
      %get3A_246 = vector.load %arg1[%get3A_244, %get3A_245] : memref<64x32768xf32, #tpu.memory_space<vmem>>, vector<64x128xf32>
      %get3A_247 = arith.constant 3328 : index
      %get3A_248 = vector.load %arg2[%get3A_247] : memref<32768xf32, #tpu.memory_space<vmem>>, vector<128xf32>
      %broadcast_in_dim3A_249 = vector.shape_cast %get3A_248 : vector<128xf32> to vector<1x128xf32>
      %mul3A_250 = vector.broadcast %broadcast_in_dim3A_249 : vector<1x128xf32> to vector<64x128xf32>
      %mul3A_251 = arith.mulf %get3A_246, %mul3A_250 : vector<64x128xf32>
      %add3A_252 = arith.addf %add3A_243, %mul3A_251 : vector<64x128xf32>
      %get3A_253 = arith.constant 0 : index
      %get3A_254 = arith.constant 3456 : index
      %get3A_255 = vector.load %arg1[%get3A_253, %get3A_254] : memref<64x32768xf32, #tpu.memory_space<vmem>>, vector<64x128xf32>
      %get3A_256 = arith.constant 3456 : index
      %get3A_257 = vector.load %arg2[%get3A_256] : memref<32768xf32, #tpu.memory_space<vmem>>, vector<128xf32>
      %broadcast_in_dim3A_258 = vector.shape_cast %get3A_257 : vector<128xf32> to vector<1x128xf32>
      %mul3A_259 = vector.broadcast %broadcast_in_dim3A_258 : vector<1x128xf32> to vector<64x128xf32>
      %mul3A_260 = arith.mulf %get3A_255, %mul3A_259 : vector<64x128xf32>
      %add3A_261 = arith.addf %add3A_252, %mul3A_260 : vector<64x128xf32>
      %get3A_262 = arith.constant 0 : index
      %get3A_263 = arith.constant 3584 : index
      %get3A_264 = vector.load %arg1[%get3A_262, %get3A_263] : memref<64x32768xf32, #tpu.memory_space<vmem>>, vector<64x128xf32>
      %get3A_265 = arith.constant 3584 : index
      %get3A_266 = vector.load %arg2[%get3A_265] : memref<32768xf32, #tpu.memory_space<vmem>>, vector<128xf32>
      %broadcast_in_dim3A_267 = vector.shape_cast %get3A_266 : vector<128xf32> to vector<1x128xf32>
      %mul3A_268 = vector.broadcast %broadcast_in_dim3A_267 : vector<1x128xf32> to vector<64x128xf32>
      %mul3A_269 = arith.mulf %get3A_264, %mul3A_268 : vector<64x128xf32>
      %add3A_270 = arith.addf %add3A_261, %mul3A_269 : vector<64x128xf32>
      %get3A_271 = arith.constant 0 : index
      %get3A_272 = arith.constant 3712 : index
      %get3A_273 = vector.load %arg1[%get3A_271, %get3A_272] : memref<64x32768xf32, #tpu.memory_space<vmem>>, vector<64x128xf32>
      %get3A_274 = arith.constant 3712 : index
      %get3A_275 = vector.load %arg2[%get3A_274] : memref<32768xf32, #tpu.memory_space<vmem>>, vector<128xf32>
      %broadcast_in_dim3A_276 = vector.shape_cast %get3A_275 : vector<128xf32> to vector<1x128xf32>
      %mul3A_277 = vector.broadcast %broadcast_in_dim3A_276 : vector<1x128xf32> to vector<64x128xf32>
      %mul3A_278 = arith.mulf %get3A_273, %mul3A_277 : vector<64x128xf32>
      %add3A_279 = arith.addf %add3A_270, %mul3A_278 : vector<64x128xf32>
      %get3A_280 = arith.constant 0 : index
      %get3A_281 = arith.constant 3840 : index
      %get3A_282 = vector.load %arg1[%get3A_280, %get3A_281] : memref<64x32768xf32, #tpu.memory_space<vmem>>, vector<64x128xf32>
      %get3A_283 = arith.constant 3840 : index
      %get3A_284 = vector.load %arg2[%get3A_283] : memref<32768xf32, #tpu.memory_space<vmem>>, vector<128xf32>
      %broadcast_in_dim3A_285 = vector.shape_cast %get3A_284 : vector<128xf32> to vector<1x128xf32>
      %mul3A_286 = vector.broadcast %broadcast_in_dim3A_285 : vector<1x128xf32> to vector<64x128xf32>
      %mul3A_287 = arith.mulf %get3A_282, %mul3A_286 : vector<64x128xf32>
      %add3A_288 = arith.addf %add3A_279, %mul3A_287 : vector<64x128xf32>
      %get3A_289 = arith.constant 0 : index
      %get3A_290 = arith.constant 3968 : index
      %get3A_291 = vector.load %arg1[%get3A_289, %get3A_290] : memref<64x32768xf32, #tpu.memory_space<vmem>>, vector<64x128xf32>
      %get3A_292 = arith.constant 3968 : index
      %get3A_293 = vector.load %arg2[%get3A_292] : memref<32768xf32, #tpu.memory_space<vmem>>, vector<128xf32>
      %broadcast_in_dim3A_294 = vector.shape_cast %get3A_293 : vector<128xf32> to vector<1x128xf32>
      %mul3A_295 = vector.broadcast %broadcast_in_dim3A_294 : vector<1x128xf32> to vector<64x128xf32>
      %mul3A_296 = arith.mulf %get3A_291, %mul3A_295 : vector<64x128xf32>
      %add3A_297 = arith.addf %add3A_288, %mul3A_296 : vector<64x128xf32>
      %get3A_298 = arith.constant 0 : index
      %get3A_299 = arith.constant 4096 : index
      %get3A_300 = vector.load %arg1[%get3A_298, %get3A_299] : memref<64x32768xf32, #tpu.memory_space<vmem>>, vector<64x128xf32>
      %get3A_301 = arith.constant 4096 : index
      %get3A_302 = vector.load %arg2[%get3A_301] : memref<32768xf32, #tpu.memory_space<vmem>>, vector<128xf32>
      %broadcast_in_dim3A_303 = vector.shape_cast %get3A_302 : vector<128xf32> to vector<1x128xf32>
      %mul3A_304 = vector.broadcast %broadcast_in_dim3A_303 : vector<1x128xf32> to vector<64x128xf32>
      %mul3A_305 = arith.mulf %get3A_300, %mul3A_304 : vector<64x128xf32>
      %add3A_306 = arith.addf %add3A_297, %mul3A_305 : vector<64x128xf32>
      %get3A_307 = arith.constant 0 : index
      %get3A_308 = arith.constant 4224 : index
      %get3A_309 = vector.load %arg1[%get3A_307, %get3A_308] : memref<64x32768xf32, #tpu.memory_space<vmem>>, vector<64x128xf32>
      %get3A_310 = arith.constant 4224 : index
      %get3A_311 = vector.load %arg2[%get3A_310] : memref<32768xf32, #tpu.memory_space<vmem>>, vector<128xf32>
      %broadcast_in_dim3A_312 = vector.shape_cast %get3A_311 : vector<128xf32> to vector<1x128xf32>
      %mul3A_313 = vector.broadcast %broadcast_in_dim3A_312 : vector<1x128xf32> to vector<64x128xf32>
      %mul3A_314 = arith.mulf %get3A_309, %mul3A_313 : vector<64x128xf32>
      %add3A_315 = arith.addf %add3A_306, %mul3A_314 : vector<64x128xf32>
      %get3A_316 = arith.constant 0 : index
      %get3A_317 = arith.constant 4352 : index
      %get3A_318 = vector.load %arg1[%get3A_316, %get3A_317] : memref<64x32768xf32, #tpu.memory_space<vmem>>, vector<64x128xf32>
      %get3A_319 = arith.constant 4352 : index
      %get3A_320 = vector.load %arg2[%get3A_319] : memref<32768xf32, #tpu.memory_space<vmem>>, vector<128xf32>
      %broadcast_in_dim3A_321 = vector.shape_cast %get3A_320 : vector<128xf32> to vector<1x128xf32>
      %mul3A_322 = vector.broadcast %broadcast_in_dim3A_321 : vector<1x128xf32> to vector<64x128xf32>
      %mul3A_323 = arith.mulf %get3A_318, %mul3A_322 : vector<64x128xf32>
      %add3A_324 = arith.addf %add3A_315, %mul3A_323 : vector<64x128xf32>
      %get3A_325 = arith.constant 0 : index
      %get3A_326 = arith.constant 4480 : index
      %get3A_327 = vector.load %arg1[%get3A_325, %get3A_326] : memref<64x32768xf32, #tpu.memory_space<vmem>>, vector<64x128xf32>
      %get3A_328 = arith.constant 4480 : index
      %get3A_329 = vector.load %arg2[%get3A_328] : memref<32768xf32, #tpu.memory_space<vmem>>, vector<128xf32>
      %broadcast_in_dim3A_330 = vector.shape_cast %get3A_329 : vector<128xf32> to vector<1x128xf32>
      %mul3A_331 = vector.broadcast %broadcast_in_dim3A_330 : vector<1x128xf32> to vector<64x128xf32>
      %mul3A_332 = arith.mulf %get3A_327, %mul3A_331 : vector<64x128xf32>
      %add3A_333 = arith.addf %add3A_324, %mul3A_332 : vector<64x128xf32>
      %get3A_334 = arith.constant 0 : index
      %get3A_335 = arith.constant 4608 : index
      %get3A_336 = vector.load %arg1[%get3A_334, %get3A_335] : memref<64x32768xf32, #tpu.memory_space<vmem>>, vector<64x128xf32>
      %get3A_337 = arith.constant 4608 : index
      %get3A_338 = vector.load %arg2[%get3A_337] : memref<32768xf32, #tpu.memory_space<vmem>>, vector<128xf32>
      %broadcast_in_dim3A_339 = vector.shape_cast %get3A_338 : vector<128xf32> to vector<1x128xf32>
      %mul3A_340 = vector.broadcast %broadcast_in_dim3A_339 : vector<1x128xf32> to vector<64x128xf32>
      %mul3A_341 = arith.mulf %get3A_336, %mul3A_340 : vector<64x128xf32>
      %add3A_342 = arith.addf %add3A_333, %mul3A_341 : vector<64x128xf32>
      %get3A_343 = arith.constant 0 : index
      %get3A_344 = arith.constant 4736 : index
      %get3A_345 = vector.load %arg1[%get3A_343, %get3A_344] : memref<64x32768xf32, #tpu.memory_space<vmem>>, vector<64x128xf32>
      %get3A_346 = arith.constant 4736 : index
      %get3A_347 = vector.load %arg2[%get3A_346] : memref<32768xf32, #tpu.memory_space<vmem>>, vector<128xf32>
      %broadcast_in_dim3A_348 = vector.shape_cast %get3A_347 : vector<128xf32> to vector<1x128xf32>
      %mul3A_349 = vector.broadcast %broadcast_in_dim3A_348 : vector<1x128xf32> to vector<64x128xf32>
      %mul3A_350 = arith.mulf %get3A_345, %mul3A_349 : vector<64x128xf32>
      %add3A_351 = arith.addf %add3A_342, %mul3A_350 : vector<64x128xf32>
      %get3A_352 = arith.constant 0 : index
      %get3A_353 = arith.constant 4864 : index
      %get3A_354 = vector.load %arg1[%get3A_352, %get3A_353] : memref<64x32768xf32, #tpu.memory_space<vmem>>, vector<64x128xf32>
      %get3A_355 = arith.constant 4864 : index
      %get3A_356 = vector.load %arg2[%get3A_355] : memref<32768xf32, #tpu.memory_space<vmem>>, vector<128xf32>
      %broadcast_in_dim3A_357 = vector.shape_cast %get3A_356 : vector<128xf32> to vector<1x128xf32>
      %mul3A_358 = vector.broadcast %broadcast_in_dim3A_357 : vector<1x128xf32> to vector<64x128xf32>
      %mul3A_359 = arith.mulf %get3A_354, %mul3A_358 : vector<64x128xf32>
      %add3A_360 = arith.addf %add3A_351, %mul3A_359 : vector<64x128xf32>
      %get3A_361 = arith.constant 0 : index
      %get3A_362 = arith.constant 4992 : index
      %get3A_363 = vector.load %arg1[%get3A_361, %get3A_362] : memref<64x32768xf32, #tpu.memory_space<vmem>>, vector<64x128xf32>
      %get3A_364 = arith.constant 4992 : index
      %get3A_365 = vector.load %arg2[%get3A_364] : memref<32768xf32, #tpu.memory_space<vmem>>, vector<128xf32>
      %broadcast_in_dim3A_366 = vector.shape_cast %get3A_365 : vector<128xf32> to vector<1x128xf32>
      %mul3A_367 = vector.broadcast %broadcast_in_dim3A_366 : vector<1x128xf32> to vector<64x128xf32>
      %mul3A_368 = arith.mulf %get3A_363, %mul3A_367 : vector<64x128xf32>
      %add3A_369 = arith.addf %add3A_360, %mul3A_368 : vector<64x128xf32>
      %get3A_370 = arith.constant 0 : index
      %get3A_371 = arith.constant 5120 : index
      %get3A_372 = vector.load %arg1[%get3A_370, %get3A_371] : memref<64x32768xf32, #tpu.memory_space<vmem>>, vector<64x128xf32>
      %get3A_373 = arith.constant 5120 : index
      %get3A_374 = vector.load %arg2[%get3A_373] : memref<32768xf32, #tpu.memory_space<vmem>>, vector<128xf32>
      %broadcast_in_dim3A_375 = vector.shape_cast %get3A_374 : vector<128xf32> to vector<1x128xf32>
      %mul3A_376 = vector.broadcast %broadcast_in_dim3A_375 : vector<1x128xf32> to vector<64x128xf32>
      %mul3A_377 = arith.mulf %get3A_372, %mul3A_376 : vector<64x128xf32>
      %add3A_378 = arith.addf %add3A_369, %mul3A_377 : vector<64x128xf32>
      %get3A_379 = arith.constant 0 : index
      %get3A_380 = arith.constant 5248 : index
      %get3A_381 = vector.load %arg1[%get3A_379, %get3A_380] : memref<64x32768xf32, #tpu.memory_space<vmem>>, vector<64x128xf32>
      %get3A_382 = arith.constant 5248 : index
      %get3A_383 = vector.load %arg2[%get3A_382] : memref<32768xf32, #tpu.memory_space<vmem>>, vector<128xf32>
      %broadcast_in_dim3A_384 = vector.shape_cast %get3A_383 : vector<128xf32> to vector<1x128xf32>
      %mul3A_385 = vector.broadcast %broadcast_in_dim3A_384 : vector<1x128xf32> to vector<64x128xf32>
      %mul3A_386 = arith.mulf %get3A_381, %mul3A_385 : vector<64x128xf32>
      %add3A_387 = arith.addf %add3A_378, %mul3A_386 : vector<64x128xf32>
      %get3A_388 = arith.constant 0 : index
      %get3A_389 = arith.constant 5376 : index
      %get3A_390 = vector.load %arg1[%get3A_388, %get3A_389] : memref<64x32768xf32, #tpu.memory_space<vmem>>, vector<64x128xf32>
      %get3A_391 = arith.constant 5376 : index
      %get3A_392 = vector.load %arg2[%get3A_391] : memref<32768xf32, #tpu.memory_space<vmem>>, vector<128xf32>
      %broadcast_in_dim3A_393 = vector.shape_cast %get3A_392 : vector<128xf32> to vector<1x128xf32>
      %mul3A_394 = vector.broadcast %broadcast_in_dim3A_393 : vector<1x128xf32> to vector<64x128xf32>
      %mul3A_395 = arith.mulf %get3A_390, %mul3A_394 : vector<64x128xf32>
      %add3A_396 = arith.addf %add3A_387, %mul3A_395 : vector<64x128xf32>
      %get3A_397 = arith.constant 0 : index
      %get3A_398 = arith.constant 5504 : index
      %get3A_399 = vector.load %arg1[%get3A_397, %get3A_398] : memref<64x32768xf32, #tpu.memory_space<vmem>>, vector<64x128xf32>
      %get3A_400 = arith.constant 5504 : index
      %get3A_401 = vector.load %arg2[%get3A_400] : memref<32768xf32, #tpu.memory_space<vmem>>, vector<128xf32>
      %broadcast_in_dim3A_402 = vector.shape_cast %get3A_401 : vector<128xf32> to vector<1x128xf32>
      %mul3A_403 = vector.broadcast %broadcast_in_dim3A_402 : vector<1x128xf32> to vector<64x128xf32>
      %mul3A_404 = arith.mulf %get3A_399, %mul3A_403 : vector<64x128xf32>
      %add3A_405 = arith.addf %add3A_396, %mul3A_404 : vector<64x128xf32>
      %get3A_406 = arith.constant 0 : index
      %get3A_407 = arith.constant 5632 : index
      %get3A_408 = vector.load %arg1[%get3A_406, %get3A_407] : memref<64x32768xf32, #tpu.memory_space<vmem>>, vector<64x128xf32>
      %get3A_409 = arith.constant 5632 : index
      %get3A_410 = vector.load %arg2[%get3A_409] : memref<32768xf32, #tpu.memory_space<vmem>>, vector<128xf32>
      %broadcast_in_dim3A_411 = vector.shape_cast %get3A_410 : vector<128xf32> to vector<1x128xf32>
      %mul3A_412 = vector.broadcast %broadcast_in_dim3A_411 : vector<1x128xf32> to vector<64x128xf32>
      %mul3A_413 = arith.mulf %get3A_408, %mul3A_412 : vector<64x128xf32>
      %add3A_414 = arith.addf %add3A_405, %mul3A_413 : vector<64x128xf32>
      %get3A_415 = arith.constant 0 : index
      %get3A_416 = arith.constant 5760 : index
      %get3A_417 = vector.load %arg1[%get3A_415, %get3A_416] : memref<64x32768xf32, #tpu.memory_space<vmem>>, vector<64x128xf32>
      %get3A_418 = arith.constant 5760 : index
      %get3A_419 = vector.load %arg2[%get3A_418] : memref<32768xf32, #tpu.memory_space<vmem>>, vector<128xf32>
      %broadcast_in_dim3A_420 = vector.shape_cast %get3A_419 : vector<128xf32> to vector<1x128xf32>
      %mul3A_421 = vector.broadcast %broadcast_in_dim3A_420 : vector<1x128xf32> to vector<64x128xf32>
      %mul3A_422 = arith.mulf %get3A_417, %mul3A_421 : vector<64x128xf32>
      %add3A_423 = arith.addf %add3A_414, %mul3A_422 : vector<64x128xf32>
      %get3A_424 = arith.constant 0 : index
      %get3A_425 = arith.constant 5888 : index
      %get3A_426 = vector.load %arg1[%get3A_424, %get3A_425] : memref<64x32768xf32, #tpu.memory_space<vmem>>, vector<64x128xf32>
      %get3A_427 = arith.constant 5888 : index
      %get3A_428 = vector.load %arg2[%get3A_427] : memref<32768xf32, #tpu.memory_space<vmem>>, vector<128xf32>
      %broadcast_in_dim3A_429 = vector.shape_cast %get3A_428 : vector<128xf32> to vector<1x128xf32>
      %mul3A_430 = vector.broadcast %broadcast_in_dim3A_429 : vector<1x128xf32> to vector<64x128xf32>
      %mul3A_431 = arith.mulf %get3A_426, %mul3A_430 : vector<64x128xf32>
      %add3A_432 = arith.addf %add3A_423, %mul3A_431 : vector<64x128xf32>
      %get3A_433 = arith.constant 0 : index
      %get3A_434 = arith.constant 6016 : index
      %get3A_435 = vector.load %arg1[%get3A_433, %get3A_434] : memref<64x32768xf32, #tpu.memory_space<vmem>>, vector<64x128xf32>
      %get3A_436 = arith.constant 6016 : index
      %get3A_437 = vector.load %arg2[%get3A_436] : memref<32768xf32, #tpu.memory_space<vmem>>, vector<128xf32>
      %broadcast_in_dim3A_438 = vector.shape_cast %get3A_437 : vector<128xf32> to vector<1x128xf32>
      %mul3A_439 = vector.broadcast %broadcast_in_dim3A_438 : vector<1x128xf32> to vector<64x128xf32>
      %mul3A_440 = arith.mulf %get3A_435, %mul3A_439 : vector<64x128xf32>
      %add3A_441 = arith.addf %add3A_432, %mul3A_440 : vector<64x128xf32>
      %get3A_442 = arith.constant 0 : index
      %get3A_443 = arith.constant 6144 : index
      %get3A_444 = vector.load %arg1[%get3A_442, %get3A_443] : memref<64x32768xf32, #tpu.memory_space<vmem>>, vector<64x128xf32>
      %get3A_445 = arith.constant 6144 : index
      %get3A_446 = vector.load %arg2[%get3A_445] : memref<32768xf32, #tpu.memory_space<vmem>>, vector<128xf32>
      %broadcast_in_dim3A_447 = vector.shape_cast %get3A_446 : vector<128xf32> to vector<1x128xf32>
      %mul3A_448 = vector.broadcast %broadcast_in_dim3A_447 : vector<1x128xf32> to vector<64x128xf32>
      %mul3A_449 = arith.mulf %get3A_444, %mul3A_448 : vector<64x128xf32>
      %add3A_450 = arith.addf %add3A_441, %mul3A_449 : vector<64x128xf32>
      %get3A_451 = arith.constant 0 : index
      %get3A_452 = arith.constant 6272 : index
      %get3A_453 = vector.load %arg1[%get3A_451, %get3A_452] : memref<64x32768xf32, #tpu.memory_space<vmem>>, vector<64x128xf32>
      %get3A_454 = arith.constant 6272 : index
      %get3A_455 = vector.load %arg2[%get3A_454] : memref<32768xf32, #tpu.memory_space<vmem>>, vector<128xf32>
      %broadcast_in_dim3A_456 = vector.shape_cast %get3A_455 : vector<128xf32> to vector<1x128xf32>
      %mul3A_457 = vector.broadcast %broadcast_in_dim3A_456 : vector<1x128xf32> to vector<64x128xf32>
      %mul3A_458 = arith.mulf %get3A_453, %mul3A_457 : vector<64x128xf32>
      %add3A_459 = arith.addf %add3A_450, %mul3A_458 : vector<64x128xf32>
      %get3A_460 = arith.constant 0 : index
      %get3A_461 = arith.constant 6400 : index
      %get3A_462 = vector.load %arg1[%get3A_460, %get3A_461] : memref<64x32768xf32, #tpu.memory_space<vmem>>, vector<64x128xf32>
      %get3A_463 = arith.constant 6400 : index
      %get3A_464 = vector.load %arg2[%get3A_463] : memref<32768xf32, #tpu.memory_space<vmem>>, vector<128xf32>
      %broadcast_in_dim3A_465 = vector.shape_cast %get3A_464 : vector<128xf32> to vector<1x128xf32>
      %mul3A_466 = vector.broadcast %broadcast_in_dim3A_465 : vector<1x128xf32> to vector<64x128xf32>
      %mul3A_467 = arith.mulf %get3A_462, %mul3A_466 : vector<64x128xf32>
      %add3A_468 = arith.addf %add3A_459, %mul3A_467 : vector<64x128xf32>
      %get3A_469 = arith.constant 0 : index
      %get3A_470 = arith.constant 6528 : index
      %get3A_471 = vector.load %arg1[%get3A_469, %get3A_470] : memref<64x32768xf32, #tpu.memory_space<vmem>>, vector<64x128xf32>
      %get3A_472 = arith.constant 6528 : index
      %get3A_473 = vector.load %arg2[%get3A_472] : memref<32768xf32, #tpu.memory_space<vmem>>, vector<128xf32>
      %broadcast_in_dim3A_474 = vector.shape_cast %get3A_473 : vector<128xf32> to vector<1x128xf32>
      %mul3A_475 = vector.broadcast %broadcast_in_dim3A_474 : vector<1x128xf32> to vector<64x128xf32>
      %mul3A_476 = arith.mulf %get3A_471, %mul3A_475 : vector<64x128xf32>
      %add3A_477 = arith.addf %add3A_468, %mul3A_476 : vector<64x128xf32>
      %get3A_478 = arith.constant 0 : index
      %get3A_479 = arith.constant 6656 : index
      %get3A_480 = vector.load %arg1[%get3A_478, %get3A_479] : memref<64x32768xf32, #tpu.memory_space<vmem>>, vector<64x128xf32>
      %get3A_481 = arith.constant 6656 : index
      %get3A_482 = vector.load %arg2[%get3A_481] : memref<32768xf32, #tpu.memory_space<vmem>>, vector<128xf32>
      %broadcast_in_dim3A_483 = vector.shape_cast %get3A_482 : vector<128xf32> to vector<1x128xf32>
      %mul3A_484 = vector.broadcast %broadcast_in_dim3A_483 : vector<1x128xf32> to vector<64x128xf32>
      %mul3A_485 = arith.mulf %get3A_480, %mul3A_484 : vector<64x128xf32>
      %add3A_486 = arith.addf %add3A_477, %mul3A_485 : vector<64x128xf32>
      %get3A_487 = arith.constant 0 : index
      %get3A_488 = arith.constant 6784 : index
      %get3A_489 = vector.load %arg1[%get3A_487, %get3A_488] : memref<64x32768xf32, #tpu.memory_space<vmem>>, vector<64x128xf32>
      %get3A_490 = arith.constant 6784 : index
      %get3A_491 = vector.load %arg2[%get3A_490] : memref<32768xf32, #tpu.memory_space<vmem>>, vector<128xf32>
      %broadcast_in_dim3A_492 = vector.shape_cast %get3A_491 : vector<128xf32> to vector<1x128xf32>
      %mul3A_493 = vector.broadcast %broadcast_in_dim3A_492 : vector<1x128xf32> to vector<64x128xf32>
      %mul3A_494 = arith.mulf %get3A_489, %mul3A_493 : vector<64x128xf32>
      %add3A_495 = arith.addf %add3A_486, %mul3A_494 : vector<64x128xf32>
      %get3A_496 = arith.constant 0 : index
      %get3A_497 = arith.constant 6912 : index
      %get3A_498 = vector.load %arg1[%get3A_496, %get3A_497] : memref<64x32768xf32, #tpu.memory_space<vmem>>, vector<64x128xf32>
      %get3A_499 = arith.constant 6912 : index
      %get3A_500 = vector.load %arg2[%get3A_499] : memref<32768xf32, #tpu.memory_space<vmem>>, vector<128xf32>
      %broadcast_in_dim3A_501 = vector.shape_cast %get3A_500 : vector<128xf32> to vector<1x128xf32>
      %mul3A_502 = vector.broadcast %broadcast_in_dim3A_501 : vector<1x128xf32> to vector<64x128xf32>
      %mul3A_503 = arith.mulf %get3A_498, %mul3A_502 : vector<64x128xf32>
      %add3A_504 = arith.addf %add3A_495, %mul3A_503 : vector<64x128xf32>
      %get3A_505 = arith.constant 0 : index
      %get3A_506 = arith.constant 7040 : index
      %get3A_507 = vector.load %arg1[%get3A_505, %get3A_506] : memref<64x32768xf32, #tpu.memory_space<vmem>>, vector<64x128xf32>
      %get3A_508 = arith.constant 7040 : index
      %get3A_509 = vector.load %arg2[%get3A_508] : memref<32768xf32, #tpu.memory_space<vmem>>, vector<128xf32>
      %broadcast_in_dim3A_510 = vector.shape_cast %get3A_509 : vector<128xf32> to vector<1x128xf32>
      %mul3A_511 = vector.broadcast %broadcast_in_dim3A_510 : vector<1x128xf32> to vector<64x128xf32>
      %mul3A_512 = arith.mulf %get3A_507, %mul3A_511 : vector<64x128xf32>
      %add3A_513 = arith.addf %add3A_504, %mul3A_512 : vector<64x128xf32>
      %get3A_514 = arith.constant 0 : index
      %get3A_515 = arith.constant 7168 : index
      %get3A_516 = vector.load %arg1[%get3A_514, %get3A_515] : memref<64x32768xf32, #tpu.memory_space<vmem>>, vector<64x128xf32>
      %get3A_517 = arith.constant 7168 : index
      %get3A_518 = vector.load %arg2[%get3A_517] : memref<32768xf32, #tpu.memory_space<vmem>>, vector<128xf32>
      %broadcast_in_dim3A_519 = vector.shape_cast %get3A_518 : vector<128xf32> to vector<1x128xf32>
      %mul3A_520 = vector.broadcast %broadcast_in_dim3A_519 : vector<1x128xf32> to vector<64x128xf32>
      %mul3A_521 = arith.mulf %get3A_516, %mul3A_520 : vector<64x128xf32>
      %add3A_522 = arith.addf %add3A_513, %mul3A_521 : vector<64x128xf32>
      %get3A_523 = arith.constant 0 : index
      %get3A_524 = arith.constant 7296 : index
      %get3A_525 = vector.load %arg1[%get3A_523, %get3A_524] : memref<64x32768xf32, #tpu.memory_space<vmem>>, vector<64x128xf32>
      %get3A_526 = arith.constant 7296 : index
      %get3A_527 = vector.load %arg2[%get3A_526] : memref<32768xf32, #tpu.memory_space<vmem>>, vector<128xf32>
      %broadcast_in_dim3A_528 = vector.shape_cast %get3A_527 : vector<128xf32> to vector<1x128xf32>
      %mul3A_529 = vector.broadcast %broadcast_in_dim3A_528 : vector<1x128xf32> to vector<64x128xf32>
      %mul3A_530 = arith.mulf %get3A_525, %mul3A_529 : vector<64x128xf32>
      %add3A_531 = arith.addf %add3A_522, %mul3A_530 : vector<64x128xf32>
      %get3A_532 = arith.constant 0 : index
      %get3A_533 = arith.constant 7424 : index
      %get3A_534 = vector.load %arg1[%get3A_532, %get3A_533] : memref<64x32768xf32, #tpu.memory_space<vmem>>, vector<64x128xf32>
      %get3A_535 = arith.constant 7424 : index
      %get3A_536 = vector.load %arg2[%get3A_535] : memref<32768xf32, #tpu.memory_space<vmem>>, vector<128xf32>
      %broadcast_in_dim3A_537 = vector.shape_cast %get3A_536 : vector<128xf32> to vector<1x128xf32>
      %mul3A_538 = vector.broadcast %broadcast_in_dim3A_537 : vector<1x128xf32> to vector<64x128xf32>
      %mul3A_539 = arith.mulf %get3A_534, %mul3A_538 : vector<64x128xf32>
      %add3A_540 = arith.addf %add3A_531, %mul3A_539 : vector<64x128xf32>
      %get3A_541 = arith.constant 0 : index
      %get3A_542 = arith.constant 7552 : index
      %get3A_543 = vector.load %arg1[%get3A_541, %get3A_542] : memref<64x32768xf32, #tpu.memory_space<vmem>>, vector<64x128xf32>
      %get3A_544 = arith.constant 7552 : index
      %get3A_545 = vector.load %arg2[%get3A_544] : memref<32768xf32, #tpu.memory_space<vmem>>, vector<128xf32>
      %broadcast_in_dim3A_546 = vector.shape_cast %get3A_545 : vector<128xf32> to vector<1x128xf32>
      %mul3A_547 = vector.broadcast %broadcast_in_dim3A_546 : vector<1x128xf32> to vector<64x128xf32>
      %mul3A_548 = arith.mulf %get3A_543, %mul3A_547 : vector<64x128xf32>
      %add3A_549 = arith.addf %add3A_540, %mul3A_548 : vector<64x128xf32>
      %get3A_550 = arith.constant 0 : index
      %get3A_551 = arith.constant 7680 : index
      %get3A_552 = vector.load %arg1[%get3A_550, %get3A_551] : memref<64x32768xf32, #tpu.memory_space<vmem>>, vector<64x128xf32>
      %get3A_553 = arith.constant 7680 : index
      %get3A_554 = vector.load %arg2[%get3A_553] : memref<32768xf32, #tpu.memory_space<vmem>>, vector<128xf32>
      %broadcast_in_dim3A_555 = vector.shape_cast %get3A_554 : vector<128xf32> to vector<1x128xf32>
      %mul3A_556 = vector.broadcast %broadcast_in_dim3A_555 : vector<1x128xf32> to vector<64x128xf32>
      %mul3A_557 = arith.mulf %get3A_552, %mul3A_556 : vector<64x128xf32>
      %add3A_558 = arith.addf %add3A_549, %mul3A_557 : vector<64x128xf32>
      %get3A_559 = arith.constant 0 : index
      %get3A_560 = arith.constant 7808 : index
      %get3A_561 = vector.load %arg1[%get3A_559, %get3A_560] : memref<64x32768xf32, #tpu.memory_space<vmem>>, vector<64x128xf32>
      %get3A_562 = arith.constant 7808 : index
      %get3A_563 = vector.load %arg2[%get3A_562] : memref<32768xf32, #tpu.memory_space<vmem>>, vector<128xf32>
      %broadcast_in_dim3A_564 = vector.shape_cast %get3A_563 : vector<128xf32> to vector<1x128xf32>
      %mul3A_565 = vector.broadcast %broadcast_in_dim3A_564 : vector<1x128xf32> to vector<64x128xf32>
      %mul3A_566 = arith.mulf %get3A_561, %mul3A_565 : vector<64x128xf32>
      %add3A_567 = arith.addf %add3A_558, %mul3A_566 : vector<64x128xf32>
      %get3A_568 = arith.constant 0 : index
      %get3A_569 = arith.constant 7936 : index
      %get3A_570 = vector.load %arg1[%get3A_568, %get3A_569] : memref<64x32768xf32, #tpu.memory_space<vmem>>, vector<64x128xf32>
      %get3A_571 = arith.constant 7936 : index
      %get3A_572 = vector.load %arg2[%get3A_571] : memref<32768xf32, #tpu.memory_space<vmem>>, vector<128xf32>
      %broadcast_in_dim3A_573 = vector.shape_cast %get3A_572 : vector<128xf32> to vector<1x128xf32>
      %mul3A_574 = vector.broadcast %broadcast_in_dim3A_573 : vector<1x128xf32> to vector<64x128xf32>
      %mul3A_575 = arith.mulf %get3A_570, %mul3A_574 : vector<64x128xf32>
      %add3A_576 = arith.addf %add3A_567, %mul3A_575 : vector<64x128xf32>
      %get3A_577 = arith.constant 0 : index
      %get3A_578 = arith.constant 8064 : index
      %get3A_579 = vector.load %arg1[%get3A_577, %get3A_578] : memref<64x32768xf32, #tpu.memory_space<vmem>>, vector<64x128xf32>
      %get3A_580 = arith.constant 8064 : index
      %get3A_581 = vector.load %arg2[%get3A_580] : memref<32768xf32, #tpu.memory_space<vmem>>, vector<128xf32>
      %broadcast_in_dim3A_582 = vector.shape_cast %get3A_581 : vector<128xf32> to vector<1x128xf32>
      %mul3A_583 = vector.broadcast %broadcast_in_dim3A_582 : vector<1x128xf32> to vector<64x128xf32>
      %mul3A_584 = arith.mulf %get3A_579, %mul3A_583 : vector<64x128xf32>
      %add3A_585 = arith.addf %add3A_576, %mul3A_584 : vector<64x128xf32>
      %get3A_586 = arith.constant 0 : index
      %get3A_587 = arith.constant 8192 : index
      %get3A_588 = vector.load %arg1[%get3A_586, %get3A_587] : memref<64x32768xf32, #tpu.memory_space<vmem>>, vector<64x128xf32>
      %get3A_589 = arith.constant 8192 : index
      %get3A_590 = vector.load %arg2[%get3A_589] : memref<32768xf32, #tpu.memory_space<vmem>>, vector<128xf32>
      %broadcast_in_dim3A_591 = vector.shape_cast %get3A_590 : vector<128xf32> to vector<1x128xf32>
      %mul3A_592 = vector.broadcast %broadcast_in_dim3A_591 : vector<1x128xf32> to vector<64x128xf32>
      %mul3A_593 = arith.mulf %get3A_588, %mul3A_592 : vector<64x128xf32>
      %add3A_594 = arith.addf %add3A_585, %mul3A_593 : vector<64x128xf32>
      %get3A_595 = arith.constant 0 : index
      %get3A_596 = arith.constant 8320 : index
      %get3A_597 = vector.load %arg1[%get3A_595, %get3A_596] : memref<64x32768xf32, #tpu.memory_space<vmem>>, vector<64x128xf32>
      %get3A_598 = arith.constant 8320 : index
      %get3A_599 = vector.load %arg2[%get3A_598] : memref<32768xf32, #tpu.memory_space<vmem>>, vector<128xf32>
      %broadcast_in_dim3A_600 = vector.shape_cast %get3A_599 : vector<128xf32> to vector<1x128xf32>
      %mul3A_601 = vector.broadcast %broadcast_in_dim3A_600 : vector<1x128xf32> to vector<64x128xf32>
      %mul3A_602 = arith.mulf %get3A_597, %mul3A_601 : vector<64x128xf32>
      %add3A_603 = arith.addf %add3A_594, %mul3A_602 : vector<64x128xf32>
      %get3A_604 = arith.constant 0 : index
      %get3A_605 = arith.constant 8448 : index
      %get3A_606 = vector.load %arg1[%get3A_604, %get3A_605] : memref<64x32768xf32, #tpu.memory_space<vmem>>, vector<64x128xf32>
      %get3A_607 = arith.constant 8448 : index
      %get3A_608 = vector.load %arg2[%get3A_607] : memref<32768xf32, #tpu.memory_space<vmem>>, vector<128xf32>
      %broadcast_in_dim3A_609 = vector.shape_cast %get3A_608 : vector<128xf32> to vector<1x128xf32>
      %mul3A_610 = vector.broadcast %broadcast_in_dim3A_609 : vector<1x128xf32> to vector<64x128xf32>
      %mul3A_611 = arith.mulf %get3A_606, %mul3A_610 : vector<64x128xf32>
      %add3A_612 = arith.addf %add3A_603, %mul3A_611 : vector<64x128xf32>
      %get3A_613 = arith.constant 0 : index
      %get3A_614 = arith.constant 8576 : index
      %get3A_615 = vector.load %arg1[%get3A_613, %get3A_614] : memref<64x32768xf32, #tpu.memory_space<vmem>>, vector<64x128xf32>
      %get3A_616 = arith.constant 8576 : index
      %get3A_617 = vector.load %arg2[%get3A_616] : memref<32768xf32, #tpu.memory_space<vmem>>, vector<128xf32>
      %broadcast_in_dim3A_618 = vector.shape_cast %get3A_617 : vector<128xf32> to vector<1x128xf32>
      %mul3A_619 = vector.broadcast %broadcast_in_dim3A_618 : vector<1x128xf32> to vector<64x128xf32>
      %mul3A_620 = arith.mulf %get3A_615, %mul3A_619 : vector<64x128xf32>
      %add3A_621 = arith.addf %add3A_612, %mul3A_620 : vector<64x128xf32>
      %get3A_622 = arith.constant 0 : index
      %get3A_623 = arith.constant 8704 : index
      %get3A_624 = vector.load %arg1[%get3A_622, %get3A_623] : memref<64x32768xf32, #tpu.memory_space<vmem>>, vector<64x128xf32>
      %get3A_625 = arith.constant 8704 : index
      %get3A_626 = vector.load %arg2[%get3A_625] : memref<32768xf32, #tpu.memory_space<vmem>>, vector<128xf32>
      %broadcast_in_dim3A_627 = vector.shape_cast %get3A_626 : vector<128xf32> to vector<1x128xf32>
      %mul3A_628 = vector.broadcast %broadcast_in_dim3A_627 : vector<1x128xf32> to vector<64x128xf32>
      %mul3A_629 = arith.mulf %get3A_624, %mul3A_628 : vector<64x128xf32>
      %add3A_630 = arith.addf %add3A_621, %mul3A_629 : vector<64x128xf32>
      %get3A_631 = arith.constant 0 : index
      %get3A_632 = arith.constant 8832 : index
      %get3A_633 = vector.load %arg1[%get3A_631, %get3A_632] : memref<64x32768xf32, #tpu.memory_space<vmem>>, vector<64x128xf32>
      %get3A_634 = arith.constant 8832 : index
      %get3A_635 = vector.load %arg2[%get3A_634] : memref<32768xf32, #tpu.memory_space<vmem>>, vector<128xf32>
      %broadcast_in_dim3A_636 = vector.shape_cast %get3A_635 : vector<128xf32> to vector<1x128xf32>
      %mul3A_637 = vector.broadcast %broadcast_in_dim3A_636 : vector<1x128xf32> to vector<64x128xf32>
      %mul3A_638 = arith.mulf %get3A_633, %mul3A_637 : vector<64x128xf32>
      %add3A_639 = arith.addf %add3A_630, %mul3A_638 : vector<64x128xf32>
      %get3A_640 = arith.constant 0 : index
      %get3A_641 = arith.constant 8960 : index
      %get3A_642 = vector.load %arg1[%get3A_640, %get3A_641] : memref<64x32768xf32, #tpu.memory_space<vmem>>, vector<64x128xf32>
      %get3A_643 = arith.constant 8960 : index
      %get3A_644 = vector.load %arg2[%get3A_643] : memref<32768xf32, #tpu.memory_space<vmem>>, vector<128xf32>
      %broadcast_in_dim3A_645 = vector.shape_cast %get3A_644 : vector<128xf32> to vector<1x128xf32>
      %mul3A_646 = vector.broadcast %broadcast_in_dim3A_645 : vector<1x128xf32> to vector<64x128xf32>
      %mul3A_647 = arith.mulf %get3A_642, %mul3A_646 : vector<64x128xf32>
      %add3A_648 = arith.addf %add3A_639, %mul3A_647 : vector<64x128xf32>
      %get3A_649 = arith.constant 0 : index
      %get3A_650 = arith.constant 9088 : index
      %get3A_651 = vector.load %arg1[%get3A_649, %get3A_650] : memref<64x32768xf32, #tpu.memory_space<vmem>>, vector<64x128xf32>
      %get3A_652 = arith.constant 9088 : index
      %get3A_653 = vector.load %arg2[%get3A_652] : memref<32768xf32, #tpu.memory_space<vmem>>, vector<128xf32>
      %broadcast_in_dim3A_654 = vector.shape_cast %get3A_653 : vector<128xf32> to vector<1x128xf32>
      %mul3A_655 = vector.broadcast %broadcast_in_dim3A_654 : vector<1x128xf32> to vector<64x128xf32>
      %mul3A_656 = arith.mulf %get3A_651, %mul3A_655 : vector<64x128xf32>
      %add3A_657 = arith.addf %add3A_648, %mul3A_656 : vector<64x128xf32>
      %get3A_658 = arith.constant 0 : index
      %get3A_659 = arith.constant 9216 : index
      %get3A_660 = vector.load %arg1[%get3A_658, %get3A_659] : memref<64x32768xf32, #tpu.memory_space<vmem>>, vector<64x128xf32>
      %get3A_661 = arith.constant 9216 : index
      %get3A_662 = vector.load %arg2[%get3A_661] : memref<32768xf32, #tpu.memory_space<vmem>>, vector<128xf32>
      %broadcast_in_dim3A_663 = vector.shape_cast %get3A_662 : vector<128xf32> to vector<1x128xf32>
      %mul3A_664 = vector.broadcast %broadcast_in_dim3A_663 : vector<1x128xf32> to vector<64x128xf32>
      %mul3A_665 = arith.mulf %get3A_660, %mul3A_664 : vector<64x128xf32>
      %add3A_666 = arith.addf %add3A_657, %mul3A_665 : vector<64x128xf32>
      %get3A_667 = arith.constant 0 : index
      %get3A_668 = arith.constant 9344 : index
      %get3A_669 = vector.load %arg1[%get3A_667, %get3A_668] : memref<64x32768xf32, #tpu.memory_space<vmem>>, vector<64x128xf32>
      %get3A_670 = arith.constant 9344 : index
      %get3A_671 = vector.load %arg2[%get3A_670] : memref<32768xf32, #tpu.memory_space<vmem>>, vector<128xf32>
      %broadcast_in_dim3A_672 = vector.shape_cast %get3A_671 : vector<128xf32> to vector<1x128xf32>
      %mul3A_673 = vector.broadcast %broadcast_in_dim3A_672 : vector<1x128xf32> to vector<64x128xf32>
      %mul3A_674 = arith.mulf %get3A_669, %mul3A_673 : vector<64x128xf32>
      %add3A_675 = arith.addf %add3A_666, %mul3A_674 : vector<64x128xf32>
      %get3A_676 = arith.constant 0 : index
      %get3A_677 = arith.constant 9472 : index
      %get3A_678 = vector.load %arg1[%get3A_676, %get3A_677] : memref<64x32768xf32, #tpu.memory_space<vmem>>, vector<64x128xf32>
      %get3A_679 = arith.constant 9472 : index
      %get3A_680 = vector.load %arg2[%get3A_679] : memref<32768xf32, #tpu.memory_space<vmem>>, vector<128xf32>
      %broadcast_in_dim3A_681 = vector.shape_cast %get3A_680 : vector<128xf32> to vector<1x128xf32>
      %mul3A_682 = vector.broadcast %broadcast_in_dim3A_681 : vector<1x128xf32> to vector<64x128xf32>
      %mul3A_683 = arith.mulf %get3A_678, %mul3A_682 : vector<64x128xf32>
      %add3A_684 = arith.addf %add3A_675, %mul3A_683 : vector<64x128xf32>
      %get3A_685 = arith.constant 0 : index
      %get3A_686 = arith.constant 9600 : index
      %get3A_687 = vector.load %arg1[%get3A_685, %get3A_686] : memref<64x32768xf32, #tpu.memory_space<vmem>>, vector<64x128xf32>
      %get3A_688 = arith.constant 9600 : index
      %get3A_689 = vector.load %arg2[%get3A_688] : memref<32768xf32, #tpu.memory_space<vmem>>, vector<128xf32>
      %broadcast_in_dim3A_690 = vector.shape_cast %get3A_689 : vector<128xf32> to vector<1x128xf32>
      %mul3A_691 = vector.broadcast %broadcast_in_dim3A_690 : vector<1x128xf32> to vector<64x128xf32>
      %mul3A_692 = arith.mulf %get3A_687, %mul3A_691 : vector<64x128xf32>
      %add3A_693 = arith.addf %add3A_684, %mul3A_692 : vector<64x128xf32>
      %get3A_694 = arith.constant 0 : index
      %get3A_695 = arith.constant 9728 : index
      %get3A_696 = vector.load %arg1[%get3A_694, %get3A_695] : memref<64x32768xf32, #tpu.memory_space<vmem>>, vector<64x128xf32>
      %get3A_697 = arith.constant 9728 : index
      %get3A_698 = vector.load %arg2[%get3A_697] : memref<32768xf32, #tpu.memory_space<vmem>>, vector<128xf32>
      %broadcast_in_dim3A_699 = vector.shape_cast %get3A_698 : vector<128xf32> to vector<1x128xf32>
      %mul3A_700 = vector.broadcast %broadcast_in_dim3A_699 : vector<1x128xf32> to vector<64x128xf32>
      %mul3A_701 = arith.mulf %get3A_696, %mul3A_700 : vector<64x128xf32>
      %add3A_702 = arith.addf %add3A_693, %mul3A_701 : vector<64x128xf32>
      %get3A_703 = arith.constant 0 : index
      %get3A_704 = arith.constant 9856 : index
      %get3A_705 = vector.load %arg1[%get3A_703, %get3A_704] : memref<64x32768xf32, #tpu.memory_space<vmem>>, vector<64x128xf32>
      %get3A_706 = arith.constant 9856 : index
      %get3A_707 = vector.load %arg2[%get3A_706] : memref<32768xf32, #tpu.memory_space<vmem>>, vector<128xf32>
      %broadcast_in_dim3A_708 = vector.shape_cast %get3A_707 : vector<128xf32> to vector<1x128xf32>
      %mul3A_709 = vector.broadcast %broadcast_in_dim3A_708 : vector<1x128xf32> to vector<64x128xf32>
      %mul3A_710 = arith.mulf %get3A_705, %mul3A_709 : vector<64x128xf32>
      %add3A_711 = arith.addf %add3A_702, %mul3A_710 : vector<64x128xf32>
      %get3A_712 = arith.constant 0 : index
      %get3A_713 = arith.constant 9984 : index
      %get3A_714 = vector.load %arg1[%get3A_712, %get3A_713] : memref<64x32768xf32, #tpu.memory_space<vmem>>, vector<64x128xf32>
      %get3A_715 = arith.constant 9984 : index
      %get3A_716 = vector.load %arg2[%get3A_715] : memref<32768xf32, #tpu.memory_space<vmem>>, vector<128xf32>
      %broadcast_in_dim3A_717 = vector.shape_cast %get3A_716 : vector<128xf32> to vector<1x128xf32>
      %mul3A_718 = vector.broadcast %broadcast_in_dim3A_717 : vector<1x128xf32> to vector<64x128xf32>
      %mul3A_719 = arith.mulf %get3A_714, %mul3A_718 : vector<64x128xf32>
      %add3A_720 = arith.addf %add3A_711, %mul3A_719 : vector<64x128xf32>
      %get3A_721 = arith.constant 0 : index
      %get3A_722 = arith.constant 10112 : index
      %get3A_723 = vector.load %arg1[%get3A_721, %get3A_722] : memref<64x32768xf32, #tpu.memory_space<vmem>>, vector<64x128xf32>
      %get3A_724 = arith.constant 10112 : index
      %get3A_725 = vector.load %arg2[%get3A_724] : memref<32768xf32, #tpu.memory_space<vmem>>, vector<128xf32>
      %broadcast_in_dim3A_726 = vector.shape_cast %get3A_725 : vector<128xf32> to vector<1x128xf32>
      %mul3A_727 = vector.broadcast %broadcast_in_dim3A_726 : vector<1x128xf32> to vector<64x128xf32>
      %mul3A_728 = arith.mulf %get3A_723, %mul3A_727 : vector<64x128xf32>
      %add3A_729 = arith.addf %add3A_720, %mul3A_728 : vector<64x128xf32>
      %get3A_730 = arith.constant 0 : index
      %get3A_731 = arith.constant 10240 : index
      %get3A_732 = vector.load %arg1[%get3A_730, %get3A_731] : memref<64x32768xf32, #tpu.memory_space<vmem>>, vector<64x128xf32>
      %get3A_733 = arith.constant 10240 : index
      %get3A_734 = vector.load %arg2[%get3A_733] : memref<32768xf32, #tpu.memory_space<vmem>>, vector<128xf32>
      %broadcast_in_dim3A_735 = vector.shape_cast %get3A_734 : vector<128xf32> to vector<1x128xf32>
      %mul3A_736 = vector.broadcast %broadcast_in_dim3A_735 : vector<1x128xf32> to vector<64x128xf32>
      %mul3A_737 = arith.mulf %get3A_732, %mul3A_736 : vector<64x128xf32>
      %add3A_738 = arith.addf %add3A_729, %mul3A_737 : vector<64x128xf32>
      %get3A_739 = arith.constant 0 : index
      %get3A_740 = arith.constant 10368 : index
      %get3A_741 = vector.load %arg1[%get3A_739, %get3A_740] : memref<64x32768xf32, #tpu.memory_space<vmem>>, vector<64x128xf32>
      %get3A_742 = arith.constant 10368 : index
      %get3A_743 = vector.load %arg2[%get3A_742] : memref<32768xf32, #tpu.memory_space<vmem>>, vector<128xf32>
      %broadcast_in_dim3A_744 = vector.shape_cast %get3A_743 : vector<128xf32> to vector<1x128xf32>
      %mul3A_745 = vector.broadcast %broadcast_in_dim3A_744 : vector<1x128xf32> to vector<64x128xf32>
      %mul3A_746 = arith.mulf %get3A_741, %mul3A_745 : vector<64x128xf32>
      %add3A_747 = arith.addf %add3A_738, %mul3A_746 : vector<64x128xf32>
      %get3A_748 = arith.constant 0 : index
      %get3A_749 = arith.constant 10496 : index
      %get3A_750 = vector.load %arg1[%get3A_748, %get3A_749] : memref<64x32768xf32, #tpu.memory_space<vmem>>, vector<64x128xf32>
      %get3A_751 = arith.constant 10496 : index
      %get3A_752 = vector.load %arg2[%get3A_751] : memref<32768xf32, #tpu.memory_space<vmem>>, vector<128xf32>
      %broadcast_in_dim3A_753 = vector.shape_cast %get3A_752 : vector<128xf32> to vector<1x128xf32>
      %mul3A_754 = vector.broadcast %broadcast_in_dim3A_753 : vector<1x128xf32> to vector<64x128xf32>
      %mul3A_755 = arith.mulf %get3A_750, %mul3A_754 : vector<64x128xf32>
      %add3A_756 = arith.addf %add3A_747, %mul3A_755 : vector<64x128xf32>
      %get3A_757 = arith.constant 0 : index
      %get3A_758 = arith.constant 10624 : index
      %get3A_759 = vector.load %arg1[%get3A_757, %get3A_758] : memref<64x32768xf32, #tpu.memory_space<vmem>>, vector<64x128xf32>
      %get3A_760 = arith.constant 10624 : index
      %get3A_761 = vector.load %arg2[%get3A_760] : memref<32768xf32, #tpu.memory_space<vmem>>, vector<128xf32>
      %broadcast_in_dim3A_762 = vector.shape_cast %get3A_761 : vector<128xf32> to vector<1x128xf32>
      %mul3A_763 = vector.broadcast %broadcast_in_dim3A_762 : vector<1x128xf32> to vector<64x128xf32>
      %mul3A_764 = arith.mulf %get3A_759, %mul3A_763 : vector<64x128xf32>
      %add3A_765 = arith.addf %add3A_756, %mul3A_764 : vector<64x128xf32>
      %get3A_766 = arith.constant 0 : index
      %get3A_767 = arith.constant 10752 : index
      %get3A_768 = vector.load %arg1[%get3A_766, %get3A_767] : memref<64x32768xf32, #tpu.memory_space<vmem>>, vector<64x128xf32>
      %get3A_769 = arith.constant 10752 : index
      %get3A_770 = vector.load %arg2[%get3A_769] : memref<32768xf32, #tpu.memory_space<vmem>>, vector<128xf32>
      %broadcast_in_dim3A_771 = vector.shape_cast %get3A_770 : vector<128xf32> to vector<1x128xf32>
      %mul3A_772 = vector.broadcast %broadcast_in_dim3A_771 : vector<1x128xf32> to vector<64x128xf32>
      %mul3A_773 = arith.mulf %get3A_768, %mul3A_772 : vector<64x128xf32>
      %add3A_774 = arith.addf %add3A_765, %mul3A_773 : vector<64x128xf32>
      %get3A_775 = arith.constant 0 : index
      %get3A_776 = arith.constant 10880 : index
      %get3A_777 = vector.load %arg1[%get3A_775, %get3A_776] : memref<64x32768xf32, #tpu.memory_space<vmem>>, vector<64x128xf32>
      %get3A_778 = arith.constant 10880 : index
      %get3A_779 = vector.load %arg2[%get3A_778] : memref<32768xf32, #tpu.memory_space<vmem>>, vector<128xf32>
      %broadcast_in_dim3A_780 = vector.shape_cast %get3A_779 : vector<128xf32> to vector<1x128xf32>
      %mul3A_781 = vector.broadcast %broadcast_in_dim3A_780 : vector<1x128xf32> to vector<64x128xf32>
      %mul3A_782 = arith.mulf %get3A_777, %mul3A_781 : vector<64x128xf32>
      %add3A_783 = arith.addf %add3A_774, %mul3A_782 : vector<64x128xf32>
      %get3A_784 = arith.constant 0 : index
      %get3A_785 = arith.constant 11008 : index
      %get3A_786 = vector.load %arg1[%get3A_784, %get3A_785] : memref<64x32768xf32, #tpu.memory_space<vmem>>, vector<64x128xf32>
      %get3A_787 = arith.constant 11008 : index
      %get3A_788 = vector.load %arg2[%get3A_787] : memref<32768xf32, #tpu.memory_space<vmem>>, vector<128xf32>
      %broadcast_in_dim3A_789 = vector.shape_cast %get3A_788 : vector<128xf32> to vector<1x128xf32>
      %mul3A_790 = vector.broadcast %broadcast_in_dim3A_789 : vector<1x128xf32> to vector<64x128xf32>
      %mul3A_791 = arith.mulf %get3A_786, %mul3A_790 : vector<64x128xf32>
      %add3A_792 = arith.addf %add3A_783, %mul3A_791 : vector<64x128xf32>
      %get3A_793 = arith.constant 0 : index
      %get3A_794 = arith.constant 11136 : index
      %get3A_795 = vector.load %arg1[%get3A_793, %get3A_794] : memref<64x32768xf32, #tpu.memory_space<vmem>>, vector<64x128xf32>
      %get3A_796 = arith.constant 11136 : index
      %get3A_797 = vector.load %arg2[%get3A_796] : memref<32768xf32, #tpu.memory_space<vmem>>, vector<128xf32>
      %broadcast_in_dim3A_798 = vector.shape_cast %get3A_797 : vector<128xf32> to vector<1x128xf32>
      %mul3A_799 = vector.broadcast %broadcast_in_dim3A_798 : vector<1x128xf32> to vector<64x128xf32>
      %mul3A_800 = arith.mulf %get3A_795, %mul3A_799 : vector<64x128xf32>
      %add3A_801 = arith.addf %add3A_792, %mul3A_800 : vector<64x128xf32>
      %get3A_802 = arith.constant 0 : index
      %get3A_803 = arith.constant 11264 : index
      %get3A_804 = vector.load %arg1[%get3A_802, %get3A_803] : memref<64x32768xf32, #tpu.memory_space<vmem>>, vector<64x128xf32>
      %get3A_805 = arith.constant 11264 : index
      %get3A_806 = vector.load %arg2[%get3A_805] : memref<32768xf32, #tpu.memory_space<vmem>>, vector<128xf32>
      %broadcast_in_dim3A_807 = vector.shape_cast %get3A_806 : vector<128xf32> to vector<1x128xf32>
      %mul3A_808 = vector.broadcast %broadcast_in_dim3A_807 : vector<1x128xf32> to vector<64x128xf32>
      %mul3A_809 = arith.mulf %get3A_804, %mul3A_808 : vector<64x128xf32>
      %add3A_810 = arith.addf %add3A_801, %mul3A_809 : vector<64x128xf32>
      %get3A_811 = arith.constant 0 : index
      %get3A_812 = arith.constant 11392 : index
      %get3A_813 = vector.load %arg1[%get3A_811, %get3A_812] : memref<64x32768xf32, #tpu.memory_space<vmem>>, vector<64x128xf32>
      %get3A_814 = arith.constant 11392 : index
      %get3A_815 = vector.load %arg2[%get3A_814] : memref<32768xf32, #tpu.memory_space<vmem>>, vector<128xf32>
      %broadcast_in_dim3A_816 = vector.shape_cast %get3A_815 : vector<128xf32> to vector<1x128xf32>
      %mul3A_817 = vector.broadcast %broadcast_in_dim3A_816 : vector<1x128xf32> to vector<64x128xf32>
      %mul3A_818 = arith.mulf %get3A_813, %mul3A_817 : vector<64x128xf32>
      %add3A_819 = arith.addf %add3A_810, %mul3A_818 : vector<64x128xf32>
      %get3A_820 = arith.constant 0 : index
      %get3A_821 = arith.constant 11520 : index
      %get3A_822 = vector.load %arg1[%get3A_820, %get3A_821] : memref<64x32768xf32, #tpu.memory_space<vmem>>, vector<64x128xf32>
      %get3A_823 = arith.constant 11520 : index
      %get3A_824 = vector.load %arg2[%get3A_823] : memref<32768xf32, #tpu.memory_space<vmem>>, vector<128xf32>
      %broadcast_in_dim3A_825 = vector.shape_cast %get3A_824 : vector<128xf32> to vector<1x128xf32>
      %mul3A_826 = vector.broadcast %broadcast_in_dim3A_825 : vector<1x128xf32> to vector<64x128xf32>
      %mul3A_827 = arith.mulf %get3A_822, %mul3A_826 : vector<64x128xf32>
      %add3A_828 = arith.addf %add3A_819, %mul3A_827 : vector<64x128xf32>
      %get3A_829 = arith.constant 0 : index
      %get3A_830 = arith.constant 11648 : index
      %get3A_831 = vector.load %arg1[%get3A_829, %get3A_830] : memref<64x32768xf32, #tpu.memory_space<vmem>>, vector<64x128xf32>
      %get3A_832 = arith.constant 11648 : index
      %get3A_833 = vector.load %arg2[%get3A_832] : memref<32768xf32, #tpu.memory_space<vmem>>, vector<128xf32>
      %broadcast_in_dim3A_834 = vector.shape_cast %get3A_833 : vector<128xf32> to vector<1x128xf32>
      %mul3A_835 = vector.broadcast %broadcast_in_dim3A_834 : vector<1x128xf32> to vector<64x128xf32>
      %mul3A_836 = arith.mulf %get3A_831, %mul3A_835 : vector<64x128xf32>
      %add3A_837 = arith.addf %add3A_828, %mul3A_836 : vector<64x128xf32>
      %get3A_838 = arith.constant 0 : index
      %get3A_839 = arith.constant 11776 : index
      %get3A_840 = vector.load %arg1[%get3A_838, %get3A_839] : memref<64x32768xf32, #tpu.memory_space<vmem>>, vector<64x128xf32>
      %get3A_841 = arith.constant 11776 : index
      %get3A_842 = vector.load %arg2[%get3A_841] : memref<32768xf32, #tpu.memory_space<vmem>>, vector<128xf32>
      %broadcast_in_dim3A_843 = vector.shape_cast %get3A_842 : vector<128xf32> to vector<1x128xf32>
      %mul3A_844 = vector.broadcast %broadcast_in_dim3A_843 : vector<1x128xf32> to vector<64x128xf32>
      %mul3A_845 = arith.mulf %get3A_840, %mul3A_844 : vector<64x128xf32>
      %add3A_846 = arith.addf %add3A_837, %mul3A_845 : vector<64x128xf32>
      %get3A_847 = arith.constant 0 : index
      %get3A_848 = arith.constant 11904 : index
      %get3A_849 = vector.load %arg1[%get3A_847, %get3A_848] : memref<64x32768xf32, #tpu.memory_space<vmem>>, vector<64x128xf32>
      %get3A_850 = arith.constant 11904 : index
      %get3A_851 = vector.load %arg2[%get3A_850] : memref<32768xf32, #tpu.memory_space<vmem>>, vector<128xf32>
      %broadcast_in_dim3A_852 = vector.shape_cast %get3A_851 : vector<128xf32> to vector<1x128xf32>
      %mul3A_853 = vector.broadcast %broadcast_in_dim3A_852 : vector<1x128xf32> to vector<64x128xf32>
      %mul3A_854 = arith.mulf %get3A_849, %mul3A_853 : vector<64x128xf32>
      %add3A_855 = arith.addf %add3A_846, %mul3A_854 : vector<64x128xf32>
      %get3A_856 = arith.constant 0 : index
      %get3A_857 = arith.constant 12032 : index
      %get3A_858 = vector.load %arg1[%get3A_856, %get3A_857] : memref<64x32768xf32, #tpu.memory_space<vmem>>, vector<64x128xf32>
      %get3A_859 = arith.constant 12032 : index
      %get3A_860 = vector.load %arg2[%get3A_859] : memref<32768xf32, #tpu.memory_space<vmem>>, vector<128xf32>
      %broadcast_in_dim3A_861 = vector.shape_cast %get3A_860 : vector<128xf32> to vector<1x128xf32>
      %mul3A_862 = vector.broadcast %broadcast_in_dim3A_861 : vector<1x128xf32> to vector<64x128xf32>
      %mul3A_863 = arith.mulf %get3A_858, %mul3A_862 : vector<64x128xf32>
      %add3A_864 = arith.addf %add3A_855, %mul3A_863 : vector<64x128xf32>
      %get3A_865 = arith.constant 0 : index
      %get3A_866 = arith.constant 12160 : index
      %get3A_867 = vector.load %arg1[%get3A_865, %get3A_866] : memref<64x32768xf32, #tpu.memory_space<vmem>>, vector<64x128xf32>
      %get3A_868 = arith.constant 12160 : index
      %get3A_869 = vector.load %arg2[%get3A_868] : memref<32768xf32, #tpu.memory_space<vmem>>, vector<128xf32>
      %broadcast_in_dim3A_870 = vector.shape_cast %get3A_869 : vector<128xf32> to vector<1x128xf32>
      %mul3A_871 = vector.broadcast %broadcast_in_dim3A_870 : vector<1x128xf32> to vector<64x128xf32>
      %mul3A_872 = arith.mulf %get3A_867, %mul3A_871 : vector<64x128xf32>
      %add3A_873 = arith.addf %add3A_864, %mul3A_872 : vector<64x128xf32>
      %get3A_874 = arith.constant 0 : index
      %get3A_875 = arith.constant 12288 : index
      %get3A_876 = vector.load %arg1[%get3A_874, %get3A_875] : memref<64x32768xf32, #tpu.memory_space<vmem>>, vector<64x128xf32>
      %get3A_877 = arith.constant 12288 : index
      %get3A_878 = vector.load %arg2[%get3A_877] : memref<32768xf32, #tpu.memory_space<vmem>>, vector<128xf32>
      %broadcast_in_dim3A_879 = vector.shape_cast %get3A_878 : vector<128xf32> to vector<1x128xf32>
      %mul3A_880 = vector.broadcast %broadcast_in_dim3A_879 : vector<1x128xf32> to vector<64x128xf32>
      %mul3A_881 = arith.mulf %get3A_876, %mul3A_880 : vector<64x128xf32>
      %add3A_882 = arith.addf %add3A_873, %mul3A_881 : vector<64x128xf32>
      %get3A_883 = arith.constant 0 : index
      %get3A_884 = arith.constant 12416 : index
      %get3A_885 = vector.load %arg1[%get3A_883, %get3A_884] : memref<64x32768xf32, #tpu.memory_space<vmem>>, vector<64x128xf32>
      %get3A_886 = arith.constant 12416 : index
      %get3A_887 = vector.load %arg2[%get3A_886] : memref<32768xf32, #tpu.memory_space<vmem>>, vector<128xf32>
      %broadcast_in_dim3A_888 = vector.shape_cast %get3A_887 : vector<128xf32> to vector<1x128xf32>
      %mul3A_889 = vector.broadcast %broadcast_in_dim3A_888 : vector<1x128xf32> to vector<64x128xf32>
      %mul3A_890 = arith.mulf %get3A_885, %mul3A_889 : vector<64x128xf32>
      %add3A_891 = arith.addf %add3A_882, %mul3A_890 : vector<64x128xf32>
      %get3A_892 = arith.constant 0 : index
      %get3A_893 = arith.constant 12544 : index
      %get3A_894 = vector.load %arg1[%get3A_892, %get3A_893] : memref<64x32768xf32, #tpu.memory_space<vmem>>, vector<64x128xf32>
      %get3A_895 = arith.constant 12544 : index
      %get3A_896 = vector.load %arg2[%get3A_895] : memref<32768xf32, #tpu.memory_space<vmem>>, vector<128xf32>
      %broadcast_in_dim3A_897 = vector.shape_cast %get3A_896 : vector<128xf32> to vector<1x128xf32>
      %mul3A_898 = vector.broadcast %broadcast_in_dim3A_897 : vector<1x128xf32> to vector<64x128xf32>
      %mul3A_899 = arith.mulf %get3A_894, %mul3A_898 : vector<64x128xf32>
      %add3A_900 = arith.addf %add3A_891, %mul3A_899 : vector<64x128xf32>
      %get3A_901 = arith.constant 0 : index
      %get3A_902 = arith.constant 12672 : index
      %get3A_903 = vector.load %arg1[%get3A_901, %get3A_902] : memref<64x32768xf32, #tpu.memory_space<vmem>>, vector<64x128xf32>
      %get3A_904 = arith.constant 12672 : index
      %get3A_905 = vector.load %arg2[%get3A_904] : memref<32768xf32, #tpu.memory_space<vmem>>, vector<128xf32>
      %broadcast_in_dim3A_906 = vector.shape_cast %get3A_905 : vector<128xf32> to vector<1x128xf32>
      %mul3A_907 = vector.broadcast %broadcast_in_dim3A_906 : vector<1x128xf32> to vector<64x128xf32>
      %mul3A_908 = arith.mulf %get3A_903, %mul3A_907 : vector<64x128xf32>
      %add3A_909 = arith.addf %add3A_900, %mul3A_908 : vector<64x128xf32>
      %get3A_910 = arith.constant 0 : index
      %get3A_911 = arith.constant 12800 : index
      %get3A_912 = vector.load %arg1[%get3A_910, %get3A_911] : memref<64x32768xf32, #tpu.memory_space<vmem>>, vector<64x128xf32>
      %get3A_913 = arith.constant 12800 : index
      %get3A_914 = vector.load %arg2[%get3A_913] : memref<32768xf32, #tpu.memory_space<vmem>>, vector<128xf32>
      %broadcast_in_dim3A_915 = vector.shape_cast %get3A_914 : vector<128xf32> to vector<1x128xf32>
      %mul3A_916 = vector.broadcast %broadcast_in_dim3A_915 : vector<1x128xf32> to vector<64x128xf32>
      %mul3A_917 = arith.mulf %get3A_912, %mul3A_916 : vector<64x128xf32>
      %add3A_918 = arith.addf %add3A_909, %mul3A_917 : vector<64x128xf32>
      %get3A_919 = arith.constant 0 : index
      %get3A_920 = arith.constant 12928 : index
      %get3A_921 = vector.load %arg1[%get3A_919, %get3A_920] : memref<64x32768xf32, #tpu.memory_space<vmem>>, vector<64x128xf32>
      %get3A_922 = arith.constant 12928 : index
      %get3A_923 = vector.load %arg2[%get3A_922] : memref<32768xf32, #tpu.memory_space<vmem>>, vector<128xf32>
      %broadcast_in_dim3A_924 = vector.shape_cast %get3A_923 : vector<128xf32> to vector<1x128xf32>
      %mul3A_925 = vector.broadcast %broadcast_in_dim3A_924 : vector<1x128xf32> to vector<64x128xf32>
      %mul3A_926 = arith.mulf %get3A_921, %mul3A_925 : vector<64x128xf32>
      %add3A_927 = arith.addf %add3A_918, %mul3A_926 : vector<64x128xf32>
      %get3A_928 = arith.constant 0 : index
      %get3A_929 = arith.constant 13056 : index
      %get3A_930 = vector.load %arg1[%get3A_928, %get3A_929] : memref<64x32768xf32, #tpu.memory_space<vmem>>, vector<64x128xf32>
      %get3A_931 = arith.constant 13056 : index
      %get3A_932 = vector.load %arg2[%get3A_931] : memref<32768xf32, #tpu.memory_space<vmem>>, vector<128xf32>
      %broadcast_in_dim3A_933 = vector.shape_cast %get3A_932 : vector<128xf32> to vector<1x128xf32>
      %mul3A_934 = vector.broadcast %broadcast_in_dim3A_933 : vector<1x128xf32> to vector<64x128xf32>
      %mul3A_935 = arith.mulf %get3A_930, %mul3A_934 : vector<64x128xf32>
      %add3A_936 = arith.addf %add3A_927, %mul3A_935 : vector<64x128xf32>
      %get3A_937 = arith.constant 0 : index
      %get3A_938 = arith.constant 13184 : index
      %get3A_939 = vector.load %arg1[%get3A_937, %get3A_938] : memref<64x32768xf32, #tpu.memory_space<vmem>>, vector<64x128xf32>
      %get3A_940 = arith.constant 13184 : index
      %get3A_941 = vector.load %arg2[%get3A_940] : memref<32768xf32, #tpu.memory_space<vmem>>, vector<128xf32>
      %broadcast_in_dim3A_942 = vector.shape_cast %get3A_941 : vector<128xf32> to vector<1x128xf32>
      %mul3A_943 = vector.broadcast %broadcast_in_dim3A_942 : vector<1x128xf32> to vector<64x128xf32>
      %mul3A_944 = arith.mulf %get3A_939, %mul3A_943 : vector<64x128xf32>
      %add3A_945 = arith.addf %add3A_936, %mul3A_944 : vector<64x128xf32>
      %get3A_946 = arith.constant 0 : index
      %get3A_947 = arith.constant 13312 : index
      %get3A_948 = vector.load %arg1[%get3A_946, %get3A_947] : memref<64x32768xf32, #tpu.memory_space<vmem>>, vector<64x128xf32>
      %get3A_949 = arith.constant 13312 : index
      %get3A_950 = vector.load %arg2[%get3A_949] : memref<32768xf32, #tpu.memory_space<vmem>>, vector<128xf32>
      %broadcast_in_dim3A_951 = vector.shape_cast %get3A_950 : vector<128xf32> to vector<1x128xf32>
      %mul3A_952 = vector.broadcast %broadcast_in_dim3A_951 : vector<1x128xf32> to vector<64x128xf32>
      %mul3A_953 = arith.mulf %get3A_948, %mul3A_952 : vector<64x128xf32>
      %add3A_954 = arith.addf %add3A_945, %mul3A_953 : vector<64x128xf32>
      %get3A_955 = arith.constant 0 : index
      %get3A_956 = arith.constant 13440 : index
      %get3A_957 = vector.load %arg1[%get3A_955, %get3A_956] : memref<64x32768xf32, #tpu.memory_space<vmem>>, vector<64x128xf32>
      %get3A_958 = arith.constant 13440 : index
      %get3A_959 = vector.load %arg2[%get3A_958] : memref<32768xf32, #tpu.memory_space<vmem>>, vector<128xf32>
      %broadcast_in_dim3A_960 = vector.shape_cast %get3A_959 : vector<128xf32> to vector<1x128xf32>
      %mul3A_961 = vector.broadcast %broadcast_in_dim3A_960 : vector<1x128xf32> to vector<64x128xf32>
      %mul3A_962 = arith.mulf %get3A_957, %mul3A_961 : vector<64x128xf32>
      %add3A_963 = arith.addf %add3A_954, %mul3A_962 : vector<64x128xf32>
      %get3A_964 = arith.constant 0 : index
      %get3A_965 = arith.constant 13568 : index
      %get3A_966 = vector.load %arg1[%get3A_964, %get3A_965] : memref<64x32768xf32, #tpu.memory_space<vmem>>, vector<64x128xf32>
      %get3A_967 = arith.constant 13568 : index
      %get3A_968 = vector.load %arg2[%get3A_967] : memref<32768xf32, #tpu.memory_space<vmem>>, vector<128xf32>
      %broadcast_in_dim3A_969 = vector.shape_cast %get3A_968 : vector<128xf32> to vector<1x128xf32>
      %mul3A_970 = vector.broadcast %broadcast_in_dim3A_969 : vector<1x128xf32> to vector<64x128xf32>
      %mul3A_971 = arith.mulf %get3A_966, %mul3A_970 : vector<64x128xf32>
      %add3A_972 = arith.addf %add3A_963, %mul3A_971 : vector<64x128xf32>
      %get3A_973 = arith.constant 0 : index
      %get3A_974 = arith.constant 13696 : index
      %get3A_975 = vector.load %arg1[%get3A_973, %get3A_974] : memref<64x32768xf32, #tpu.memory_space<vmem>>, vector<64x128xf32>
      %get3A_976 = arith.constant 13696 : index
      %get3A_977 = vector.load %arg2[%get3A_976] : memref<32768xf32, #tpu.memory_space<vmem>>, vector<128xf32>
      %broadcast_in_dim3A_978 = vector.shape_cast %get3A_977 : vector<128xf32> to vector<1x128xf32>
      %mul3A_979 = vector.broadcast %broadcast_in_dim3A_978 : vector<1x128xf32> to vector<64x128xf32>
      %mul3A_980 = arith.mulf %get3A_975, %mul3A_979 : vector<64x128xf32>
      %add3A_981 = arith.addf %add3A_972, %mul3A_980 : vector<64x128xf32>
      %get3A_982 = arith.constant 0 : index
      %get3A_983 = arith.constant 13824 : index
      %get3A_984 = vector.load %arg1[%get3A_982, %get3A_983] : memref<64x32768xf32, #tpu.memory_space<vmem>>, vector<64x128xf32>
      %get3A_985 = arith.constant 13824 : index
      %get3A_986 = vector.load %arg2[%get3A_985] : memref<32768xf32, #tpu.memory_space<vmem>>, vector<128xf32>
      %broadcast_in_dim3A_987 = vector.shape_cast %get3A_986 : vector<128xf32> to vector<1x128xf32>
      %mul3A_988 = vector.broadcast %broadcast_in_dim3A_987 : vector<1x128xf32> to vector<64x128xf32>
      %mul3A_989 = arith.mulf %get3A_984, %mul3A_988 : vector<64x128xf32>
      %add3A_990 = arith.addf %add3A_981, %mul3A_989 : vector<64x128xf32>
      %get3A_991 = arith.constant 0 : index
      %get3A_992 = arith.constant 13952 : index
      %get3A_993 = vector.load %arg1[%get3A_991, %get3A_992] : memref<64x32768xf32, #tpu.memory_space<vmem>>, vector<64x128xf32>
      %get3A_994 = arith.constant 13952 : index
      %get3A_995 = vector.load %arg2[%get3A_994] : memref<32768xf32, #tpu.memory_space<vmem>>, vector<128xf32>
      %broadcast_in_dim3A_996 = vector.shape_cast %get3A_995 : vector<128xf32> to vector<1x128xf32>
      %mul3A_997 = vector.broadcast %broadcast_in_dim3A_996 : vector<1x128xf32> to vector<64x128xf32>
      %mul3A_998 = arith.mulf %get3A_993, %mul3A_997 : vector<64x128xf32>
      %add3A_999 = arith.addf %add3A_990, %mul3A_998 : vector<64x128xf32>
      %get3A_1000 = arith.constant 0 : index
      %get3A_1001 = arith.constant 14080 : index
      %get3A_1002 = vector.load %arg1[%get3A_1000, %get3A_1001] : memref<64x32768xf32, #tpu.memory_space<vmem>>, vector<64x128xf32>
      %get3A_1003 = arith.constant 14080 : index
      %get3A_1004 = vector.load %arg2[%get3A_1003] : memref<32768xf32, #tpu.memory_space<vmem>>, vector<128xf32>
      %broadcast_in_dim3A_1005 = vector.shape_cast %get3A_1004 : vector<128xf32> to vector<1x128xf32>
      %mul3A_1006 = vector.broadcast %broadcast_in_dim3A_1005 : vector<1x128xf32> to vector<64x128xf32>
      %mul3A_1007 = arith.mulf %get3A_1002, %mul3A_1006 : vector<64x128xf32>
      %add3A_1008 = arith.addf %add3A_999, %mul3A_1007 : vector<64x128xf32>
      %get3A_1009 = arith.constant 0 : index
      %get3A_1010 = arith.constant 14208 : index
      %get3A_1011 = vector.load %arg1[%get3A_1009, %get3A_1010] : memref<64x32768xf32, #tpu.memory_space<vmem>>, vector<64x128xf32>
      %get3A_1012 = arith.constant 14208 : index
      %get3A_1013 = vector.load %arg2[%get3A_1012] : memref<32768xf32, #tpu.memory_space<vmem>>, vector<128xf32>
      %broadcast_in_dim3A_1014 = vector.shape_cast %get3A_1013 : vector<128xf32> to vector<1x128xf32>
      %mul3A_1015 = vector.broadcast %broadcast_in_dim3A_1014 : vector<1x128xf32> to vector<64x128xf32>
      %mul3A_1016 = arith.mulf %get3A_1011, %mul3A_1015 : vector<64x128xf32>
      %add3A_1017 = arith.addf %add3A_1008, %mul3A_1016 : vector<64x128xf32>
      %get3A_1018 = arith.constant 0 : index
      %get3A_1019 = arith.constant 14336 : index
      %get3A_1020 = vector.load %arg1[%get3A_1018, %get3A_1019] : memref<64x32768xf32, #tpu.memory_space<vmem>>, vector<64x128xf32>
      %get3A_1021 = arith.constant 14336 : index
      %get3A_1022 = vector.load %arg2[%get3A_1021] : memref<32768xf32, #tpu.memory_space<vmem>>, vector<128xf32>
      %broadcast_in_dim3A_1023 = vector.shape_cast %get3A_1022 : vector<128xf32> to vector<1x128xf32>
      %mul3A_1024 = vector.broadcast %broadcast_in_dim3A_1023 : vector<1x128xf32> to vector<64x128xf32>
      %mul3A_1025 = arith.mulf %get3A_1020, %mul3A_1024 : vector<64x128xf32>
      %add3A_1026 = arith.addf %add3A_1017, %mul3A_1025 : vector<64x128xf32>
      %get3A_1027 = arith.constant 0 : index
      %get3A_1028 = arith.constant 14464 : index
      %get3A_1029 = vector.load %arg1[%get3A_1027, %get3A_1028] : memref<64x32768xf32, #tpu.memory_space<vmem>>, vector<64x128xf32>
      %get3A_1030 = arith.constant 14464 : index
      %get3A_1031 = vector.load %arg2[%get3A_1030] : memref<32768xf32, #tpu.memory_space<vmem>>, vector<128xf32>
      %broadcast_in_dim3A_1032 = vector.shape_cast %get3A_1031 : vector<128xf32> to vector<1x128xf32>
      %mul3A_1033 = vector.broadcast %broadcast_in_dim3A_1032 : vector<1x128xf32> to vector<64x128xf32>
      %mul3A_1034 = arith.mulf %get3A_1029, %mul3A_1033 : vector<64x128xf32>
      %add3A_1035 = arith.addf %add3A_1026, %mul3A_1034 : vector<64x128xf32>
      %get3A_1036 = arith.constant 0 : index
      %get3A_1037 = arith.constant 14592 : index
      %get3A_1038 = vector.load %arg1[%get3A_1036, %get3A_1037] : memref<64x32768xf32, #tpu.memory_space<vmem>>, vector<64x128xf32>
      %get3A_1039 = arith.constant 14592 : index
      %get3A_1040 = vector.load %arg2[%get3A_1039] : memref<32768xf32, #tpu.memory_space<vmem>>, vector<128xf32>
      %broadcast_in_dim3A_1041 = vector.shape_cast %get3A_1040 : vector<128xf32> to vector<1x128xf32>
      %mul3A_1042 = vector.broadcast %broadcast_in_dim3A_1041 : vector<1x128xf32> to vector<64x128xf32>
      %mul3A_1043 = arith.mulf %get3A_1038, %mul3A_1042 : vector<64x128xf32>
      %add3A_1044 = arith.addf %add3A_1035, %mul3A_1043 : vector<64x128xf32>
      %get3A_1045 = arith.constant 0 : index
      %get3A_1046 = arith.constant 14720 : index
      %get3A_1047 = vector.load %arg1[%get3A_1045, %get3A_1046] : memref<64x32768xf32, #tpu.memory_space<vmem>>, vector<64x128xf32>
      %get3A_1048 = arith.constant 14720 : index
      %get3A_1049 = vector.load %arg2[%get3A_1048] : memref<32768xf32, #tpu.memory_space<vmem>>, vector<128xf32>
      %broadcast_in_dim3A_1050 = vector.shape_cast %get3A_1049 : vector<128xf32> to vector<1x128xf32>
      %mul3A_1051 = vector.broadcast %broadcast_in_dim3A_1050 : vector<1x128xf32> to vector<64x128xf32>
      %mul3A_1052 = arith.mulf %get3A_1047, %mul3A_1051 : vector<64x128xf32>
      %add3A_1053 = arith.addf %add3A_1044, %mul3A_1052 : vector<64x128xf32>
      %get3A_1054 = arith.constant 0 : index
      %get3A_1055 = arith.constant 14848 : index
      %get3A_1056 = vector.load %arg1[%get3A_1054, %get3A_1055] : memref<64x32768xf32, #tpu.memory_space<vmem>>, vector<64x128xf32>
      %get3A_1057 = arith.constant 14848 : index
      %get3A_1058 = vector.load %arg2[%get3A_1057] : memref<32768xf32, #tpu.memory_space<vmem>>, vector<128xf32>
      %broadcast_in_dim3A_1059 = vector.shape_cast %get3A_1058 : vector<128xf32> to vector<1x128xf32>
      %mul3A_1060 = vector.broadcast %broadcast_in_dim3A_1059 : vector<1x128xf32> to vector<64x128xf32>
      %mul3A_1061 = arith.mulf %get3A_1056, %mul3A_1060 : vector<64x128xf32>
      %add3A_1062 = arith.addf %add3A_1053, %mul3A_1061 : vector<64x128xf32>
      %get3A_1063 = arith.constant 0 : index
      %get3A_1064 = arith.constant 14976 : index
      %get3A_1065 = vector.load %arg1[%get3A_1063, %get3A_1064] : memref<64x32768xf32, #tpu.memory_space<vmem>>, vector<64x128xf32>
      %get3A_1066 = arith.constant 14976 : index
      %get3A_1067 = vector.load %arg2[%get3A_1066] : memref<32768xf32, #tpu.memory_space<vmem>>, vector<128xf32>
      %broadcast_in_dim3A_1068 = vector.shape_cast %get3A_1067 : vector<128xf32> to vector<1x128xf32>
      %mul3A_1069 = vector.broadcast %broadcast_in_dim3A_1068 : vector<1x128xf32> to vector<64x128xf32>
      %mul3A_1070 = arith.mulf %get3A_1065, %mul3A_1069 : vector<64x128xf32>
      %add3A_1071 = arith.addf %add3A_1062, %mul3A_1070 : vector<64x128xf32>
      %get3A_1072 = arith.constant 0 : index
      %get3A_1073 = arith.constant 15104 : index
      %get3A_1074 = vector.load %arg1[%get3A_1072, %get3A_1073] : memref<64x32768xf32, #tpu.memory_space<vmem>>, vector<64x128xf32>
      %get3A_1075 = arith.constant 15104 : index
      %get3A_1076 = vector.load %arg2[%get3A_1075] : memref<32768xf32, #tpu.memory_space<vmem>>, vector<128xf32>
      %broadcast_in_dim3A_1077 = vector.shape_cast %get3A_1076 : vector<128xf32> to vector<1x128xf32>
      %mul3A_1078 = vector.broadcast %broadcast_in_dim3A_1077 : vector<1x128xf32> to vector<64x128xf32>
      %mul3A_1079 = arith.mulf %get3A_1074, %mul3A_1078 : vector<64x128xf32>
      %add3A_1080 = arith.addf %add3A_1071, %mul3A_1079 : vector<64x128xf32>
      %get3A_1081 = arith.constant 0 : index
      %get3A_1082 = arith.constant 15232 : index
      %get3A_1083 = vector.load %arg1[%get3A_1081, %get3A_1082] : memref<64x32768xf32, #tpu.memory_space<vmem>>, vector<64x128xf32>
      %get3A_1084 = arith.constant 15232 : index
      %get3A_1085 = vector.load %arg2[%get3A_1084] : memref<32768xf32, #tpu.memory_space<vmem>>, vector<128xf32>
      %broadcast_in_dim3A_1086 = vector.shape_cast %get3A_1085 : vector<128xf32> to vector<1x128xf32>
      %mul3A_1087 = vector.broadcast %broadcast_in_dim3A_1086 : vector<1x128xf32> to vector<64x128xf32>
      %mul3A_1088 = arith.mulf %get3A_1083, %mul3A_1087 : vector<64x128xf32>
      %add3A_1089 = arith.addf %add3A_1080, %mul3A_1088 : vector<64x128xf32>
      %get3A_1090 = arith.constant 0 : index
      %get3A_1091 = arith.constant 15360 : index
      %get3A_1092 = vector.load %arg1[%get3A_1090, %get3A_1091] : memref<64x32768xf32, #tpu.memory_space<vmem>>, vector<64x128xf32>
      %get3A_1093 = arith.constant 15360 : index
      %get3A_1094 = vector.load %arg2[%get3A_1093] : memref<32768xf32, #tpu.memory_space<vmem>>, vector<128xf32>
      %broadcast_in_dim3A_1095 = vector.shape_cast %get3A_1094 : vector<128xf32> to vector<1x128xf32>
      %mul3A_1096 = vector.broadcast %broadcast_in_dim3A_1095 : vector<1x128xf32> to vector<64x128xf32>
      %mul3A_1097 = arith.mulf %get3A_1092, %mul3A_1096 : vector<64x128xf32>
      %add3A_1098 = arith.addf %add3A_1089, %mul3A_1097 : vector<64x128xf32>
      %get3A_1099 = arith.constant 0 : index
      %get3A_1100 = arith.constant 15488 : index
      %get3A_1101 = vector.load %arg1[%get3A_1099, %get3A_1100] : memref<64x32768xf32, #tpu.memory_space<vmem>>, vector<64x128xf32>
      %get3A_1102 = arith.constant 15488 : index
      %get3A_1103 = vector.load %arg2[%get3A_1102] : memref<32768xf32, #tpu.memory_space<vmem>>, vector<128xf32>
      %broadcast_in_dim3A_1104 = vector.shape_cast %get3A_1103 : vector<128xf32> to vector<1x128xf32>
      %mul3A_1105 = vector.broadcast %broadcast_in_dim3A_1104 : vector<1x128xf32> to vector<64x128xf32>
      %mul3A_1106 = arith.mulf %get3A_1101, %mul3A_1105 : vector<64x128xf32>
      %add3A_1107 = arith.addf %add3A_1098, %mul3A_1106 : vector<64x128xf32>
      %get3A_1108 = arith.constant 0 : index
      %get3A_1109 = arith.constant 15616 : index
      %get3A_1110 = vector.load %arg1[%get3A_1108, %get3A_1109] : memref<64x32768xf32, #tpu.memory_space<vmem>>, vector<64x128xf32>
      %get3A_1111 = arith.constant 15616 : index
      %get3A_1112 = vector.load %arg2[%get3A_1111] : memref<32768xf32, #tpu.memory_space<vmem>>, vector<128xf32>
      %broadcast_in_dim3A_1113 = vector.shape_cast %get3A_1112 : vector<128xf32> to vector<1x128xf32>
      %mul3A_1114 = vector.broadcast %broadcast_in_dim3A_1113 : vector<1x128xf32> to vector<64x128xf32>
      %mul3A_1115 = arith.mulf %get3A_1110, %mul3A_1114 : vector<64x128xf32>
      %add3A_1116 = arith.addf %add3A_1107, %mul3A_1115 : vector<64x128xf32>
      %get3A_1117 = arith.constant 0 : index
      %get3A_1118 = arith.constant 15744 : index
      %get3A_1119 = vector.load %arg1[%get3A_1117, %get3A_1118] : memref<64x32768xf32, #tpu.memory_space<vmem>>, vector<64x128xf32>
      %get3A_1120 = arith.constant 15744 : index
      %get3A_1121 = vector.load %arg2[%get3A_1120] : memref<32768xf32, #tpu.memory_space<vmem>>, vector<128xf32>
      %broadcast_in_dim3A_1122 = vector.shape_cast %get3A_1121 : vector<128xf32> to vector<1x128xf32>
      %mul3A_1123 = vector.broadcast %broadcast_in_dim3A_1122 : vector<1x128xf32> to vector<64x128xf32>
      %mul3A_1124 = arith.mulf %get3A_1119, %mul3A_1123 : vector<64x128xf32>
      %add3A_1125 = arith.addf %add3A_1116, %mul3A_1124 : vector<64x128xf32>
      %get3A_1126 = arith.constant 0 : index
      %get3A_1127 = arith.constant 15872 : index
      %get3A_1128 = vector.load %arg1[%get3A_1126, %get3A_1127] : memref<64x32768xf32, #tpu.memory_space<vmem>>, vector<64x128xf32>
      %get3A_1129 = arith.constant 15872 : index
      %get3A_1130 = vector.load %arg2[%get3A_1129] : memref<32768xf32, #tpu.memory_space<vmem>>, vector<128xf32>
      %broadcast_in_dim3A_1131 = vector.shape_cast %get3A_1130 : vector<128xf32> to vector<1x128xf32>
      %mul3A_1132 = vector.broadcast %broadcast_in_dim3A_1131 : vector<1x128xf32> to vector<64x128xf32>
      %mul3A_1133 = arith.mulf %get3A_1128, %mul3A_1132 : vector<64x128xf32>
      %add3A_1134 = arith.addf %add3A_1125, %mul3A_1133 : vector<64x128xf32>
      %get3A_1135 = arith.constant 0 : index
      %get3A_1136 = arith.constant 16000 : index
      %get3A_1137 = vector.load %arg1[%get3A_1135, %get3A_1136] : memref<64x32768xf32, #tpu.memory_space<vmem>>, vector<64x128xf32>
      %get3A_1138 = arith.constant 16000 : index
      %get3A_1139 = vector.load %arg2[%get3A_1138] : memref<32768xf32, #tpu.memory_space<vmem>>, vector<128xf32>
      %broadcast_in_dim3A_1140 = vector.shape_cast %get3A_1139 : vector<128xf32> to vector<1x128xf32>
      %mul3A_1141 = vector.broadcast %broadcast_in_dim3A_1140 : vector<1x128xf32> to vector<64x128xf32>
      %mul3A_1142 = arith.mulf %get3A_1137, %mul3A_1141 : vector<64x128xf32>
      %add3A_1143 = arith.addf %add3A_1134, %mul3A_1142 : vector<64x128xf32>
      %get3A_1144 = arith.constant 0 : index
      %get3A_1145 = arith.constant 16128 : index
      %get3A_1146 = vector.load %arg1[%get3A_1144, %get3A_1145] : memref<64x32768xf32, #tpu.memory_space<vmem>>, vector<64x128xf32>
      %get3A_1147 = arith.constant 16128 : index
      %get3A_1148 = vector.load %arg2[%get3A_1147] : memref<32768xf32, #tpu.memory_space<vmem>>, vector<128xf32>
      %broadcast_in_dim3A_1149 = vector.shape_cast %get3A_1148 : vector<128xf32> to vector<1x128xf32>
      %mul3A_1150 = vector.broadcast %broadcast_in_dim3A_1149 : vector<1x128xf32> to vector<64x128xf32>
      %mul3A_1151 = arith.mulf %get3A_1146, %mul3A_1150 : vector<64x128xf32>
      %add3A_1152 = arith.addf %add3A_1143, %mul3A_1151 : vector<64x128xf32>
      %get3A_1153 = arith.constant 0 : index
      %get3A_1154 = arith.constant 16256 : index
      %get3A_1155 = vector.load %arg1[%get3A_1153, %get3A_1154] : memref<64x32768xf32, #tpu.memory_space<vmem>>, vector<64x128xf32>
      %get3A_1156 = arith.constant 16256 : index
      %get3A_1157 = vector.load %arg2[%get3A_1156] : memref<32768xf32, #tpu.memory_space<vmem>>, vector<128xf32>
      %broadcast_in_dim3A_1158 = vector.shape_cast %get3A_1157 : vector<128xf32> to vector<1x128xf32>
      %mul3A_1159 = vector.broadcast %broadcast_in_dim3A_1158 : vector<1x128xf32> to vector<64x128xf32>
      %mul3A_1160 = arith.mulf %get3A_1155, %mul3A_1159 : vector<64x128xf32>
      %add3A_1161 = arith.addf %add3A_1152, %mul3A_1160 : vector<64x128xf32>
      %get3A_1162 = arith.constant 0 : index
      %get3A_1163 = arith.constant 16384 : index
      %get3A_1164 = vector.load %arg1[%get3A_1162, %get3A_1163] : memref<64x32768xf32, #tpu.memory_space<vmem>>, vector<64x128xf32>
      %get3A_1165 = arith.constant 16384 : index
      %get3A_1166 = vector.load %arg2[%get3A_1165] : memref<32768xf32, #tpu.memory_space<vmem>>, vector<128xf32>
      %broadcast_in_dim3A_1167 = vector.shape_cast %get3A_1166 : vector<128xf32> to vector<1x128xf32>
      %mul3A_1168 = vector.broadcast %broadcast_in_dim3A_1167 : vector<1x128xf32> to vector<64x128xf32>
      %mul3A_1169 = arith.mulf %get3A_1164, %mul3A_1168 : vector<64x128xf32>
      %add3A_1170 = arith.addf %add3A_1161, %mul3A_1169 : vector<64x128xf32>
      %get3A_1171 = arith.constant 0 : index
      %get3A_1172 = arith.constant 16512 : index
      %get3A_1173 = vector.load %arg1[%get3A_1171, %get3A_1172] : memref<64x32768xf32, #tpu.memory_space<vmem>>, vector<64x128xf32>
      %get3A_1174 = arith.constant 16512 : index
      %get3A_1175 = vector.load %arg2[%get3A_1174] : memref<32768xf32, #tpu.memory_space<vmem>>, vector<128xf32>
      %broadcast_in_dim3A_1176 = vector.shape_cast %get3A_1175 : vector<128xf32> to vector<1x128xf32>
      %mul3A_1177 = vector.broadcast %broadcast_in_dim3A_1176 : vector<1x128xf32> to vector<64x128xf32>
      %mul3A_1178 = arith.mulf %get3A_1173, %mul3A_1177 : vector<64x128xf32>
      %add3A_1179 = arith.addf %add3A_1170, %mul3A_1178 : vector<64x128xf32>
      %get3A_1180 = arith.constant 0 : index
      %get3A_1181 = arith.constant 16640 : index
      %get3A_1182 = vector.load %arg1[%get3A_1180, %get3A_1181] : memref<64x32768xf32, #tpu.memory_space<vmem>>, vector<64x128xf32>
      %get3A_1183 = arith.constant 16640 : index
      %get3A_1184 = vector.load %arg2[%get3A_1183] : memref<32768xf32, #tpu.memory_space<vmem>>, vector<128xf32>
      %broadcast_in_dim3A_1185 = vector.shape_cast %get3A_1184 : vector<128xf32> to vector<1x128xf32>
      %mul3A_1186 = vector.broadcast %broadcast_in_dim3A_1185 : vector<1x128xf32> to vector<64x128xf32>
      %mul3A_1187 = arith.mulf %get3A_1182, %mul3A_1186 : vector<64x128xf32>
      %add3A_1188 = arith.addf %add3A_1179, %mul3A_1187 : vector<64x128xf32>
      %get3A_1189 = arith.constant 0 : index
      %get3A_1190 = arith.constant 16768 : index
      %get3A_1191 = vector.load %arg1[%get3A_1189, %get3A_1190] : memref<64x32768xf32, #tpu.memory_space<vmem>>, vector<64x128xf32>
      %get3A_1192 = arith.constant 16768 : index
      %get3A_1193 = vector.load %arg2[%get3A_1192] : memref<32768xf32, #tpu.memory_space<vmem>>, vector<128xf32>
      %broadcast_in_dim3A_1194 = vector.shape_cast %get3A_1193 : vector<128xf32> to vector<1x128xf32>
      %mul3A_1195 = vector.broadcast %broadcast_in_dim3A_1194 : vector<1x128xf32> to vector<64x128xf32>
      %mul3A_1196 = arith.mulf %get3A_1191, %mul3A_1195 : vector<64x128xf32>
      %add3A_1197 = arith.addf %add3A_1188, %mul3A_1196 : vector<64x128xf32>
      %get3A_1198 = arith.constant 0 : index
      %get3A_1199 = arith.constant 16896 : index
      %get3A_1200 = vector.load %arg1[%get3A_1198, %get3A_1199] : memref<64x32768xf32, #tpu.memory_space<vmem>>, vector<64x128xf32>
      %get3A_1201 = arith.constant 16896 : index
      %get3A_1202 = vector.load %arg2[%get3A_1201] : memref<32768xf32, #tpu.memory_space<vmem>>, vector<128xf32>
      %broadcast_in_dim3A_1203 = vector.shape_cast %get3A_1202 : vector<128xf32> to vector<1x128xf32>
      %mul3A_1204 = vector.broadcast %broadcast_in_dim3A_1203 : vector<1x128xf32> to vector<64x128xf32>
      %mul3A_1205 = arith.mulf %get3A_1200, %mul3A_1204 : vector<64x128xf32>
      %add3A_1206 = arith.addf %add3A_1197, %mul3A_1205 : vector<64x128xf32>
      %get3A_1207 = arith.constant 0 : index
      %get3A_1208 = arith.constant 17024 : index
      %get3A_1209 = vector.load %arg1[%get3A_1207, %get3A_1208] : memref<64x32768xf32, #tpu.memory_space<vmem>>, vector<64x128xf32>
      %get3A_1210 = arith.constant 17024 : index
      %get3A_1211 = vector.load %arg2[%get3A_1210] : memref<32768xf32, #tpu.memory_space<vmem>>, vector<128xf32>
      %broadcast_in_dim3A_1212 = vector.shape_cast %get3A_1211 : vector<128xf32> to vector<1x128xf32>
      %mul3A_1213 = vector.broadcast %broadcast_in_dim3A_1212 : vector<1x128xf32> to vector<64x128xf32>
      %mul3A_1214 = arith.mulf %get3A_1209, %mul3A_1213 : vector<64x128xf32>
      %add3A_1215 = arith.addf %add3A_1206, %mul3A_1214 : vector<64x128xf32>
      %get3A_1216 = arith.constant 0 : index
      %get3A_1217 = arith.constant 17152 : index
      %get3A_1218 = vector.load %arg1[%get3A_1216, %get3A_1217] : memref<64x32768xf32, #tpu.memory_space<vmem>>, vector<64x128xf32>
      %get3A_1219 = arith.constant 17152 : index
      %get3A_1220 = vector.load %arg2[%get3A_1219] : memref<32768xf32, #tpu.memory_space<vmem>>, vector<128xf32>
      %broadcast_in_dim3A_1221 = vector.shape_cast %get3A_1220 : vector<128xf32> to vector<1x128xf32>
      %mul3A_1222 = vector.broadcast %broadcast_in_dim3A_1221 : vector<1x128xf32> to vector<64x128xf32>
      %mul3A_1223 = arith.mulf %get3A_1218, %mul3A_1222 : vector<64x128xf32>
      %add3A_1224 = arith.addf %add3A_1215, %mul3A_1223 : vector<64x128xf32>
      %get3A_1225 = arith.constant 0 : index
      %get3A_1226 = arith.constant 17280 : index
      %get3A_1227 = vector.load %arg1[%get3A_1225, %get3A_1226] : memref<64x32768xf32, #tpu.memory_space<vmem>>, vector<64x128xf32>
      %get3A_1228 = arith.constant 17280 : index
      %get3A_1229 = vector.load %arg2[%get3A_1228] : memref<32768xf32, #tpu.memory_space<vmem>>, vector<128xf32>
      %broadcast_in_dim3A_1230 = vector.shape_cast %get3A_1229 : vector<128xf32> to vector<1x128xf32>
      %mul3A_1231 = vector.broadcast %broadcast_in_dim3A_1230 : vector<1x128xf32> to vector<64x128xf32>
      %mul3A_1232 = arith.mulf %get3A_1227, %mul3A_1231 : vector<64x128xf32>
      %add3A_1233 = arith.addf %add3A_1224, %mul3A_1232 : vector<64x128xf32>
      %get3A_1234 = arith.constant 0 : index
      %get3A_1235 = arith.constant 17408 : index
      %get3A_1236 = vector.load %arg1[%get3A_1234, %get3A_1235] : memref<64x32768xf32, #tpu.memory_space<vmem>>, vector<64x128xf32>
      %get3A_1237 = arith.constant 17408 : index
      %get3A_1238 = vector.load %arg2[%get3A_1237] : memref<32768xf32, #tpu.memory_space<vmem>>, vector<128xf32>
      %broadcast_in_dim3A_1239 = vector.shape_cast %get3A_1238 : vector<128xf32> to vector<1x128xf32>
      %mul3A_1240 = vector.broadcast %broadcast_in_dim3A_1239 : vector<1x128xf32> to vector<64x128xf32>
      %mul3A_1241 = arith.mulf %get3A_1236, %mul3A_1240 : vector<64x128xf32>
      %add3A_1242 = arith.addf %add3A_1233, %mul3A_1241 : vector<64x128xf32>
      %get3A_1243 = arith.constant 0 : index
      %get3A_1244 = arith.constant 17536 : index
      %get3A_1245 = vector.load %arg1[%get3A_1243, %get3A_1244] : memref<64x32768xf32, #tpu.memory_space<vmem>>, vector<64x128xf32>
      %get3A_1246 = arith.constant 17536 : index
      %get3A_1247 = vector.load %arg2[%get3A_1246] : memref<32768xf32, #tpu.memory_space<vmem>>, vector<128xf32>
      %broadcast_in_dim3A_1248 = vector.shape_cast %get3A_1247 : vector<128xf32> to vector<1x128xf32>
      %mul3A_1249 = vector.broadcast %broadcast_in_dim3A_1248 : vector<1x128xf32> to vector<64x128xf32>
      %mul3A_1250 = arith.mulf %get3A_1245, %mul3A_1249 : vector<64x128xf32>
      %add3A_1251 = arith.addf %add3A_1242, %mul3A_1250 : vector<64x128xf32>
      %get3A_1252 = arith.constant 0 : index
      %get3A_1253 = arith.constant 17664 : index
      %get3A_1254 = vector.load %arg1[%get3A_1252, %get3A_1253] : memref<64x32768xf32, #tpu.memory_space<vmem>>, vector<64x128xf32>
      %get3A_1255 = arith.constant 17664 : index
      %get3A_1256 = vector.load %arg2[%get3A_1255] : memref<32768xf32, #tpu.memory_space<vmem>>, vector<128xf32>
      %broadcast_in_dim3A_1257 = vector.shape_cast %get3A_1256 : vector<128xf32> to vector<1x128xf32>
      %mul3A_1258 = vector.broadcast %broadcast_in_dim3A_1257 : vector<1x128xf32> to vector<64x128xf32>
      %mul3A_1259 = arith.mulf %get3A_1254, %mul3A_1258 : vector<64x128xf32>
      %add3A_1260 = arith.addf %add3A_1251, %mul3A_1259 : vector<64x128xf32>
      %get3A_1261 = arith.constant 0 : index
      %get3A_1262 = arith.constant 17792 : index
      %get3A_1263 = vector.load %arg1[%get3A_1261, %get3A_1262] : memref<64x32768xf32, #tpu.memory_space<vmem>>, vector<64x128xf32>
      %get3A_1264 = arith.constant 17792 : index
      %get3A_1265 = vector.load %arg2[%get3A_1264] : memref<32768xf32, #tpu.memory_space<vmem>>, vector<128xf32>
      %broadcast_in_dim3A_1266 = vector.shape_cast %get3A_1265 : vector<128xf32> to vector<1x128xf32>
      %mul3A_1267 = vector.broadcast %broadcast_in_dim3A_1266 : vector<1x128xf32> to vector<64x128xf32>
      %mul3A_1268 = arith.mulf %get3A_1263, %mul3A_1267 : vector<64x128xf32>
      %add3A_1269 = arith.addf %add3A_1260, %mul3A_1268 : vector<64x128xf32>
      %get3A_1270 = arith.constant 0 : index
      %get3A_1271 = arith.constant 17920 : index
      %get3A_1272 = vector.load %arg1[%get3A_1270, %get3A_1271] : memref<64x32768xf32, #tpu.memory_space<vmem>>, vector<64x128xf32>
      %get3A_1273 = arith.constant 17920 : index
      %get3A_1274 = vector.load %arg2[%get3A_1273] : memref<32768xf32, #tpu.memory_space<vmem>>, vector<128xf32>
      %broadcast_in_dim3A_1275 = vector.shape_cast %get3A_1274 : vector<128xf32> to vector<1x128xf32>
      %mul3A_1276 = vector.broadcast %broadcast_in_dim3A_1275 : vector<1x128xf32> to vector<64x128xf32>
      %mul3A_1277 = arith.mulf %get3A_1272, %mul3A_1276 : vector<64x128xf32>
      %add3A_1278 = arith.addf %add3A_1269, %mul3A_1277 : vector<64x128xf32>
      %get3A_1279 = arith.constant 0 : index
      %get3A_1280 = arith.constant 18048 : index
      %get3A_1281 = vector.load %arg1[%get3A_1279, %get3A_1280] : memref<64x32768xf32, #tpu.memory_space<vmem>>, vector<64x128xf32>
      %get3A_1282 = arith.constant 18048 : index
      %get3A_1283 = vector.load %arg2[%get3A_1282] : memref<32768xf32, #tpu.memory_space<vmem>>, vector<128xf32>
      %broadcast_in_dim3A_1284 = vector.shape_cast %get3A_1283 : vector<128xf32> to vector<1x128xf32>
      %mul3A_1285 = vector.broadcast %broadcast_in_dim3A_1284 : vector<1x128xf32> to vector<64x128xf32>
      %mul3A_1286 = arith.mulf %get3A_1281, %mul3A_1285 : vector<64x128xf32>
      %add3A_1287 = arith.addf %add3A_1278, %mul3A_1286 : vector<64x128xf32>
      %get3A_1288 = arith.constant 0 : index
      %get3A_1289 = arith.constant 18176 : index
      %get3A_1290 = vector.load %arg1[%get3A_1288, %get3A_1289] : memref<64x32768xf32, #tpu.memory_space<vmem>>, vector<64x128xf32>
      %get3A_1291 = arith.constant 18176 : index
      %get3A_1292 = vector.load %arg2[%get3A_1291] : memref<32768xf32, #tpu.memory_space<vmem>>, vector<128xf32>
      %broadcast_in_dim3A_1293 = vector.shape_cast %get3A_1292 : vector<128xf32> to vector<1x128xf32>
      %mul3A_1294 = vector.broadcast %broadcast_in_dim3A_1293 : vector<1x128xf32> to vector<64x128xf32>
      %mul3A_1295 = arith.mulf %get3A_1290, %mul3A_1294 : vector<64x128xf32>
      %add3A_1296 = arith.addf %add3A_1287, %mul3A_1295 : vector<64x128xf32>
      %get3A_1297 = arith.constant 0 : index
      %get3A_1298 = arith.constant 18304 : index
      %get3A_1299 = vector.load %arg1[%get3A_1297, %get3A_1298] : memref<64x32768xf32, #tpu.memory_space<vmem>>, vector<64x128xf32>
      %get3A_1300 = arith.constant 18304 : index
      %get3A_1301 = vector.load %arg2[%get3A_1300] : memref<32768xf32, #tpu.memory_space<vmem>>, vector<128xf32>
      %broadcast_in_dim3A_1302 = vector.shape_cast %get3A_1301 : vector<128xf32> to vector<1x128xf32>
      %mul3A_1303 = vector.broadcast %broadcast_in_dim3A_1302 : vector<1x128xf32> to vector<64x128xf32>
      %mul3A_1304 = arith.mulf %get3A_1299, %mul3A_1303 : vector<64x128xf32>
      %add3A_1305 = arith.addf %add3A_1296, %mul3A_1304 : vector<64x128xf32>
      %get3A_1306 = arith.constant 0 : index
      %get3A_1307 = arith.constant 18432 : index
      %get3A_1308 = vector.load %arg1[%get3A_1306, %get3A_1307] : memref<64x32768xf32, #tpu.memory_space<vmem>>, vector<64x128xf32>
      %get3A_1309 = arith.constant 18432 : index
      %get3A_1310 = vector.load %arg2[%get3A_1309] : memref<32768xf32, #tpu.memory_space<vmem>>, vector<128xf32>
      %broadcast_in_dim3A_1311 = vector.shape_cast %get3A_1310 : vector<128xf32> to vector<1x128xf32>
      %mul3A_1312 = vector.broadcast %broadcast_in_dim3A_1311 : vector<1x128xf32> to vector<64x128xf32>
      %mul3A_1313 = arith.mulf %get3A_1308, %mul3A_1312 : vector<64x128xf32>
      %add3A_1314 = arith.addf %add3A_1305, %mul3A_1313 : vector<64x128xf32>
      %get3A_1315 = arith.constant 0 : index
      %get3A_1316 = arith.constant 18560 : index
      %get3A_1317 = vector.load %arg1[%get3A_1315, %get3A_1316] : memref<64x32768xf32, #tpu.memory_space<vmem>>, vector<64x128xf32>
      %get3A_1318 = arith.constant 18560 : index
      %get3A_1319 = vector.load %arg2[%get3A_1318] : memref<32768xf32, #tpu.memory_space<vmem>>, vector<128xf32>
      %broadcast_in_dim3A_1320 = vector.shape_cast %get3A_1319 : vector<128xf32> to vector<1x128xf32>
      %mul3A_1321 = vector.broadcast %broadcast_in_dim3A_1320 : vector<1x128xf32> to vector<64x128xf32>
      %mul3A_1322 = arith.mulf %get3A_1317, %mul3A_1321 : vector<64x128xf32>
      %add3A_1323 = arith.addf %add3A_1314, %mul3A_1322 : vector<64x128xf32>
      %get3A_1324 = arith.constant 0 : index
      %get3A_1325 = arith.constant 18688 : index
      %get3A_1326 = vector.load %arg1[%get3A_1324, %get3A_1325] : memref<64x32768xf32, #tpu.memory_space<vmem>>, vector<64x128xf32>
      %get3A_1327 = arith.constant 18688 : index
      %get3A_1328 = vector.load %arg2[%get3A_1327] : memref<32768xf32, #tpu.memory_space<vmem>>, vector<128xf32>
      %broadcast_in_dim3A_1329 = vector.shape_cast %get3A_1328 : vector<128xf32> to vector<1x128xf32>
      %mul3A_1330 = vector.broadcast %broadcast_in_dim3A_1329 : vector<1x128xf32> to vector<64x128xf32>
      %mul3A_1331 = arith.mulf %get3A_1326, %mul3A_1330 : vector<64x128xf32>
      %add3A_1332 = arith.addf %add3A_1323, %mul3A_1331 : vector<64x128xf32>
      %get3A_1333 = arith.constant 0 : index
      %get3A_1334 = arith.constant 18816 : index
      %get3A_1335 = vector.load %arg1[%get3A_1333, %get3A_1334] : memref<64x32768xf32, #tpu.memory_space<vmem>>, vector<64x128xf32>
      %get3A_1336 = arith.constant 18816 : index
      %get3A_1337 = vector.load %arg2[%get3A_1336] : memref<32768xf32, #tpu.memory_space<vmem>>, vector<128xf32>
      %broadcast_in_dim3A_1338 = vector.shape_cast %get3A_1337 : vector<128xf32> to vector<1x128xf32>
      %mul3A_1339 = vector.broadcast %broadcast_in_dim3A_1338 : vector<1x128xf32> to vector<64x128xf32>
      %mul3A_1340 = arith.mulf %get3A_1335, %mul3A_1339 : vector<64x128xf32>
      %add3A_1341 = arith.addf %add3A_1332, %mul3A_1340 : vector<64x128xf32>
      %get3A_1342 = arith.constant 0 : index
      %get3A_1343 = arith.constant 18944 : index
      %get3A_1344 = vector.load %arg1[%get3A_1342, %get3A_1343] : memref<64x32768xf32, #tpu.memory_space<vmem>>, vector<64x128xf32>
      %get3A_1345 = arith.constant 18944 : index
      %get3A_1346 = vector.load %arg2[%get3A_1345] : memref<32768xf32, #tpu.memory_space<vmem>>, vector<128xf32>
      %broadcast_in_dim3A_1347 = vector.shape_cast %get3A_1346 : vector<128xf32> to vector<1x128xf32>
      %mul3A_1348 = vector.broadcast %broadcast_in_dim3A_1347 : vector<1x128xf32> to vector<64x128xf32>
      %mul3A_1349 = arith.mulf %get3A_1344, %mul3A_1348 : vector<64x128xf32>
      %add3A_1350 = arith.addf %add3A_1341, %mul3A_1349 : vector<64x128xf32>
      %get3A_1351 = arith.constant 0 : index
      %get3A_1352 = arith.constant 19072 : index
      %get3A_1353 = vector.load %arg1[%get3A_1351, %get3A_1352] : memref<64x32768xf32, #tpu.memory_space<vmem>>, vector<64x128xf32>
      %get3A_1354 = arith.constant 19072 : index
      %get3A_1355 = vector.load %arg2[%get3A_1354] : memref<32768xf32, #tpu.memory_space<vmem>>, vector<128xf32>
      %broadcast_in_dim3A_1356 = vector.shape_cast %get3A_1355 : vector<128xf32> to vector<1x128xf32>
      %mul3A_1357 = vector.broadcast %broadcast_in_dim3A_1356 : vector<1x128xf32> to vector<64x128xf32>
      %mul3A_1358 = arith.mulf %get3A_1353, %mul3A_1357 : vector<64x128xf32>
      %add3A_1359 = arith.addf %add3A_1350, %mul3A_1358 : vector<64x128xf32>
      %get3A_1360 = arith.constant 0 : index
      %get3A_1361 = arith.constant 19200 : index
      %get3A_1362 = vector.load %arg1[%get3A_1360, %get3A_1361] : memref<64x32768xf32, #tpu.memory_space<vmem>>, vector<64x128xf32>
      %get3A_1363 = arith.constant 19200 : index
      %get3A_1364 = vector.load %arg2[%get3A_1363] : memref<32768xf32, #tpu.memory_space<vmem>>, vector<128xf32>
      %broadcast_in_dim3A_1365 = vector.shape_cast %get3A_1364 : vector<128xf32> to vector<1x128xf32>
      %mul3A_1366 = vector.broadcast %broadcast_in_dim3A_1365 : vector<1x128xf32> to vector<64x128xf32>
      %mul3A_1367 = arith.mulf %get3A_1362, %mul3A_1366 : vector<64x128xf32>
      %add3A_1368 = arith.addf %add3A_1359, %mul3A_1367 : vector<64x128xf32>
      %get3A_1369 = arith.constant 0 : index
      %get3A_1370 = arith.constant 19328 : index
      %get3A_1371 = vector.load %arg1[%get3A_1369, %get3A_1370] : memref<64x32768xf32, #tpu.memory_space<vmem>>, vector<64x128xf32>
      %get3A_1372 = arith.constant 19328 : index
      %get3A_1373 = vector.load %arg2[%get3A_1372] : memref<32768xf32, #tpu.memory_space<vmem>>, vector<128xf32>
      %broadcast_in_dim3A_1374 = vector.shape_cast %get3A_1373 : vector<128xf32> to vector<1x128xf32>
      %mul3A_1375 = vector.broadcast %broadcast_in_dim3A_1374 : vector<1x128xf32> to vector<64x128xf32>
      %mul3A_1376 = arith.mulf %get3A_1371, %mul3A_1375 : vector<64x128xf32>
      %add3A_1377 = arith.addf %add3A_1368, %mul3A_1376 : vector<64x128xf32>
      %get3A_1378 = arith.constant 0 : index
      %get3A_1379 = arith.constant 19456 : index
      %get3A_1380 = vector.load %arg1[%get3A_1378, %get3A_1379] : memref<64x32768xf32, #tpu.memory_space<vmem>>, vector<64x128xf32>
      %get3A_1381 = arith.constant 19456 : index
      %get3A_1382 = vector.load %arg2[%get3A_1381] : memref<32768xf32, #tpu.memory_space<vmem>>, vector<128xf32>
      %broadcast_in_dim3A_1383 = vector.shape_cast %get3A_1382 : vector<128xf32> to vector<1x128xf32>
      %mul3A_1384 = vector.broadcast %broadcast_in_dim3A_1383 : vector<1x128xf32> to vector<64x128xf32>
      %mul3A_1385 = arith.mulf %get3A_1380, %mul3A_1384 : vector<64x128xf32>
      %add3A_1386 = arith.addf %add3A_1377, %mul3A_1385 : vector<64x128xf32>
      %get3A_1387 = arith.constant 0 : index
      %get3A_1388 = arith.constant 19584 : index
      %get3A_1389 = vector.load %arg1[%get3A_1387, %get3A_1388] : memref<64x32768xf32, #tpu.memory_space<vmem>>, vector<64x128xf32>
      %get3A_1390 = arith.constant 19584 : index
      %get3A_1391 = vector.load %arg2[%get3A_1390] : memref<32768xf32, #tpu.memory_space<vmem>>, vector<128xf32>
      %broadcast_in_dim3A_1392 = vector.shape_cast %get3A_1391 : vector<128xf32> to vector<1x128xf32>
      %mul3A_1393 = vector.broadcast %broadcast_in_dim3A_1392 : vector<1x128xf32> to vector<64x128xf32>
      %mul3A_1394 = arith.mulf %get3A_1389, %mul3A_1393 : vector<64x128xf32>
      %add3A_1395 = arith.addf %add3A_1386, %mul3A_1394 : vector<64x128xf32>
      %get3A_1396 = arith.constant 0 : index
      %get3A_1397 = arith.constant 19712 : index
      %get3A_1398 = vector.load %arg1[%get3A_1396, %get3A_1397] : memref<64x32768xf32, #tpu.memory_space<vmem>>, vector<64x128xf32>
      %get3A_1399 = arith.constant 19712 : index
      %get3A_1400 = vector.load %arg2[%get3A_1399] : memref<32768xf32, #tpu.memory_space<vmem>>, vector<128xf32>
      %broadcast_in_dim3A_1401 = vector.shape_cast %get3A_1400 : vector<128xf32> to vector<1x128xf32>
      %mul3A_1402 = vector.broadcast %broadcast_in_dim3A_1401 : vector<1x128xf32> to vector<64x128xf32>
      %mul3A_1403 = arith.mulf %get3A_1398, %mul3A_1402 : vector<64x128xf32>
      %add3A_1404 = arith.addf %add3A_1395, %mul3A_1403 : vector<64x128xf32>
      %get3A_1405 = arith.constant 0 : index
      %get3A_1406 = arith.constant 19840 : index
      %get3A_1407 = vector.load %arg1[%get3A_1405, %get3A_1406] : memref<64x32768xf32, #tpu.memory_space<vmem>>, vector<64x128xf32>
      %get3A_1408 = arith.constant 19840 : index
      %get3A_1409 = vector.load %arg2[%get3A_1408] : memref<32768xf32, #tpu.memory_space<vmem>>, vector<128xf32>
      %broadcast_in_dim3A_1410 = vector.shape_cast %get3A_1409 : vector<128xf32> to vector<1x128xf32>
      %mul3A_1411 = vector.broadcast %broadcast_in_dim3A_1410 : vector<1x128xf32> to vector<64x128xf32>
      %mul3A_1412 = arith.mulf %get3A_1407, %mul3A_1411 : vector<64x128xf32>
      %add3A_1413 = arith.addf %add3A_1404, %mul3A_1412 : vector<64x128xf32>
      %get3A_1414 = arith.constant 0 : index
      %get3A_1415 = arith.constant 19968 : index
      %get3A_1416 = vector.load %arg1[%get3A_1414, %get3A_1415] : memref<64x32768xf32, #tpu.memory_space<vmem>>, vector<64x128xf32>
      %get3A_1417 = arith.constant 19968 : index
      %get3A_1418 = vector.load %arg2[%get3A_1417] : memref<32768xf32, #tpu.memory_space<vmem>>, vector<128xf32>
      %broadcast_in_dim3A_1419 = vector.shape_cast %get3A_1418 : vector<128xf32> to vector<1x128xf32>
      %mul3A_1420 = vector.broadcast %broadcast_in_dim3A_1419 : vector<1x128xf32> to vector<64x128xf32>
      %mul3A_1421 = arith.mulf %get3A_1416, %mul3A_1420 : vector<64x128xf32>
      %add3A_1422 = arith.addf %add3A_1413, %mul3A_1421 : vector<64x128xf32>
      %get3A_1423 = arith.constant 0 : index
      %get3A_1424 = arith.constant 20096 : index
      %get3A_1425 = vector.load %arg1[%get3A_1423, %get3A_1424] : memref<64x32768xf32, #tpu.memory_space<vmem>>, vector<64x128xf32>
      %get3A_1426 = arith.constant 20096 : index
      %get3A_1427 = vector.load %arg2[%get3A_1426] : memref<32768xf32, #tpu.memory_space<vmem>>, vector<128xf32>
      %broadcast_in_dim3A_1428 = vector.shape_cast %get3A_1427 : vector<128xf32> to vector<1x128xf32>
      %mul3A_1429 = vector.broadcast %broadcast_in_dim3A_1428 : vector<1x128xf32> to vector<64x128xf32>
      %mul3A_1430 = arith.mulf %get3A_1425, %mul3A_1429 : vector<64x128xf32>
      %add3A_1431 = arith.addf %add3A_1422, %mul3A_1430 : vector<64x128xf32>
      %get3A_1432 = arith.constant 0 : index
      %get3A_1433 = arith.constant 20224 : index
      %get3A_1434 = vector.load %arg1[%get3A_1432, %get3A_1433] : memref<64x32768xf32, #tpu.memory_space<vmem>>, vector<64x128xf32>
      %get3A_1435 = arith.constant 20224 : index
      %get3A_1436 = vector.load %arg2[%get3A_1435] : memref<32768xf32, #tpu.memory_space<vmem>>, vector<128xf32>
      %broadcast_in_dim3A_1437 = vector.shape_cast %get3A_1436 : vector<128xf32> to vector<1x128xf32>
      %mul3A_1438 = vector.broadcast %broadcast_in_dim3A_1437 : vector<1x128xf32> to vector<64x128xf32>
      %mul3A_1439 = arith.mulf %get3A_1434, %mul3A_1438 : vector<64x128xf32>
      %add3A_1440 = arith.addf %add3A_1431, %mul3A_1439 : vector<64x128xf32>
      %get3A_1441 = arith.constant 0 : index
      %get3A_1442 = arith.constant 20352 : index
      %get3A_1443 = vector.load %arg1[%get3A_1441, %get3A_1442] : memref<64x32768xf32, #tpu.memory_space<vmem>>, vector<64x128xf32>
      %get3A_1444 = arith.constant 20352 : index
      %get3A_1445 = vector.load %arg2[%get3A_1444] : memref<32768xf32, #tpu.memory_space<vmem>>, vector<128xf32>
      %broadcast_in_dim3A_1446 = vector.shape_cast %get3A_1445 : vector<128xf32> to vector<1x128xf32>
      %mul3A_1447 = vector.broadcast %broadcast_in_dim3A_1446 : vector<1x128xf32> to vector<64x128xf32>
      %mul3A_1448 = arith.mulf %get3A_1443, %mul3A_1447 : vector<64x128xf32>
      %add3A_1449 = arith.addf %add3A_1440, %mul3A_1448 : vector<64x128xf32>
      %get3A_1450 = arith.constant 0 : index
      %get3A_1451 = arith.constant 20480 : index
      %get3A_1452 = vector.load %arg1[%get3A_1450, %get3A_1451] : memref<64x32768xf32, #tpu.memory_space<vmem>>, vector<64x128xf32>
      %get3A_1453 = arith.constant 20480 : index
      %get3A_1454 = vector.load %arg2[%get3A_1453] : memref<32768xf32, #tpu.memory_space<vmem>>, vector<128xf32>
      %broadcast_in_dim3A_1455 = vector.shape_cast %get3A_1454 : vector<128xf32> to vector<1x128xf32>
      %mul3A_1456 = vector.broadcast %broadcast_in_dim3A_1455 : vector<1x128xf32> to vector<64x128xf32>
      %mul3A_1457 = arith.mulf %get3A_1452, %mul3A_1456 : vector<64x128xf32>
      %add3A_1458 = arith.addf %add3A_1449, %mul3A_1457 : vector<64x128xf32>
      %get3A_1459 = arith.constant 0 : index
      %get3A_1460 = arith.constant 20608 : index
      %get3A_1461 = vector.load %arg1[%get3A_1459, %get3A_1460] : memref<64x32768xf32, #tpu.memory_space<vmem>>, vector<64x128xf32>
      %get3A_1462 = arith.constant 20608 : index
      %get3A_1463 = vector.load %arg2[%get3A_1462] : memref<32768xf32, #tpu.memory_space<vmem>>, vector<128xf32>
      %broadcast_in_dim3A_1464 = vector.shape_cast %get3A_1463 : vector<128xf32> to vector<1x128xf32>
      %mul3A_1465 = vector.broadcast %broadcast_in_dim3A_1464 : vector<1x128xf32> to vector<64x128xf32>
      %mul3A_1466 = arith.mulf %get3A_1461, %mul3A_1465 : vector<64x128xf32>
      %add3A_1467 = arith.addf %add3A_1458, %mul3A_1466 : vector<64x128xf32>
      %get3A_1468 = arith.constant 0 : index
      %get3A_1469 = arith.constant 20736 : index
      %get3A_1470 = vector.load %arg1[%get3A_1468, %get3A_1469] : memref<64x32768xf32, #tpu.memory_space<vmem>>, vector<64x128xf32>
      %get3A_1471 = arith.constant 20736 : index
      %get3A_1472 = vector.load %arg2[%get3A_1471] : memref<32768xf32, #tpu.memory_space<vmem>>, vector<128xf32>
      %broadcast_in_dim3A_1473 = vector.shape_cast %get3A_1472 : vector<128xf32> to vector<1x128xf32>
      %mul3A_1474 = vector.broadcast %broadcast_in_dim3A_1473 : vector<1x128xf32> to vector<64x128xf32>
      %mul3A_1475 = arith.mulf %get3A_1470, %mul3A_1474 : vector<64x128xf32>
      %add3A_1476 = arith.addf %add3A_1467, %mul3A_1475 : vector<64x128xf32>
      %get3A_1477 = arith.constant 0 : index
      %get3A_1478 = arith.constant 20864 : index
      %get3A_1479 = vector.load %arg1[%get3A_1477, %get3A_1478] : memref<64x32768xf32, #tpu.memory_space<vmem>>, vector<64x128xf32>
      %get3A_1480 = arith.constant 20864 : index
      %get3A_1481 = vector.load %arg2[%get3A_1480] : memref<32768xf32, #tpu.memory_space<vmem>>, vector<128xf32>
      %broadcast_in_dim3A_1482 = vector.shape_cast %get3A_1481 : vector<128xf32> to vector<1x128xf32>
      %mul3A_1483 = vector.broadcast %broadcast_in_dim3A_1482 : vector<1x128xf32> to vector<64x128xf32>
      %mul3A_1484 = arith.mulf %get3A_1479, %mul3A_1483 : vector<64x128xf32>
      %add3A_1485 = arith.addf %add3A_1476, %mul3A_1484 : vector<64x128xf32>
      %get3A_1486 = arith.constant 0 : index
      %get3A_1487 = arith.constant 20992 : index
      %get3A_1488 = vector.load %arg1[%get3A_1486, %get3A_1487] : memref<64x32768xf32, #tpu.memory_space<vmem>>, vector<64x128xf32>
      %get3A_1489 = arith.constant 20992 : index
      %get3A_1490 = vector.load %arg2[%get3A_1489] : memref<32768xf32, #tpu.memory_space<vmem>>, vector<128xf32>
      %broadcast_in_dim3A_1491 = vector.shape_cast %get3A_1490 : vector<128xf32> to vector<1x128xf32>
      %mul3A_1492 = vector.broadcast %broadcast_in_dim3A_1491 : vector<1x128xf32> to vector<64x128xf32>
      %mul3A_1493 = arith.mulf %get3A_1488, %mul3A_1492 : vector<64x128xf32>
      %add3A_1494 = arith.addf %add3A_1485, %mul3A_1493 : vector<64x128xf32>
      %get3A_1495 = arith.constant 0 : index
      %get3A_1496 = arith.constant 21120 : index
      %get3A_1497 = vector.load %arg1[%get3A_1495, %get3A_1496] : memref<64x32768xf32, #tpu.memory_space<vmem>>, vector<64x128xf32>
      %get3A_1498 = arith.constant 21120 : index
      %get3A_1499 = vector.load %arg2[%get3A_1498] : memref<32768xf32, #tpu.memory_space<vmem>>, vector<128xf32>
      %broadcast_in_dim3A_1500 = vector.shape_cast %get3A_1499 : vector<128xf32> to vector<1x128xf32>
      %mul3A_1501 = vector.broadcast %broadcast_in_dim3A_1500 : vector<1x128xf32> to vector<64x128xf32>
      %mul3A_1502 = arith.mulf %get3A_1497, %mul3A_1501 : vector<64x128xf32>
      %add3A_1503 = arith.addf %add3A_1494, %mul3A_1502 : vector<64x128xf32>
      %get3A_1504 = arith.constant 0 : index
      %get3A_1505 = arith.constant 21248 : index
      %get3A_1506 = vector.load %arg1[%get3A_1504, %get3A_1505] : memref<64x32768xf32, #tpu.memory_space<vmem>>, vector<64x128xf32>
      %get3A_1507 = arith.constant 21248 : index
      %get3A_1508 = vector.load %arg2[%get3A_1507] : memref<32768xf32, #tpu.memory_space<vmem>>, vector<128xf32>
      %broadcast_in_dim3A_1509 = vector.shape_cast %get3A_1508 : vector<128xf32> to vector<1x128xf32>
      %mul3A_1510 = vector.broadcast %broadcast_in_dim3A_1509 : vector<1x128xf32> to vector<64x128xf32>
      %mul3A_1511 = arith.mulf %get3A_1506, %mul3A_1510 : vector<64x128xf32>
      %add3A_1512 = arith.addf %add3A_1503, %mul3A_1511 : vector<64x128xf32>
      %get3A_1513 = arith.constant 0 : index
      %get3A_1514 = arith.constant 21376 : index
      %get3A_1515 = vector.load %arg1[%get3A_1513, %get3A_1514] : memref<64x32768xf32, #tpu.memory_space<vmem>>, vector<64x128xf32>
      %get3A_1516 = arith.constant 21376 : index
      %get3A_1517 = vector.load %arg2[%get3A_1516] : memref<32768xf32, #tpu.memory_space<vmem>>, vector<128xf32>
      %broadcast_in_dim3A_1518 = vector.shape_cast %get3A_1517 : vector<128xf32> to vector<1x128xf32>
      %mul3A_1519 = vector.broadcast %broadcast_in_dim3A_1518 : vector<1x128xf32> to vector<64x128xf32>
      %mul3A_1520 = arith.mulf %get3A_1515, %mul3A_1519 : vector<64x128xf32>
      %add3A_1521 = arith.addf %add3A_1512, %mul3A_1520 : vector<64x128xf32>
      %get3A_1522 = arith.constant 0 : index
      %get3A_1523 = arith.constant 21504 : index
      %get3A_1524 = vector.load %arg1[%get3A_1522, %get3A_1523] : memref<64x32768xf32, #tpu.memory_space<vmem>>, vector<64x128xf32>
      %get3A_1525 = arith.constant 21504 : index
      %get3A_1526 = vector.load %arg2[%get3A_1525] : memref<32768xf32, #tpu.memory_space<vmem>>, vector<128xf32>
      %broadcast_in_dim3A_1527 = vector.shape_cast %get3A_1526 : vector<128xf32> to vector<1x128xf32>
      %mul3A_1528 = vector.broadcast %broadcast_in_dim3A_1527 : vector<1x128xf32> to vector<64x128xf32>
      %mul3A_1529 = arith.mulf %get3A_1524, %mul3A_1528 : vector<64x128xf32>
      %add3A_1530 = arith.addf %add3A_1521, %mul3A_1529 : vector<64x128xf32>
      %get3A_1531 = arith.constant 0 : index
      %get3A_1532 = arith.constant 21632 : index
      %get3A_1533 = vector.load %arg1[%get3A_1531, %get3A_1532] : memref<64x32768xf32, #tpu.memory_space<vmem>>, vector<64x128xf32>
      %get3A_1534 = arith.constant 21632 : index
      %get3A_1535 = vector.load %arg2[%get3A_1534] : memref<32768xf32, #tpu.memory_space<vmem>>, vector<128xf32>
      %broadcast_in_dim3A_1536 = vector.shape_cast %get3A_1535 : vector<128xf32> to vector<1x128xf32>
      %mul3A_1537 = vector.broadcast %broadcast_in_dim3A_1536 : vector<1x128xf32> to vector<64x128xf32>
      %mul3A_1538 = arith.mulf %get3A_1533, %mul3A_1537 : vector<64x128xf32>
      %add3A_1539 = arith.addf %add3A_1530, %mul3A_1538 : vector<64x128xf32>
      %get3A_1540 = arith.constant 0 : index
      %get3A_1541 = arith.constant 21760 : index
      %get3A_1542 = vector.load %arg1[%get3A_1540, %get3A_1541] : memref<64x32768xf32, #tpu.memory_space<vmem>>, vector<64x128xf32>
      %get3A_1543 = arith.constant 21760 : index
      %get3A_1544 = vector.load %arg2[%get3A_1543] : memref<32768xf32, #tpu.memory_space<vmem>>, vector<128xf32>
      %broadcast_in_dim3A_1545 = vector.shape_cast %get3A_1544 : vector<128xf32> to vector<1x128xf32>
      %mul3A_1546 = vector.broadcast %broadcast_in_dim3A_1545 : vector<1x128xf32> to vector<64x128xf32>
      %mul3A_1547 = arith.mulf %get3A_1542, %mul3A_1546 : vector<64x128xf32>
      %add3A_1548 = arith.addf %add3A_1539, %mul3A_1547 : vector<64x128xf32>
      %get3A_1549 = arith.constant 0 : index
      %get3A_1550 = arith.constant 21888 : index
      %get3A_1551 = vector.load %arg1[%get3A_1549, %get3A_1550] : memref<64x32768xf32, #tpu.memory_space<vmem>>, vector<64x128xf32>
      %get3A_1552 = arith.constant 21888 : index
      %get3A_1553 = vector.load %arg2[%get3A_1552] : memref<32768xf32, #tpu.memory_space<vmem>>, vector<128xf32>
      %broadcast_in_dim3A_1554 = vector.shape_cast %get3A_1553 : vector<128xf32> to vector<1x128xf32>
      %mul3A_1555 = vector.broadcast %broadcast_in_dim3A_1554 : vector<1x128xf32> to vector<64x128xf32>
      %mul3A_1556 = arith.mulf %get3A_1551, %mul3A_1555 : vector<64x128xf32>
      %add3A_1557 = arith.addf %add3A_1548, %mul3A_1556 : vector<64x128xf32>
      %get3A_1558 = arith.constant 0 : index
      %get3A_1559 = arith.constant 22016 : index
      %get3A_1560 = vector.load %arg1[%get3A_1558, %get3A_1559] : memref<64x32768xf32, #tpu.memory_space<vmem>>, vector<64x128xf32>
      %get3A_1561 = arith.constant 22016 : index
      %get3A_1562 = vector.load %arg2[%get3A_1561] : memref<32768xf32, #tpu.memory_space<vmem>>, vector<128xf32>
      %broadcast_in_dim3A_1563 = vector.shape_cast %get3A_1562 : vector<128xf32> to vector<1x128xf32>
      %mul3A_1564 = vector.broadcast %broadcast_in_dim3A_1563 : vector<1x128xf32> to vector<64x128xf32>
      %mul3A_1565 = arith.mulf %get3A_1560, %mul3A_1564 : vector<64x128xf32>
      %add3A_1566 = arith.addf %add3A_1557, %mul3A_1565 : vector<64x128xf32>
      %get3A_1567 = arith.constant 0 : index
      %get3A_1568 = arith.constant 22144 : index
      %get3A_1569 = vector.load %arg1[%get3A_1567, %get3A_1568] : memref<64x32768xf32, #tpu.memory_space<vmem>>, vector<64x128xf32>
      %get3A_1570 = arith.constant 22144 : index
      %get3A_1571 = vector.load %arg2[%get3A_1570] : memref<32768xf32, #tpu.memory_space<vmem>>, vector<128xf32>
      %broadcast_in_dim3A_1572 = vector.shape_cast %get3A_1571 : vector<128xf32> to vector<1x128xf32>
      %mul3A_1573 = vector.broadcast %broadcast_in_dim3A_1572 : vector<1x128xf32> to vector<64x128xf32>
      %mul3A_1574 = arith.mulf %get3A_1569, %mul3A_1573 : vector<64x128xf32>
      %add3A_1575 = arith.addf %add3A_1566, %mul3A_1574 : vector<64x128xf32>
      %get3A_1576 = arith.constant 0 : index
      %get3A_1577 = arith.constant 22272 : index
      %get3A_1578 = vector.load %arg1[%get3A_1576, %get3A_1577] : memref<64x32768xf32, #tpu.memory_space<vmem>>, vector<64x128xf32>
      %get3A_1579 = arith.constant 22272 : index
      %get3A_1580 = vector.load %arg2[%get3A_1579] : memref<32768xf32, #tpu.memory_space<vmem>>, vector<128xf32>
      %broadcast_in_dim3A_1581 = vector.shape_cast %get3A_1580 : vector<128xf32> to vector<1x128xf32>
      %mul3A_1582 = vector.broadcast %broadcast_in_dim3A_1581 : vector<1x128xf32> to vector<64x128xf32>
      %mul3A_1583 = arith.mulf %get3A_1578, %mul3A_1582 : vector<64x128xf32>
      %add3A_1584 = arith.addf %add3A_1575, %mul3A_1583 : vector<64x128xf32>
      %get3A_1585 = arith.constant 0 : index
      %get3A_1586 = arith.constant 22400 : index
      %get3A_1587 = vector.load %arg1[%get3A_1585, %get3A_1586] : memref<64x32768xf32, #tpu.memory_space<vmem>>, vector<64x128xf32>
      %get3A_1588 = arith.constant 22400 : index
      %get3A_1589 = vector.load %arg2[%get3A_1588] : memref<32768xf32, #tpu.memory_space<vmem>>, vector<128xf32>
      %broadcast_in_dim3A_1590 = vector.shape_cast %get3A_1589 : vector<128xf32> to vector<1x128xf32>
      %mul3A_1591 = vector.broadcast %broadcast_in_dim3A_1590 : vector<1x128xf32> to vector<64x128xf32>
      %mul3A_1592 = arith.mulf %get3A_1587, %mul3A_1591 : vector<64x128xf32>
      %add3A_1593 = arith.addf %add3A_1584, %mul3A_1592 : vector<64x128xf32>
      %get3A_1594 = arith.constant 0 : index
      %get3A_1595 = arith.constant 22528 : index
      %get3A_1596 = vector.load %arg1[%get3A_1594, %get3A_1595] : memref<64x32768xf32, #tpu.memory_space<vmem>>, vector<64x128xf32>
      %get3A_1597 = arith.constant 22528 : index
      %get3A_1598 = vector.load %arg2[%get3A_1597] : memref<32768xf32, #tpu.memory_space<vmem>>, vector<128xf32>
      %broadcast_in_dim3A_1599 = vector.shape_cast %get3A_1598 : vector<128xf32> to vector<1x128xf32>
      %mul3A_1600 = vector.broadcast %broadcast_in_dim3A_1599 : vector<1x128xf32> to vector<64x128xf32>
      %mul3A_1601 = arith.mulf %get3A_1596, %mul3A_1600 : vector<64x128xf32>
      %add3A_1602 = arith.addf %add3A_1593, %mul3A_1601 : vector<64x128xf32>
      %get3A_1603 = arith.constant 0 : index
      %get3A_1604 = arith.constant 22656 : index
      %get3A_1605 = vector.load %arg1[%get3A_1603, %get3A_1604] : memref<64x32768xf32, #tpu.memory_space<vmem>>, vector<64x128xf32>
      %get3A_1606 = arith.constant 22656 : index
      %get3A_1607 = vector.load %arg2[%get3A_1606] : memref<32768xf32, #tpu.memory_space<vmem>>, vector<128xf32>
      %broadcast_in_dim3A_1608 = vector.shape_cast %get3A_1607 : vector<128xf32> to vector<1x128xf32>
      %mul3A_1609 = vector.broadcast %broadcast_in_dim3A_1608 : vector<1x128xf32> to vector<64x128xf32>
      %mul3A_1610 = arith.mulf %get3A_1605, %mul3A_1609 : vector<64x128xf32>
      %add3A_1611 = arith.addf %add3A_1602, %mul3A_1610 : vector<64x128xf32>
      %get3A_1612 = arith.constant 0 : index
      %get3A_1613 = arith.constant 22784 : index
      %get3A_1614 = vector.load %arg1[%get3A_1612, %get3A_1613] : memref<64x32768xf32, #tpu.memory_space<vmem>>, vector<64x128xf32>
      %get3A_1615 = arith.constant 22784 : index
      %get3A_1616 = vector.load %arg2[%get3A_1615] : memref<32768xf32, #tpu.memory_space<vmem>>, vector<128xf32>
      %broadcast_in_dim3A_1617 = vector.shape_cast %get3A_1616 : vector<128xf32> to vector<1x128xf32>
      %mul3A_1618 = vector.broadcast %broadcast_in_dim3A_1617 : vector<1x128xf32> to vector<64x128xf32>
      %mul3A_1619 = arith.mulf %get3A_1614, %mul3A_1618 : vector<64x128xf32>
      %add3A_1620 = arith.addf %add3A_1611, %mul3A_1619 : vector<64x128xf32>
      %get3A_1621 = arith.constant 0 : index
      %get3A_1622 = arith.constant 22912 : index
      %get3A_1623 = vector.load %arg1[%get3A_1621, %get3A_1622] : memref<64x32768xf32, #tpu.memory_space<vmem>>, vector<64x128xf32>
      %get3A_1624 = arith.constant 22912 : index
      %get3A_1625 = vector.load %arg2[%get3A_1624] : memref<32768xf32, #tpu.memory_space<vmem>>, vector<128xf32>
      %broadcast_in_dim3A_1626 = vector.shape_cast %get3A_1625 : vector<128xf32> to vector<1x128xf32>
      %mul3A_1627 = vector.broadcast %broadcast_in_dim3A_1626 : vector<1x128xf32> to vector<64x128xf32>
      %mul3A_1628 = arith.mulf %get3A_1623, %mul3A_1627 : vector<64x128xf32>
      %add3A_1629 = arith.addf %add3A_1620, %mul3A_1628 : vector<64x128xf32>
      %get3A_1630 = arith.constant 0 : index
      %get3A_1631 = arith.constant 23040 : index
      %get3A_1632 = vector.load %arg1[%get3A_1630, %get3A_1631] : memref<64x32768xf32, #tpu.memory_space<vmem>>, vector<64x128xf32>
      %get3A_1633 = arith.constant 23040 : index
      %get3A_1634 = vector.load %arg2[%get3A_1633] : memref<32768xf32, #tpu.memory_space<vmem>>, vector<128xf32>
      %broadcast_in_dim3A_1635 = vector.shape_cast %get3A_1634 : vector<128xf32> to vector<1x128xf32>
      %mul3A_1636 = vector.broadcast %broadcast_in_dim3A_1635 : vector<1x128xf32> to vector<64x128xf32>
      %mul3A_1637 = arith.mulf %get3A_1632, %mul3A_1636 : vector<64x128xf32>
      %add3A_1638 = arith.addf %add3A_1629, %mul3A_1637 : vector<64x128xf32>
      %get3A_1639 = arith.constant 0 : index
      %get3A_1640 = arith.constant 23168 : index
      %get3A_1641 = vector.load %arg1[%get3A_1639, %get3A_1640] : memref<64x32768xf32, #tpu.memory_space<vmem>>, vector<64x128xf32>
      %get3A_1642 = arith.constant 23168 : index
      %get3A_1643 = vector.load %arg2[%get3A_1642] : memref<32768xf32, #tpu.memory_space<vmem>>, vector<128xf32>
      %broadcast_in_dim3A_1644 = vector.shape_cast %get3A_1643 : vector<128xf32> to vector<1x128xf32>
      %mul3A_1645 = vector.broadcast %broadcast_in_dim3A_1644 : vector<1x128xf32> to vector<64x128xf32>
      %mul3A_1646 = arith.mulf %get3A_1641, %mul3A_1645 : vector<64x128xf32>
      %add3A_1647 = arith.addf %add3A_1638, %mul3A_1646 : vector<64x128xf32>
      %get3A_1648 = arith.constant 0 : index
      %get3A_1649 = arith.constant 23296 : index
      %get3A_1650 = vector.load %arg1[%get3A_1648, %get3A_1649] : memref<64x32768xf32, #tpu.memory_space<vmem>>, vector<64x128xf32>
      %get3A_1651 = arith.constant 23296 : index
      %get3A_1652 = vector.load %arg2[%get3A_1651] : memref<32768xf32, #tpu.memory_space<vmem>>, vector<128xf32>
      %broadcast_in_dim3A_1653 = vector.shape_cast %get3A_1652 : vector<128xf32> to vector<1x128xf32>
      %mul3A_1654 = vector.broadcast %broadcast_in_dim3A_1653 : vector<1x128xf32> to vector<64x128xf32>
      %mul3A_1655 = arith.mulf %get3A_1650, %mul3A_1654 : vector<64x128xf32>
      %add3A_1656 = arith.addf %add3A_1647, %mul3A_1655 : vector<64x128xf32>
      %get3A_1657 = arith.constant 0 : index
      %get3A_1658 = arith.constant 23424 : index
      %get3A_1659 = vector.load %arg1[%get3A_1657, %get3A_1658] : memref<64x32768xf32, #tpu.memory_space<vmem>>, vector<64x128xf32>
      %get3A_1660 = arith.constant 23424 : index
      %get3A_1661 = vector.load %arg2[%get3A_1660] : memref<32768xf32, #tpu.memory_space<vmem>>, vector<128xf32>
      %broadcast_in_dim3A_1662 = vector.shape_cast %get3A_1661 : vector<128xf32> to vector<1x128xf32>
      %mul3A_1663 = vector.broadcast %broadcast_in_dim3A_1662 : vector<1x128xf32> to vector<64x128xf32>
      %mul3A_1664 = arith.mulf %get3A_1659, %mul3A_1663 : vector<64x128xf32>
      %add3A_1665 = arith.addf %add3A_1656, %mul3A_1664 : vector<64x128xf32>
      %get3A_1666 = arith.constant 0 : index
      %get3A_1667 = arith.constant 23552 : index
      %get3A_1668 = vector.load %arg1[%get3A_1666, %get3A_1667] : memref<64x32768xf32, #tpu.memory_space<vmem>>, vector<64x128xf32>
      %get3A_1669 = arith.constant 23552 : index
      %get3A_1670 = vector.load %arg2[%get3A_1669] : memref<32768xf32, #tpu.memory_space<vmem>>, vector<128xf32>
      %broadcast_in_dim3A_1671 = vector.shape_cast %get3A_1670 : vector<128xf32> to vector<1x128xf32>
      %mul3A_1672 = vector.broadcast %broadcast_in_dim3A_1671 : vector<1x128xf32> to vector<64x128xf32>
      %mul3A_1673 = arith.mulf %get3A_1668, %mul3A_1672 : vector<64x128xf32>
      %add3A_1674 = arith.addf %add3A_1665, %mul3A_1673 : vector<64x128xf32>
      %get3A_1675 = arith.constant 0 : index
      %get3A_1676 = arith.constant 23680 : index
      %get3A_1677 = vector.load %arg1[%get3A_1675, %get3A_1676] : memref<64x32768xf32, #tpu.memory_space<vmem>>, vector<64x128xf32>
      %get3A_1678 = arith.constant 23680 : index
      %get3A_1679 = vector.load %arg2[%get3A_1678] : memref<32768xf32, #tpu.memory_space<vmem>>, vector<128xf32>
      %broadcast_in_dim3A_1680 = vector.shape_cast %get3A_1679 : vector<128xf32> to vector<1x128xf32>
      %mul3A_1681 = vector.broadcast %broadcast_in_dim3A_1680 : vector<1x128xf32> to vector<64x128xf32>
      %mul3A_1682 = arith.mulf %get3A_1677, %mul3A_1681 : vector<64x128xf32>
      %add3A_1683 = arith.addf %add3A_1674, %mul3A_1682 : vector<64x128xf32>
      %get3A_1684 = arith.constant 0 : index
      %get3A_1685 = arith.constant 23808 : index
      %get3A_1686 = vector.load %arg1[%get3A_1684, %get3A_1685] : memref<64x32768xf32, #tpu.memory_space<vmem>>, vector<64x128xf32>
      %get3A_1687 = arith.constant 23808 : index
      %get3A_1688 = vector.load %arg2[%get3A_1687] : memref<32768xf32, #tpu.memory_space<vmem>>, vector<128xf32>
      %broadcast_in_dim3A_1689 = vector.shape_cast %get3A_1688 : vector<128xf32> to vector<1x128xf32>
      %mul3A_1690 = vector.broadcast %broadcast_in_dim3A_1689 : vector<1x128xf32> to vector<64x128xf32>
      %mul3A_1691 = arith.mulf %get3A_1686, %mul3A_1690 : vector<64x128xf32>
      %add3A_1692 = arith.addf %add3A_1683, %mul3A_1691 : vector<64x128xf32>
      %get3A_1693 = arith.constant 0 : index
      %get3A_1694 = arith.constant 23936 : index
      %get3A_1695 = vector.load %arg1[%get3A_1693, %get3A_1694] : memref<64x32768xf32, #tpu.memory_space<vmem>>, vector<64x128xf32>
      %get3A_1696 = arith.constant 23936 : index
      %get3A_1697 = vector.load %arg2[%get3A_1696] : memref<32768xf32, #tpu.memory_space<vmem>>, vector<128xf32>
      %broadcast_in_dim3A_1698 = vector.shape_cast %get3A_1697 : vector<128xf32> to vector<1x128xf32>
      %mul3A_1699 = vector.broadcast %broadcast_in_dim3A_1698 : vector<1x128xf32> to vector<64x128xf32>
      %mul3A_1700 = arith.mulf %get3A_1695, %mul3A_1699 : vector<64x128xf32>
      %add3A_1701 = arith.addf %add3A_1692, %mul3A_1700 : vector<64x128xf32>
      %get3A_1702 = arith.constant 0 : index
      %get3A_1703 = arith.constant 24064 : index
      %get3A_1704 = vector.load %arg1[%get3A_1702, %get3A_1703] : memref<64x32768xf32, #tpu.memory_space<vmem>>, vector<64x128xf32>
      %get3A_1705 = arith.constant 24064 : index
      %get3A_1706 = vector.load %arg2[%get3A_1705] : memref<32768xf32, #tpu.memory_space<vmem>>, vector<128xf32>
      %broadcast_in_dim3A_1707 = vector.shape_cast %get3A_1706 : vector<128xf32> to vector<1x128xf32>
      %mul3A_1708 = vector.broadcast %broadcast_in_dim3A_1707 : vector<1x128xf32> to vector<64x128xf32>
      %mul3A_1709 = arith.mulf %get3A_1704, %mul3A_1708 : vector<64x128xf32>
      %add3A_1710 = arith.addf %add3A_1701, %mul3A_1709 : vector<64x128xf32>
      %get3A_1711 = arith.constant 0 : index
      %get3A_1712 = arith.constant 24192 : index
      %get3A_1713 = vector.load %arg1[%get3A_1711, %get3A_1712] : memref<64x32768xf32, #tpu.memory_space<vmem>>, vector<64x128xf32>
      %get3A_1714 = arith.constant 24192 : index
      %get3A_1715 = vector.load %arg2[%get3A_1714] : memref<32768xf32, #tpu.memory_space<vmem>>, vector<128xf32>
      %broadcast_in_dim3A_1716 = vector.shape_cast %get3A_1715 : vector<128xf32> to vector<1x128xf32>
      %mul3A_1717 = vector.broadcast %broadcast_in_dim3A_1716 : vector<1x128xf32> to vector<64x128xf32>
      %mul3A_1718 = arith.mulf %get3A_1713, %mul3A_1717 : vector<64x128xf32>
      %add3A_1719 = arith.addf %add3A_1710, %mul3A_1718 : vector<64x128xf32>
      %get3A_1720 = arith.constant 0 : index
      %get3A_1721 = arith.constant 24320 : index
      %get3A_1722 = vector.load %arg1[%get3A_1720, %get3A_1721] : memref<64x32768xf32, #tpu.memory_space<vmem>>, vector<64x128xf32>
      %get3A_1723 = arith.constant 24320 : index
      %get3A_1724 = vector.load %arg2[%get3A_1723] : memref<32768xf32, #tpu.memory_space<vmem>>, vector<128xf32>
      %broadcast_in_dim3A_1725 = vector.shape_cast %get3A_1724 : vector<128xf32> to vector<1x128xf32>
      %mul3A_1726 = vector.broadcast %broadcast_in_dim3A_1725 : vector<1x128xf32> to vector<64x128xf32>
      %mul3A_1727 = arith.mulf %get3A_1722, %mul3A_1726 : vector<64x128xf32>
      %add3A_1728 = arith.addf %add3A_1719, %mul3A_1727 : vector<64x128xf32>
      %get3A_1729 = arith.constant 0 : index
      %get3A_1730 = arith.constant 24448 : index
      %get3A_1731 = vector.load %arg1[%get3A_1729, %get3A_1730] : memref<64x32768xf32, #tpu.memory_space<vmem>>, vector<64x128xf32>
      %get3A_1732 = arith.constant 24448 : index
      %get3A_1733 = vector.load %arg2[%get3A_1732] : memref<32768xf32, #tpu.memory_space<vmem>>, vector<128xf32>
      %broadcast_in_dim3A_1734 = vector.shape_cast %get3A_1733 : vector<128xf32> to vector<1x128xf32>
      %mul3A_1735 = vector.broadcast %broadcast_in_dim3A_1734 : vector<1x128xf32> to vector<64x128xf32>
      %mul3A_1736 = arith.mulf %get3A_1731, %mul3A_1735 : vector<64x128xf32>
      %add3A_1737 = arith.addf %add3A_1728, %mul3A_1736 : vector<64x128xf32>
      %get3A_1738 = arith.constant 0 : index
      %get3A_1739 = arith.constant 24576 : index
      %get3A_1740 = vector.load %arg1[%get3A_1738, %get3A_1739] : memref<64x32768xf32, #tpu.memory_space<vmem>>, vector<64x128xf32>
      %get3A_1741 = arith.constant 24576 : index
      %get3A_1742 = vector.load %arg2[%get3A_1741] : memref<32768xf32, #tpu.memory_space<vmem>>, vector<128xf32>
      %broadcast_in_dim3A_1743 = vector.shape_cast %get3A_1742 : vector<128xf32> to vector<1x128xf32>
      %mul3A_1744 = vector.broadcast %broadcast_in_dim3A_1743 : vector<1x128xf32> to vector<64x128xf32>
      %mul3A_1745 = arith.mulf %get3A_1740, %mul3A_1744 : vector<64x128xf32>
      %add3A_1746 = arith.addf %add3A_1737, %mul3A_1745 : vector<64x128xf32>
      %get3A_1747 = arith.constant 0 : index
      %get3A_1748 = arith.constant 24704 : index
      %get3A_1749 = vector.load %arg1[%get3A_1747, %get3A_1748] : memref<64x32768xf32, #tpu.memory_space<vmem>>, vector<64x128xf32>
      %get3A_1750 = arith.constant 24704 : index
      %get3A_1751 = vector.load %arg2[%get3A_1750] : memref<32768xf32, #tpu.memory_space<vmem>>, vector<128xf32>
      %broadcast_in_dim3A_1752 = vector.shape_cast %get3A_1751 : vector<128xf32> to vector<1x128xf32>
      %mul3A_1753 = vector.broadcast %broadcast_in_dim3A_1752 : vector<1x128xf32> to vector<64x128xf32>
      %mul3A_1754 = arith.mulf %get3A_1749, %mul3A_1753 : vector<64x128xf32>
      %add3A_1755 = arith.addf %add3A_1746, %mul3A_1754 : vector<64x128xf32>
      %get3A_1756 = arith.constant 0 : index
      %get3A_1757 = arith.constant 24832 : index
      %get3A_1758 = vector.load %arg1[%get3A_1756, %get3A_1757] : memref<64x32768xf32, #tpu.memory_space<vmem>>, vector<64x128xf32>
      %get3A_1759 = arith.constant 24832 : index
      %get3A_1760 = vector.load %arg2[%get3A_1759] : memref<32768xf32, #tpu.memory_space<vmem>>, vector<128xf32>
      %broadcast_in_dim3A_1761 = vector.shape_cast %get3A_1760 : vector<128xf32> to vector<1x128xf32>
      %mul3A_1762 = vector.broadcast %broadcast_in_dim3A_1761 : vector<1x128xf32> to vector<64x128xf32>
      %mul3A_1763 = arith.mulf %get3A_1758, %mul3A_1762 : vector<64x128xf32>
      %add3A_1764 = arith.addf %add3A_1755, %mul3A_1763 : vector<64x128xf32>
      %get3A_1765 = arith.constant 0 : index
      %get3A_1766 = arith.constant 24960 : index
      %get3A_1767 = vector.load %arg1[%get3A_1765, %get3A_1766] : memref<64x32768xf32, #tpu.memory_space<vmem>>, vector<64x128xf32>
      %get3A_1768 = arith.constant 24960 : index
      %get3A_1769 = vector.load %arg2[%get3A_1768] : memref<32768xf32, #tpu.memory_space<vmem>>, vector<128xf32>
      %broadcast_in_dim3A_1770 = vector.shape_cast %get3A_1769 : vector<128xf32> to vector<1x128xf32>
      %mul3A_1771 = vector.broadcast %broadcast_in_dim3A_1770 : vector<1x128xf32> to vector<64x128xf32>
      %mul3A_1772 = arith.mulf %get3A_1767, %mul3A_1771 : vector<64x128xf32>
      %add3A_1773 = arith.addf %add3A_1764, %mul3A_1772 : vector<64x128xf32>
      %get3A_1774 = arith.constant 0 : index
      %get3A_1775 = arith.constant 25088 : index
      %get3A_1776 = vector.load %arg1[%get3A_1774, %get3A_1775] : memref<64x32768xf32, #tpu.memory_space<vmem>>, vector<64x128xf32>
      %get3A_1777 = arith.constant 25088 : index
      %get3A_1778 = vector.load %arg2[%get3A_1777] : memref<32768xf32, #tpu.memory_space<vmem>>, vector<128xf32>
      %broadcast_in_dim3A_1779 = vector.shape_cast %get3A_1778 : vector<128xf32> to vector<1x128xf32>
      %mul3A_1780 = vector.broadcast %broadcast_in_dim3A_1779 : vector<1x128xf32> to vector<64x128xf32>
      %mul3A_1781 = arith.mulf %get3A_1776, %mul3A_1780 : vector<64x128xf32>
      %add3A_1782 = arith.addf %add3A_1773, %mul3A_1781 : vector<64x128xf32>
      %get3A_1783 = arith.constant 0 : index
      %get3A_1784 = arith.constant 25216 : index
      %get3A_1785 = vector.load %arg1[%get3A_1783, %get3A_1784] : memref<64x32768xf32, #tpu.memory_space<vmem>>, vector<64x128xf32>
      %get3A_1786 = arith.constant 25216 : index
      %get3A_1787 = vector.load %arg2[%get3A_1786] : memref<32768xf32, #tpu.memory_space<vmem>>, vector<128xf32>
      %broadcast_in_dim3A_1788 = vector.shape_cast %get3A_1787 : vector<128xf32> to vector<1x128xf32>
      %mul3A_1789 = vector.broadcast %broadcast_in_dim3A_1788 : vector<1x128xf32> to vector<64x128xf32>
      %mul3A_1790 = arith.mulf %get3A_1785, %mul3A_1789 : vector<64x128xf32>
      %add3A_1791 = arith.addf %add3A_1782, %mul3A_1790 : vector<64x128xf32>
      %get3A_1792 = arith.constant 0 : index
      %get3A_1793 = arith.constant 25344 : index
      %get3A_1794 = vector.load %arg1[%get3A_1792, %get3A_1793] : memref<64x32768xf32, #tpu.memory_space<vmem>>, vector<64x128xf32>
      %get3A_1795 = arith.constant 25344 : index
      %get3A_1796 = vector.load %arg2[%get3A_1795] : memref<32768xf32, #tpu.memory_space<vmem>>, vector<128xf32>
      %broadcast_in_dim3A_1797 = vector.shape_cast %get3A_1796 : vector<128xf32> to vector<1x128xf32>
      %mul3A_1798 = vector.broadcast %broadcast_in_dim3A_1797 : vector<1x128xf32> to vector<64x128xf32>
      %mul3A_1799 = arith.mulf %get3A_1794, %mul3A_1798 : vector<64x128xf32>
      %add3A_1800 = arith.addf %add3A_1791, %mul3A_1799 : vector<64x128xf32>
      %get3A_1801 = arith.constant 0 : index
      %get3A_1802 = arith.constant 25472 : index
      %get3A_1803 = vector.load %arg1[%get3A_1801, %get3A_1802] : memref<64x32768xf32, #tpu.memory_space<vmem>>, vector<64x128xf32>
      %get3A_1804 = arith.constant 25472 : index
      %get3A_1805 = vector.load %arg2[%get3A_1804] : memref<32768xf32, #tpu.memory_space<vmem>>, vector<128xf32>
      %broadcast_in_dim3A_1806 = vector.shape_cast %get3A_1805 : vector<128xf32> to vector<1x128xf32>
      %mul3A_1807 = vector.broadcast %broadcast_in_dim3A_1806 : vector<1x128xf32> to vector<64x128xf32>
      %mul3A_1808 = arith.mulf %get3A_1803, %mul3A_1807 : vector<64x128xf32>
      %add3A_1809 = arith.addf %add3A_1800, %mul3A_1808 : vector<64x128xf32>
      %get3A_1810 = arith.constant 0 : index
      %get3A_1811 = arith.constant 25600 : index
      %get3A_1812 = vector.load %arg1[%get3A_1810, %get3A_1811] : memref<64x32768xf32, #tpu.memory_space<vmem>>, vector<64x128xf32>
      %get3A_1813 = arith.constant 25600 : index
      %get3A_1814 = vector.load %arg2[%get3A_1813] : memref<32768xf32, #tpu.memory_space<vmem>>, vector<128xf32>
      %broadcast_in_dim3A_1815 = vector.shape_cast %get3A_1814 : vector<128xf32> to vector<1x128xf32>
      %mul3A_1816 = vector.broadcast %broadcast_in_dim3A_1815 : vector<1x128xf32> to vector<64x128xf32>
      %mul3A_1817 = arith.mulf %get3A_1812, %mul3A_1816 : vector<64x128xf32>
      %add3A_1818 = arith.addf %add3A_1809, %mul3A_1817 : vector<64x128xf32>
      %get3A_1819 = arith.constant 0 : index
      %get3A_1820 = arith.constant 25728 : index
      %get3A_1821 = vector.load %arg1[%get3A_1819, %get3A_1820] : memref<64x32768xf32, #tpu.memory_space<vmem>>, vector<64x128xf32>
      %get3A_1822 = arith.constant 25728 : index
      %get3A_1823 = vector.load %arg2[%get3A_1822] : memref<32768xf32, #tpu.memory_space<vmem>>, vector<128xf32>
      %broadcast_in_dim3A_1824 = vector.shape_cast %get3A_1823 : vector<128xf32> to vector<1x128xf32>
      %mul3A_1825 = vector.broadcast %broadcast_in_dim3A_1824 : vector<1x128xf32> to vector<64x128xf32>
      %mul3A_1826 = arith.mulf %get3A_1821, %mul3A_1825 : vector<64x128xf32>
      %add3A_1827 = arith.addf %add3A_1818, %mul3A_1826 : vector<64x128xf32>
      %get3A_1828 = arith.constant 0 : index
      %get3A_1829 = arith.constant 25856 : index
      %get3A_1830 = vector.load %arg1[%get3A_1828, %get3A_1829] : memref<64x32768xf32, #tpu.memory_space<vmem>>, vector<64x128xf32>
      %get3A_1831 = arith.constant 25856 : index
      %get3A_1832 = vector.load %arg2[%get3A_1831] : memref<32768xf32, #tpu.memory_space<vmem>>, vector<128xf32>
      %broadcast_in_dim3A_1833 = vector.shape_cast %get3A_1832 : vector<128xf32> to vector<1x128xf32>
      %mul3A_1834 = vector.broadcast %broadcast_in_dim3A_1833 : vector<1x128xf32> to vector<64x128xf32>
      %mul3A_1835 = arith.mulf %get3A_1830, %mul3A_1834 : vector<64x128xf32>
      %add3A_1836 = arith.addf %add3A_1827, %mul3A_1835 : vector<64x128xf32>
      %get3A_1837 = arith.constant 0 : index
      %get3A_1838 = arith.constant 25984 : index
      %get3A_1839 = vector.load %arg1[%get3A_1837, %get3A_1838] : memref<64x32768xf32, #tpu.memory_space<vmem>>, vector<64x128xf32>
      %get3A_1840 = arith.constant 25984 : index
      %get3A_1841 = vector.load %arg2[%get3A_1840] : memref<32768xf32, #tpu.memory_space<vmem>>, vector<128xf32>
      %broadcast_in_dim3A_1842 = vector.shape_cast %get3A_1841 : vector<128xf32> to vector<1x128xf32>
      %mul3A_1843 = vector.broadcast %broadcast_in_dim3A_1842 : vector<1x128xf32> to vector<64x128xf32>
      %mul3A_1844 = arith.mulf %get3A_1839, %mul3A_1843 : vector<64x128xf32>
      %add3A_1845 = arith.addf %add3A_1836, %mul3A_1844 : vector<64x128xf32>
      %get3A_1846 = arith.constant 0 : index
      %get3A_1847 = arith.constant 26112 : index
      %get3A_1848 = vector.load %arg1[%get3A_1846, %get3A_1847] : memref<64x32768xf32, #tpu.memory_space<vmem>>, vector<64x128xf32>
      %get3A_1849 = arith.constant 26112 : index
      %get3A_1850 = vector.load %arg2[%get3A_1849] : memref<32768xf32, #tpu.memory_space<vmem>>, vector<128xf32>
      %broadcast_in_dim3A_1851 = vector.shape_cast %get3A_1850 : vector<128xf32> to vector<1x128xf32>
      %mul3A_1852 = vector.broadcast %broadcast_in_dim3A_1851 : vector<1x128xf32> to vector<64x128xf32>
      %mul3A_1853 = arith.mulf %get3A_1848, %mul3A_1852 : vector<64x128xf32>
      %add3A_1854 = arith.addf %add3A_1845, %mul3A_1853 : vector<64x128xf32>
      %get3A_1855 = arith.constant 0 : index
      %get3A_1856 = arith.constant 26240 : index
      %get3A_1857 = vector.load %arg1[%get3A_1855, %get3A_1856] : memref<64x32768xf32, #tpu.memory_space<vmem>>, vector<64x128xf32>
      %get3A_1858 = arith.constant 26240 : index
      %get3A_1859 = vector.load %arg2[%get3A_1858] : memref<32768xf32, #tpu.memory_space<vmem>>, vector<128xf32>
      %broadcast_in_dim3A_1860 = vector.shape_cast %get3A_1859 : vector<128xf32> to vector<1x128xf32>
      %mul3A_1861 = vector.broadcast %broadcast_in_dim3A_1860 : vector<1x128xf32> to vector<64x128xf32>
      %mul3A_1862 = arith.mulf %get3A_1857, %mul3A_1861 : vector<64x128xf32>
      %add3A_1863 = arith.addf %add3A_1854, %mul3A_1862 : vector<64x128xf32>
      %get3A_1864 = arith.constant 0 : index
      %get3A_1865 = arith.constant 26368 : index
      %get3A_1866 = vector.load %arg1[%get3A_1864, %get3A_1865] : memref<64x32768xf32, #tpu.memory_space<vmem>>, vector<64x128xf32>
      %get3A_1867 = arith.constant 26368 : index
      %get3A_1868 = vector.load %arg2[%get3A_1867] : memref<32768xf32, #tpu.memory_space<vmem>>, vector<128xf32>
      %broadcast_in_dim3A_1869 = vector.shape_cast %get3A_1868 : vector<128xf32> to vector<1x128xf32>
      %mul3A_1870 = vector.broadcast %broadcast_in_dim3A_1869 : vector<1x128xf32> to vector<64x128xf32>
      %mul3A_1871 = arith.mulf %get3A_1866, %mul3A_1870 : vector<64x128xf32>
      %add3A_1872 = arith.addf %add3A_1863, %mul3A_1871 : vector<64x128xf32>
      %get3A_1873 = arith.constant 0 : index
      %get3A_1874 = arith.constant 26496 : index
      %get3A_1875 = vector.load %arg1[%get3A_1873, %get3A_1874] : memref<64x32768xf32, #tpu.memory_space<vmem>>, vector<64x128xf32>
      %get3A_1876 = arith.constant 26496 : index
      %get3A_1877 = vector.load %arg2[%get3A_1876] : memref<32768xf32, #tpu.memory_space<vmem>>, vector<128xf32>
      %broadcast_in_dim3A_1878 = vector.shape_cast %get3A_1877 : vector<128xf32> to vector<1x128xf32>
      %mul3A_1879 = vector.broadcast %broadcast_in_dim3A_1878 : vector<1x128xf32> to vector<64x128xf32>
      %mul3A_1880 = arith.mulf %get3A_1875, %mul3A_1879 : vector<64x128xf32>
      %add3A_1881 = arith.addf %add3A_1872, %mul3A_1880 : vector<64x128xf32>
      %get3A_1882 = arith.constant 0 : index
      %get3A_1883 = arith.constant 26624 : index
      %get3A_1884 = vector.load %arg1[%get3A_1882, %get3A_1883] : memref<64x32768xf32, #tpu.memory_space<vmem>>, vector<64x128xf32>
      %get3A_1885 = arith.constant 26624 : index
      %get3A_1886 = vector.load %arg2[%get3A_1885] : memref<32768xf32, #tpu.memory_space<vmem>>, vector<128xf32>
      %broadcast_in_dim3A_1887 = vector.shape_cast %get3A_1886 : vector<128xf32> to vector<1x128xf32>
      %mul3A_1888 = vector.broadcast %broadcast_in_dim3A_1887 : vector<1x128xf32> to vector<64x128xf32>
      %mul3A_1889 = arith.mulf %get3A_1884, %mul3A_1888 : vector<64x128xf32>
      %add3A_1890 = arith.addf %add3A_1881, %mul3A_1889 : vector<64x128xf32>
      %get3A_1891 = arith.constant 0 : index
      %get3A_1892 = arith.constant 26752 : index
      %get3A_1893 = vector.load %arg1[%get3A_1891, %get3A_1892] : memref<64x32768xf32, #tpu.memory_space<vmem>>, vector<64x128xf32>
      %get3A_1894 = arith.constant 26752 : index
      %get3A_1895 = vector.load %arg2[%get3A_1894] : memref<32768xf32, #tpu.memory_space<vmem>>, vector<128xf32>
      %broadcast_in_dim3A_1896 = vector.shape_cast %get3A_1895 : vector<128xf32> to vector<1x128xf32>
      %mul3A_1897 = vector.broadcast %broadcast_in_dim3A_1896 : vector<1x128xf32> to vector<64x128xf32>
      %mul3A_1898 = arith.mulf %get3A_1893, %mul3A_1897 : vector<64x128xf32>
      %add3A_1899 = arith.addf %add3A_1890, %mul3A_1898 : vector<64x128xf32>
      %get3A_1900 = arith.constant 0 : index
      %get3A_1901 = arith.constant 26880 : index
      %get3A_1902 = vector.load %arg1[%get3A_1900, %get3A_1901] : memref<64x32768xf32, #tpu.memory_space<vmem>>, vector<64x128xf32>
      %get3A_1903 = arith.constant 26880 : index
      %get3A_1904 = vector.load %arg2[%get3A_1903] : memref<32768xf32, #tpu.memory_space<vmem>>, vector<128xf32>
      %broadcast_in_dim3A_1905 = vector.shape_cast %get3A_1904 : vector<128xf32> to vector<1x128xf32>
      %mul3A_1906 = vector.broadcast %broadcast_in_dim3A_1905 : vector<1x128xf32> to vector<64x128xf32>
      %mul3A_1907 = arith.mulf %get3A_1902, %mul3A_1906 : vector<64x128xf32>
      %add3A_1908 = arith.addf %add3A_1899, %mul3A_1907 : vector<64x128xf32>
      %get3A_1909 = arith.constant 0 : index
      %get3A_1910 = arith.constant 27008 : index
      %get3A_1911 = vector.load %arg1[%get3A_1909, %get3A_1910] : memref<64x32768xf32, #tpu.memory_space<vmem>>, vector<64x128xf32>
      %get3A_1912 = arith.constant 27008 : index
      %get3A_1913 = vector.load %arg2[%get3A_1912] : memref<32768xf32, #tpu.memory_space<vmem>>, vector<128xf32>
      %broadcast_in_dim3A_1914 = vector.shape_cast %get3A_1913 : vector<128xf32> to vector<1x128xf32>
      %mul3A_1915 = vector.broadcast %broadcast_in_dim3A_1914 : vector<1x128xf32> to vector<64x128xf32>
      %mul3A_1916 = arith.mulf %get3A_1911, %mul3A_1915 : vector<64x128xf32>
      %add3A_1917 = arith.addf %add3A_1908, %mul3A_1916 : vector<64x128xf32>
      %get3A_1918 = arith.constant 0 : index
      %get3A_1919 = arith.constant 27136 : index
      %get3A_1920 = vector.load %arg1[%get3A_1918, %get3A_1919] : memref<64x32768xf32, #tpu.memory_space<vmem>>, vector<64x128xf32>
      %get3A_1921 = arith.constant 27136 : index
      %get3A_1922 = vector.load %arg2[%get3A_1921] : memref<32768xf32, #tpu.memory_space<vmem>>, vector<128xf32>
      %broadcast_in_dim3A_1923 = vector.shape_cast %get3A_1922 : vector<128xf32> to vector<1x128xf32>
      %mul3A_1924 = vector.broadcast %broadcast_in_dim3A_1923 : vector<1x128xf32> to vector<64x128xf32>
      %mul3A_1925 = arith.mulf %get3A_1920, %mul3A_1924 : vector<64x128xf32>
      %add3A_1926 = arith.addf %add3A_1917, %mul3A_1925 : vector<64x128xf32>
      %get3A_1927 = arith.constant 0 : index
      %get3A_1928 = arith.constant 27264 : index
      %get3A_1929 = vector.load %arg1[%get3A_1927, %get3A_1928] : memref<64x32768xf32, #tpu.memory_space<vmem>>, vector<64x128xf32>
      %get3A_1930 = arith.constant 27264 : index
      %get3A_1931 = vector.load %arg2[%get3A_1930] : memref<32768xf32, #tpu.memory_space<vmem>>, vector<128xf32>
      %broadcast_in_dim3A_1932 = vector.shape_cast %get3A_1931 : vector<128xf32> to vector<1x128xf32>
      %mul3A_1933 = vector.broadcast %broadcast_in_dim3A_1932 : vector<1x128xf32> to vector<64x128xf32>
      %mul3A_1934 = arith.mulf %get3A_1929, %mul3A_1933 : vector<64x128xf32>
      %add3A_1935 = arith.addf %add3A_1926, %mul3A_1934 : vector<64x128xf32>
      %get3A_1936 = arith.constant 0 : index
      %get3A_1937 = arith.constant 27392 : index
      %get3A_1938 = vector.load %arg1[%get3A_1936, %get3A_1937] : memref<64x32768xf32, #tpu.memory_space<vmem>>, vector<64x128xf32>
      %get3A_1939 = arith.constant 27392 : index
      %get3A_1940 = vector.load %arg2[%get3A_1939] : memref<32768xf32, #tpu.memory_space<vmem>>, vector<128xf32>
      %broadcast_in_dim3A_1941 = vector.shape_cast %get3A_1940 : vector<128xf32> to vector<1x128xf32>
      %mul3A_1942 = vector.broadcast %broadcast_in_dim3A_1941 : vector<1x128xf32> to vector<64x128xf32>
      %mul3A_1943 = arith.mulf %get3A_1938, %mul3A_1942 : vector<64x128xf32>
      %add3A_1944 = arith.addf %add3A_1935, %mul3A_1943 : vector<64x128xf32>
      %get3A_1945 = arith.constant 0 : index
      %get3A_1946 = arith.constant 27520 : index
      %get3A_1947 = vector.load %arg1[%get3A_1945, %get3A_1946] : memref<64x32768xf32, #tpu.memory_space<vmem>>, vector<64x128xf32>
      %get3A_1948 = arith.constant 27520 : index
      %get3A_1949 = vector.load %arg2[%get3A_1948] : memref<32768xf32, #tpu.memory_space<vmem>>, vector<128xf32>
      %broadcast_in_dim3A_1950 = vector.shape_cast %get3A_1949 : vector<128xf32> to vector<1x128xf32>
      %mul3A_1951 = vector.broadcast %broadcast_in_dim3A_1950 : vector<1x128xf32> to vector<64x128xf32>
      %mul3A_1952 = arith.mulf %get3A_1947, %mul3A_1951 : vector<64x128xf32>
      %add3A_1953 = arith.addf %add3A_1944, %mul3A_1952 : vector<64x128xf32>
      %get3A_1954 = arith.constant 0 : index
      %get3A_1955 = arith.constant 27648 : index
      %get3A_1956 = vector.load %arg1[%get3A_1954, %get3A_1955] : memref<64x32768xf32, #tpu.memory_space<vmem>>, vector<64x128xf32>
      %get3A_1957 = arith.constant 27648 : index
      %get3A_1958 = vector.load %arg2[%get3A_1957] : memref<32768xf32, #tpu.memory_space<vmem>>, vector<128xf32>
      %broadcast_in_dim3A_1959 = vector.shape_cast %get3A_1958 : vector<128xf32> to vector<1x128xf32>
      %mul3A_1960 = vector.broadcast %broadcast_in_dim3A_1959 : vector<1x128xf32> to vector<64x128xf32>
      %mul3A_1961 = arith.mulf %get3A_1956, %mul3A_1960 : vector<64x128xf32>
      %add3A_1962 = arith.addf %add3A_1953, %mul3A_1961 : vector<64x128xf32>
      %get3A_1963 = arith.constant 0 : index
      %get3A_1964 = arith.constant 27776 : index
      %get3A_1965 = vector.load %arg1[%get3A_1963, %get3A_1964] : memref<64x32768xf32, #tpu.memory_space<vmem>>, vector<64x128xf32>
      %get3A_1966 = arith.constant 27776 : index
      %get3A_1967 = vector.load %arg2[%get3A_1966] : memref<32768xf32, #tpu.memory_space<vmem>>, vector<128xf32>
      %broadcast_in_dim3A_1968 = vector.shape_cast %get3A_1967 : vector<128xf32> to vector<1x128xf32>
      %mul3A_1969 = vector.broadcast %broadcast_in_dim3A_1968 : vector<1x128xf32> to vector<64x128xf32>
      %mul3A_1970 = arith.mulf %get3A_1965, %mul3A_1969 : vector<64x128xf32>
      %add3A_1971 = arith.addf %add3A_1962, %mul3A_1970 : vector<64x128xf32>
      %get3A_1972 = arith.constant 0 : index
      %get3A_1973 = arith.constant 27904 : index
      %get3A_1974 = vector.load %arg1[%get3A_1972, %get3A_1973] : memref<64x32768xf32, #tpu.memory_space<vmem>>, vector<64x128xf32>
      %get3A_1975 = arith.constant 27904 : index
      %get3A_1976 = vector.load %arg2[%get3A_1975] : memref<32768xf32, #tpu.memory_space<vmem>>, vector<128xf32>
      %broadcast_in_dim3A_1977 = vector.shape_cast %get3A_1976 : vector<128xf32> to vector<1x128xf32>
      %mul3A_1978 = vector.broadcast %broadcast_in_dim3A_1977 : vector<1x128xf32> to vector<64x128xf32>
      %mul3A_1979 = arith.mulf %get3A_1974, %mul3A_1978 : vector<64x128xf32>
      %add3A_1980 = arith.addf %add3A_1971, %mul3A_1979 : vector<64x128xf32>
      %get3A_1981 = arith.constant 0 : index
      %get3A_1982 = arith.constant 28032 : index
      %get3A_1983 = vector.load %arg1[%get3A_1981, %get3A_1982] : memref<64x32768xf32, #tpu.memory_space<vmem>>, vector<64x128xf32>
      %get3A_1984 = arith.constant 28032 : index
      %get3A_1985 = vector.load %arg2[%get3A_1984] : memref<32768xf32, #tpu.memory_space<vmem>>, vector<128xf32>
      %broadcast_in_dim3A_1986 = vector.shape_cast %get3A_1985 : vector<128xf32> to vector<1x128xf32>
      %mul3A_1987 = vector.broadcast %broadcast_in_dim3A_1986 : vector<1x128xf32> to vector<64x128xf32>
      %mul3A_1988 = arith.mulf %get3A_1983, %mul3A_1987 : vector<64x128xf32>
      %add3A_1989 = arith.addf %add3A_1980, %mul3A_1988 : vector<64x128xf32>
      %get3A_1990 = arith.constant 0 : index
      %get3A_1991 = arith.constant 28160 : index
      %get3A_1992 = vector.load %arg1[%get3A_1990, %get3A_1991] : memref<64x32768xf32, #tpu.memory_space<vmem>>, vector<64x128xf32>
      %get3A_1993 = arith.constant 28160 : index
      %get3A_1994 = vector.load %arg2[%get3A_1993] : memref<32768xf32, #tpu.memory_space<vmem>>, vector<128xf32>
      %broadcast_in_dim3A_1995 = vector.shape_cast %get3A_1994 : vector<128xf32> to vector<1x128xf32>
      %mul3A_1996 = vector.broadcast %broadcast_in_dim3A_1995 : vector<1x128xf32> to vector<64x128xf32>
      %mul3A_1997 = arith.mulf %get3A_1992, %mul3A_1996 : vector<64x128xf32>
      %add3A_1998 = arith.addf %add3A_1989, %mul3A_1997 : vector<64x128xf32>
      %get3A_1999 = arith.constant 0 : index
      %get3A_2000 = arith.constant 28288 : index
      %get3A_2001 = vector.load %arg1[%get3A_1999, %get3A_2000] : memref<64x32768xf32, #tpu.memory_space<vmem>>, vector<64x128xf32>
      %get3A_2002 = arith.constant 28288 : index
      %get3A_2003 = vector.load %arg2[%get3A_2002] : memref<32768xf32, #tpu.memory_space<vmem>>, vector<128xf32>
      %broadcast_in_dim3A_2004 = vector.shape_cast %get3A_2003 : vector<128xf32> to vector<1x128xf32>
      %mul3A_2005 = vector.broadcast %broadcast_in_dim3A_2004 : vector<1x128xf32> to vector<64x128xf32>
      %mul3A_2006 = arith.mulf %get3A_2001, %mul3A_2005 : vector<64x128xf32>
      %add3A_2007 = arith.addf %add3A_1998, %mul3A_2006 : vector<64x128xf32>
      %get3A_2008 = arith.constant 0 : index
      %get3A_2009 = arith.constant 28416 : index
      %get3A_2010 = vector.load %arg1[%get3A_2008, %get3A_2009] : memref<64x32768xf32, #tpu.memory_space<vmem>>, vector<64x128xf32>
      %get3A_2011 = arith.constant 28416 : index
      %get3A_2012 = vector.load %arg2[%get3A_2011] : memref<32768xf32, #tpu.memory_space<vmem>>, vector<128xf32>
      %broadcast_in_dim3A_2013 = vector.shape_cast %get3A_2012 : vector<128xf32> to vector<1x128xf32>
      %mul3A_2014 = vector.broadcast %broadcast_in_dim3A_2013 : vector<1x128xf32> to vector<64x128xf32>
      %mul3A_2015 = arith.mulf %get3A_2010, %mul3A_2014 : vector<64x128xf32>
      %add3A_2016 = arith.addf %add3A_2007, %mul3A_2015 : vector<64x128xf32>
      %get3A_2017 = arith.constant 0 : index
      %get3A_2018 = arith.constant 28544 : index
      %get3A_2019 = vector.load %arg1[%get3A_2017, %get3A_2018] : memref<64x32768xf32, #tpu.memory_space<vmem>>, vector<64x128xf32>
      %get3A_2020 = arith.constant 28544 : index
      %get3A_2021 = vector.load %arg2[%get3A_2020] : memref<32768xf32, #tpu.memory_space<vmem>>, vector<128xf32>
      %broadcast_in_dim3A_2022 = vector.shape_cast %get3A_2021 : vector<128xf32> to vector<1x128xf32>
      %mul3A_2023 = vector.broadcast %broadcast_in_dim3A_2022 : vector<1x128xf32> to vector<64x128xf32>
      %mul3A_2024 = arith.mulf %get3A_2019, %mul3A_2023 : vector<64x128xf32>
      %add3A_2025 = arith.addf %add3A_2016, %mul3A_2024 : vector<64x128xf32>
      %get3A_2026 = arith.constant 0 : index
      %get3A_2027 = arith.constant 28672 : index
      %get3A_2028 = vector.load %arg1[%get3A_2026, %get3A_2027] : memref<64x32768xf32, #tpu.memory_space<vmem>>, vector<64x128xf32>
      %get3A_2029 = arith.constant 28672 : index
      %get3A_2030 = vector.load %arg2[%get3A_2029] : memref<32768xf32, #tpu.memory_space<vmem>>, vector<128xf32>
      %broadcast_in_dim3A_2031 = vector.shape_cast %get3A_2030 : vector<128xf32> to vector<1x128xf32>
      %mul3A_2032 = vector.broadcast %broadcast_in_dim3A_2031 : vector<1x128xf32> to vector<64x128xf32>
      %mul3A_2033 = arith.mulf %get3A_2028, %mul3A_2032 : vector<64x128xf32>
      %add3A_2034 = arith.addf %add3A_2025, %mul3A_2033 : vector<64x128xf32>
      %get3A_2035 = arith.constant 0 : index
      %get3A_2036 = arith.constant 28800 : index
      %get3A_2037 = vector.load %arg1[%get3A_2035, %get3A_2036] : memref<64x32768xf32, #tpu.memory_space<vmem>>, vector<64x128xf32>
      %get3A_2038 = arith.constant 28800 : index
      %get3A_2039 = vector.load %arg2[%get3A_2038] : memref<32768xf32, #tpu.memory_space<vmem>>, vector<128xf32>
      %broadcast_in_dim3A_2040 = vector.shape_cast %get3A_2039 : vector<128xf32> to vector<1x128xf32>
      %mul3A_2041 = vector.broadcast %broadcast_in_dim3A_2040 : vector<1x128xf32> to vector<64x128xf32>
      %mul3A_2042 = arith.mulf %get3A_2037, %mul3A_2041 : vector<64x128xf32>
      %add3A_2043 = arith.addf %add3A_2034, %mul3A_2042 : vector<64x128xf32>
      %get3A_2044 = arith.constant 0 : index
      %get3A_2045 = arith.constant 28928 : index
      %get3A_2046 = vector.load %arg1[%get3A_2044, %get3A_2045] : memref<64x32768xf32, #tpu.memory_space<vmem>>, vector<64x128xf32>
      %get3A_2047 = arith.constant 28928 : index
      %get3A_2048 = vector.load %arg2[%get3A_2047] : memref<32768xf32, #tpu.memory_space<vmem>>, vector<128xf32>
      %broadcast_in_dim3A_2049 = vector.shape_cast %get3A_2048 : vector<128xf32> to vector<1x128xf32>
      %mul3A_2050 = vector.broadcast %broadcast_in_dim3A_2049 : vector<1x128xf32> to vector<64x128xf32>
      %mul3A_2051 = arith.mulf %get3A_2046, %mul3A_2050 : vector<64x128xf32>
      %add3A_2052 = arith.addf %add3A_2043, %mul3A_2051 : vector<64x128xf32>
      %get3A_2053 = arith.constant 0 : index
      %get3A_2054 = arith.constant 29056 : index
      %get3A_2055 = vector.load %arg1[%get3A_2053, %get3A_2054] : memref<64x32768xf32, #tpu.memory_space<vmem>>, vector<64x128xf32>
      %get3A_2056 = arith.constant 29056 : index
      %get3A_2057 = vector.load %arg2[%get3A_2056] : memref<32768xf32, #tpu.memory_space<vmem>>, vector<128xf32>
      %broadcast_in_dim3A_2058 = vector.shape_cast %get3A_2057 : vector<128xf32> to vector<1x128xf32>
      %mul3A_2059 = vector.broadcast %broadcast_in_dim3A_2058 : vector<1x128xf32> to vector<64x128xf32>
      %mul3A_2060 = arith.mulf %get3A_2055, %mul3A_2059 : vector<64x128xf32>
      %add3A_2061 = arith.addf %add3A_2052, %mul3A_2060 : vector<64x128xf32>
      %get3A_2062 = arith.constant 0 : index
      %get3A_2063 = arith.constant 29184 : index
      %get3A_2064 = vector.load %arg1[%get3A_2062, %get3A_2063] : memref<64x32768xf32, #tpu.memory_space<vmem>>, vector<64x128xf32>
      %get3A_2065 = arith.constant 29184 : index
      %get3A_2066 = vector.load %arg2[%get3A_2065] : memref<32768xf32, #tpu.memory_space<vmem>>, vector<128xf32>
      %broadcast_in_dim3A_2067 = vector.shape_cast %get3A_2066 : vector<128xf32> to vector<1x128xf32>
      %mul3A_2068 = vector.broadcast %broadcast_in_dim3A_2067 : vector<1x128xf32> to vector<64x128xf32>
      %mul3A_2069 = arith.mulf %get3A_2064, %mul3A_2068 : vector<64x128xf32>
      %add3A_2070 = arith.addf %add3A_2061, %mul3A_2069 : vector<64x128xf32>
      %get3A_2071 = arith.constant 0 : index
      %get3A_2072 = arith.constant 29312 : index
      %get3A_2073 = vector.load %arg1[%get3A_2071, %get3A_2072] : memref<64x32768xf32, #tpu.memory_space<vmem>>, vector<64x128xf32>
      %get3A_2074 = arith.constant 29312 : index
      %get3A_2075 = vector.load %arg2[%get3A_2074] : memref<32768xf32, #tpu.memory_space<vmem>>, vector<128xf32>
      %broadcast_in_dim3A_2076 = vector.shape_cast %get3A_2075 : vector<128xf32> to vector<1x128xf32>
      %mul3A_2077 = vector.broadcast %broadcast_in_dim3A_2076 : vector<1x128xf32> to vector<64x128xf32>
      %mul3A_2078 = arith.mulf %get3A_2073, %mul3A_2077 : vector<64x128xf32>
      %add3A_2079 = arith.addf %add3A_2070, %mul3A_2078 : vector<64x128xf32>
      %get3A_2080 = arith.constant 0 : index
      %get3A_2081 = arith.constant 29440 : index
      %get3A_2082 = vector.load %arg1[%get3A_2080, %get3A_2081] : memref<64x32768xf32, #tpu.memory_space<vmem>>, vector<64x128xf32>
      %get3A_2083 = arith.constant 29440 : index
      %get3A_2084 = vector.load %arg2[%get3A_2083] : memref<32768xf32, #tpu.memory_space<vmem>>, vector<128xf32>
      %broadcast_in_dim3A_2085 = vector.shape_cast %get3A_2084 : vector<128xf32> to vector<1x128xf32>
      %mul3A_2086 = vector.broadcast %broadcast_in_dim3A_2085 : vector<1x128xf32> to vector<64x128xf32>
      %mul3A_2087 = arith.mulf %get3A_2082, %mul3A_2086 : vector<64x128xf32>
      %add3A_2088 = arith.addf %add3A_2079, %mul3A_2087 : vector<64x128xf32>
      %get3A_2089 = arith.constant 0 : index
      %get3A_2090 = arith.constant 29568 : index
      %get3A_2091 = vector.load %arg1[%get3A_2089, %get3A_2090] : memref<64x32768xf32, #tpu.memory_space<vmem>>, vector<64x128xf32>
      %get3A_2092 = arith.constant 29568 : index
      %get3A_2093 = vector.load %arg2[%get3A_2092] : memref<32768xf32, #tpu.memory_space<vmem>>, vector<128xf32>
      %broadcast_in_dim3A_2094 = vector.shape_cast %get3A_2093 : vector<128xf32> to vector<1x128xf32>
      %mul3A_2095 = vector.broadcast %broadcast_in_dim3A_2094 : vector<1x128xf32> to vector<64x128xf32>
      %mul3A_2096 = arith.mulf %get3A_2091, %mul3A_2095 : vector<64x128xf32>
      %add3A_2097 = arith.addf %add3A_2088, %mul3A_2096 : vector<64x128xf32>
      %get3A_2098 = arith.constant 0 : index
      %get3A_2099 = arith.constant 29696 : index
      %get3A_2100 = vector.load %arg1[%get3A_2098, %get3A_2099] : memref<64x32768xf32, #tpu.memory_space<vmem>>, vector<64x128xf32>
      %get3A_2101 = arith.constant 29696 : index
      %get3A_2102 = vector.load %arg2[%get3A_2101] : memref<32768xf32, #tpu.memory_space<vmem>>, vector<128xf32>
      %broadcast_in_dim3A_2103 = vector.shape_cast %get3A_2102 : vector<128xf32> to vector<1x128xf32>
      %mul3A_2104 = vector.broadcast %broadcast_in_dim3A_2103 : vector<1x128xf32> to vector<64x128xf32>
      %mul3A_2105 = arith.mulf %get3A_2100, %mul3A_2104 : vector<64x128xf32>
      %add3A_2106 = arith.addf %add3A_2097, %mul3A_2105 : vector<64x128xf32>
      %get3A_2107 = arith.constant 0 : index
      %get3A_2108 = arith.constant 29824 : index
      %get3A_2109 = vector.load %arg1[%get3A_2107, %get3A_2108] : memref<64x32768xf32, #tpu.memory_space<vmem>>, vector<64x128xf32>
      %get3A_2110 = arith.constant 29824 : index
      %get3A_2111 = vector.load %arg2[%get3A_2110] : memref<32768xf32, #tpu.memory_space<vmem>>, vector<128xf32>
      %broadcast_in_dim3A_2112 = vector.shape_cast %get3A_2111 : vector<128xf32> to vector<1x128xf32>
      %mul3A_2113 = vector.broadcast %broadcast_in_dim3A_2112 : vector<1x128xf32> to vector<64x128xf32>
      %mul3A_2114 = arith.mulf %get3A_2109, %mul3A_2113 : vector<64x128xf32>
      %add3A_2115 = arith.addf %add3A_2106, %mul3A_2114 : vector<64x128xf32>
      %get3A_2116 = arith.constant 0 : index
      %get3A_2117 = arith.constant 29952 : index
      %get3A_2118 = vector.load %arg1[%get3A_2116, %get3A_2117] : memref<64x32768xf32, #tpu.memory_space<vmem>>, vector<64x128xf32>
      %get3A_2119 = arith.constant 29952 : index
      %get3A_2120 = vector.load %arg2[%get3A_2119] : memref<32768xf32, #tpu.memory_space<vmem>>, vector<128xf32>
      %broadcast_in_dim3A_2121 = vector.shape_cast %get3A_2120 : vector<128xf32> to vector<1x128xf32>
      %mul3A_2122 = vector.broadcast %broadcast_in_dim3A_2121 : vector<1x128xf32> to vector<64x128xf32>
      %mul3A_2123 = arith.mulf %get3A_2118, %mul3A_2122 : vector<64x128xf32>
      %add3A_2124 = arith.addf %add3A_2115, %mul3A_2123 : vector<64x128xf32>
      %get3A_2125 = arith.constant 0 : index
      %get3A_2126 = arith.constant 30080 : index
      %get3A_2127 = vector.load %arg1[%get3A_2125, %get3A_2126] : memref<64x32768xf32, #tpu.memory_space<vmem>>, vector<64x128xf32>
      %get3A_2128 = arith.constant 30080 : index
      %get3A_2129 = vector.load %arg2[%get3A_2128] : memref<32768xf32, #tpu.memory_space<vmem>>, vector<128xf32>
      %broadcast_in_dim3A_2130 = vector.shape_cast %get3A_2129 : vector<128xf32> to vector<1x128xf32>
      %mul3A_2131 = vector.broadcast %broadcast_in_dim3A_2130 : vector<1x128xf32> to vector<64x128xf32>
      %mul3A_2132 = arith.mulf %get3A_2127, %mul3A_2131 : vector<64x128xf32>
      %add3A_2133 = arith.addf %add3A_2124, %mul3A_2132 : vector<64x128xf32>
      %get3A_2134 = arith.constant 0 : index
      %get3A_2135 = arith.constant 30208 : index
      %get3A_2136 = vector.load %arg1[%get3A_2134, %get3A_2135] : memref<64x32768xf32, #tpu.memory_space<vmem>>, vector<64x128xf32>
      %get3A_2137 = arith.constant 30208 : index
      %get3A_2138 = vector.load %arg2[%get3A_2137] : memref<32768xf32, #tpu.memory_space<vmem>>, vector<128xf32>
      %broadcast_in_dim3A_2139 = vector.shape_cast %get3A_2138 : vector<128xf32> to vector<1x128xf32>
      %mul3A_2140 = vector.broadcast %broadcast_in_dim3A_2139 : vector<1x128xf32> to vector<64x128xf32>
      %mul3A_2141 = arith.mulf %get3A_2136, %mul3A_2140 : vector<64x128xf32>
      %add3A_2142 = arith.addf %add3A_2133, %mul3A_2141 : vector<64x128xf32>
      %get3A_2143 = arith.constant 0 : index
      %get3A_2144 = arith.constant 30336 : index
      %get3A_2145 = vector.load %arg1[%get3A_2143, %get3A_2144] : memref<64x32768xf32, #tpu.memory_space<vmem>>, vector<64x128xf32>
      %get3A_2146 = arith.constant 30336 : index
      %get3A_2147 = vector.load %arg2[%get3A_2146] : memref<32768xf32, #tpu.memory_space<vmem>>, vector<128xf32>
      %broadcast_in_dim3A_2148 = vector.shape_cast %get3A_2147 : vector<128xf32> to vector<1x128xf32>
      %mul3A_2149 = vector.broadcast %broadcast_in_dim3A_2148 : vector<1x128xf32> to vector<64x128xf32>
      %mul3A_2150 = arith.mulf %get3A_2145, %mul3A_2149 : vector<64x128xf32>
      %add3A_2151 = arith.addf %add3A_2142, %mul3A_2150 : vector<64x128xf32>
      %get3A_2152 = arith.constant 0 : index
      %get3A_2153 = arith.constant 30464 : index
      %get3A_2154 = vector.load %arg1[%get3A_2152, %get3A_2153] : memref<64x32768xf32, #tpu.memory_space<vmem>>, vector<64x128xf32>
      %get3A_2155 = arith.constant 30464 : index
      %get3A_2156 = vector.load %arg2[%get3A_2155] : memref<32768xf32, #tpu.memory_space<vmem>>, vector<128xf32>
      %broadcast_in_dim3A_2157 = vector.shape_cast %get3A_2156 : vector<128xf32> to vector<1x128xf32>
      %mul3A_2158 = vector.broadcast %broadcast_in_dim3A_2157 : vector<1x128xf32> to vector<64x128xf32>
      %mul3A_2159 = arith.mulf %get3A_2154, %mul3A_2158 : vector<64x128xf32>
      %add3A_2160 = arith.addf %add3A_2151, %mul3A_2159 : vector<64x128xf32>
      %get3A_2161 = arith.constant 0 : index
      %get3A_2162 = arith.constant 30592 : index
      %get3A_2163 = vector.load %arg1[%get3A_2161, %get3A_2162] : memref<64x32768xf32, #tpu.memory_space<vmem>>, vector<64x128xf32>
      %get3A_2164 = arith.constant 30592 : index
      %get3A_2165 = vector.load %arg2[%get3A_2164] : memref<32768xf32, #tpu.memory_space<vmem>>, vector<128xf32>
      %broadcast_in_dim3A_2166 = vector.shape_cast %get3A_2165 : vector<128xf32> to vector<1x128xf32>
      %mul3A_2167 = vector.broadcast %broadcast_in_dim3A_2166 : vector<1x128xf32> to vector<64x128xf32>
      %mul3A_2168 = arith.mulf %get3A_2163, %mul3A_2167 : vector<64x128xf32>
      %add3A_2169 = arith.addf %add3A_2160, %mul3A_2168 : vector<64x128xf32>
      %get3A_2170 = arith.constant 0 : index
      %get3A_2171 = arith.constant 30720 : index
      %get3A_2172 = vector.load %arg1[%get3A_2170, %get3A_2171] : memref<64x32768xf32, #tpu.memory_space<vmem>>, vector<64x128xf32>
      %get3A_2173 = arith.constant 30720 : index
      %get3A_2174 = vector.load %arg2[%get3A_2173] : memref<32768xf32, #tpu.memory_space<vmem>>, vector<128xf32>
      %broadcast_in_dim3A_2175 = vector.shape_cast %get3A_2174 : vector<128xf32> to vector<1x128xf32>
      %mul3A_2176 = vector.broadcast %broadcast_in_dim3A_2175 : vector<1x128xf32> to vector<64x128xf32>
      %mul3A_2177 = arith.mulf %get3A_2172, %mul3A_2176 : vector<64x128xf32>
      %add3A_2178 = arith.addf %add3A_2169, %mul3A_2177 : vector<64x128xf32>
      %get3A_2179 = arith.constant 0 : index
      %get3A_2180 = arith.constant 30848 : index
      %get3A_2181 = vector.load %arg1[%get3A_2179, %get3A_2180] : memref<64x32768xf32, #tpu.memory_space<vmem>>, vector<64x128xf32>
      %get3A_2182 = arith.constant 30848 : index
      %get3A_2183 = vector.load %arg2[%get3A_2182] : memref<32768xf32, #tpu.memory_space<vmem>>, vector<128xf32>
      %broadcast_in_dim3A_2184 = vector.shape_cast %get3A_2183 : vector<128xf32> to vector<1x128xf32>
      %mul3A_2185 = vector.broadcast %broadcast_in_dim3A_2184 : vector<1x128xf32> to vector<64x128xf32>
      %mul3A_2186 = arith.mulf %get3A_2181, %mul3A_2185 : vector<64x128xf32>
      %add3A_2187 = arith.addf %add3A_2178, %mul3A_2186 : vector<64x128xf32>
      %get3A_2188 = arith.constant 0 : index
      %get3A_2189 = arith.constant 30976 : index
      %get3A_2190 = vector.load %arg1[%get3A_2188, %get3A_2189] : memref<64x32768xf32, #tpu.memory_space<vmem>>, vector<64x128xf32>
      %get3A_2191 = arith.constant 30976 : index
      %get3A_2192 = vector.load %arg2[%get3A_2191] : memref<32768xf32, #tpu.memory_space<vmem>>, vector<128xf32>
      %broadcast_in_dim3A_2193 = vector.shape_cast %get3A_2192 : vector<128xf32> to vector<1x128xf32>
      %mul3A_2194 = vector.broadcast %broadcast_in_dim3A_2193 : vector<1x128xf32> to vector<64x128xf32>
      %mul3A_2195 = arith.mulf %get3A_2190, %mul3A_2194 : vector<64x128xf32>
      %add3A_2196 = arith.addf %add3A_2187, %mul3A_2195 : vector<64x128xf32>
      %get3A_2197 = arith.constant 0 : index
      %get3A_2198 = arith.constant 31104 : index
      %get3A_2199 = vector.load %arg1[%get3A_2197, %get3A_2198] : memref<64x32768xf32, #tpu.memory_space<vmem>>, vector<64x128xf32>
      %get3A_2200 = arith.constant 31104 : index
      %get3A_2201 = vector.load %arg2[%get3A_2200] : memref<32768xf32, #tpu.memory_space<vmem>>, vector<128xf32>
      %broadcast_in_dim3A_2202 = vector.shape_cast %get3A_2201 : vector<128xf32> to vector<1x128xf32>
      %mul3A_2203 = vector.broadcast %broadcast_in_dim3A_2202 : vector<1x128xf32> to vector<64x128xf32>
      %mul3A_2204 = arith.mulf %get3A_2199, %mul3A_2203 : vector<64x128xf32>
      %add3A_2205 = arith.addf %add3A_2196, %mul3A_2204 : vector<64x128xf32>
      %get3A_2206 = arith.constant 0 : index
      %get3A_2207 = arith.constant 31232 : index
      %get3A_2208 = vector.load %arg1[%get3A_2206, %get3A_2207] : memref<64x32768xf32, #tpu.memory_space<vmem>>, vector<64x128xf32>
      %get3A_2209 = arith.constant 31232 : index
      %get3A_2210 = vector.load %arg2[%get3A_2209] : memref<32768xf32, #tpu.memory_space<vmem>>, vector<128xf32>
      %broadcast_in_dim3A_2211 = vector.shape_cast %get3A_2210 : vector<128xf32> to vector<1x128xf32>
      %mul3A_2212 = vector.broadcast %broadcast_in_dim3A_2211 : vector<1x128xf32> to vector<64x128xf32>
      %mul3A_2213 = arith.mulf %get3A_2208, %mul3A_2212 : vector<64x128xf32>
      %add3A_2214 = arith.addf %add3A_2205, %mul3A_2213 : vector<64x128xf32>
      %get3A_2215 = arith.constant 0 : index
      %get3A_2216 = arith.constant 31360 : index
      %get3A_2217 = vector.load %arg1[%get3A_2215, %get3A_2216] : memref<64x32768xf32, #tpu.memory_space<vmem>>, vector<64x128xf32>
      %get3A_2218 = arith.constant 31360 : index
      %get3A_2219 = vector.load %arg2[%get3A_2218] : memref<32768xf32, #tpu.memory_space<vmem>>, vector<128xf32>
      %broadcast_in_dim3A_2220 = vector.shape_cast %get3A_2219 : vector<128xf32> to vector<1x128xf32>
      %mul3A_2221 = vector.broadcast %broadcast_in_dim3A_2220 : vector<1x128xf32> to vector<64x128xf32>
      %mul3A_2222 = arith.mulf %get3A_2217, %mul3A_2221 : vector<64x128xf32>
      %add3A_2223 = arith.addf %add3A_2214, %mul3A_2222 : vector<64x128xf32>
      %get3A_2224 = arith.constant 0 : index
      %get3A_2225 = arith.constant 31488 : index
      %get3A_2226 = vector.load %arg1[%get3A_2224, %get3A_2225] : memref<64x32768xf32, #tpu.memory_space<vmem>>, vector<64x128xf32>
      %get3A_2227 = arith.constant 31488 : index
      %get3A_2228 = vector.load %arg2[%get3A_2227] : memref<32768xf32, #tpu.memory_space<vmem>>, vector<128xf32>
      %broadcast_in_dim3A_2229 = vector.shape_cast %get3A_2228 : vector<128xf32> to vector<1x128xf32>
      %mul3A_2230 = vector.broadcast %broadcast_in_dim3A_2229 : vector<1x128xf32> to vector<64x128xf32>
      %mul3A_2231 = arith.mulf %get3A_2226, %mul3A_2230 : vector<64x128xf32>
      %add3A_2232 = arith.addf %add3A_2223, %mul3A_2231 : vector<64x128xf32>
      %get3A_2233 = arith.constant 0 : index
      %get3A_2234 = arith.constant 31616 : index
      %get3A_2235 = vector.load %arg1[%get3A_2233, %get3A_2234] : memref<64x32768xf32, #tpu.memory_space<vmem>>, vector<64x128xf32>
      %get3A_2236 = arith.constant 31616 : index
      %get3A_2237 = vector.load %arg2[%get3A_2236] : memref<32768xf32, #tpu.memory_space<vmem>>, vector<128xf32>
      %broadcast_in_dim3A_2238 = vector.shape_cast %get3A_2237 : vector<128xf32> to vector<1x128xf32>
      %mul3A_2239 = vector.broadcast %broadcast_in_dim3A_2238 : vector<1x128xf32> to vector<64x128xf32>
      %mul3A_2240 = arith.mulf %get3A_2235, %mul3A_2239 : vector<64x128xf32>
      %add3A_2241 = arith.addf %add3A_2232, %mul3A_2240 : vector<64x128xf32>
      %get3A_2242 = arith.constant 0 : index
      %get3A_2243 = arith.constant 31744 : index
      %get3A_2244 = vector.load %arg1[%get3A_2242, %get3A_2243] : memref<64x32768xf32, #tpu.memory_space<vmem>>, vector<64x128xf32>
      %get3A_2245 = arith.constant 31744 : index
      %get3A_2246 = vector.load %arg2[%get3A_2245] : memref<32768xf32, #tpu.memory_space<vmem>>, vector<128xf32>
      %broadcast_in_dim3A_2247 = vector.shape_cast %get3A_2246 : vector<128xf32> to vector<1x128xf32>
      %mul3A_2248 = vector.broadcast %broadcast_in_dim3A_2247 : vector<1x128xf32> to vector<64x128xf32>
      %mul3A_2249 = arith.mulf %get3A_2244, %mul3A_2248 : vector<64x128xf32>
      %add3A_2250 = arith.addf %add3A_2241, %mul3A_2249 : vector<64x128xf32>
      %get3A_2251 = arith.constant 0 : index
      %get3A_2252 = arith.constant 31872 : index
      %get3A_2253 = vector.load %arg1[%get3A_2251, %get3A_2252] : memref<64x32768xf32, #tpu.memory_space<vmem>>, vector<64x128xf32>
      %get3A_2254 = arith.constant 31872 : index
      %get3A_2255 = vector.load %arg2[%get3A_2254] : memref<32768xf32, #tpu.memory_space<vmem>>, vector<128xf32>
      %broadcast_in_dim3A_2256 = vector.shape_cast %get3A_2255 : vector<128xf32> to vector<1x128xf32>
      %mul3A_2257 = vector.broadcast %broadcast_in_dim3A_2256 : vector<1x128xf32> to vector<64x128xf32>
      %mul3A_2258 = arith.mulf %get3A_2253, %mul3A_2257 : vector<64x128xf32>
      %add3A_2259 = arith.addf %add3A_2250, %mul3A_2258 : vector<64x128xf32>
      %get3A_2260 = arith.constant 0 : index
      %get3A_2261 = arith.constant 32000 : index
      %get3A_2262 = vector.load %arg1[%get3A_2260, %get3A_2261] : memref<64x32768xf32, #tpu.memory_space<vmem>>, vector<64x128xf32>
      %get3A_2263 = arith.constant 32000 : index
      %get3A_2264 = vector.load %arg2[%get3A_2263] : memref<32768xf32, #tpu.memory_space<vmem>>, vector<128xf32>
      %broadcast_in_dim3A_2265 = vector.shape_cast %get3A_2264 : vector<128xf32> to vector<1x128xf32>
      %mul3A_2266 = vector.broadcast %broadcast_in_dim3A_2265 : vector<1x128xf32> to vector<64x128xf32>
      %mul3A_2267 = arith.mulf %get3A_2262, %mul3A_2266 : vector<64x128xf32>
      %add3A_2268 = arith.addf %add3A_2259, %mul3A_2267 : vector<64x128xf32>
      %get3A_2269 = arith.constant 0 : index
      %get3A_2270 = arith.constant 32128 : index
      %get3A_2271 = vector.load %arg1[%get3A_2269, %get3A_2270] : memref<64x32768xf32, #tpu.memory_space<vmem>>, vector<64x128xf32>
      %get3A_2272 = arith.constant 32128 : index
      %get3A_2273 = vector.load %arg2[%get3A_2272] : memref<32768xf32, #tpu.memory_space<vmem>>, vector<128xf32>
      %broadcast_in_dim3A_2274 = vector.shape_cast %get3A_2273 : vector<128xf32> to vector<1x128xf32>
      %mul3A_2275 = vector.broadcast %broadcast_in_dim3A_2274 : vector<1x128xf32> to vector<64x128xf32>
      %mul3A_2276 = arith.mulf %get3A_2271, %mul3A_2275 : vector<64x128xf32>
      %add3A_2277 = arith.addf %add3A_2268, %mul3A_2276 : vector<64x128xf32>
      %get3A_2278 = arith.constant 0 : index
      %get3A_2279 = arith.constant 32256 : index
      %get3A_2280 = vector.load %arg1[%get3A_2278, %get3A_2279] : memref<64x32768xf32, #tpu.memory_space<vmem>>, vector<64x128xf32>
      %get3A_2281 = arith.constant 32256 : index
      %get3A_2282 = vector.load %arg2[%get3A_2281] : memref<32768xf32, #tpu.memory_space<vmem>>, vector<128xf32>
      %broadcast_in_dim3A_2283 = vector.shape_cast %get3A_2282 : vector<128xf32> to vector<1x128xf32>
      %mul3A_2284 = vector.broadcast %broadcast_in_dim3A_2283 : vector<1x128xf32> to vector<64x128xf32>
      %mul3A_2285 = arith.mulf %get3A_2280, %mul3A_2284 : vector<64x128xf32>
      %add3A_2286 = arith.addf %add3A_2277, %mul3A_2285 : vector<64x128xf32>
      %get3A_2287 = arith.constant 0 : index
      %get3A_2288 = arith.constant 32384 : index
      %get3A_2289 = vector.load %arg1[%get3A_2287, %get3A_2288] : memref<64x32768xf32, #tpu.memory_space<vmem>>, vector<64x128xf32>
      %get3A_2290 = arith.constant 32384 : index
      %get3A_2291 = vector.load %arg2[%get3A_2290] : memref<32768xf32, #tpu.memory_space<vmem>>, vector<128xf32>
      %broadcast_in_dim3A_2292 = vector.shape_cast %get3A_2291 : vector<128xf32> to vector<1x128xf32>
      %mul3A_2293 = vector.broadcast %broadcast_in_dim3A_2292 : vector<1x128xf32> to vector<64x128xf32>
      %mul3A_2294 = arith.mulf %get3A_2289, %mul3A_2293 : vector<64x128xf32>
      %add3A_2295 = arith.addf %add3A_2286, %mul3A_2294 : vector<64x128xf32>
      %get3A_2296 = arith.constant 0 : index
      %get3A_2297 = arith.constant 32512 : index
      %get3A_2298 = vector.load %arg1[%get3A_2296, %get3A_2297] : memref<64x32768xf32, #tpu.memory_space<vmem>>, vector<64x128xf32>
      %get3A_2299 = arith.constant 32512 : index
      %get3A_2300 = vector.load %arg2[%get3A_2299] : memref<32768xf32, #tpu.memory_space<vmem>>, vector<128xf32>
      %broadcast_in_dim3A_2301 = vector.shape_cast %get3A_2300 : vector<128xf32> to vector<1x128xf32>
      %mul3A_2302 = vector.broadcast %broadcast_in_dim3A_2301 : vector<1x128xf32> to vector<64x128xf32>
      %mul3A_2303 = arith.mulf %get3A_2298, %mul3A_2302 : vector<64x128xf32>
      %add3A_2304 = arith.addf %add3A_2295, %mul3A_2303 : vector<64x128xf32>
      %get3A_2305 = arith.constant 0 : index
      %get3A_2306 = arith.constant 32640 : index
      %get3A_2307 = vector.load %arg1[%get3A_2305, %get3A_2306] : memref<64x32768xf32, #tpu.memory_space<vmem>>, vector<64x128xf32>
      %get3A_2308 = arith.constant 32640 : index
      %get3A_2309 = vector.load %arg2[%get3A_2308] : memref<32768xf32, #tpu.memory_space<vmem>>, vector<128xf32>
      %broadcast_in_dim3A_2310 = vector.shape_cast %get3A_2309 : vector<128xf32> to vector<1x128xf32>
      %mul3A_2311 = vector.broadcast %broadcast_in_dim3A_2310 : vector<1x128xf32> to vector<64x128xf32>
      %mul3A_2312 = arith.mulf %get3A_2307, %mul3A_2311 : vector<64x128xf32>
      %add3A_2313 = arith.addf %add3A_2304, %mul3A_2312 : vector<64x128xf32>
      %swap3A = arith.constant 0 : index
      %swap3A_2314 = arith.constant 0 : index
      %swap3A_2315 = vector.load %arg6[%swap3A, %swap3A_2314] : memref<64x128xf32, #tpu.memory_space<vmem>>, vector<64x128xf32>
      tpu.vector_store %arg6[%swap3A, %swap3A_2314], %add3A_2313 {strides = array<i32>} : memref<64x128xf32, #tpu.memory_space<vmem>>, vector<64x128xf32>,
    } else {
    }
    %eq3A_6 = arith.constant 30 : i32
    %eq3A_7 = arith.cmpi eq, %arg0, %eq3A_6 : i32
    %convert_element_type3A_8 = arith.extui %eq3A_7 : i1 to i32
    %cond3A_9 = arith.constant 0 : i32
    %cond3A_10 = arith.cmpi ne, %convert_element_type3A_8, %cond3A_9 : i32
    scf.if %cond3A_10 {
      %get3A = arith.constant 0 : index
      %get3A_11 = arith.constant 0 : index
      %get3A_12 = vector.load %arg6[%get3A, %get3A_11] : memref<64x128xf32, #tpu.memory_space<vmem>>, vector<64x128xf32>
      %get3A_13 = arith.constant 0 : index
      %get3A_14 = arith.constant 0 : index
      %get3A_15 = vector.load %arg1[%get3A_13, %get3A_14] : memref<64x32768xf32, #tpu.memory_space<vmem>>, vector<64x128xf32>
      %iota3A = tpu.iota {dimensions = array<i32: 1>} : vector<1x128xi32>
      %iota3A_16 = vector.shape_cast %iota3A : vector<1x128xi32> to vector<128xi32>
      %add3A = arith.constant 983040 : i32
      %add3A_17 = vector.broadcast %add3A : i32 to vector<128xi32>
      %add3A_18 = arith.addi %add3A_17, %iota3A_16 : vector<128xi32>
      %lt3A_19 = arith.constant 1000000 : i32
      %lt3A_20 = vector.broadcast %lt3A_19 : i32 to vector<128xi32>
      %lt3A_21 = arith.cmpi slt, %add3A_18, %lt3A_20 : vector<128xi32>
      %broadcast_in_dim3A = vector.shape_cast %lt3A_21 : vector<128xi1> to vector<1x128xi1>
      %jit3A = arith.constant 0.000000e+00 : f32
      %broadcast_in_dim3A_22 = vector.shape_cast %broadcast_in_dim3A : vector<1x128xi1> to vector<1x128xi1>
      %broadcast_in_dim3A_23 = vector.broadcast %broadcast_in_dim3A_22 : vector<1x128xi1> to vector<64x128xi1>
      %broadcast_in_dim3A_24 = vector.broadcast %jit3A : f32 to vector<64x128xf32>
      %select_n3A = arith.select %broadcast_in_dim3A_23, %get3A_15, %broadcast_in_dim3A_24 : vector<64x128xi1>, vector<64x128xf32>
      %get3A_25 = arith.constant 0 : index
      %get3A_26 = vector.load %arg2[%get3A_25] : memref<32768xf32, #tpu.memory_space<vmem>>, vector<128xf32>
      %broadcast_in_dim3A_27 = vector.shape_cast %get3A_26 : vector<128xf32> to vector<1x128xf32>
      %mul3A = vector.broadcast %broadcast_in_dim3A_27 : vector<1x128xf32> to vector<64x128xf32>
      %mul3A_28 = arith.mulf %select_n3A, %mul3A : vector<64x128xf32>
      %add3A_29 = arith.addf %get3A_12, %mul3A_28 : vector<64x128xf32>
      %get3A_30 = arith.constant 0 : index
      %get3A_31 = arith.constant 128 : index
      %get3A_32 = vector.load %arg1[%get3A_30, %get3A_31] : memref<64x32768xf32, #tpu.memory_space<vmem>>, vector<64x128xf32>
      %iota3A_33 = tpu.iota {dimensions = array<i32: 1>} : vector<1x128xi32>
      %iota3A_34 = vector.shape_cast %iota3A_33 : vector<1x128xi32> to vector<128xi32>
      %add3A_35 = arith.constant 983168 : i32
      %add3A_36 = vector.broadcast %add3A_35 : i32 to vector<128xi32>
      %add3A_37 = arith.addi %add3A_36, %iota3A_34 : vector<128xi32>
      %lt3A_38 = arith.constant 1000000 : i32
      %lt3A_39 = vector.broadcast %lt3A_38 : i32 to vector<128xi32>
      %lt3A_40 = arith.cmpi slt, %add3A_37, %lt3A_39 : vector<128xi32>
      %broadcast_in_dim3A_41 = vector.shape_cast %lt3A_40 : vector<128xi1> to vector<1x128xi1>
      %jit3A_42 = arith.constant 0.000000e+00 : f32
      %broadcast_in_dim3A_43 = vector.shape_cast %broadcast_in_dim3A_41 : vector<1x128xi1> to vector<1x128xi1>
      %broadcast_in_dim3A_44 = vector.broadcast %broadcast_in_dim3A_43 : vector<1x128xi1> to vector<64x128xi1>
      %broadcast_in_dim3A_45 = vector.broadcast %jit3A_42 : f32 to vector<64x128xf32>
      %select_n3A_46 = arith.select %broadcast_in_dim3A_44, %get3A_32, %broadcast_in_dim3A_45 : vector<64x128xi1>, vector<64x128xf32>
      %get3A_47 = arith.constant 128 : index
      %get3A_48 = vector.load %arg2[%get3A_47] : memref<32768xf32, #tpu.memory_space<vmem>>, vector<128xf32>
      %broadcast_in_dim3A_49 = vector.shape_cast %get3A_48 : vector<128xf32> to vector<1x128xf32>
      %mul3A_50 = vector.broadcast %broadcast_in_dim3A_49 : vector<1x128xf32> to vector<64x128xf32>
      %mul3A_51 = arith.mulf %select_n3A_46, %mul3A_50 : vector<64x128xf32>
      %add3A_52 = arith.addf %add3A_29, %mul3A_51 : vector<64x128xf32>
      %get3A_53 = arith.constant 0 : index
      %get3A_54 = arith.constant 256 : index
      %get3A_55 = vector.load %arg1[%get3A_53, %get3A_54] : memref<64x32768xf32, #tpu.memory_space<vmem>>, vector<64x128xf32>
      %iota3A_56 = tpu.iota {dimensions = array<i32: 1>} : vector<1x128xi32>
      %iota3A_57 = vector.shape_cast %iota3A_56 : vector<1x128xi32> to vector<128xi32>
      %add3A_58 = arith.constant 983296 : i32
      %add3A_59 = vector.broadcast %add3A_58 : i32 to vector<128xi32>
      %add3A_60 = arith.addi %add3A_59, %iota3A_57 : vector<128xi32>
      %lt3A_61 = arith.constant 1000000 : i32
      %lt3A_62 = vector.broadcast %lt3A_61 : i32 to vector<128xi32>
      %lt3A_63 = arith.cmpi slt, %add3A_60, %lt3A_62 : vector<128xi32>
      %broadcast_in_dim3A_64 = vector.shape_cast %lt3A_63 : vector<128xi1> to vector<1x128xi1>
      %jit3A_65 = arith.constant 0.000000e+00 : f32
      %broadcast_in_dim3A_66 = vector.shape_cast %broadcast_in_dim3A_64 : vector<1x128xi1> to vector<1x128xi1>
      %broadcast_in_dim3A_67 = vector.broadcast %broadcast_in_dim3A_66 : vector<1x128xi1> to vector<64x128xi1>
      %broadcast_in_dim3A_68 = vector.broadcast %jit3A_65 : f32 to vector<64x128xf32>
      %select_n3A_69 = arith.select %broadcast_in_dim3A_67, %get3A_55, %broadcast_in_dim3A_68 : vector<64x128xi1>, vector<64x128xf32>
      %get3A_70 = arith.constant 256 : index
      %get3A_71 = vector.load %arg2[%get3A_70] : memref<32768xf32, #tpu.memory_space<vmem>>, vector<128xf32>
      %broadcast_in_dim3A_72 = vector.shape_cast %get3A_71 : vector<128xf32> to vector<1x128xf32>
      %mul3A_73 = vector.broadcast %broadcast_in_dim3A_72 : vector<1x128xf32> to vector<64x128xf32>
      %mul3A_74 = arith.mulf %select_n3A_69, %mul3A_73 : vector<64x128xf32>
      %add3A_75 = arith.addf %add3A_52, %mul3A_74 : vector<64x128xf32>
      %get3A_76 = arith.constant 0 : index
      %get3A_77 = arith.constant 384 : index
      %get3A_78 = vector.load %arg1[%get3A_76, %get3A_77] : memref<64x32768xf32, #tpu.memory_space<vmem>>, vector<64x128xf32>
      %iota3A_79 = tpu.iota {dimensions = array<i32: 1>} : vector<1x128xi32>
      %iota3A_80 = vector.shape_cast %iota3A_79 : vector<1x128xi32> to vector<128xi32>
      %add3A_81 = arith.constant 983424 : i32
      %add3A_82 = vector.broadcast %add3A_81 : i32 to vector<128xi32>
      %add3A_83 = arith.addi %add3A_82, %iota3A_80 : vector<128xi32>
      %lt3A_84 = arith.constant 1000000 : i32
      %lt3A_85 = vector.broadcast %lt3A_84 : i32 to vector<128xi32>
      %lt3A_86 = arith.cmpi slt, %add3A_83, %lt3A_85 : vector<128xi32>
      %broadcast_in_dim3A_87 = vector.shape_cast %lt3A_86 : vector<128xi1> to vector<1x128xi1>
      %jit3A_88 = arith.constant 0.000000e+00 : f32
      %broadcast_in_dim3A_89 = vector.shape_cast %broadcast_in_dim3A_87 : vector<1x128xi1> to vector<1x128xi1>
      %broadcast_in_dim3A_90 = vector.broadcast %broadcast_in_dim3A_89 : vector<1x128xi1> to vector<64x128xi1>
      %broadcast_in_dim3A_91 = vector.broadcast %jit3A_88 : f32 to vector<64x128xf32>
      %select_n3A_92 = arith.select %broadcast_in_dim3A_90, %get3A_78, %broadcast_in_dim3A_91 : vector<64x128xi1>, vector<64x128xf32>
      %get3A_93 = arith.constant 384 : index
      %get3A_94 = vector.load %arg2[%get3A_93] : memref<32768xf32, #tpu.memory_space<vmem>>, vector<128xf32>
      %broadcast_in_dim3A_95 = vector.shape_cast %get3A_94 : vector<128xf32> to vector<1x128xf32>
      %mul3A_96 = vector.broadcast %broadcast_in_dim3A_95 : vector<1x128xf32> to vector<64x128xf32>
      %mul3A_97 = arith.mulf %select_n3A_92, %mul3A_96 : vector<64x128xf32>
      %add3A_98 = arith.addf %add3A_75, %mul3A_97 : vector<64x128xf32>
      %get3A_99 = arith.constant 0 : index
      %get3A_100 = arith.constant 512 : index
      %get3A_101 = vector.load %arg1[%get3A_99, %get3A_100] : memref<64x32768xf32, #tpu.memory_space<vmem>>, vector<64x128xf32>
      %iota3A_102 = tpu.iota {dimensions = array<i32: 1>} : vector<1x128xi32>
      %iota3A_103 = vector.shape_cast %iota3A_102 : vector<1x128xi32> to vector<128xi32>
      %add3A_104 = arith.constant 983552 : i32
      %add3A_105 = vector.broadcast %add3A_104 : i32 to vector<128xi32>
      %add3A_106 = arith.addi %add3A_105, %iota3A_103 : vector<128xi32>
      %lt3A_107 = arith.constant 1000000 : i32
      %lt3A_108 = vector.broadcast %lt3A_107 : i32 to vector<128xi32>
      %lt3A_109 = arith.cmpi slt, %add3A_106, %lt3A_108 : vector<128xi32>
      %broadcast_in_dim3A_110 = vector.shape_cast %lt3A_109 : vector<128xi1> to vector<1x128xi1>
      %jit3A_111 = arith.constant 0.000000e+00 : f32
      %broadcast_in_dim3A_112 = vector.shape_cast %broadcast_in_dim3A_110 : vector<1x128xi1> to vector<1x128xi1>
      %broadcast_in_dim3A_113 = vector.broadcast %broadcast_in_dim3A_112 : vector<1x128xi1> to vector<64x128xi1>
      %broadcast_in_dim3A_114 = vector.broadcast %jit3A_111 : f32 to vector<64x128xf32>
      %select_n3A_115 = arith.select %broadcast_in_dim3A_113, %get3A_101, %broadcast_in_dim3A_114 : vector<64x128xi1>, vector<64x128xf32>
      %get3A_116 = arith.constant 512 : index
      %get3A_117 = vector.load %arg2[%get3A_116] : memref<32768xf32, #tpu.memory_space<vmem>>, vector<128xf32>
      %broadcast_in_dim3A_118 = vector.shape_cast %get3A_117 : vector<128xf32> to vector<1x128xf32>
      %mul3A_119 = vector.broadcast %broadcast_in_dim3A_118 : vector<1x128xf32> to vector<64x128xf32>
      %mul3A_120 = arith.mulf %select_n3A_115, %mul3A_119 : vector<64x128xf32>
      %add3A_121 = arith.addf %add3A_98, %mul3A_120 : vector<64x128xf32>
      %get3A_122 = arith.constant 0 : index
      %get3A_123 = arith.constant 640 : index
      %get3A_124 = vector.load %arg1[%get3A_122, %get3A_123] : memref<64x32768xf32, #tpu.memory_space<vmem>>, vector<64x128xf32>
      %iota3A_125 = tpu.iota {dimensions = array<i32: 1>} : vector<1x128xi32>
      %iota3A_126 = vector.shape_cast %iota3A_125 : vector<1x128xi32> to vector<128xi32>
      %add3A_127 = arith.constant 983680 : i32
      %add3A_128 = vector.broadcast %add3A_127 : i32 to vector<128xi32>
      %add3A_129 = arith.addi %add3A_128, %iota3A_126 : vector<128xi32>
      %lt3A_130 = arith.constant 1000000 : i32
      %lt3A_131 = vector.broadcast %lt3A_130 : i32 to vector<128xi32>
      %lt3A_132 = arith.cmpi slt, %add3A_129, %lt3A_131 : vector<128xi32>
      %broadcast_in_dim3A_133 = vector.shape_cast %lt3A_132 : vector<128xi1> to vector<1x128xi1>
      %jit3A_134 = arith.constant 0.000000e+00 : f32
      %broadcast_in_dim3A_135 = vector.shape_cast %broadcast_in_dim3A_133 : vector<1x128xi1> to vector<1x128xi1>
      %broadcast_in_dim3A_136 = vector.broadcast %broadcast_in_dim3A_135 : vector<1x128xi1> to vector<64x128xi1>
      %broadcast_in_dim3A_137 = vector.broadcast %jit3A_134 : f32 to vector<64x128xf32>
      %select_n3A_138 = arith.select %broadcast_in_dim3A_136, %get3A_124, %broadcast_in_dim3A_137 : vector<64x128xi1>, vector<64x128xf32>
      %get3A_139 = arith.constant 640 : index
      %get3A_140 = vector.load %arg2[%get3A_139] : memref<32768xf32, #tpu.memory_space<vmem>>, vector<128xf32>
      %broadcast_in_dim3A_141 = vector.shape_cast %get3A_140 : vector<128xf32> to vector<1x128xf32>
      %mul3A_142 = vector.broadcast %broadcast_in_dim3A_141 : vector<1x128xf32> to vector<64x128xf32>
      %mul3A_143 = arith.mulf %select_n3A_138, %mul3A_142 : vector<64x128xf32>
      %add3A_144 = arith.addf %add3A_121, %mul3A_143 : vector<64x128xf32>
      %get3A_145 = arith.constant 0 : index
      %get3A_146 = arith.constant 768 : index
      %get3A_147 = vector.load %arg1[%get3A_145, %get3A_146] : memref<64x32768xf32, #tpu.memory_space<vmem>>, vector<64x128xf32>
      %iota3A_148 = tpu.iota {dimensions = array<i32: 1>} : vector<1x128xi32>
      %iota3A_149 = vector.shape_cast %iota3A_148 : vector<1x128xi32> to vector<128xi32>
      %add3A_150 = arith.constant 983808 : i32
      %add3A_151 = vector.broadcast %add3A_150 : i32 to vector<128xi32>
      %add3A_152 = arith.addi %add3A_151, %iota3A_149 : vector<128xi32>
      %lt3A_153 = arith.constant 1000000 : i32
      %lt3A_154 = vector.broadcast %lt3A_153 : i32 to vector<128xi32>
      %lt3A_155 = arith.cmpi slt, %add3A_152, %lt3A_154 : vector<128xi32>
      %broadcast_in_dim3A_156 = vector.shape_cast %lt3A_155 : vector<128xi1> to vector<1x128xi1>
      %jit3A_157 = arith.constant 0.000000e+00 : f32
      %broadcast_in_dim3A_158 = vector.shape_cast %broadcast_in_dim3A_156 : vector<1x128xi1> to vector<1x128xi1>
      %broadcast_in_dim3A_159 = vector.broadcast %broadcast_in_dim3A_158 : vector<1x128xi1> to vector<64x128xi1>
      %broadcast_in_dim3A_160 = vector.broadcast %jit3A_157 : f32 to vector<64x128xf32>
      %select_n3A_161 = arith.select %broadcast_in_dim3A_159, %get3A_147, %broadcast_in_dim3A_160 : vector<64x128xi1>, vector<64x128xf32>
      %get3A_162 = arith.constant 768 : index
      %get3A_163 = vector.load %arg2[%get3A_162] : memref<32768xf32, #tpu.memory_space<vmem>>, vector<128xf32>
      %broadcast_in_dim3A_164 = vector.shape_cast %get3A_163 : vector<128xf32> to vector<1x128xf32>
      %mul3A_165 = vector.broadcast %broadcast_in_dim3A_164 : vector<1x128xf32> to vector<64x128xf32>
      %mul3A_166 = arith.mulf %select_n3A_161, %mul3A_165 : vector<64x128xf32>
      %add3A_167 = arith.addf %add3A_144, %mul3A_166 : vector<64x128xf32>
      %get3A_168 = arith.constant 0 : index
      %get3A_169 = arith.constant 896 : index
      %get3A_170 = vector.load %arg1[%get3A_168, %get3A_169] : memref<64x32768xf32, #tpu.memory_space<vmem>>, vector<64x128xf32>
      %iota3A_171 = tpu.iota {dimensions = array<i32: 1>} : vector<1x128xi32>
      %iota3A_172 = vector.shape_cast %iota3A_171 : vector<1x128xi32> to vector<128xi32>
      %add3A_173 = arith.constant 983936 : i32
      %add3A_174 = vector.broadcast %add3A_173 : i32 to vector<128xi32>
      %add3A_175 = arith.addi %add3A_174, %iota3A_172 : vector<128xi32>
      %lt3A_176 = arith.constant 1000000 : i32
      %lt3A_177 = vector.broadcast %lt3A_176 : i32 to vector<128xi32>
      %lt3A_178 = arith.cmpi slt, %add3A_175, %lt3A_177 : vector<128xi32>
      %broadcast_in_dim3A_179 = vector.shape_cast %lt3A_178 : vector<128xi1> to vector<1x128xi1>
      %jit3A_180 = arith.constant 0.000000e+00 : f32
      %broadcast_in_dim3A_181 = vector.shape_cast %broadcast_in_dim3A_179 : vector<1x128xi1> to vector<1x128xi1>
      %broadcast_in_dim3A_182 = vector.broadcast %broadcast_in_dim3A_181 : vector<1x128xi1> to vector<64x128xi1>
      %broadcast_in_dim3A_183 = vector.broadcast %jit3A_180 : f32 to vector<64x128xf32>
      %select_n3A_184 = arith.select %broadcast_in_dim3A_182, %get3A_170, %broadcast_in_dim3A_183 : vector<64x128xi1>, vector<64x128xf32>
      %get3A_185 = arith.constant 896 : index
      %get3A_186 = vector.load %arg2[%get3A_185] : memref<32768xf32, #tpu.memory_space<vmem>>, vector<128xf32>
      %broadcast_in_dim3A_187 = vector.shape_cast %get3A_186 : vector<128xf32> to vector<1x128xf32>
      %mul3A_188 = vector.broadcast %broadcast_in_dim3A_187 : vector<1x128xf32> to vector<64x128xf32>
      %mul3A_189 = arith.mulf %select_n3A_184, %mul3A_188 : vector<64x128xf32>
      %add3A_190 = arith.addf %add3A_167, %mul3A_189 : vector<64x128xf32>
      %get3A_191 = arith.constant 0 : index
      %get3A_192 = arith.constant 1024 : index
      %get3A_193 = vector.load %arg1[%get3A_191, %get3A_192] : memref<64x32768xf32, #tpu.memory_space<vmem>>, vector<64x128xf32>
      %iota3A_194 = tpu.iota {dimensions = array<i32: 1>} : vector<1x128xi32>
      %iota3A_195 = vector.shape_cast %iota3A_194 : vector<1x128xi32> to vector<128xi32>
      %add3A_196 = arith.constant 984064 : i32
      %add3A_197 = vector.broadcast %add3A_196 : i32 to vector<128xi32>
      %add3A_198 = arith.addi %add3A_197, %iota3A_195 : vector<128xi32>
      %lt3A_199 = arith.constant 1000000 : i32
      %lt3A_200 = vector.broadcast %lt3A_199 : i32 to vector<128xi32>
      %lt3A_201 = arith.cmpi slt, %add3A_198, %lt3A_200 : vector<128xi32>
      %broadcast_in_dim3A_202 = vector.shape_cast %lt3A_201 : vector<128xi1> to vector<1x128xi1>
      %jit3A_203 = arith.constant 0.000000e+00 : f32
      %broadcast_in_dim3A_204 = vector.shape_cast %broadcast_in_dim3A_202 : vector<1x128xi1> to vector<1x128xi1>
      %broadcast_in_dim3A_205 = vector.broadcast %broadcast_in_dim3A_204 : vector<1x128xi1> to vector<64x128xi1>
      %broadcast_in_dim3A_206 = vector.broadcast %jit3A_203 : f32 to vector<64x128xf32>
      %select_n3A_207 = arith.select %broadcast_in_dim3A_205, %get3A_193, %broadcast_in_dim3A_206 : vector<64x128xi1>, vector<64x128xf32>
      %get3A_208 = arith.constant 1024 : index
      %get3A_209 = vector.load %arg2[%get3A_208] : memref<32768xf32, #tpu.memory_space<vmem>>, vector<128xf32>
      %broadcast_in_dim3A_210 = vector.shape_cast %get3A_209 : vector<128xf32> to vector<1x128xf32>
      %mul3A_211 = vector.broadcast %broadcast_in_dim3A_210 : vector<1x128xf32> to vector<64x128xf32>
      %mul3A_212 = arith.mulf %select_n3A_207, %mul3A_211 : vector<64x128xf32>
      %add3A_213 = arith.addf %add3A_190, %mul3A_212 : vector<64x128xf32>
      %get3A_214 = arith.constant 0 : index
      %get3A_215 = arith.constant 1152 : index
      %get3A_216 = vector.load %arg1[%get3A_214, %get3A_215] : memref<64x32768xf32, #tpu.memory_space<vmem>>, vector<64x128xf32>
      %iota3A_217 = tpu.iota {dimensions = array<i32: 1>} : vector<1x128xi32>
      %iota3A_218 = vector.shape_cast %iota3A_217 : vector<1x128xi32> to vector<128xi32>
      %add3A_219 = arith.constant 984192 : i32
      %add3A_220 = vector.broadcast %add3A_219 : i32 to vector<128xi32>
      %add3A_221 = arith.addi %add3A_220, %iota3A_218 : vector<128xi32>
      %lt3A_222 = arith.constant 1000000 : i32
      %lt3A_223 = vector.broadcast %lt3A_222 : i32 to vector<128xi32>
      %lt3A_224 = arith.cmpi slt, %add3A_221, %lt3A_223 : vector<128xi32>
      %broadcast_in_dim3A_225 = vector.shape_cast %lt3A_224 : vector<128xi1> to vector<1x128xi1>
      %jit3A_226 = arith.constant 0.000000e+00 : f32
      %broadcast_in_dim3A_227 = vector.shape_cast %broadcast_in_dim3A_225 : vector<1x128xi1> to vector<1x128xi1>
      %broadcast_in_dim3A_228 = vector.broadcast %broadcast_in_dim3A_227 : vector<1x128xi1> to vector<64x128xi1>
      %broadcast_in_dim3A_229 = vector.broadcast %jit3A_226 : f32 to vector<64x128xf32>
      %select_n3A_230 = arith.select %broadcast_in_dim3A_228, %get3A_216, %broadcast_in_dim3A_229 : vector<64x128xi1>, vector<64x128xf32>
      %get3A_231 = arith.constant 1152 : index
      %get3A_232 = vector.load %arg2[%get3A_231] : memref<32768xf32, #tpu.memory_space<vmem>>, vector<128xf32>
      %broadcast_in_dim3A_233 = vector.shape_cast %get3A_232 : vector<128xf32> to vector<1x128xf32>
      %mul3A_234 = vector.broadcast %broadcast_in_dim3A_233 : vector<1x128xf32> to vector<64x128xf32>
      %mul3A_235 = arith.mulf %select_n3A_230, %mul3A_234 : vector<64x128xf32>
      %add3A_236 = arith.addf %add3A_213, %mul3A_235 : vector<64x128xf32>
      %get3A_237 = arith.constant 0 : index
      %get3A_238 = arith.constant 1280 : index
      %get3A_239 = vector.load %arg1[%get3A_237, %get3A_238] : memref<64x32768xf32, #tpu.memory_space<vmem>>, vector<64x128xf32>
      %iota3A_240 = tpu.iota {dimensions = array<i32: 1>} : vector<1x128xi32>
      %iota3A_241 = vector.shape_cast %iota3A_240 : vector<1x128xi32> to vector<128xi32>
      %add3A_242 = arith.constant 984320 : i32
      %add3A_243 = vector.broadcast %add3A_242 : i32 to vector<128xi32>
      %add3A_244 = arith.addi %add3A_243, %iota3A_241 : vector<128xi32>
      %lt3A_245 = arith.constant 1000000 : i32
      %lt3A_246 = vector.broadcast %lt3A_245 : i32 to vector<128xi32>
      %lt3A_247 = arith.cmpi slt, %add3A_244, %lt3A_246 : vector<128xi32>
      %broadcast_in_dim3A_248 = vector.shape_cast %lt3A_247 : vector<128xi1> to vector<1x128xi1>
      %jit3A_249 = arith.constant 0.000000e+00 : f32
      %broadcast_in_dim3A_250 = vector.shape_cast %broadcast_in_dim3A_248 : vector<1x128xi1> to vector<1x128xi1>
      %broadcast_in_dim3A_251 = vector.broadcast %broadcast_in_dim3A_250 : vector<1x128xi1> to vector<64x128xi1>
      %broadcast_in_dim3A_252 = vector.broadcast %jit3A_249 : f32 to vector<64x128xf32>
      %select_n3A_253 = arith.select %broadcast_in_dim3A_251, %get3A_239, %broadcast_in_dim3A_252 : vector<64x128xi1>, vector<64x128xf32>
      %get3A_254 = arith.constant 1280 : index
      %get3A_255 = vector.load %arg2[%get3A_254] : memref<32768xf32, #tpu.memory_space<vmem>>, vector<128xf32>
      %broadcast_in_dim3A_256 = vector.shape_cast %get3A_255 : vector<128xf32> to vector<1x128xf32>
      %mul3A_257 = vector.broadcast %broadcast_in_dim3A_256 : vector<1x128xf32> to vector<64x128xf32>
      %mul3A_258 = arith.mulf %select_n3A_253, %mul3A_257 : vector<64x128xf32>
      %add3A_259 = arith.addf %add3A_236, %mul3A_258 : vector<64x128xf32>
      %get3A_260 = arith.constant 0 : index
      %get3A_261 = arith.constant 1408 : index
      %get3A_262 = vector.load %arg1[%get3A_260, %get3A_261] : memref<64x32768xf32, #tpu.memory_space<vmem>>, vector<64x128xf32>
      %iota3A_263 = tpu.iota {dimensions = array<i32: 1>} : vector<1x128xi32>
      %iota3A_264 = vector.shape_cast %iota3A_263 : vector<1x128xi32> to vector<128xi32>
      %add3A_265 = arith.constant 984448 : i32
      %add3A_266 = vector.broadcast %add3A_265 : i32 to vector<128xi32>
      %add3A_267 = arith.addi %add3A_266, %iota3A_264 : vector<128xi32>
      %lt3A_268 = arith.constant 1000000 : i32
      %lt3A_269 = vector.broadcast %lt3A_268 : i32 to vector<128xi32>
      %lt3A_270 = arith.cmpi slt, %add3A_267, %lt3A_269 : vector<128xi32>
      %broadcast_in_dim3A_271 = vector.shape_cast %lt3A_270 : vector<128xi1> to vector<1x128xi1>
      %jit3A_272 = arith.constant 0.000000e+00 : f32
      %broadcast_in_dim3A_273 = vector.shape_cast %broadcast_in_dim3A_271 : vector<1x128xi1> to vector<1x128xi1>
      %broadcast_in_dim3A_274 = vector.broadcast %broadcast_in_dim3A_273 : vector<1x128xi1> to vector<64x128xi1>
      %broadcast_in_dim3A_275 = vector.broadcast %jit3A_272 : f32 to vector<64x128xf32>
      %select_n3A_276 = arith.select %broadcast_in_dim3A_274, %get3A_262, %broadcast_in_dim3A_275 : vector<64x128xi1>, vector<64x128xf32>
      %get3A_277 = arith.constant 1408 : index
      %get3A_278 = vector.load %arg2[%get3A_277] : memref<32768xf32, #tpu.memory_space<vmem>>, vector<128xf32>
      %broadcast_in_dim3A_279 = vector.shape_cast %get3A_278 : vector<128xf32> to vector<1x128xf32>
      %mul3A_280 = vector.broadcast %broadcast_in_dim3A_279 : vector<1x128xf32> to vector<64x128xf32>
      %mul3A_281 = arith.mulf %select_n3A_276, %mul3A_280 : vector<64x128xf32>
      %add3A_282 = arith.addf %add3A_259, %mul3A_281 : vector<64x128xf32>
      %get3A_283 = arith.constant 0 : index
      %get3A_284 = arith.constant 1536 : index
      %get3A_285 = vector.load %arg1[%get3A_283, %get3A_284] : memref<64x32768xf32, #tpu.memory_space<vmem>>, vector<64x128xf32>
      %iota3A_286 = tpu.iota {dimensions = array<i32: 1>} : vector<1x128xi32>
      %iota3A_287 = vector.shape_cast %iota3A_286 : vector<1x128xi32> to vector<128xi32>
      %add3A_288 = arith.constant 984576 : i32
      %add3A_289 = vector.broadcast %add3A_288 : i32 to vector<128xi32>
      %add3A_290 = arith.addi %add3A_289, %iota3A_287 : vector<128xi32>
      %lt3A_291 = arith.constant 1000000 : i32
      %lt3A_292 = vector.broadcast %lt3A_291 : i32 to vector<128xi32>
      %lt3A_293 = arith.cmpi slt, %add3A_290, %lt3A_292 : vector<128xi32>
      %broadcast_in_dim3A_294 = vector.shape_cast %lt3A_293 : vector<128xi1> to vector<1x128xi1>
      %jit3A_295 = arith.constant 0.000000e+00 : f32
      %broadcast_in_dim3A_296 = vector.shape_cast %broadcast_in_dim3A_294 : vector<1x128xi1> to vector<1x128xi1>
      %broadcast_in_dim3A_297 = vector.broadcast %broadcast_in_dim3A_296 : vector<1x128xi1> to vector<64x128xi1>
      %broadcast_in_dim3A_298 = vector.broadcast %jit3A_295 : f32 to vector<64x128xf32>
      %select_n3A_299 = arith.select %broadcast_in_dim3A_297, %get3A_285, %broadcast_in_dim3A_298 : vector<64x128xi1>, vector<64x128xf32>
      %get3A_300 = arith.constant 1536 : index
      %get3A_301 = vector.load %arg2[%get3A_300] : memref<32768xf32, #tpu.memory_space<vmem>>, vector<128xf32>
      %broadcast_in_dim3A_302 = vector.shape_cast %get3A_301 : vector<128xf32> to vector<1x128xf32>
      %mul3A_303 = vector.broadcast %broadcast_in_dim3A_302 : vector<1x128xf32> to vector<64x128xf32>
      %mul3A_304 = arith.mulf %select_n3A_299, %mul3A_303 : vector<64x128xf32>
      %add3A_305 = arith.addf %add3A_282, %mul3A_304 : vector<64x128xf32>
      %get3A_306 = arith.constant 0 : index
      %get3A_307 = arith.constant 1664 : index
      %get3A_308 = vector.load %arg1[%get3A_306, %get3A_307] : memref<64x32768xf32, #tpu.memory_space<vmem>>, vector<64x128xf32>
      %iota3A_309 = tpu.iota {dimensions = array<i32: 1>} : vector<1x128xi32>
      %iota3A_310 = vector.shape_cast %iota3A_309 : vector<1x128xi32> to vector<128xi32>
      %add3A_311 = arith.constant 984704 : i32
      %add3A_312 = vector.broadcast %add3A_311 : i32 to vector<128xi32>
      %add3A_313 = arith.addi %add3A_312, %iota3A_310 : vector<128xi32>
      %lt3A_314 = arith.constant 1000000 : i32
      %lt3A_315 = vector.broadcast %lt3A_314 : i32 to vector<128xi32>
      %lt3A_316 = arith.cmpi slt, %add3A_313, %lt3A_315 : vector<128xi32>
      %broadcast_in_dim3A_317 = vector.shape_cast %lt3A_316 : vector<128xi1> to vector<1x128xi1>
      %jit3A_318 = arith.constant 0.000000e+00 : f32
      %broadcast_in_dim3A_319 = vector.shape_cast %broadcast_in_dim3A_317 : vector<1x128xi1> to vector<1x128xi1>
      %broadcast_in_dim3A_320 = vector.broadcast %broadcast_in_dim3A_319 : vector<1x128xi1> to vector<64x128xi1>
      %broadcast_in_dim3A_321 = vector.broadcast %jit3A_318 : f32 to vector<64x128xf32>
      %select_n3A_322 = arith.select %broadcast_in_dim3A_320, %get3A_308, %broadcast_in_dim3A_321 : vector<64x128xi1>, vector<64x128xf32>
      %get3A_323 = arith.constant 1664 : index
      %get3A_324 = vector.load %arg2[%get3A_323] : memref<32768xf32, #tpu.memory_space<vmem>>, vector<128xf32>
      %broadcast_in_dim3A_325 = vector.shape_cast %get3A_324 : vector<128xf32> to vector<1x128xf32>
      %mul3A_326 = vector.broadcast %broadcast_in_dim3A_325 : vector<1x128xf32> to vector<64x128xf32>
      %mul3A_327 = arith.mulf %select_n3A_322, %mul3A_326 : vector<64x128xf32>
      %add3A_328 = arith.addf %add3A_305, %mul3A_327 : vector<64x128xf32>
      %get3A_329 = arith.constant 0 : index
      %get3A_330 = arith.constant 1792 : index
      %get3A_331 = vector.load %arg1[%get3A_329, %get3A_330] : memref<64x32768xf32, #tpu.memory_space<vmem>>, vector<64x128xf32>
      %iota3A_332 = tpu.iota {dimensions = array<i32: 1>} : vector<1x128xi32>
      %iota3A_333 = vector.shape_cast %iota3A_332 : vector<1x128xi32> to vector<128xi32>
      %add3A_334 = arith.constant 984832 : i32
      %add3A_335 = vector.broadcast %add3A_334 : i32 to vector<128xi32>
      %add3A_336 = arith.addi %add3A_335, %iota3A_333 : vector<128xi32>
      %lt3A_337 = arith.constant 1000000 : i32
      %lt3A_338 = vector.broadcast %lt3A_337 : i32 to vector<128xi32>
      %lt3A_339 = arith.cmpi slt, %add3A_336, %lt3A_338 : vector<128xi32>
      %broadcast_in_dim3A_340 = vector.shape_cast %lt3A_339 : vector<128xi1> to vector<1x128xi1>
      %jit3A_341 = arith.constant 0.000000e+00 : f32
      %broadcast_in_dim3A_342 = vector.shape_cast %broadcast_in_dim3A_340 : vector<1x128xi1> to vector<1x128xi1>
      %broadcast_in_dim3A_343 = vector.broadcast %broadcast_in_dim3A_342 : vector<1x128xi1> to vector<64x128xi1>
      %broadcast_in_dim3A_344 = vector.broadcast %jit3A_341 : f32 to vector<64x128xf32>
      %select_n3A_345 = arith.select %broadcast_in_dim3A_343, %get3A_331, %broadcast_in_dim3A_344 : vector<64x128xi1>, vector<64x128xf32>
      %get3A_346 = arith.constant 1792 : index
      %get3A_347 = vector.load %arg2[%get3A_346] : memref<32768xf32, #tpu.memory_space<vmem>>, vector<128xf32>
      %broadcast_in_dim3A_348 = vector.shape_cast %get3A_347 : vector<128xf32> to vector<1x128xf32>
      %mul3A_349 = vector.broadcast %broadcast_in_dim3A_348 : vector<1x128xf32> to vector<64x128xf32>
      %mul3A_350 = arith.mulf %select_n3A_345, %mul3A_349 : vector<64x128xf32>
      %add3A_351 = arith.addf %add3A_328, %mul3A_350 : vector<64x128xf32>
      %get3A_352 = arith.constant 0 : index
      %get3A_353 = arith.constant 1920 : index
      %get3A_354 = vector.load %arg1[%get3A_352, %get3A_353] : memref<64x32768xf32, #tpu.memory_space<vmem>>, vector<64x128xf32>
      %iota3A_355 = tpu.iota {dimensions = array<i32: 1>} : vector<1x128xi32>
      %iota3A_356 = vector.shape_cast %iota3A_355 : vector<1x128xi32> to vector<128xi32>
      %add3A_357 = arith.constant 984960 : i32
      %add3A_358 = vector.broadcast %add3A_357 : i32 to vector<128xi32>
      %add3A_359 = arith.addi %add3A_358, %iota3A_356 : vector<128xi32>
      %lt3A_360 = arith.constant 1000000 : i32
      %lt3A_361 = vector.broadcast %lt3A_360 : i32 to vector<128xi32>
      %lt3A_362 = arith.cmpi slt, %add3A_359, %lt3A_361 : vector<128xi32>
      %broadcast_in_dim3A_363 = vector.shape_cast %lt3A_362 : vector<128xi1> to vector<1x128xi1>
      %jit3A_364 = arith.constant 0.000000e+00 : f32
      %broadcast_in_dim3A_365 = vector.shape_cast %broadcast_in_dim3A_363 : vector<1x128xi1> to vector<1x128xi1>
      %broadcast_in_dim3A_366 = vector.broadcast %broadcast_in_dim3A_365 : vector<1x128xi1> to vector<64x128xi1>
      %broadcast_in_dim3A_367 = vector.broadcast %jit3A_364 : f32 to vector<64x128xf32>
      %select_n3A_368 = arith.select %broadcast_in_dim3A_366, %get3A_354, %broadcast_in_dim3A_367 : vector<64x128xi1>, vector<64x128xf32>
      %get3A_369 = arith.constant 1920 : index
      %get3A_370 = vector.load %arg2[%get3A_369] : memref<32768xf32, #tpu.memory_space<vmem>>, vector<128xf32>
      %broadcast_in_dim3A_371 = vector.shape_cast %get3A_370 : vector<128xf32> to vector<1x128xf32>
      %mul3A_372 = vector.broadcast %broadcast_in_dim3A_371 : vector<1x128xf32> to vector<64x128xf32>
      %mul3A_373 = arith.mulf %select_n3A_368, %mul3A_372 : vector<64x128xf32>
      %add3A_374 = arith.addf %add3A_351, %mul3A_373 : vector<64x128xf32>
      %get3A_375 = arith.constant 0 : index
      %get3A_376 = arith.constant 2048 : index
      %get3A_377 = vector.load %arg1[%get3A_375, %get3A_376] : memref<64x32768xf32, #tpu.memory_space<vmem>>, vector<64x128xf32>
      %iota3A_378 = tpu.iota {dimensions = array<i32: 1>} : vector<1x128xi32>
      %iota3A_379 = vector.shape_cast %iota3A_378 : vector<1x128xi32> to vector<128xi32>
      %add3A_380 = arith.constant 985088 : i32
      %add3A_381 = vector.broadcast %add3A_380 : i32 to vector<128xi32>
      %add3A_382 = arith.addi %add3A_381, %iota3A_379 : vector<128xi32>
      %lt3A_383 = arith.constant 1000000 : i32
      %lt3A_384 = vector.broadcast %lt3A_383 : i32 to vector<128xi32>
      %lt3A_385 = arith.cmpi slt, %add3A_382, %lt3A_384 : vector<128xi32>
      %broadcast_in_dim3A_386 = vector.shape_cast %lt3A_385 : vector<128xi1> to vector<1x128xi1>
      %jit3A_387 = arith.constant 0.000000e+00 : f32
      %broadcast_in_dim3A_388 = vector.shape_cast %broadcast_in_dim3A_386 : vector<1x128xi1> to vector<1x128xi1>
      %broadcast_in_dim3A_389 = vector.broadcast %broadcast_in_dim3A_388 : vector<1x128xi1> to vector<64x128xi1>
      %broadcast_in_dim3A_390 = vector.broadcast %jit3A_387 : f32 to vector<64x128xf32>
      %select_n3A_391 = arith.select %broadcast_in_dim3A_389, %get3A_377, %broadcast_in_dim3A_390 : vector<64x128xi1>, vector<64x128xf32>
      %get3A_392 = arith.constant 2048 : index
      %get3A_393 = vector.load %arg2[%get3A_392] : memref<32768xf32, #tpu.memory_space<vmem>>, vector<128xf32>
      %broadcast_in_dim3A_394 = vector.shape_cast %get3A_393 : vector<128xf32> to vector<1x128xf32>
      %mul3A_395 = vector.broadcast %broadcast_in_dim3A_394 : vector<1x128xf32> to vector<64x128xf32>
      %mul3A_396 = arith.mulf %select_n3A_391, %mul3A_395 : vector<64x128xf32>
      %add3A_397 = arith.addf %add3A_374, %mul3A_396 : vector<64x128xf32>
      %get3A_398 = arith.constant 0 : index
      %get3A_399 = arith.constant 2176 : index
      %get3A_400 = vector.load %arg1[%get3A_398, %get3A_399] : memref<64x32768xf32, #tpu.memory_space<vmem>>, vector<64x128xf32>
      %iota3A_401 = tpu.iota {dimensions = array<i32: 1>} : vector<1x128xi32>
      %iota3A_402 = vector.shape_cast %iota3A_401 : vector<1x128xi32> to vector<128xi32>
      %add3A_403 = arith.constant 985216 : i32
      %add3A_404 = vector.broadcast %add3A_403 : i32 to vector<128xi32>
      %add3A_405 = arith.addi %add3A_404, %iota3A_402 : vector<128xi32>
      %lt3A_406 = arith.constant 1000000 : i32
      %lt3A_407 = vector.broadcast %lt3A_406 : i32 to vector<128xi32>
      %lt3A_408 = arith.cmpi slt, %add3A_405, %lt3A_407 : vector<128xi32>
      %broadcast_in_dim3A_409 = vector.shape_cast %lt3A_408 : vector<128xi1> to vector<1x128xi1>
      %jit3A_410 = arith.constant 0.000000e+00 : f32
      %broadcast_in_dim3A_411 = vector.shape_cast %broadcast_in_dim3A_409 : vector<1x128xi1> to vector<1x128xi1>
      %broadcast_in_dim3A_412 = vector.broadcast %broadcast_in_dim3A_411 : vector<1x128xi1> to vector<64x128xi1>
      %broadcast_in_dim3A_413 = vector.broadcast %jit3A_410 : f32 to vector<64x128xf32>
      %select_n3A_414 = arith.select %broadcast_in_dim3A_412, %get3A_400, %broadcast_in_dim3A_413 : vector<64x128xi1>, vector<64x128xf32>
      %get3A_415 = arith.constant 2176 : index
      %get3A_416 = vector.load %arg2[%get3A_415] : memref<32768xf32, #tpu.memory_space<vmem>>, vector<128xf32>
      %broadcast_in_dim3A_417 = vector.shape_cast %get3A_416 : vector<128xf32> to vector<1x128xf32>
      %mul3A_418 = vector.broadcast %broadcast_in_dim3A_417 : vector<1x128xf32> to vector<64x128xf32>
      %mul3A_419 = arith.mulf %select_n3A_414, %mul3A_418 : vector<64x128xf32>
      %add3A_420 = arith.addf %add3A_397, %mul3A_419 : vector<64x128xf32>
      %get3A_421 = arith.constant 0 : index
      %get3A_422 = arith.constant 2304 : index
      %get3A_423 = vector.load %arg1[%get3A_421, %get3A_422] : memref<64x32768xf32, #tpu.memory_space<vmem>>, vector<64x128xf32>
      %iota3A_424 = tpu.iota {dimensions = array<i32: 1>} : vector<1x128xi32>
      %iota3A_425 = vector.shape_cast %iota3A_424 : vector<1x128xi32> to vector<128xi32>
      %add3A_426 = arith.constant 985344 : i32
      %add3A_427 = vector.broadcast %add3A_426 : i32 to vector<128xi32>
      %add3A_428 = arith.addi %add3A_427, %iota3A_425 : vector<128xi32>
      %lt3A_429 = arith.constant 1000000 : i32
      %lt3A_430 = vector.broadcast %lt3A_429 : i32 to vector<128xi32>
      %lt3A_431 = arith.cmpi slt, %add3A_428, %lt3A_430 : vector<128xi32>
      %broadcast_in_dim3A_432 = vector.shape_cast %lt3A_431 : vector<128xi1> to vector<1x128xi1>
      %jit3A_433 = arith.constant 0.000000e+00 : f32
      %broadcast_in_dim3A_434 = vector.shape_cast %broadcast_in_dim3A_432 : vector<1x128xi1> to vector<1x128xi1>
      %broadcast_in_dim3A_435 = vector.broadcast %broadcast_in_dim3A_434 : vector<1x128xi1> to vector<64x128xi1>
      %broadcast_in_dim3A_436 = vector.broadcast %jit3A_433 : f32 to vector<64x128xf32>
      %select_n3A_437 = arith.select %broadcast_in_dim3A_435, %get3A_423, %broadcast_in_dim3A_436 : vector<64x128xi1>, vector<64x128xf32>
      %get3A_438 = arith.constant 2304 : index
      %get3A_439 = vector.load %arg2[%get3A_438] : memref<32768xf32, #tpu.memory_space<vmem>>, vector<128xf32>
      %broadcast_in_dim3A_440 = vector.shape_cast %get3A_439 : vector<128xf32> to vector<1x128xf32>
      %mul3A_441 = vector.broadcast %broadcast_in_dim3A_440 : vector<1x128xf32> to vector<64x128xf32>
      %mul3A_442 = arith.mulf %select_n3A_437, %mul3A_441 : vector<64x128xf32>
      %add3A_443 = arith.addf %add3A_420, %mul3A_442 : vector<64x128xf32>
      %get3A_444 = arith.constant 0 : index
      %get3A_445 = arith.constant 2432 : index
      %get3A_446 = vector.load %arg1[%get3A_444, %get3A_445] : memref<64x32768xf32, #tpu.memory_space<vmem>>, vector<64x128xf32>
      %iota3A_447 = tpu.iota {dimensions = array<i32: 1>} : vector<1x128xi32>
      %iota3A_448 = vector.shape_cast %iota3A_447 : vector<1x128xi32> to vector<128xi32>
      %add3A_449 = arith.constant 985472 : i32
      %add3A_450 = vector.broadcast %add3A_449 : i32 to vector<128xi32>
      %add3A_451 = arith.addi %add3A_450, %iota3A_448 : vector<128xi32>
      %lt3A_452 = arith.constant 1000000 : i32
      %lt3A_453 = vector.broadcast %lt3A_452 : i32 to vector<128xi32>
      %lt3A_454 = arith.cmpi slt, %add3A_451, %lt3A_453 : vector<128xi32>
      %broadcast_in_dim3A_455 = vector.shape_cast %lt3A_454 : vector<128xi1> to vector<1x128xi1>
      %jit3A_456 = arith.constant 0.000000e+00 : f32
      %broadcast_in_dim3A_457 = vector.shape_cast %broadcast_in_dim3A_455 : vector<1x128xi1> to vector<1x128xi1>
      %broadcast_in_dim3A_458 = vector.broadcast %broadcast_in_dim3A_457 : vector<1x128xi1> to vector<64x128xi1>
      %broadcast_in_dim3A_459 = vector.broadcast %jit3A_456 : f32 to vector<64x128xf32>
      %select_n3A_460 = arith.select %broadcast_in_dim3A_458, %get3A_446, %broadcast_in_dim3A_459 : vector<64x128xi1>, vector<64x128xf32>
      %get3A_461 = arith.constant 2432 : index
      %get3A_462 = vector.load %arg2[%get3A_461] : memref<32768xf32, #tpu.memory_space<vmem>>, vector<128xf32>
      %broadcast_in_dim3A_463 = vector.shape_cast %get3A_462 : vector<128xf32> to vector<1x128xf32>
      %mul3A_464 = vector.broadcast %broadcast_in_dim3A_463 : vector<1x128xf32> to vector<64x128xf32>
      %mul3A_465 = arith.mulf %select_n3A_460, %mul3A_464 : vector<64x128xf32>
      %add3A_466 = arith.addf %add3A_443, %mul3A_465 : vector<64x128xf32>
      %get3A_467 = arith.constant 0 : index
      %get3A_468 = arith.constant 2560 : index
      %get3A_469 = vector.load %arg1[%get3A_467, %get3A_468] : memref<64x32768xf32, #tpu.memory_space<vmem>>, vector<64x128xf32>
      %iota3A_470 = tpu.iota {dimensions = array<i32: 1>} : vector<1x128xi32>
      %iota3A_471 = vector.shape_cast %iota3A_470 : vector<1x128xi32> to vector<128xi32>
      %add3A_472 = arith.constant 985600 : i32
      %add3A_473 = vector.broadcast %add3A_472 : i32 to vector<128xi32>
      %add3A_474 = arith.addi %add3A_473, %iota3A_471 : vector<128xi32>
      %lt3A_475 = arith.constant 1000000 : i32
      %lt3A_476 = vector.broadcast %lt3A_475 : i32 to vector<128xi32>
      %lt3A_477 = arith.cmpi slt, %add3A_474, %lt3A_476 : vector<128xi32>
      %broadcast_in_dim3A_478 = vector.shape_cast %lt3A_477 : vector<128xi1> to vector<1x128xi1>
      %jit3A_479 = arith.constant 0.000000e+00 : f32
      %broadcast_in_dim3A_480 = vector.shape_cast %broadcast_in_dim3A_478 : vector<1x128xi1> to vector<1x128xi1>
      %broadcast_in_dim3A_481 = vector.broadcast %broadcast_in_dim3A_480 : vector<1x128xi1> to vector<64x128xi1>
      %broadcast_in_dim3A_482 = vector.broadcast %jit3A_479 : f32 to vector<64x128xf32>
      %select_n3A_483 = arith.select %broadcast_in_dim3A_481, %get3A_469, %broadcast_in_dim3A_482 : vector<64x128xi1>, vector<64x128xf32>
      %get3A_484 = arith.constant 2560 : index
      %get3A_485 = vector.load %arg2[%get3A_484] : memref<32768xf32, #tpu.memory_space<vmem>>, vector<128xf32>
      %broadcast_in_dim3A_486 = vector.shape_cast %get3A_485 : vector<128xf32> to vector<1x128xf32>
      %mul3A_487 = vector.broadcast %broadcast_in_dim3A_486 : vector<1x128xf32> to vector<64x128xf32>
      %mul3A_488 = arith.mulf %select_n3A_483, %mul3A_487 : vector<64x128xf32>
      %add3A_489 = arith.addf %add3A_466, %mul3A_488 : vector<64x128xf32>
      %get3A_490 = arith.constant 0 : index
      %get3A_491 = arith.constant 2688 : index
      %get3A_492 = vector.load %arg1[%get3A_490, %get3A_491] : memref<64x32768xf32, #tpu.memory_space<vmem>>, vector<64x128xf32>
      %iota3A_493 = tpu.iota {dimensions = array<i32: 1>} : vector<1x128xi32>
      %iota3A_494 = vector.shape_cast %iota3A_493 : vector<1x128xi32> to vector<128xi32>
      %add3A_495 = arith.constant 985728 : i32
      %add3A_496 = vector.broadcast %add3A_495 : i32 to vector<128xi32>
      %add3A_497 = arith.addi %add3A_496, %iota3A_494 : vector<128xi32>
      %lt3A_498 = arith.constant 1000000 : i32
      %lt3A_499 = vector.broadcast %lt3A_498 : i32 to vector<128xi32>
      %lt3A_500 = arith.cmpi slt, %add3A_497, %lt3A_499 : vector<128xi32>
      %broadcast_in_dim3A_501 = vector.shape_cast %lt3A_500 : vector<128xi1> to vector<1x128xi1>
      %jit3A_502 = arith.constant 0.000000e+00 : f32
      %broadcast_in_dim3A_503 = vector.shape_cast %broadcast_in_dim3A_501 : vector<1x128xi1> to vector<1x128xi1>
      %broadcast_in_dim3A_504 = vector.broadcast %broadcast_in_dim3A_503 : vector<1x128xi1> to vector<64x128xi1>
      %broadcast_in_dim3A_505 = vector.broadcast %jit3A_502 : f32 to vector<64x128xf32>
      %select_n3A_506 = arith.select %broadcast_in_dim3A_504, %get3A_492, %broadcast_in_dim3A_505 : vector<64x128xi1>, vector<64x128xf32>
      %get3A_507 = arith.constant 2688 : index
      %get3A_508 = vector.load %arg2[%get3A_507] : memref<32768xf32, #tpu.memory_space<vmem>>, vector<128xf32>
      %broadcast_in_dim3A_509 = vector.shape_cast %get3A_508 : vector<128xf32> to vector<1x128xf32>
      %mul3A_510 = vector.broadcast %broadcast_in_dim3A_509 : vector<1x128xf32> to vector<64x128xf32>
      %mul3A_511 = arith.mulf %select_n3A_506, %mul3A_510 : vector<64x128xf32>
      %add3A_512 = arith.addf %add3A_489, %mul3A_511 : vector<64x128xf32>
      %get3A_513 = arith.constant 0 : index
      %get3A_514 = arith.constant 2816 : index
      %get3A_515 = vector.load %arg1[%get3A_513, %get3A_514] : memref<64x32768xf32, #tpu.memory_space<vmem>>, vector<64x128xf32>
      %iota3A_516 = tpu.iota {dimensions = array<i32: 1>} : vector<1x128xi32>
      %iota3A_517 = vector.shape_cast %iota3A_516 : vector<1x128xi32> to vector<128xi32>
      %add3A_518 = arith.constant 985856 : i32
      %add3A_519 = vector.broadcast %add3A_518 : i32 to vector<128xi32>
      %add3A_520 = arith.addi %add3A_519, %iota3A_517 : vector<128xi32>
      %lt3A_521 = arith.constant 1000000 : i32
      %lt3A_522 = vector.broadcast %lt3A_521 : i32 to vector<128xi32>
      %lt3A_523 = arith.cmpi slt, %add3A_520, %lt3A_522 : vector<128xi32>
      %broadcast_in_dim3A_524 = vector.shape_cast %lt3A_523 : vector<128xi1> to vector<1x128xi1>
      %jit3A_525 = arith.constant 0.000000e+00 : f32
      %broadcast_in_dim3A_526 = vector.shape_cast %broadcast_in_dim3A_524 : vector<1x128xi1> to vector<1x128xi1>
      %broadcast_in_dim3A_527 = vector.broadcast %broadcast_in_dim3A_526 : vector<1x128xi1> to vector<64x128xi1>
      %broadcast_in_dim3A_528 = vector.broadcast %jit3A_525 : f32 to vector<64x128xf32>
      %select_n3A_529 = arith.select %broadcast_in_dim3A_527, %get3A_515, %broadcast_in_dim3A_528 : vector<64x128xi1>, vector<64x128xf32>
      %get3A_530 = arith.constant 2816 : index
      %get3A_531 = vector.load %arg2[%get3A_530] : memref<32768xf32, #tpu.memory_space<vmem>>, vector<128xf32>
      %broadcast_in_dim3A_532 = vector.shape_cast %get3A_531 : vector<128xf32> to vector<1x128xf32>
      %mul3A_533 = vector.broadcast %broadcast_in_dim3A_532 : vector<1x128xf32> to vector<64x128xf32>
      %mul3A_534 = arith.mulf %select_n3A_529, %mul3A_533 : vector<64x128xf32>
      %add3A_535 = arith.addf %add3A_512, %mul3A_534 : vector<64x128xf32>
      %get3A_536 = arith.constant 0 : index
      %get3A_537 = arith.constant 2944 : index
      %get3A_538 = vector.load %arg1[%get3A_536, %get3A_537] : memref<64x32768xf32, #tpu.memory_space<vmem>>, vector<64x128xf32>
      %iota3A_539 = tpu.iota {dimensions = array<i32: 1>} : vector<1x128xi32>
      %iota3A_540 = vector.shape_cast %iota3A_539 : vector<1x128xi32> to vector<128xi32>
      %add3A_541 = arith.constant 985984 : i32
      %add3A_542 = vector.broadcast %add3A_541 : i32 to vector<128xi32>
      %add3A_543 = arith.addi %add3A_542, %iota3A_540 : vector<128xi32>
      %lt3A_544 = arith.constant 1000000 : i32
      %lt3A_545 = vector.broadcast %lt3A_544 : i32 to vector<128xi32>
      %lt3A_546 = arith.cmpi slt, %add3A_543, %lt3A_545 : vector<128xi32>
      %broadcast_in_dim3A_547 = vector.shape_cast %lt3A_546 : vector<128xi1> to vector<1x128xi1>
      %jit3A_548 = arith.constant 0.000000e+00 : f32
      %broadcast_in_dim3A_549 = vector.shape_cast %broadcast_in_dim3A_547 : vector<1x128xi1> to vector<1x128xi1>
      %broadcast_in_dim3A_550 = vector.broadcast %broadcast_in_dim3A_549 : vector<1x128xi1> to vector<64x128xi1>
      %broadcast_in_dim3A_551 = vector.broadcast %jit3A_548 : f32 to vector<64x128xf32>
      %select_n3A_552 = arith.select %broadcast_in_dim3A_550, %get3A_538, %broadcast_in_dim3A_551 : vector<64x128xi1>, vector<64x128xf32>
      %get3A_553 = arith.constant 2944 : index
      %get3A_554 = vector.load %arg2[%get3A_553] : memref<32768xf32, #tpu.memory_space<vmem>>, vector<128xf32>
      %broadcast_in_dim3A_555 = vector.shape_cast %get3A_554 : vector<128xf32> to vector<1x128xf32>
      %mul3A_556 = vector.broadcast %broadcast_in_dim3A_555 : vector<1x128xf32> to vector<64x128xf32>
      %mul3A_557 = arith.mulf %select_n3A_552, %mul3A_556 : vector<64x128xf32>
      %add3A_558 = arith.addf %add3A_535, %mul3A_557 : vector<64x128xf32>
      %get3A_559 = arith.constant 0 : index
      %get3A_560 = arith.constant 3072 : index
      %get3A_561 = vector.load %arg1[%get3A_559, %get3A_560] : memref<64x32768xf32, #tpu.memory_space<vmem>>, vector<64x128xf32>
      %iota3A_562 = tpu.iota {dimensions = array<i32: 1>} : vector<1x128xi32>
      %iota3A_563 = vector.shape_cast %iota3A_562 : vector<1x128xi32> to vector<128xi32>
      %add3A_564 = arith.constant 986112 : i32
      %add3A_565 = vector.broadcast %add3A_564 : i32 to vector<128xi32>
      %add3A_566 = arith.addi %add3A_565, %iota3A_563 : vector<128xi32>
      %lt3A_567 = arith.constant 1000000 : i32
      %lt3A_568 = vector.broadcast %lt3A_567 : i32 to vector<128xi32>
      %lt3A_569 = arith.cmpi slt, %add3A_566, %lt3A_568 : vector<128xi32>
      %broadcast_in_dim3A_570 = vector.shape_cast %lt3A_569 : vector<128xi1> to vector<1x128xi1>
      %jit3A_571 = arith.constant 0.000000e+00 : f32
      %broadcast_in_dim3A_572 = vector.shape_cast %broadcast_in_dim3A_570 : vector<1x128xi1> to vector<1x128xi1>
      %broadcast_in_dim3A_573 = vector.broadcast %broadcast_in_dim3A_572 : vector<1x128xi1> to vector<64x128xi1>
      %broadcast_in_dim3A_574 = vector.broadcast %jit3A_571 : f32 to vector<64x128xf32>
      %select_n3A_575 = arith.select %broadcast_in_dim3A_573, %get3A_561, %broadcast_in_dim3A_574 : vector<64x128xi1>, vector<64x128xf32>
      %get3A_576 = arith.constant 3072 : index
      %get3A_577 = vector.load %arg2[%get3A_576] : memref<32768xf32, #tpu.memory_space<vmem>>, vector<128xf32>
      %broadcast_in_dim3A_578 = vector.shape_cast %get3A_577 : vector<128xf32> to vector<1x128xf32>
      %mul3A_579 = vector.broadcast %broadcast_in_dim3A_578 : vector<1x128xf32> to vector<64x128xf32>
      %mul3A_580 = arith.mulf %select_n3A_575, %mul3A_579 : vector<64x128xf32>
      %add3A_581 = arith.addf %add3A_558, %mul3A_580 : vector<64x128xf32>
      %get3A_582 = arith.constant 0 : index
      %get3A_583 = arith.constant 3200 : index
      %get3A_584 = vector.load %arg1[%get3A_582, %get3A_583] : memref<64x32768xf32, #tpu.memory_space<vmem>>, vector<64x128xf32>
      %iota3A_585 = tpu.iota {dimensions = array<i32: 1>} : vector<1x128xi32>
      %iota3A_586 = vector.shape_cast %iota3A_585 : vector<1x128xi32> to vector<128xi32>
      %add3A_587 = arith.constant 986240 : i32
      %add3A_588 = vector.broadcast %add3A_587 : i32 to vector<128xi32>
      %add3A_589 = arith.addi %add3A_588, %iota3A_586 : vector<128xi32>
      %lt3A_590 = arith.constant 1000000 : i32
      %lt3A_591 = vector.broadcast %lt3A_590 : i32 to vector<128xi32>
      %lt3A_592 = arith.cmpi slt, %add3A_589, %lt3A_591 : vector<128xi32>
      %broadcast_in_dim3A_593 = vector.shape_cast %lt3A_592 : vector<128xi1> to vector<1x128xi1>
      %jit3A_594 = arith.constant 0.000000e+00 : f32
      %broadcast_in_dim3A_595 = vector.shape_cast %broadcast_in_dim3A_593 : vector<1x128xi1> to vector<1x128xi1>
      %broadcast_in_dim3A_596 = vector.broadcast %broadcast_in_dim3A_595 : vector<1x128xi1> to vector<64x128xi1>
      %broadcast_in_dim3A_597 = vector.broadcast %jit3A_594 : f32 to vector<64x128xf32>
      %select_n3A_598 = arith.select %broadcast_in_dim3A_596, %get3A_584, %broadcast_in_dim3A_597 : vector<64x128xi1>, vector<64x128xf32>
      %get3A_599 = arith.constant 3200 : index
      %get3A_600 = vector.load %arg2[%get3A_599] : memref<32768xf32, #tpu.memory_space<vmem>>, vector<128xf32>
      %broadcast_in_dim3A_601 = vector.shape_cast %get3A_600 : vector<128xf32> to vector<1x128xf32>
      %mul3A_602 = vector.broadcast %broadcast_in_dim3A_601 : vector<1x128xf32> to vector<64x128xf32>
      %mul3A_603 = arith.mulf %select_n3A_598, %mul3A_602 : vector<64x128xf32>
      %add3A_604 = arith.addf %add3A_581, %mul3A_603 : vector<64x128xf32>
      %get3A_605 = arith.constant 0 : index
      %get3A_606 = arith.constant 3328 : index
      %get3A_607 = vector.load %arg1[%get3A_605, %get3A_606] : memref<64x32768xf32, #tpu.memory_space<vmem>>, vector<64x128xf32>
      %iota3A_608 = tpu.iota {dimensions = array<i32: 1>} : vector<1x128xi32>
      %iota3A_609 = vector.shape_cast %iota3A_608 : vector<1x128xi32> to vector<128xi32>
      %add3A_610 = arith.constant 986368 : i32
      %add3A_611 = vector.broadcast %add3A_610 : i32 to vector<128xi32>
      %add3A_612 = arith.addi %add3A_611, %iota3A_609 : vector<128xi32>
      %lt3A_613 = arith.constant 1000000 : i32
      %lt3A_614 = vector.broadcast %lt3A_613 : i32 to vector<128xi32>
      %lt3A_615 = arith.cmpi slt, %add3A_612, %lt3A_614 : vector<128xi32>
      %broadcast_in_dim3A_616 = vector.shape_cast %lt3A_615 : vector<128xi1> to vector<1x128xi1>
      %jit3A_617 = arith.constant 0.000000e+00 : f32
      %broadcast_in_dim3A_618 = vector.shape_cast %broadcast_in_dim3A_616 : vector<1x128xi1> to vector<1x128xi1>
      %broadcast_in_dim3A_619 = vector.broadcast %broadcast_in_dim3A_618 : vector<1x128xi1> to vector<64x128xi1>
      %broadcast_in_dim3A_620 = vector.broadcast %jit3A_617 : f32 to vector<64x128xf32>
      %select_n3A_621 = arith.select %broadcast_in_dim3A_619, %get3A_607, %broadcast_in_dim3A_620 : vector<64x128xi1>, vector<64x128xf32>
      %get3A_622 = arith.constant 3328 : index
      %get3A_623 = vector.load %arg2[%get3A_622] : memref<32768xf32, #tpu.memory_space<vmem>>, vector<128xf32>
      %broadcast_in_dim3A_624 = vector.shape_cast %get3A_623 : vector<128xf32> to vector<1x128xf32>
      %mul3A_625 = vector.broadcast %broadcast_in_dim3A_624 : vector<1x128xf32> to vector<64x128xf32>
      %mul3A_626 = arith.mulf %select_n3A_621, %mul3A_625 : vector<64x128xf32>
      %add3A_627 = arith.addf %add3A_604, %mul3A_626 : vector<64x128xf32>
      %get3A_628 = arith.constant 0 : index
      %get3A_629 = arith.constant 3456 : index
      %get3A_630 = vector.load %arg1[%get3A_628, %get3A_629] : memref<64x32768xf32, #tpu.memory_space<vmem>>, vector<64x128xf32>
      %iota3A_631 = tpu.iota {dimensions = array<i32: 1>} : vector<1x128xi32>
      %iota3A_632 = vector.shape_cast %iota3A_631 : vector<1x128xi32> to vector<128xi32>
      %add3A_633 = arith.constant 986496 : i32
      %add3A_634 = vector.broadcast %add3A_633 : i32 to vector<128xi32>
      %add3A_635 = arith.addi %add3A_634, %iota3A_632 : vector<128xi32>
      %lt3A_636 = arith.constant 1000000 : i32
      %lt3A_637 = vector.broadcast %lt3A_636 : i32 to vector<128xi32>
      %lt3A_638 = arith.cmpi slt, %add3A_635, %lt3A_637 : vector<128xi32>
      %broadcast_in_dim3A_639 = vector.shape_cast %lt3A_638 : vector<128xi1> to vector<1x128xi1>
      %jit3A_640 = arith.constant 0.000000e+00 : f32
      %broadcast_in_dim3A_641 = vector.shape_cast %broadcast_in_dim3A_639 : vector<1x128xi1> to vector<1x128xi1>
      %broadcast_in_dim3A_642 = vector.broadcast %broadcast_in_dim3A_641 : vector<1x128xi1> to vector<64x128xi1>
      %broadcast_in_dim3A_643 = vector.broadcast %jit3A_640 : f32 to vector<64x128xf32>
      %select_n3A_644 = arith.select %broadcast_in_dim3A_642, %get3A_630, %broadcast_in_dim3A_643 : vector<64x128xi1>, vector<64x128xf32>
      %get3A_645 = arith.constant 3456 : index
      %get3A_646 = vector.load %arg2[%get3A_645] : memref<32768xf32, #tpu.memory_space<vmem>>, vector<128xf32>
      %broadcast_in_dim3A_647 = vector.shape_cast %get3A_646 : vector<128xf32> to vector<1x128xf32>
      %mul3A_648 = vector.broadcast %broadcast_in_dim3A_647 : vector<1x128xf32> to vector<64x128xf32>
      %mul3A_649 = arith.mulf %select_n3A_644, %mul3A_648 : vector<64x128xf32>
      %add3A_650 = arith.addf %add3A_627, %mul3A_649 : vector<64x128xf32>
      %get3A_651 = arith.constant 0 : index
      %get3A_652 = arith.constant 3584 : index
      %get3A_653 = vector.load %arg1[%get3A_651, %get3A_652] : memref<64x32768xf32, #tpu.memory_space<vmem>>, vector<64x128xf32>
      %iota3A_654 = tpu.iota {dimensions = array<i32: 1>} : vector<1x128xi32>
      %iota3A_655 = vector.shape_cast %iota3A_654 : vector<1x128xi32> to vector<128xi32>
      %add3A_656 = arith.constant 986624 : i32
      %add3A_657 = vector.broadcast %add3A_656 : i32 to vector<128xi32>
      %add3A_658 = arith.addi %add3A_657, %iota3A_655 : vector<128xi32>
      %lt3A_659 = arith.constant 1000000 : i32
      %lt3A_660 = vector.broadcast %lt3A_659 : i32 to vector<128xi32>
      %lt3A_661 = arith.cmpi slt, %add3A_658, %lt3A_660 : vector<128xi32>
      %broadcast_in_dim3A_662 = vector.shape_cast %lt3A_661 : vector<128xi1> to vector<1x128xi1>
      %jit3A_663 = arith.constant 0.000000e+00 : f32
      %broadcast_in_dim3A_664 = vector.shape_cast %broadcast_in_dim3A_662 : vector<1x128xi1> to vector<1x128xi1>
      %broadcast_in_dim3A_665 = vector.broadcast %broadcast_in_dim3A_664 : vector<1x128xi1> to vector<64x128xi1>
      %broadcast_in_dim3A_666 = vector.broadcast %jit3A_663 : f32 to vector<64x128xf32>
      %select_n3A_667 = arith.select %broadcast_in_dim3A_665, %get3A_653, %broadcast_in_dim3A_666 : vector<64x128xi1>, vector<64x128xf32>
      %get3A_668 = arith.constant 3584 : index
      %get3A_669 = vector.load %arg2[%get3A_668] : memref<32768xf32, #tpu.memory_space<vmem>>, vector<128xf32>
      %broadcast_in_dim3A_670 = vector.shape_cast %get3A_669 : vector<128xf32> to vector<1x128xf32>
      %mul3A_671 = vector.broadcast %broadcast_in_dim3A_670 : vector<1x128xf32> to vector<64x128xf32>
      %mul3A_672 = arith.mulf %select_n3A_667, %mul3A_671 : vector<64x128xf32>
      %add3A_673 = arith.addf %add3A_650, %mul3A_672 : vector<64x128xf32>
      %get3A_674 = arith.constant 0 : index
      %get3A_675 = arith.constant 3712 : index
      %get3A_676 = vector.load %arg1[%get3A_674, %get3A_675] : memref<64x32768xf32, #tpu.memory_space<vmem>>, vector<64x128xf32>
      %iota3A_677 = tpu.iota {dimensions = array<i32: 1>} : vector<1x128xi32>
      %iota3A_678 = vector.shape_cast %iota3A_677 : vector<1x128xi32> to vector<128xi32>
      %add3A_679 = arith.constant 986752 : i32
      %add3A_680 = vector.broadcast %add3A_679 : i32 to vector<128xi32>
      %add3A_681 = arith.addi %add3A_680, %iota3A_678 : vector<128xi32>
      %lt3A_682 = arith.constant 1000000 : i32
      %lt3A_683 = vector.broadcast %lt3A_682 : i32 to vector<128xi32>
      %lt3A_684 = arith.cmpi slt, %add3A_681, %lt3A_683 : vector<128xi32>
      %broadcast_in_dim3A_685 = vector.shape_cast %lt3A_684 : vector<128xi1> to vector<1x128xi1>
      %jit3A_686 = arith.constant 0.000000e+00 : f32
      %broadcast_in_dim3A_687 = vector.shape_cast %broadcast_in_dim3A_685 : vector<1x128xi1> to vector<1x128xi1>
      %broadcast_in_dim3A_688 = vector.broadcast %broadcast_in_dim3A_687 : vector<1x128xi1> to vector<64x128xi1>
      %broadcast_in_dim3A_689 = vector.broadcast %jit3A_686 : f32 to vector<64x128xf32>
      %select_n3A_690 = arith.select %broadcast_in_dim3A_688, %get3A_676, %broadcast_in_dim3A_689 : vector<64x128xi1>, vector<64x128xf32>
      %get3A_691 = arith.constant 3712 : index
      %get3A_692 = vector.load %arg2[%get3A_691] : memref<32768xf32, #tpu.memory_space<vmem>>, vector<128xf32>
      %broadcast_in_dim3A_693 = vector.shape_cast %get3A_692 : vector<128xf32> to vector<1x128xf32>
      %mul3A_694 = vector.broadcast %broadcast_in_dim3A_693 : vector<1x128xf32> to vector<64x128xf32>
      %mul3A_695 = arith.mulf %select_n3A_690, %mul3A_694 : vector<64x128xf32>
      %add3A_696 = arith.addf %add3A_673, %mul3A_695 : vector<64x128xf32>
      %get3A_697 = arith.constant 0 : index
      %get3A_698 = arith.constant 3840 : index
      %get3A_699 = vector.load %arg1[%get3A_697, %get3A_698] : memref<64x32768xf32, #tpu.memory_space<vmem>>, vector<64x128xf32>
      %iota3A_700 = tpu.iota {dimensions = array<i32: 1>} : vector<1x128xi32>
      %iota3A_701 = vector.shape_cast %iota3A_700 : vector<1x128xi32> to vector<128xi32>
      %add3A_702 = arith.constant 986880 : i32
      %add3A_703 = vector.broadcast %add3A_702 : i32 to vector<128xi32>
      %add3A_704 = arith.addi %add3A_703, %iota3A_701 : vector<128xi32>
      %lt3A_705 = arith.constant 1000000 : i32
      %lt3A_706 = vector.broadcast %lt3A_705 : i32 to vector<128xi32>
      %lt3A_707 = arith.cmpi slt, %add3A_704, %lt3A_706 : vector<128xi32>
      %broadcast_in_dim3A_708 = vector.shape_cast %lt3A_707 : vector<128xi1> to vector<1x128xi1>
      %jit3A_709 = arith.constant 0.000000e+00 : f32
      %broadcast_in_dim3A_710 = vector.shape_cast %broadcast_in_dim3A_708 : vector<1x128xi1> to vector<1x128xi1>
      %broadcast_in_dim3A_711 = vector.broadcast %broadcast_in_dim3A_710 : vector<1x128xi1> to vector<64x128xi1>
      %broadcast_in_dim3A_712 = vector.broadcast %jit3A_709 : f32 to vector<64x128xf32>
      %select_n3A_713 = arith.select %broadcast_in_dim3A_711, %get3A_699, %broadcast_in_dim3A_712 : vector<64x128xi1>, vector<64x128xf32>
      %get3A_714 = arith.constant 3840 : index
      %get3A_715 = vector.load %arg2[%get3A_714] : memref<32768xf32, #tpu.memory_space<vmem>>, vector<128xf32>
      %broadcast_in_dim3A_716 = vector.shape_cast %get3A_715 : vector<128xf32> to vector<1x128xf32>
      %mul3A_717 = vector.broadcast %broadcast_in_dim3A_716 : vector<1x128xf32> to vector<64x128xf32>
      %mul3A_718 = arith.mulf %select_n3A_713, %mul3A_717 : vector<64x128xf32>
      %add3A_719 = arith.addf %add3A_696, %mul3A_718 : vector<64x128xf32>
      %get3A_720 = arith.constant 0 : index
      %get3A_721 = arith.constant 3968 : index
      %get3A_722 = vector.load %arg1[%get3A_720, %get3A_721] : memref<64x32768xf32, #tpu.memory_space<vmem>>, vector<64x128xf32>
      %iota3A_723 = tpu.iota {dimensions = array<i32: 1>} : vector<1x128xi32>
      %iota3A_724 = vector.shape_cast %iota3A_723 : vector<1x128xi32> to vector<128xi32>
      %add3A_725 = arith.constant 987008 : i32
      %add3A_726 = vector.broadcast %add3A_725 : i32 to vector<128xi32>
      %add3A_727 = arith.addi %add3A_726, %iota3A_724 : vector<128xi32>
      %lt3A_728 = arith.constant 1000000 : i32
      %lt3A_729 = vector.broadcast %lt3A_728 : i32 to vector<128xi32>
      %lt3A_730 = arith.cmpi slt, %add3A_727, %lt3A_729 : vector<128xi32>
      %broadcast_in_dim3A_731 = vector.shape_cast %lt3A_730 : vector<128xi1> to vector<1x128xi1>
      %jit3A_732 = arith.constant 0.000000e+00 : f32
      %broadcast_in_dim3A_733 = vector.shape_cast %broadcast_in_dim3A_731 : vector<1x128xi1> to vector<1x128xi1>
      %broadcast_in_dim3A_734 = vector.broadcast %broadcast_in_dim3A_733 : vector<1x128xi1> to vector<64x128xi1>
      %broadcast_in_dim3A_735 = vector.broadcast %jit3A_732 : f32 to vector<64x128xf32>
      %select_n3A_736 = arith.select %broadcast_in_dim3A_734, %get3A_722, %broadcast_in_dim3A_735 : vector<64x128xi1>, vector<64x128xf32>
      %get3A_737 = arith.constant 3968 : index
      %get3A_738 = vector.load %arg2[%get3A_737] : memref<32768xf32, #tpu.memory_space<vmem>>, vector<128xf32>
      %broadcast_in_dim3A_739 = vector.shape_cast %get3A_738 : vector<128xf32> to vector<1x128xf32>
      %mul3A_740 = vector.broadcast %broadcast_in_dim3A_739 : vector<1x128xf32> to vector<64x128xf32>
      %mul3A_741 = arith.mulf %select_n3A_736, %mul3A_740 : vector<64x128xf32>
      %add3A_742 = arith.addf %add3A_719, %mul3A_741 : vector<64x128xf32>
      %get3A_743 = arith.constant 0 : index
      %get3A_744 = arith.constant 4096 : index
      %get3A_745 = vector.load %arg1[%get3A_743, %get3A_744] : memref<64x32768xf32, #tpu.memory_space<vmem>>, vector<64x128xf32>
      %iota3A_746 = tpu.iota {dimensions = array<i32: 1>} : vector<1x128xi32>
      %iota3A_747 = vector.shape_cast %iota3A_746 : vector<1x128xi32> to vector<128xi32>
      %add3A_748 = arith.constant 987136 : i32
      %add3A_749 = vector.broadcast %add3A_748 : i32 to vector<128xi32>
      %add3A_750 = arith.addi %add3A_749, %iota3A_747 : vector<128xi32>
      %lt3A_751 = arith.constant 1000000 : i32
      %lt3A_752 = vector.broadcast %lt3A_751 : i32 to vector<128xi32>
      %lt3A_753 = arith.cmpi slt, %add3A_750, %lt3A_752 : vector<128xi32>
      %broadcast_in_dim3A_754 = vector.shape_cast %lt3A_753 : vector<128xi1> to vector<1x128xi1>
      %jit3A_755 = arith.constant 0.000000e+00 : f32
      %broadcast_in_dim3A_756 = vector.shape_cast %broadcast_in_dim3A_754 : vector<1x128xi1> to vector<1x128xi1>
      %broadcast_in_dim3A_757 = vector.broadcast %broadcast_in_dim3A_756 : vector<1x128xi1> to vector<64x128xi1>
      %broadcast_in_dim3A_758 = vector.broadcast %jit3A_755 : f32 to vector<64x128xf32>
      %select_n3A_759 = arith.select %broadcast_in_dim3A_757, %get3A_745, %broadcast_in_dim3A_758 : vector<64x128xi1>, vector<64x128xf32>
      %get3A_760 = arith.constant 4096 : index
      %get3A_761 = vector.load %arg2[%get3A_760] : memref<32768xf32, #tpu.memory_space<vmem>>, vector<128xf32>
      %broadcast_in_dim3A_762 = vector.shape_cast %get3A_761 : vector<128xf32> to vector<1x128xf32>
      %mul3A_763 = vector.broadcast %broadcast_in_dim3A_762 : vector<1x128xf32> to vector<64x128xf32>
      %mul3A_764 = arith.mulf %select_n3A_759, %mul3A_763 : vector<64x128xf32>
      %add3A_765 = arith.addf %add3A_742, %mul3A_764 : vector<64x128xf32>
      %get3A_766 = arith.constant 0 : index
      %get3A_767 = arith.constant 4224 : index
      %get3A_768 = vector.load %arg1[%get3A_766, %get3A_767] : memref<64x32768xf32, #tpu.memory_space<vmem>>, vector<64x128xf32>
      %iota3A_769 = tpu.iota {dimensions = array<i32: 1>} : vector<1x128xi32>
      %iota3A_770 = vector.shape_cast %iota3A_769 : vector<1x128xi32> to vector<128xi32>
      %add3A_771 = arith.constant 987264 : i32
      %add3A_772 = vector.broadcast %add3A_771 : i32 to vector<128xi32>
      %add3A_773 = arith.addi %add3A_772, %iota3A_770 : vector<128xi32>
      %lt3A_774 = arith.constant 1000000 : i32
      %lt3A_775 = vector.broadcast %lt3A_774 : i32 to vector<128xi32>
      %lt3A_776 = arith.cmpi slt, %add3A_773, %lt3A_775 : vector<128xi32>
      %broadcast_in_dim3A_777 = vector.shape_cast %lt3A_776 : vector<128xi1> to vector<1x128xi1>
      %jit3A_778 = arith.constant 0.000000e+00 : f32
      %broadcast_in_dim3A_779 = vector.shape_cast %broadcast_in_dim3A_777 : vector<1x128xi1> to vector<1x128xi1>
      %broadcast_in_dim3A_780 = vector.broadcast %broadcast_in_dim3A_779 : vector<1x128xi1> to vector<64x128xi1>
      %broadcast_in_dim3A_781 = vector.broadcast %jit3A_778 : f32 to vector<64x128xf32>
      %select_n3A_782 = arith.select %broadcast_in_dim3A_780, %get3A_768, %broadcast_in_dim3A_781 : vector<64x128xi1>, vector<64x128xf32>
      %get3A_783 = arith.constant 4224 : index
      %get3A_784 = vector.load %arg2[%get3A_783] : memref<32768xf32, #tpu.memory_space<vmem>>, vector<128xf32>
      %broadcast_in_dim3A_785 = vector.shape_cast %get3A_784 : vector<128xf32> to vector<1x128xf32>
      %mul3A_786 = vector.broadcast %broadcast_in_dim3A_785 : vector<1x128xf32> to vector<64x128xf32>
      %mul3A_787 = arith.mulf %select_n3A_782, %mul3A_786 : vector<64x128xf32>
      %add3A_788 = arith.addf %add3A_765, %mul3A_787 : vector<64x128xf32>
      %get3A_789 = arith.constant 0 : index
      %get3A_790 = arith.constant 4352 : index
      %get3A_791 = vector.load %arg1[%get3A_789, %get3A_790] : memref<64x32768xf32, #tpu.memory_space<vmem>>, vector<64x128xf32>
      %iota3A_792 = tpu.iota {dimensions = array<i32: 1>} : vector<1x128xi32>
      %iota3A_793 = vector.shape_cast %iota3A_792 : vector<1x128xi32> to vector<128xi32>
      %add3A_794 = arith.constant 987392 : i32
      %add3A_795 = vector.broadcast %add3A_794 : i32 to vector<128xi32>
      %add3A_796 = arith.addi %add3A_795, %iota3A_793 : vector<128xi32>
      %lt3A_797 = arith.constant 1000000 : i32
      %lt3A_798 = vector.broadcast %lt3A_797 : i32 to vector<128xi32>
      %lt3A_799 = arith.cmpi slt, %add3A_796, %lt3A_798 : vector<128xi32>
      %broadcast_in_dim3A_800 = vector.shape_cast %lt3A_799 : vector<128xi1> to vector<1x128xi1>
      %jit3A_801 = arith.constant 0.000000e+00 : f32
      %broadcast_in_dim3A_802 = vector.shape_cast %broadcast_in_dim3A_800 : vector<1x128xi1> to vector<1x128xi1>
      %broadcast_in_dim3A_803 = vector.broadcast %broadcast_in_dim3A_802 : vector<1x128xi1> to vector<64x128xi1>
      %broadcast_in_dim3A_804 = vector.broadcast %jit3A_801 : f32 to vector<64x128xf32>
      %select_n3A_805 = arith.select %broadcast_in_dim3A_803, %get3A_791, %broadcast_in_dim3A_804 : vector<64x128xi1>, vector<64x128xf32>
      %get3A_806 = arith.constant 4352 : index
      %get3A_807 = vector.load %arg2[%get3A_806] : memref<32768xf32, #tpu.memory_space<vmem>>, vector<128xf32>
      %broadcast_in_dim3A_808 = vector.shape_cast %get3A_807 : vector<128xf32> to vector<1x128xf32>
      %mul3A_809 = vector.broadcast %broadcast_in_dim3A_808 : vector<1x128xf32> to vector<64x128xf32>
      %mul3A_810 = arith.mulf %select_n3A_805, %mul3A_809 : vector<64x128xf32>
      %add3A_811 = arith.addf %add3A_788, %mul3A_810 : vector<64x128xf32>
      %get3A_812 = arith.constant 0 : index
      %get3A_813 = arith.constant 4480 : index
      %get3A_814 = vector.load %arg1[%get3A_812, %get3A_813] : memref<64x32768xf32, #tpu.memory_space<vmem>>, vector<64x128xf32>
      %iota3A_815 = tpu.iota {dimensions = array<i32: 1>} : vector<1x128xi32>
      %iota3A_816 = vector.shape_cast %iota3A_815 : vector<1x128xi32> to vector<128xi32>
      %add3A_817 = arith.constant 987520 : i32
      %add3A_818 = vector.broadcast %add3A_817 : i32 to vector<128xi32>
      %add3A_819 = arith.addi %add3A_818, %iota3A_816 : vector<128xi32>
      %lt3A_820 = arith.constant 1000000 : i32
      %lt3A_821 = vector.broadcast %lt3A_820 : i32 to vector<128xi32>
      %lt3A_822 = arith.cmpi slt, %add3A_819, %lt3A_821 : vector<128xi32>
      %broadcast_in_dim3A_823 = vector.shape_cast %lt3A_822 : vector<128xi1> to vector<1x128xi1>
      %jit3A_824 = arith.constant 0.000000e+00 : f32
      %broadcast_in_dim3A_825 = vector.shape_cast %broadcast_in_dim3A_823 : vector<1x128xi1> to vector<1x128xi1>
      %broadcast_in_dim3A_826 = vector.broadcast %broadcast_in_dim3A_825 : vector<1x128xi1> to vector<64x128xi1>
      %broadcast_in_dim3A_827 = vector.broadcast %jit3A_824 : f32 to vector<64x128xf32>
      %select_n3A_828 = arith.select %broadcast_in_dim3A_826, %get3A_814, %broadcast_in_dim3A_827 : vector<64x128xi1>, vector<64x128xf32>
      %get3A_829 = arith.constant 4480 : index
      %get3A_830 = vector.load %arg2[%get3A_829] : memref<32768xf32, #tpu.memory_space<vmem>>, vector<128xf32>
      %broadcast_in_dim3A_831 = vector.shape_cast %get3A_830 : vector<128xf32> to vector<1x128xf32>
      %mul3A_832 = vector.broadcast %broadcast_in_dim3A_831 : vector<1x128xf32> to vector<64x128xf32>
      %mul3A_833 = arith.mulf %select_n3A_828, %mul3A_832 : vector<64x128xf32>
      %add3A_834 = arith.addf %add3A_811, %mul3A_833 : vector<64x128xf32>
      %get3A_835 = arith.constant 0 : index
      %get3A_836 = arith.constant 4608 : index
      %get3A_837 = vector.load %arg1[%get3A_835, %get3A_836] : memref<64x32768xf32, #tpu.memory_space<vmem>>, vector<64x128xf32>
      %iota3A_838 = tpu.iota {dimensions = array<i32: 1>} : vector<1x128xi32>
      %iota3A_839 = vector.shape_cast %iota3A_838 : vector<1x128xi32> to vector<128xi32>
      %add3A_840 = arith.constant 987648 : i32
      %add3A_841 = vector.broadcast %add3A_840 : i32 to vector<128xi32>
      %add3A_842 = arith.addi %add3A_841, %iota3A_839 : vector<128xi32>
      %lt3A_843 = arith.constant 1000000 : i32
      %lt3A_844 = vector.broadcast %lt3A_843 : i32 to vector<128xi32>
      %lt3A_845 = arith.cmpi slt, %add3A_842, %lt3A_844 : vector<128xi32>
      %broadcast_in_dim3A_846 = vector.shape_cast %lt3A_845 : vector<128xi1> to vector<1x128xi1>
      %jit3A_847 = arith.constant 0.000000e+00 : f32
      %broadcast_in_dim3A_848 = vector.shape_cast %broadcast_in_dim3A_846 : vector<1x128xi1> to vector<1x128xi1>
      %broadcast_in_dim3A_849 = vector.broadcast %broadcast_in_dim3A_848 : vector<1x128xi1> to vector<64x128xi1>
      %broadcast_in_dim3A_850 = vector.broadcast %jit3A_847 : f32 to vector<64x128xf32>
      %select_n3A_851 = arith.select %broadcast_in_dim3A_849, %get3A_837, %broadcast_in_dim3A_850 : vector<64x128xi1>, vector<64x128xf32>
      %get3A_852 = arith.constant 4608 : index
      %get3A_853 = vector.load %arg2[%get3A_852] : memref<32768xf32, #tpu.memory_space<vmem>>, vector<128xf32>
      %broadcast_in_dim3A_854 = vector.shape_cast %get3A_853 : vector<128xf32> to vector<1x128xf32>
      %mul3A_855 = vector.broadcast %broadcast_in_dim3A_854 : vector<1x128xf32> to vector<64x128xf32>
      %mul3A_856 = arith.mulf %select_n3A_851, %mul3A_855 : vector<64x128xf32>
      %add3A_857 = arith.addf %add3A_834, %mul3A_856 : vector<64x128xf32>
      %get3A_858 = arith.constant 0 : index
      %get3A_859 = arith.constant 4736 : index
      %get3A_860 = vector.load %arg1[%get3A_858, %get3A_859] : memref<64x32768xf32, #tpu.memory_space<vmem>>, vector<64x128xf32>
      %iota3A_861 = tpu.iota {dimensions = array<i32: 1>} : vector<1x128xi32>
      %iota3A_862 = vector.shape_cast %iota3A_861 : vector<1x128xi32> to vector<128xi32>
      %add3A_863 = arith.constant 987776 : i32
      %add3A_864 = vector.broadcast %add3A_863 : i32 to vector<128xi32>
      %add3A_865 = arith.addi %add3A_864, %iota3A_862 : vector<128xi32>
      %lt3A_866 = arith.constant 1000000 : i32
      %lt3A_867 = vector.broadcast %lt3A_866 : i32 to vector<128xi32>
      %lt3A_868 = arith.cmpi slt, %add3A_865, %lt3A_867 : vector<128xi32>
      %broadcast_in_dim3A_869 = vector.shape_cast %lt3A_868 : vector<128xi1> to vector<1x128xi1>
      %jit3A_870 = arith.constant 0.000000e+00 : f32
      %broadcast_in_dim3A_871 = vector.shape_cast %broadcast_in_dim3A_869 : vector<1x128xi1> to vector<1x128xi1>
      %broadcast_in_dim3A_872 = vector.broadcast %broadcast_in_dim3A_871 : vector<1x128xi1> to vector<64x128xi1>
      %broadcast_in_dim3A_873 = vector.broadcast %jit3A_870 : f32 to vector<64x128xf32>
      %select_n3A_874 = arith.select %broadcast_in_dim3A_872, %get3A_860, %broadcast_in_dim3A_873 : vector<64x128xi1>, vector<64x128xf32>
      %get3A_875 = arith.constant 4736 : index
      %get3A_876 = vector.load %arg2[%get3A_875] : memref<32768xf32, #tpu.memory_space<vmem>>, vector<128xf32>
      %broadcast_in_dim3A_877 = vector.shape_cast %get3A_876 : vector<128xf32> to vector<1x128xf32>
      %mul3A_878 = vector.broadcast %broadcast_in_dim3A_877 : vector<1x128xf32> to vector<64x128xf32>
      %mul3A_879 = arith.mulf %select_n3A_874, %mul3A_878 : vector<64x128xf32>
      %add3A_880 = arith.addf %add3A_857, %mul3A_879 : vector<64x128xf32>
      %get3A_881 = arith.constant 0 : index
      %get3A_882 = arith.constant 4864 : index
      %get3A_883 = vector.load %arg1[%get3A_881, %get3A_882] : memref<64x32768xf32, #tpu.memory_space<vmem>>, vector<64x128xf32>
      %iota3A_884 = tpu.iota {dimensions = array<i32: 1>} : vector<1x128xi32>
      %iota3A_885 = vector.shape_cast %iota3A_884 : vector<1x128xi32> to vector<128xi32>
      %add3A_886 = arith.constant 987904 : i32
      %add3A_887 = vector.broadcast %add3A_886 : i32 to vector<128xi32>
      %add3A_888 = arith.addi %add3A_887, %iota3A_885 : vector<128xi32>
      %lt3A_889 = arith.constant 1000000 : i32
      %lt3A_890 = vector.broadcast %lt3A_889 : i32 to vector<128xi32>
      %lt3A_891 = arith.cmpi slt, %add3A_888, %lt3A_890 : vector<128xi32>
      %broadcast_in_dim3A_892 = vector.shape_cast %lt3A_891 : vector<128xi1> to vector<1x128xi1>
      %jit3A_893 = arith.constant 0.000000e+00 : f32
      %broadcast_in_dim3A_894 = vector.shape_cast %broadcast_in_dim3A_892 : vector<1x128xi1> to vector<1x128xi1>
      %broadcast_in_dim3A_895 = vector.broadcast %broadcast_in_dim3A_894 : vector<1x128xi1> to vector<64x128xi1>
      %broadcast_in_dim3A_896 = vector.broadcast %jit3A_893 : f32 to vector<64x128xf32>
      %select_n3A_897 = arith.select %broadcast_in_dim3A_895, %get3A_883, %broadcast_in_dim3A_896 : vector<64x128xi1>, vector<64x128xf32>
      %get3A_898 = arith.constant 4864 : index
      %get3A_899 = vector.load %arg2[%get3A_898] : memref<32768xf32, #tpu.memory_space<vmem>>, vector<128xf32>
      %broadcast_in_dim3A_900 = vector.shape_cast %get3A_899 : vector<128xf32> to vector<1x128xf32>
      %mul3A_901 = vector.broadcast %broadcast_in_dim3A_900 : vector<1x128xf32> to vector<64x128xf32>
      %mul3A_902 = arith.mulf %select_n3A_897, %mul3A_901 : vector<64x128xf32>
      %add3A_903 = arith.addf %add3A_880, %mul3A_902 : vector<64x128xf32>
      %get3A_904 = arith.constant 0 : index
      %get3A_905 = arith.constant 4992 : index
      %get3A_906 = vector.load %arg1[%get3A_904, %get3A_905] : memref<64x32768xf32, #tpu.memory_space<vmem>>, vector<64x128xf32>
      %iota3A_907 = tpu.iota {dimensions = array<i32: 1>} : vector<1x128xi32>
      %iota3A_908 = vector.shape_cast %iota3A_907 : vector<1x128xi32> to vector<128xi32>
      %add3A_909 = arith.constant 988032 : i32
      %add3A_910 = vector.broadcast %add3A_909 : i32 to vector<128xi32>
      %add3A_911 = arith.addi %add3A_910, %iota3A_908 : vector<128xi32>
      %lt3A_912 = arith.constant 1000000 : i32
      %lt3A_913 = vector.broadcast %lt3A_912 : i32 to vector<128xi32>
      %lt3A_914 = arith.cmpi slt, %add3A_911, %lt3A_913 : vector<128xi32>
      %broadcast_in_dim3A_915 = vector.shape_cast %lt3A_914 : vector<128xi1> to vector<1x128xi1>
      %jit3A_916 = arith.constant 0.000000e+00 : f32
      %broadcast_in_dim3A_917 = vector.shape_cast %broadcast_in_dim3A_915 : vector<1x128xi1> to vector<1x128xi1>
      %broadcast_in_dim3A_918 = vector.broadcast %broadcast_in_dim3A_917 : vector<1x128xi1> to vector<64x128xi1>
      %broadcast_in_dim3A_919 = vector.broadcast %jit3A_916 : f32 to vector<64x128xf32>
      %select_n3A_920 = arith.select %broadcast_in_dim3A_918, %get3A_906, %broadcast_in_dim3A_919 : vector<64x128xi1>, vector<64x128xf32>
      %get3A_921 = arith.constant 4992 : index
      %get3A_922 = vector.load %arg2[%get3A_921] : memref<32768xf32, #tpu.memory_space<vmem>>, vector<128xf32>
      %broadcast_in_dim3A_923 = vector.shape_cast %get3A_922 : vector<128xf32> to vector<1x128xf32>
      %mul3A_924 = vector.broadcast %broadcast_in_dim3A_923 : vector<1x128xf32> to vector<64x128xf32>
      %mul3A_925 = arith.mulf %select_n3A_920, %mul3A_924 : vector<64x128xf32>
      %add3A_926 = arith.addf %add3A_903, %mul3A_925 : vector<64x128xf32>
      %get3A_927 = arith.constant 0 : index
      %get3A_928 = arith.constant 5120 : index
      %get3A_929 = vector.load %arg1[%get3A_927, %get3A_928] : memref<64x32768xf32, #tpu.memory_space<vmem>>, vector<64x128xf32>
      %iota3A_930 = tpu.iota {dimensions = array<i32: 1>} : vector<1x128xi32>
      %iota3A_931 = vector.shape_cast %iota3A_930 : vector<1x128xi32> to vector<128xi32>
      %add3A_932 = arith.constant 988160 : i32
      %add3A_933 = vector.broadcast %add3A_932 : i32 to vector<128xi32>
      %add3A_934 = arith.addi %add3A_933, %iota3A_931 : vector<128xi32>
      %lt3A_935 = arith.constant 1000000 : i32
      %lt3A_936 = vector.broadcast %lt3A_935 : i32 to vector<128xi32>
      %lt3A_937 = arith.cmpi slt, %add3A_934, %lt3A_936 : vector<128xi32>
      %broadcast_in_dim3A_938 = vector.shape_cast %lt3A_937 : vector<128xi1> to vector<1x128xi1>
      %jit3A_939 = arith.constant 0.000000e+00 : f32
      %broadcast_in_dim3A_940 = vector.shape_cast %broadcast_in_dim3A_938 : vector<1x128xi1> to vector<1x128xi1>
      %broadcast_in_dim3A_941 = vector.broadcast %broadcast_in_dim3A_940 : vector<1x128xi1> to vector<64x128xi1>
      %broadcast_in_dim3A_942 = vector.broadcast %jit3A_939 : f32 to vector<64x128xf32>
      %select_n3A_943 = arith.select %broadcast_in_dim3A_941, %get3A_929, %broadcast_in_dim3A_942 : vector<64x128xi1>, vector<64x128xf32>
      %get3A_944 = arith.constant 5120 : index
      %get3A_945 = vector.load %arg2[%get3A_944] : memref<32768xf32, #tpu.memory_space<vmem>>, vector<128xf32>
      %broadcast_in_dim3A_946 = vector.shape_cast %get3A_945 : vector<128xf32> to vector<1x128xf32>
      %mul3A_947 = vector.broadcast %broadcast_in_dim3A_946 : vector<1x128xf32> to vector<64x128xf32>
      %mul3A_948 = arith.mulf %select_n3A_943, %mul3A_947 : vector<64x128xf32>
      %add3A_949 = arith.addf %add3A_926, %mul3A_948 : vector<64x128xf32>
      %get3A_950 = arith.constant 0 : index
      %get3A_951 = arith.constant 5248 : index
      %get3A_952 = vector.load %arg1[%get3A_950, %get3A_951] : memref<64x32768xf32, #tpu.memory_space<vmem>>, vector<64x128xf32>
      %iota3A_953 = tpu.iota {dimensions = array<i32: 1>} : vector<1x128xi32>
      %iota3A_954 = vector.shape_cast %iota3A_953 : vector<1x128xi32> to vector<128xi32>
      %add3A_955 = arith.constant 988288 : i32
      %add3A_956 = vector.broadcast %add3A_955 : i32 to vector<128xi32>
      %add3A_957 = arith.addi %add3A_956, %iota3A_954 : vector<128xi32>
      %lt3A_958 = arith.constant 1000000 : i32
      %lt3A_959 = vector.broadcast %lt3A_958 : i32 to vector<128xi32>
      %lt3A_960 = arith.cmpi slt, %add3A_957, %lt3A_959 : vector<128xi32>
      %broadcast_in_dim3A_961 = vector.shape_cast %lt3A_960 : vector<128xi1> to vector<1x128xi1>
      %jit3A_962 = arith.constant 0.000000e+00 : f32
      %broadcast_in_dim3A_963 = vector.shape_cast %broadcast_in_dim3A_961 : vector<1x128xi1> to vector<1x128xi1>
      %broadcast_in_dim3A_964 = vector.broadcast %broadcast_in_dim3A_963 : vector<1x128xi1> to vector<64x128xi1>
      %broadcast_in_dim3A_965 = vector.broadcast %jit3A_962 : f32 to vector<64x128xf32>
      %select_n3A_966 = arith.select %broadcast_in_dim3A_964, %get3A_952, %broadcast_in_dim3A_965 : vector<64x128xi1>, vector<64x128xf32>
      %get3A_967 = arith.constant 5248 : index
      %get3A_968 = vector.load %arg2[%get3A_967] : memref<32768xf32, #tpu.memory_space<vmem>>, vector<128xf32>
      %broadcast_in_dim3A_969 = vector.shape_cast %get3A_968 : vector<128xf32> to vector<1x128xf32>
      %mul3A_970 = vector.broadcast %broadcast_in_dim3A_969 : vector<1x128xf32> to vector<64x128xf32>
      %mul3A_971 = arith.mulf %select_n3A_966, %mul3A_970 : vector<64x128xf32>
      %add3A_972 = arith.addf %add3A_949, %mul3A_971 : vector<64x128xf32>
      %get3A_973 = arith.constant 0 : index
      %get3A_974 = arith.constant 5376 : index
      %get3A_975 = vector.load %arg1[%get3A_973, %get3A_974] : memref<64x32768xf32, #tpu.memory_space<vmem>>, vector<64x128xf32>
      %iota3A_976 = tpu.iota {dimensions = array<i32: 1>} : vector<1x128xi32>
      %iota3A_977 = vector.shape_cast %iota3A_976 : vector<1x128xi32> to vector<128xi32>
      %add3A_978 = arith.constant 988416 : i32
      %add3A_979 = vector.broadcast %add3A_978 : i32 to vector<128xi32>
      %add3A_980 = arith.addi %add3A_979, %iota3A_977 : vector<128xi32>
      %lt3A_981 = arith.constant 1000000 : i32
      %lt3A_982 = vector.broadcast %lt3A_981 : i32 to vector<128xi32>
      %lt3A_983 = arith.cmpi slt, %add3A_980, %lt3A_982 : vector<128xi32>
      %broadcast_in_dim3A_984 = vector.shape_cast %lt3A_983 : vector<128xi1> to vector<1x128xi1>
      %jit3A_985 = arith.constant 0.000000e+00 : f32
      %broadcast_in_dim3A_986 = vector.shape_cast %broadcast_in_dim3A_984 : vector<1x128xi1> to vector<1x128xi1>
      %broadcast_in_dim3A_987 = vector.broadcast %broadcast_in_dim3A_986 : vector<1x128xi1> to vector<64x128xi1>
      %broadcast_in_dim3A_988 = vector.broadcast %jit3A_985 : f32 to vector<64x128xf32>
      %select_n3A_989 = arith.select %broadcast_in_dim3A_987, %get3A_975, %broadcast_in_dim3A_988 : vector<64x128xi1>, vector<64x128xf32>
      %get3A_990 = arith.constant 5376 : index
      %get3A_991 = vector.load %arg2[%get3A_990] : memref<32768xf32, #tpu.memory_space<vmem>>, vector<128xf32>
      %broadcast_in_dim3A_992 = vector.shape_cast %get3A_991 : vector<128xf32> to vector<1x128xf32>
      %mul3A_993 = vector.broadcast %broadcast_in_dim3A_992 : vector<1x128xf32> to vector<64x128xf32>
      %mul3A_994 = arith.mulf %select_n3A_989, %mul3A_993 : vector<64x128xf32>
      %add3A_995 = arith.addf %add3A_972, %mul3A_994 : vector<64x128xf32>
      %get3A_996 = arith.constant 0 : index
      %get3A_997 = arith.constant 5504 : index
      %get3A_998 = vector.load %arg1[%get3A_996, %get3A_997] : memref<64x32768xf32, #tpu.memory_space<vmem>>, vector<64x128xf32>
      %iota3A_999 = tpu.iota {dimensions = array<i32: 1>} : vector<1x128xi32>
      %iota3A_1000 = vector.shape_cast %iota3A_999 : vector<1x128xi32> to vector<128xi32>
      %add3A_1001 = arith.constant 988544 : i32
      %add3A_1002 = vector.broadcast %add3A_1001 : i32 to vector<128xi32>
      %add3A_1003 = arith.addi %add3A_1002, %iota3A_1000 : vector<128xi32>
      %lt3A_1004 = arith.constant 1000000 : i32
      %lt3A_1005 = vector.broadcast %lt3A_1004 : i32 to vector<128xi32>
      %lt3A_1006 = arith.cmpi slt, %add3A_1003, %lt3A_1005 : vector<128xi32>
      %broadcast_in_dim3A_1007 = vector.shape_cast %lt3A_1006 : vector<128xi1> to vector<1x128xi1>
      %jit3A_1008 = arith.constant 0.000000e+00 : f32
      %broadcast_in_dim3A_1009 = vector.shape_cast %broadcast_in_dim3A_1007 : vector<1x128xi1> to vector<1x128xi1>
      %broadcast_in_dim3A_1010 = vector.broadcast %broadcast_in_dim3A_1009 : vector<1x128xi1> to vector<64x128xi1>
      %broadcast_in_dim3A_1011 = vector.broadcast %jit3A_1008 : f32 to vector<64x128xf32>
      %select_n3A_1012 = arith.select %broadcast_in_dim3A_1010, %get3A_998, %broadcast_in_dim3A_1011 : vector<64x128xi1>, vector<64x128xf32>
      %get3A_1013 = arith.constant 5504 : index
      %get3A_1014 = vector.load %arg2[%get3A_1013] : memref<32768xf32, #tpu.memory_space<vmem>>, vector<128xf32>
      %broadcast_in_dim3A_1015 = vector.shape_cast %get3A_1014 : vector<128xf32> to vector<1x128xf32>
      %mul3A_1016 = vector.broadcast %broadcast_in_dim3A_1015 : vector<1x128xf32> to vector<64x128xf32>
      %mul3A_1017 = arith.mulf %select_n3A_1012, %mul3A_1016 : vector<64x128xf32>
      %add3A_1018 = arith.addf %add3A_995, %mul3A_1017 : vector<64x128xf32>
      %get3A_1019 = arith.constant 0 : index
      %get3A_1020 = arith.constant 5632 : index
      %get3A_1021 = vector.load %arg1[%get3A_1019, %get3A_1020] : memref<64x32768xf32, #tpu.memory_space<vmem>>, vector<64x128xf32>
      %iota3A_1022 = tpu.iota {dimensions = array<i32: 1>} : vector<1x128xi32>
      %iota3A_1023 = vector.shape_cast %iota3A_1022 : vector<1x128xi32> to vector<128xi32>
      %add3A_1024 = arith.constant 988672 : i32
      %add3A_1025 = vector.broadcast %add3A_1024 : i32 to vector<128xi32>
      %add3A_1026 = arith.addi %add3A_1025, %iota3A_1023 : vector<128xi32>
      %lt3A_1027 = arith.constant 1000000 : i32
      %lt3A_1028 = vector.broadcast %lt3A_1027 : i32 to vector<128xi32>
      %lt3A_1029 = arith.cmpi slt, %add3A_1026, %lt3A_1028 : vector<128xi32>
      %broadcast_in_dim3A_1030 = vector.shape_cast %lt3A_1029 : vector<128xi1> to vector<1x128xi1>
      %jit3A_1031 = arith.constant 0.000000e+00 : f32
      %broadcast_in_dim3A_1032 = vector.shape_cast %broadcast_in_dim3A_1030 : vector<1x128xi1> to vector<1x128xi1>
      %broadcast_in_dim3A_1033 = vector.broadcast %broadcast_in_dim3A_1032 : vector<1x128xi1> to vector<64x128xi1>
      %broadcast_in_dim3A_1034 = vector.broadcast %jit3A_1031 : f32 to vector<64x128xf32>
      %select_n3A_1035 = arith.select %broadcast_in_dim3A_1033, %get3A_1021, %broadcast_in_dim3A_1034 : vector<64x128xi1>, vector<64x128xf32>
      %get3A_1036 = arith.constant 5632 : index
      %get3A_1037 = vector.load %arg2[%get3A_1036] : memref<32768xf32, #tpu.memory_space<vmem>>, vector<128xf32>
      %broadcast_in_dim3A_1038 = vector.shape_cast %get3A_1037 : vector<128xf32> to vector<1x128xf32>
      %mul3A_1039 = vector.broadcast %broadcast_in_dim3A_1038 : vector<1x128xf32> to vector<64x128xf32>
      %mul3A_1040 = arith.mulf %select_n3A_1035, %mul3A_1039 : vector<64x128xf32>
      %add3A_1041 = arith.addf %add3A_1018, %mul3A_1040 : vector<64x128xf32>
      %get3A_1042 = arith.constant 0 : index
      %get3A_1043 = arith.constant 5760 : index
      %get3A_1044 = vector.load %arg1[%get3A_1042, %get3A_1043] : memref<64x32768xf32, #tpu.memory_space<vmem>>, vector<64x128xf32>
      %iota3A_1045 = tpu.iota {dimensions = array<i32: 1>} : vector<1x128xi32>
      %iota3A_1046 = vector.shape_cast %iota3A_1045 : vector<1x128xi32> to vector<128xi32>
      %add3A_1047 = arith.constant 988800 : i32
      %add3A_1048 = vector.broadcast %add3A_1047 : i32 to vector<128xi32>
      %add3A_1049 = arith.addi %add3A_1048, %iota3A_1046 : vector<128xi32>
      %lt3A_1050 = arith.constant 1000000 : i32
      %lt3A_1051 = vector.broadcast %lt3A_1050 : i32 to vector<128xi32>
      %lt3A_1052 = arith.cmpi slt, %add3A_1049, %lt3A_1051 : vector<128xi32>
      %broadcast_in_dim3A_1053 = vector.shape_cast %lt3A_1052 : vector<128xi1> to vector<1x128xi1>
      %jit3A_1054 = arith.constant 0.000000e+00 : f32
      %broadcast_in_dim3A_1055 = vector.shape_cast %broadcast_in_dim3A_1053 : vector<1x128xi1> to vector<1x128xi1>
      %broadcast_in_dim3A_1056 = vector.broadcast %broadcast_in_dim3A_1055 : vector<1x128xi1> to vector<64x128xi1>
      %broadcast_in_dim3A_1057 = vector.broadcast %jit3A_1054 : f32 to vector<64x128xf32>
      %select_n3A_1058 = arith.select %broadcast_in_dim3A_1056, %get3A_1044, %broadcast_in_dim3A_1057 : vector<64x128xi1>, vector<64x128xf32>
      %get3A_1059 = arith.constant 5760 : index
      %get3A_1060 = vector.load %arg2[%get3A_1059] : memref<32768xf32, #tpu.memory_space<vmem>>, vector<128xf32>
      %broadcast_in_dim3A_1061 = vector.shape_cast %get3A_1060 : vector<128xf32> to vector<1x128xf32>
      %mul3A_1062 = vector.broadcast %broadcast_in_dim3A_1061 : vector<1x128xf32> to vector<64x128xf32>
      %mul3A_1063 = arith.mulf %select_n3A_1058, %mul3A_1062 : vector<64x128xf32>
      %add3A_1064 = arith.addf %add3A_1041, %mul3A_1063 : vector<64x128xf32>
      %get3A_1065 = arith.constant 0 : index
      %get3A_1066 = arith.constant 5888 : index
      %get3A_1067 = vector.load %arg1[%get3A_1065, %get3A_1066] : memref<64x32768xf32, #tpu.memory_space<vmem>>, vector<64x128xf32>
      %iota3A_1068 = tpu.iota {dimensions = array<i32: 1>} : vector<1x128xi32>
      %iota3A_1069 = vector.shape_cast %iota3A_1068 : vector<1x128xi32> to vector<128xi32>
      %add3A_1070 = arith.constant 988928 : i32
      %add3A_1071 = vector.broadcast %add3A_1070 : i32 to vector<128xi32>
      %add3A_1072 = arith.addi %add3A_1071, %iota3A_1069 : vector<128xi32>
      %lt3A_1073 = arith.constant 1000000 : i32
      %lt3A_1074 = vector.broadcast %lt3A_1073 : i32 to vector<128xi32>
      %lt3A_1075 = arith.cmpi slt, %add3A_1072, %lt3A_1074 : vector<128xi32>
      %broadcast_in_dim3A_1076 = vector.shape_cast %lt3A_1075 : vector<128xi1> to vector<1x128xi1>
      %jit3A_1077 = arith.constant 0.000000e+00 : f32
      %broadcast_in_dim3A_1078 = vector.shape_cast %broadcast_in_dim3A_1076 : vector<1x128xi1> to vector<1x128xi1>
      %broadcast_in_dim3A_1079 = vector.broadcast %broadcast_in_dim3A_1078 : vector<1x128xi1> to vector<64x128xi1>
      %broadcast_in_dim3A_1080 = vector.broadcast %jit3A_1077 : f32 to vector<64x128xf32>
      %select_n3A_1081 = arith.select %broadcast_in_dim3A_1079, %get3A_1067, %broadcast_in_dim3A_1080 : vector<64x128xi1>, vector<64x128xf32>
      %get3A_1082 = arith.constant 5888 : index
      %get3A_1083 = vector.load %arg2[%get3A_1082] : memref<32768xf32, #tpu.memory_space<vmem>>, vector<128xf32>
      %broadcast_in_dim3A_1084 = vector.shape_cast %get3A_1083 : vector<128xf32> to vector<1x128xf32>
      %mul3A_1085 = vector.broadcast %broadcast_in_dim3A_1084 : vector<1x128xf32> to vector<64x128xf32>
      %mul3A_1086 = arith.mulf %select_n3A_1081, %mul3A_1085 : vector<64x128xf32>
      %add3A_1087 = arith.addf %add3A_1064, %mul3A_1086 : vector<64x128xf32>
      %get3A_1088 = arith.constant 0 : index
      %get3A_1089 = arith.constant 6016 : index
      %get3A_1090 = vector.load %arg1[%get3A_1088, %get3A_1089] : memref<64x32768xf32, #tpu.memory_space<vmem>>, vector<64x128xf32>
      %iota3A_1091 = tpu.iota {dimensions = array<i32: 1>} : vector<1x128xi32>
      %iota3A_1092 = vector.shape_cast %iota3A_1091 : vector<1x128xi32> to vector<128xi32>
      %add3A_1093 = arith.constant 989056 : i32
      %add3A_1094 = vector.broadcast %add3A_1093 : i32 to vector<128xi32>
      %add3A_1095 = arith.addi %add3A_1094, %iota3A_1092 : vector<128xi32>
      %lt3A_1096 = arith.constant 1000000 : i32
      %lt3A_1097 = vector.broadcast %lt3A_1096 : i32 to vector<128xi32>
      %lt3A_1098 = arith.cmpi slt, %add3A_1095, %lt3A_1097 : vector<128xi32>
      %broadcast_in_dim3A_1099 = vector.shape_cast %lt3A_1098 : vector<128xi1> to vector<1x128xi1>
      %jit3A_1100 = arith.constant 0.000000e+00 : f32
      %broadcast_in_dim3A_1101 = vector.shape_cast %broadcast_in_dim3A_1099 : vector<1x128xi1> to vector<1x128xi1>
      %broadcast_in_dim3A_1102 = vector.broadcast %broadcast_in_dim3A_1101 : vector<1x128xi1> to vector<64x128xi1>
      %broadcast_in_dim3A_1103 = vector.broadcast %jit3A_1100 : f32 to vector<64x128xf32>
      %select_n3A_1104 = arith.select %broadcast_in_dim3A_1102, %get3A_1090, %broadcast_in_dim3A_1103 : vector<64x128xi1>, vector<64x128xf32>
      %get3A_1105 = arith.constant 6016 : index
      %get3A_1106 = vector.load %arg2[%get3A_1105] : memref<32768xf32, #tpu.memory_space<vmem>>, vector<128xf32>
      %broadcast_in_dim3A_1107 = vector.shape_cast %get3A_1106 : vector<128xf32> to vector<1x128xf32>
      %mul3A_1108 = vector.broadcast %broadcast_in_dim3A_1107 : vector<1x128xf32> to vector<64x128xf32>
      %mul3A_1109 = arith.mulf %select_n3A_1104, %mul3A_1108 : vector<64x128xf32>
      %add3A_1110 = arith.addf %add3A_1087, %mul3A_1109 : vector<64x128xf32>
      %get3A_1111 = arith.constant 0 : index
      %get3A_1112 = arith.constant 6144 : index
      %get3A_1113 = vector.load %arg1[%get3A_1111, %get3A_1112] : memref<64x32768xf32, #tpu.memory_space<vmem>>, vector<64x128xf32>
      %iota3A_1114 = tpu.iota {dimensions = array<i32: 1>} : vector<1x128xi32>
      %iota3A_1115 = vector.shape_cast %iota3A_1114 : vector<1x128xi32> to vector<128xi32>
      %add3A_1116 = arith.constant 989184 : i32
      %add3A_1117 = vector.broadcast %add3A_1116 : i32 to vector<128xi32>
      %add3A_1118 = arith.addi %add3A_1117, %iota3A_1115 : vector<128xi32>
      %lt3A_1119 = arith.constant 1000000 : i32
      %lt3A_1120 = vector.broadcast %lt3A_1119 : i32 to vector<128xi32>
      %lt3A_1121 = arith.cmpi slt, %add3A_1118, %lt3A_1120 : vector<128xi32>
      %broadcast_in_dim3A_1122 = vector.shape_cast %lt3A_1121 : vector<128xi1> to vector<1x128xi1>
      %jit3A_1123 = arith.constant 0.000000e+00 : f32
      %broadcast_in_dim3A_1124 = vector.shape_cast %broadcast_in_dim3A_1122 : vector<1x128xi1> to vector<1x128xi1>
      %broadcast_in_dim3A_1125 = vector.broadcast %broadcast_in_dim3A_1124 : vector<1x128xi1> to vector<64x128xi1>
      %broadcast_in_dim3A_1126 = vector.broadcast %jit3A_1123 : f32 to vector<64x128xf32>
      %select_n3A_1127 = arith.select %broadcast_in_dim3A_1125, %get3A_1113, %broadcast_in_dim3A_1126 : vector<64x128xi1>, vector<64x128xf32>
      %get3A_1128 = arith.constant 6144 : index
      %get3A_1129 = vector.load %arg2[%get3A_1128] : memref<32768xf32, #tpu.memory_space<vmem>>, vector<128xf32>
      %broadcast_in_dim3A_1130 = vector.shape_cast %get3A_1129 : vector<128xf32> to vector<1x128xf32>
      %mul3A_1131 = vector.broadcast %broadcast_in_dim3A_1130 : vector<1x128xf32> to vector<64x128xf32>
      %mul3A_1132 = arith.mulf %select_n3A_1127, %mul3A_1131 : vector<64x128xf32>
      %add3A_1133 = arith.addf %add3A_1110, %mul3A_1132 : vector<64x128xf32>
      %get3A_1134 = arith.constant 0 : index
      %get3A_1135 = arith.constant 6272 : index
      %get3A_1136 = vector.load %arg1[%get3A_1134, %get3A_1135] : memref<64x32768xf32, #tpu.memory_space<vmem>>, vector<64x128xf32>
      %iota3A_1137 = tpu.iota {dimensions = array<i32: 1>} : vector<1x128xi32>
      %iota3A_1138 = vector.shape_cast %iota3A_1137 : vector<1x128xi32> to vector<128xi32>
      %add3A_1139 = arith.constant 989312 : i32
      %add3A_1140 = vector.broadcast %add3A_1139 : i32 to vector<128xi32>
      %add3A_1141 = arith.addi %add3A_1140, %iota3A_1138 : vector<128xi32>
      %lt3A_1142 = arith.constant 1000000 : i32
      %lt3A_1143 = vector.broadcast %lt3A_1142 : i32 to vector<128xi32>
      %lt3A_1144 = arith.cmpi slt, %add3A_1141, %lt3A_1143 : vector<128xi32>
      %broadcast_in_dim3A_1145 = vector.shape_cast %lt3A_1144 : vector<128xi1> to vector<1x128xi1>
      %jit3A_1146 = arith.constant 0.000000e+00 : f32
      %broadcast_in_dim3A_1147 = vector.shape_cast %broadcast_in_dim3A_1145 : vector<1x128xi1> to vector<1x128xi1>
      %broadcast_in_dim3A_1148 = vector.broadcast %broadcast_in_dim3A_1147 : vector<1x128xi1> to vector<64x128xi1>
      %broadcast_in_dim3A_1149 = vector.broadcast %jit3A_1146 : f32 to vector<64x128xf32>
      %select_n3A_1150 = arith.select %broadcast_in_dim3A_1148, %get3A_1136, %broadcast_in_dim3A_1149 : vector<64x128xi1>, vector<64x128xf32>
      %get3A_1151 = arith.constant 6272 : index
      %get3A_1152 = vector.load %arg2[%get3A_1151] : memref<32768xf32, #tpu.memory_space<vmem>>, vector<128xf32>
      %broadcast_in_dim3A_1153 = vector.shape_cast %get3A_1152 : vector<128xf32> to vector<1x128xf32>
      %mul3A_1154 = vector.broadcast %broadcast_in_dim3A_1153 : vector<1x128xf32> to vector<64x128xf32>
      %mul3A_1155 = arith.mulf %select_n3A_1150, %mul3A_1154 : vector<64x128xf32>
      %add3A_1156 = arith.addf %add3A_1133, %mul3A_1155 : vector<64x128xf32>
      %get3A_1157 = arith.constant 0 : index
      %get3A_1158 = arith.constant 6400 : index
      %get3A_1159 = vector.load %arg1[%get3A_1157, %get3A_1158] : memref<64x32768xf32, #tpu.memory_space<vmem>>, vector<64x128xf32>
      %iota3A_1160 = tpu.iota {dimensions = array<i32: 1>} : vector<1x128xi32>
      %iota3A_1161 = vector.shape_cast %iota3A_1160 : vector<1x128xi32> to vector<128xi32>
      %add3A_1162 = arith.constant 989440 : i32
      %add3A_1163 = vector.broadcast %add3A_1162 : i32 to vector<128xi32>
      %add3A_1164 = arith.addi %add3A_1163, %iota3A_1161 : vector<128xi32>
      %lt3A_1165 = arith.constant 1000000 : i32
      %lt3A_1166 = vector.broadcast %lt3A_1165 : i32 to vector<128xi32>
      %lt3A_1167 = arith.cmpi slt, %add3A_1164, %lt3A_1166 : vector<128xi32>
      %broadcast_in_dim3A_1168 = vector.shape_cast %lt3A_1167 : vector<128xi1> to vector<1x128xi1>
      %jit3A_1169 = arith.constant 0.000000e+00 : f32
      %broadcast_in_dim3A_1170 = vector.shape_cast %broadcast_in_dim3A_1168 : vector<1x128xi1> to vector<1x128xi1>
      %broadcast_in_dim3A_1171 = vector.broadcast %broadcast_in_dim3A_1170 : vector<1x128xi1> to vector<64x128xi1>
      %broadcast_in_dim3A_1172 = vector.broadcast %jit3A_1169 : f32 to vector<64x128xf32>
      %select_n3A_1173 = arith.select %broadcast_in_dim3A_1171, %get3A_1159, %broadcast_in_dim3A_1172 : vector<64x128xi1>, vector<64x128xf32>
      %get3A_1174 = arith.constant 6400 : index
      %get3A_1175 = vector.load %arg2[%get3A_1174] : memref<32768xf32, #tpu.memory_space<vmem>>, vector<128xf32>
      %broadcast_in_dim3A_1176 = vector.shape_cast %get3A_1175 : vector<128xf32> to vector<1x128xf32>
      %mul3A_1177 = vector.broadcast %broadcast_in_dim3A_1176 : vector<1x128xf32> to vector<64x128xf32>
      %mul3A_1178 = arith.mulf %select_n3A_1173, %mul3A_1177 : vector<64x128xf32>
      %add3A_1179 = arith.addf %add3A_1156, %mul3A_1178 : vector<64x128xf32>
      %get3A_1180 = arith.constant 0 : index
      %get3A_1181 = arith.constant 6528 : index
      %get3A_1182 = vector.load %arg1[%get3A_1180, %get3A_1181] : memref<64x32768xf32, #tpu.memory_space<vmem>>, vector<64x128xf32>
      %iota3A_1183 = tpu.iota {dimensions = array<i32: 1>} : vector<1x128xi32>
      %iota3A_1184 = vector.shape_cast %iota3A_1183 : vector<1x128xi32> to vector<128xi32>
      %add3A_1185 = arith.constant 989568 : i32
      %add3A_1186 = vector.broadcast %add3A_1185 : i32 to vector<128xi32>
      %add3A_1187 = arith.addi %add3A_1186, %iota3A_1184 : vector<128xi32>
      %lt3A_1188 = arith.constant 1000000 : i32
      %lt3A_1189 = vector.broadcast %lt3A_1188 : i32 to vector<128xi32>
      %lt3A_1190 = arith.cmpi slt, %add3A_1187, %lt3A_1189 : vector<128xi32>
      %broadcast_in_dim3A_1191 = vector.shape_cast %lt3A_1190 : vector<128xi1> to vector<1x128xi1>
      %jit3A_1192 = arith.constant 0.000000e+00 : f32
      %broadcast_in_dim3A_1193 = vector.shape_cast %broadcast_in_dim3A_1191 : vector<1x128xi1> to vector<1x128xi1>
      %broadcast_in_dim3A_1194 = vector.broadcast %broadcast_in_dim3A_1193 : vector<1x128xi1> to vector<64x128xi1>
      %broadcast_in_dim3A_1195 = vector.broadcast %jit3A_1192 : f32 to vector<64x128xf32>
      %select_n3A_1196 = arith.select %broadcast_in_dim3A_1194, %get3A_1182, %broadcast_in_dim3A_1195 : vector<64x128xi1>, vector<64x128xf32>
      %get3A_1197 = arith.constant 6528 : index
      %get3A_1198 = vector.load %arg2[%get3A_1197] : memref<32768xf32, #tpu.memory_space<vmem>>, vector<128xf32>
      %broadcast_in_dim3A_1199 = vector.shape_cast %get3A_1198 : vector<128xf32> to vector<1x128xf32>
      %mul3A_1200 = vector.broadcast %broadcast_in_dim3A_1199 : vector<1x128xf32> to vector<64x128xf32>
      %mul3A_1201 = arith.mulf %select_n3A_1196, %mul3A_1200 : vector<64x128xf32>
      %add3A_1202 = arith.addf %add3A_1179, %mul3A_1201 : vector<64x128xf32>
      %get3A_1203 = arith.constant 0 : index
      %get3A_1204 = arith.constant 6656 : index
      %get3A_1205 = vector.load %arg1[%get3A_1203, %get3A_1204] : memref<64x32768xf32, #tpu.memory_space<vmem>>, vector<64x128xf32>
      %iota3A_1206 = tpu.iota {dimensions = array<i32: 1>} : vector<1x128xi32>
      %iota3A_1207 = vector.shape_cast %iota3A_1206 : vector<1x128xi32> to vector<128xi32>
      %add3A_1208 = arith.constant 989696 : i32
      %add3A_1209 = vector.broadcast %add3A_1208 : i32 to vector<128xi32>
      %add3A_1210 = arith.addi %add3A_1209, %iota3A_1207 : vector<128xi32>
      %lt3A_1211 = arith.constant 1000000 : i32
      %lt3A_1212 = vector.broadcast %lt3A_1211 : i32 to vector<128xi32>
      %lt3A_1213 = arith.cmpi slt, %add3A_1210, %lt3A_1212 : vector<128xi32>
      %broadcast_in_dim3A_1214 = vector.shape_cast %lt3A_1213 : vector<128xi1> to vector<1x128xi1>
      %jit3A_1215 = arith.constant 0.000000e+00 : f32
      %broadcast_in_dim3A_1216 = vector.shape_cast %broadcast_in_dim3A_1214 : vector<1x128xi1> to vector<1x128xi1>
      %broadcast_in_dim3A_1217 = vector.broadcast %broadcast_in_dim3A_1216 : vector<1x128xi1> to vector<64x128xi1>
      %broadcast_in_dim3A_1218 = vector.broadcast %jit3A_1215 : f32 to vector<64x128xf32>
      %select_n3A_1219 = arith.select %broadcast_in_dim3A_1217, %get3A_1205, %broadcast_in_dim3A_1218 : vector<64x128xi1>, vector<64x128xf32>
      %get3A_1220 = arith.constant 6656 : index
      %get3A_1221 = vector.load %arg2[%get3A_1220] : memref<32768xf32, #tpu.memory_space<vmem>>, vector<128xf32>
      %broadcast_in_dim3A_1222 = vector.shape_cast %get3A_1221 : vector<128xf32> to vector<1x128xf32>
      %mul3A_1223 = vector.broadcast %broadcast_in_dim3A_1222 : vector<1x128xf32> to vector<64x128xf32>
      %mul3A_1224 = arith.mulf %select_n3A_1219, %mul3A_1223 : vector<64x128xf32>
      %add3A_1225 = arith.addf %add3A_1202, %mul3A_1224 : vector<64x128xf32>
      %get3A_1226 = arith.constant 0 : index
      %get3A_1227 = arith.constant 6784 : index
      %get3A_1228 = vector.load %arg1[%get3A_1226, %get3A_1227] : memref<64x32768xf32, #tpu.memory_space<vmem>>, vector<64x128xf32>
      %iota3A_1229 = tpu.iota {dimensions = array<i32: 1>} : vector<1x128xi32>
      %iota3A_1230 = vector.shape_cast %iota3A_1229 : vector<1x128xi32> to vector<128xi32>
      %add3A_1231 = arith.constant 989824 : i32
      %add3A_1232 = vector.broadcast %add3A_1231 : i32 to vector<128xi32>
      %add3A_1233 = arith.addi %add3A_1232, %iota3A_1230 : vector<128xi32>
      %lt3A_1234 = arith.constant 1000000 : i32
      %lt3A_1235 = vector.broadcast %lt3A_1234 : i32 to vector<128xi32>
      %lt3A_1236 = arith.cmpi slt, %add3A_1233, %lt3A_1235 : vector<128xi32>
      %broadcast_in_dim3A_1237 = vector.shape_cast %lt3A_1236 : vector<128xi1> to vector<1x128xi1>
      %jit3A_1238 = arith.constant 0.000000e+00 : f32
      %broadcast_in_dim3A_1239 = vector.shape_cast %broadcast_in_dim3A_1237 : vector<1x128xi1> to vector<1x128xi1>
      %broadcast_in_dim3A_1240 = vector.broadcast %broadcast_in_dim3A_1239 : vector<1x128xi1> to vector<64x128xi1>
      %broadcast_in_dim3A_1241 = vector.broadcast %jit3A_1238 : f32 to vector<64x128xf32>
      %select_n3A_1242 = arith.select %broadcast_in_dim3A_1240, %get3A_1228, %broadcast_in_dim3A_1241 : vector<64x128xi1>, vector<64x128xf32>
      %get3A_1243 = arith.constant 6784 : index
      %get3A_1244 = vector.load %arg2[%get3A_1243] : memref<32768xf32, #tpu.memory_space<vmem>>, vector<128xf32>
      %broadcast_in_dim3A_1245 = vector.shape_cast %get3A_1244 : vector<128xf32> to vector<1x128xf32>
      %mul3A_1246 = vector.broadcast %broadcast_in_dim3A_1245 : vector<1x128xf32> to vector<64x128xf32>
      %mul3A_1247 = arith.mulf %select_n3A_1242, %mul3A_1246 : vector<64x128xf32>
      %add3A_1248 = arith.addf %add3A_1225, %mul3A_1247 : vector<64x128xf32>
      %get3A_1249 = arith.constant 0 : index
      %get3A_1250 = arith.constant 6912 : index
      %get3A_1251 = vector.load %arg1[%get3A_1249, %get3A_1250] : memref<64x32768xf32, #tpu.memory_space<vmem>>, vector<64x128xf32>
      %iota3A_1252 = tpu.iota {dimensions = array<i32: 1>} : vector<1x128xi32>
      %iota3A_1253 = vector.shape_cast %iota3A_1252 : vector<1x128xi32> to vector<128xi32>
      %add3A_1254 = arith.constant 989952 : i32
      %add3A_1255 = vector.broadcast %add3A_1254 : i32 to vector<128xi32>
      %add3A_1256 = arith.addi %add3A_1255, %iota3A_1253 : vector<128xi32>
      %lt3A_1257 = arith.constant 1000000 : i32
      %lt3A_1258 = vector.broadcast %lt3A_1257 : i32 to vector<128xi32>
      %lt3A_1259 = arith.cmpi slt, %add3A_1256, %lt3A_1258 : vector<128xi32>
      %broadcast_in_dim3A_1260 = vector.shape_cast %lt3A_1259 : vector<128xi1> to vector<1x128xi1>
      %jit3A_1261 = arith.constant 0.000000e+00 : f32
      %broadcast_in_dim3A_1262 = vector.shape_cast %broadcast_in_dim3A_1260 : vector<1x128xi1> to vector<1x128xi1>
      %broadcast_in_dim3A_1263 = vector.broadcast %broadcast_in_dim3A_1262 : vector<1x128xi1> to vector<64x128xi1>
      %broadcast_in_dim3A_1264 = vector.broadcast %jit3A_1261 : f32 to vector<64x128xf32>
      %select_n3A_1265 = arith.select %broadcast_in_dim3A_1263, %get3A_1251, %broadcast_in_dim3A_1264 : vector<64x128xi1>, vector<64x128xf32>
      %get3A_1266 = arith.constant 6912 : index
      %get3A_1267 = vector.load %arg2[%get3A_1266] : memref<32768xf32, #tpu.memory_space<vmem>>, vector<128xf32>
      %broadcast_in_dim3A_1268 = vector.shape_cast %get3A_1267 : vector<128xf32> to vector<1x128xf32>
      %mul3A_1269 = vector.broadcast %broadcast_in_dim3A_1268 : vector<1x128xf32> to vector<64x128xf32>
      %mul3A_1270 = arith.mulf %select_n3A_1265, %mul3A_1269 : vector<64x128xf32>
      %add3A_1271 = arith.addf %add3A_1248, %mul3A_1270 : vector<64x128xf32>
      %get3A_1272 = arith.constant 0 : index
      %get3A_1273 = arith.constant 7040 : index
      %get3A_1274 = vector.load %arg1[%get3A_1272, %get3A_1273] : memref<64x32768xf32, #tpu.memory_space<vmem>>, vector<64x128xf32>
      %iota3A_1275 = tpu.iota {dimensions = array<i32: 1>} : vector<1x128xi32>
      %iota3A_1276 = vector.shape_cast %iota3A_1275 : vector<1x128xi32> to vector<128xi32>
      %add3A_1277 = arith.constant 990080 : i32
      %add3A_1278 = vector.broadcast %add3A_1277 : i32 to vector<128xi32>
      %add3A_1279 = arith.addi %add3A_1278, %iota3A_1276 : vector<128xi32>
      %lt3A_1280 = arith.constant 1000000 : i32
      %lt3A_1281 = vector.broadcast %lt3A_1280 : i32 to vector<128xi32>
      %lt3A_1282 = arith.cmpi slt, %add3A_1279, %lt3A_1281 : vector<128xi32>
      %broadcast_in_dim3A_1283 = vector.shape_cast %lt3A_1282 : vector<128xi1> to vector<1x128xi1>
      %jit3A_1284 = arith.constant 0.000000e+00 : f32
      %broadcast_in_dim3A_1285 = vector.shape_cast %broadcast_in_dim3A_1283 : vector<1x128xi1> to vector<1x128xi1>
      %broadcast_in_dim3A_1286 = vector.broadcast %broadcast_in_dim3A_1285 : vector<1x128xi1> to vector<64x128xi1>
      %broadcast_in_dim3A_1287 = vector.broadcast %jit3A_1284 : f32 to vector<64x128xf32>
      %select_n3A_1288 = arith.select %broadcast_in_dim3A_1286, %get3A_1274, %broadcast_in_dim3A_1287 : vector<64x128xi1>, vector<64x128xf32>
      %get3A_1289 = arith.constant 7040 : index
      %get3A_1290 = vector.load %arg2[%get3A_1289] : memref<32768xf32, #tpu.memory_space<vmem>>, vector<128xf32>
      %broadcast_in_dim3A_1291 = vector.shape_cast %get3A_1290 : vector<128xf32> to vector<1x128xf32>
      %mul3A_1292 = vector.broadcast %broadcast_in_dim3A_1291 : vector<1x128xf32> to vector<64x128xf32>
      %mul3A_1293 = arith.mulf %select_n3A_1288, %mul3A_1292 : vector<64x128xf32>
      %add3A_1294 = arith.addf %add3A_1271, %mul3A_1293 : vector<64x128xf32>
      %get3A_1295 = arith.constant 0 : index
      %get3A_1296 = arith.constant 7168 : index
      %get3A_1297 = vector.load %arg1[%get3A_1295, %get3A_1296] : memref<64x32768xf32, #tpu.memory_space<vmem>>, vector<64x128xf32>
      %iota3A_1298 = tpu.iota {dimensions = array<i32: 1>} : vector<1x128xi32>
      %iota3A_1299 = vector.shape_cast %iota3A_1298 : vector<1x128xi32> to vector<128xi32>
      %add3A_1300 = arith.constant 990208 : i32
      %add3A_1301 = vector.broadcast %add3A_1300 : i32 to vector<128xi32>
      %add3A_1302 = arith.addi %add3A_1301, %iota3A_1299 : vector<128xi32>
      %lt3A_1303 = arith.constant 1000000 : i32
      %lt3A_1304 = vector.broadcast %lt3A_1303 : i32 to vector<128xi32>
      %lt3A_1305 = arith.cmpi slt, %add3A_1302, %lt3A_1304 : vector<128xi32>
      %broadcast_in_dim3A_1306 = vector.shape_cast %lt3A_1305 : vector<128xi1> to vector<1x128xi1>
      %jit3A_1307 = arith.constant 0.000000e+00 : f32
      %broadcast_in_dim3A_1308 = vector.shape_cast %broadcast_in_dim3A_1306 : vector<1x128xi1> to vector<1x128xi1>
      %broadcast_in_dim3A_1309 = vector.broadcast %broadcast_in_dim3A_1308 : vector<1x128xi1> to vector<64x128xi1>
      %broadcast_in_dim3A_1310 = vector.broadcast %jit3A_1307 : f32 to vector<64x128xf32>
      %select_n3A_1311 = arith.select %broadcast_in_dim3A_1309, %get3A_1297, %broadcast_in_dim3A_1310 : vector<64x128xi1>, vector<64x128xf32>
      %get3A_1312 = arith.constant 7168 : index
      %get3A_1313 = vector.load %arg2[%get3A_1312] : memref<32768xf32, #tpu.memory_space<vmem>>, vector<128xf32>
      %broadcast_in_dim3A_1314 = vector.shape_cast %get3A_1313 : vector<128xf32> to vector<1x128xf32>
      %mul3A_1315 = vector.broadcast %broadcast_in_dim3A_1314 : vector<1x128xf32> to vector<64x128xf32>
      %mul3A_1316 = arith.mulf %select_n3A_1311, %mul3A_1315 : vector<64x128xf32>
      %add3A_1317 = arith.addf %add3A_1294, %mul3A_1316 : vector<64x128xf32>
      %get3A_1318 = arith.constant 0 : index
      %get3A_1319 = arith.constant 7296 : index
      %get3A_1320 = vector.load %arg1[%get3A_1318, %get3A_1319] : memref<64x32768xf32, #tpu.memory_space<vmem>>, vector<64x128xf32>
      %iota3A_1321 = tpu.iota {dimensions = array<i32: 1>} : vector<1x128xi32>
      %iota3A_1322 = vector.shape_cast %iota3A_1321 : vector<1x128xi32> to vector<128xi32>
      %add3A_1323 = arith.constant 990336 : i32
      %add3A_1324 = vector.broadcast %add3A_1323 : i32 to vector<128xi32>
      %add3A_1325 = arith.addi %add3A_1324, %iota3A_1322 : vector<128xi32>
      %lt3A_1326 = arith.constant 1000000 : i32
      %lt3A_1327 = vector.broadcast %lt3A_1326 : i32 to vector<128xi32>
      %lt3A_1328 = arith.cmpi slt, %add3A_1325, %lt3A_1327 : vector<128xi32>
      %broadcast_in_dim3A_1329 = vector.shape_cast %lt3A_1328 : vector<128xi1> to vector<1x128xi1>
      %jit3A_1330 = arith.constant 0.000000e+00 : f32
      %broadcast_in_dim3A_1331 = vector.shape_cast %broadcast_in_dim3A_1329 : vector<1x128xi1> to vector<1x128xi1>
      %broadcast_in_dim3A_1332 = vector.broadcast %broadcast_in_dim3A_1331 : vector<1x128xi1> to vector<64x128xi1>
      %broadcast_in_dim3A_1333 = vector.broadcast %jit3A_1330 : f32 to vector<64x128xf32>
      %select_n3A_1334 = arith.select %broadcast_in_dim3A_1332, %get3A_1320, %broadcast_in_dim3A_1333 : vector<64x128xi1>, vector<64x128xf32>
      %get3A_1335 = arith.constant 7296 : index
      %get3A_1336 = vector.load %arg2[%get3A_1335] : memref<32768xf32, #tpu.memory_space<vmem>>, vector<128xf32>
      %broadcast_in_dim3A_1337 = vector.shape_cast %get3A_1336 : vector<128xf32> to vector<1x128xf32>
      %mul3A_1338 = vector.broadcast %broadcast_in_dim3A_1337 : vector<1x128xf32> to vector<64x128xf32>
      %mul3A_1339 = arith.mulf %select_n3A_1334, %mul3A_1338 : vector<64x128xf32>
      %add3A_1340 = arith.addf %add3A_1317, %mul3A_1339 : vector<64x128xf32>
      %get3A_1341 = arith.constant 0 : index
      %get3A_1342 = arith.constant 7424 : index
      %get3A_1343 = vector.load %arg1[%get3A_1341, %get3A_1342] : memref<64x32768xf32, #tpu.memory_space<vmem>>, vector<64x128xf32>
      %iota3A_1344 = tpu.iota {dimensions = array<i32: 1>} : vector<1x128xi32>
      %iota3A_1345 = vector.shape_cast %iota3A_1344 : vector<1x128xi32> to vector<128xi32>
      %add3A_1346 = arith.constant 990464 : i32
      %add3A_1347 = vector.broadcast %add3A_1346 : i32 to vector<128xi32>
      %add3A_1348 = arith.addi %add3A_1347, %iota3A_1345 : vector<128xi32>
      %lt3A_1349 = arith.constant 1000000 : i32
      %lt3A_1350 = vector.broadcast %lt3A_1349 : i32 to vector<128xi32>
      %lt3A_1351 = arith.cmpi slt, %add3A_1348, %lt3A_1350 : vector<128xi32>
      %broadcast_in_dim3A_1352 = vector.shape_cast %lt3A_1351 : vector<128xi1> to vector<1x128xi1>
      %jit3A_1353 = arith.constant 0.000000e+00 : f32
      %broadcast_in_dim3A_1354 = vector.shape_cast %broadcast_in_dim3A_1352 : vector<1x128xi1> to vector<1x128xi1>
      %broadcast_in_dim3A_1355 = vector.broadcast %broadcast_in_dim3A_1354 : vector<1x128xi1> to vector<64x128xi1>
      %broadcast_in_dim3A_1356 = vector.broadcast %jit3A_1353 : f32 to vector<64x128xf32>
      %select_n3A_1357 = arith.select %broadcast_in_dim3A_1355, %get3A_1343, %broadcast_in_dim3A_1356 : vector<64x128xi1>, vector<64x128xf32>
      %get3A_1358 = arith.constant 7424 : index
      %get3A_1359 = vector.load %arg2[%get3A_1358] : memref<32768xf32, #tpu.memory_space<vmem>>, vector<128xf32>
      %broadcast_in_dim3A_1360 = vector.shape_cast %get3A_1359 : vector<128xf32> to vector<1x128xf32>
      %mul3A_1361 = vector.broadcast %broadcast_in_dim3A_1360 : vector<1x128xf32> to vector<64x128xf32>
      %mul3A_1362 = arith.mulf %select_n3A_1357, %mul3A_1361 : vector<64x128xf32>
      %add3A_1363 = arith.addf %add3A_1340, %mul3A_1362 : vector<64x128xf32>
      %get3A_1364 = arith.constant 0 : index
      %get3A_1365 = arith.constant 7552 : index
      %get3A_1366 = vector.load %arg1[%get3A_1364, %get3A_1365] : memref<64x32768xf32, #tpu.memory_space<vmem>>, vector<64x128xf32>
      %iota3A_1367 = tpu.iota {dimensions = array<i32: 1>} : vector<1x128xi32>
      %iota3A_1368 = vector.shape_cast %iota3A_1367 : vector<1x128xi32> to vector<128xi32>
      %add3A_1369 = arith.constant 990592 : i32
      %add3A_1370 = vector.broadcast %add3A_1369 : i32 to vector<128xi32>
      %add3A_1371 = arith.addi %add3A_1370, %iota3A_1368 : vector<128xi32>
      %lt3A_1372 = arith.constant 1000000 : i32
      %lt3A_1373 = vector.broadcast %lt3A_1372 : i32 to vector<128xi32>
      %lt3A_1374 = arith.cmpi slt, %add3A_1371, %lt3A_1373 : vector<128xi32>
      %broadcast_in_dim3A_1375 = vector.shape_cast %lt3A_1374 : vector<128xi1> to vector<1x128xi1>
      %jit3A_1376 = arith.constant 0.000000e+00 : f32
      %broadcast_in_dim3A_1377 = vector.shape_cast %broadcast_in_dim3A_1375 : vector<1x128xi1> to vector<1x128xi1>
      %broadcast_in_dim3A_1378 = vector.broadcast %broadcast_in_dim3A_1377 : vector<1x128xi1> to vector<64x128xi1>
      %broadcast_in_dim3A_1379 = vector.broadcast %jit3A_1376 : f32 to vector<64x128xf32>
      %select_n3A_1380 = arith.select %broadcast_in_dim3A_1378, %get3A_1366, %broadcast_in_dim3A_1379 : vector<64x128xi1>, vector<64x128xf32>
      %get3A_1381 = arith.constant 7552 : index
      %get3A_1382 = vector.load %arg2[%get3A_1381] : memref<32768xf32, #tpu.memory_space<vmem>>, vector<128xf32>
      %broadcast_in_dim3A_1383 = vector.shape_cast %get3A_1382 : vector<128xf32> to vector<1x128xf32>
      %mul3A_1384 = vector.broadcast %broadcast_in_dim3A_1383 : vector<1x128xf32> to vector<64x128xf32>
      %mul3A_1385 = arith.mulf %select_n3A_1380, %mul3A_1384 : vector<64x128xf32>
      %add3A_1386 = arith.addf %add3A_1363, %mul3A_1385 : vector<64x128xf32>
      %get3A_1387 = arith.constant 0 : index
      %get3A_1388 = arith.constant 7680 : index
      %get3A_1389 = vector.load %arg1[%get3A_1387, %get3A_1388] : memref<64x32768xf32, #tpu.memory_space<vmem>>, vector<64x128xf32>
      %iota3A_1390 = tpu.iota {dimensions = array<i32: 1>} : vector<1x128xi32>
      %iota3A_1391 = vector.shape_cast %iota3A_1390 : vector<1x128xi32> to vector<128xi32>
      %add3A_1392 = arith.constant 990720 : i32
      %add3A_1393 = vector.broadcast %add3A_1392 : i32 to vector<128xi32>
      %add3A_1394 = arith.addi %add3A_1393, %iota3A_1391 : vector<128xi32>
      %lt3A_1395 = arith.constant 1000000 : i32
      %lt3A_1396 = vector.broadcast %lt3A_1395 : i32 to vector<128xi32>
      %lt3A_1397 = arith.cmpi slt, %add3A_1394, %lt3A_1396 : vector<128xi32>
      %broadcast_in_dim3A_1398 = vector.shape_cast %lt3A_1397 : vector<128xi1> to vector<1x128xi1>
      %jit3A_1399 = arith.constant 0.000000e+00 : f32
      %broadcast_in_dim3A_1400 = vector.shape_cast %broadcast_in_dim3A_1398 : vector<1x128xi1> to vector<1x128xi1>
      %broadcast_in_dim3A_1401 = vector.broadcast %broadcast_in_dim3A_1400 : vector<1x128xi1> to vector<64x128xi1>
      %broadcast_in_dim3A_1402 = vector.broadcast %jit3A_1399 : f32 to vector<64x128xf32>
      %select_n3A_1403 = arith.select %broadcast_in_dim3A_1401, %get3A_1389, %broadcast_in_dim3A_1402 : vector<64x128xi1>, vector<64x128xf32>
      %get3A_1404 = arith.constant 7680 : index
      %get3A_1405 = vector.load %arg2[%get3A_1404] : memref<32768xf32, #tpu.memory_space<vmem>>, vector<128xf32>
      %broadcast_in_dim3A_1406 = vector.shape_cast %get3A_1405 : vector<128xf32> to vector<1x128xf32>
      %mul3A_1407 = vector.broadcast %broadcast_in_dim3A_1406 : vector<1x128xf32> to vector<64x128xf32>
      %mul3A_1408 = arith.mulf %select_n3A_1403, %mul3A_1407 : vector<64x128xf32>
      %add3A_1409 = arith.addf %add3A_1386, %mul3A_1408 : vector<64x128xf32>
      %get3A_1410 = arith.constant 0 : index
      %get3A_1411 = arith.constant 7808 : index
      %get3A_1412 = vector.load %arg1[%get3A_1410, %get3A_1411] : memref<64x32768xf32, #tpu.memory_space<vmem>>, vector<64x128xf32>
      %iota3A_1413 = tpu.iota {dimensions = array<i32: 1>} : vector<1x128xi32>
      %iota3A_1414 = vector.shape_cast %iota3A_1413 : vector<1x128xi32> to vector<128xi32>
      %add3A_1415 = arith.constant 990848 : i32
      %add3A_1416 = vector.broadcast %add3A_1415 : i32 to vector<128xi32>
      %add3A_1417 = arith.addi %add3A_1416, %iota3A_1414 : vector<128xi32>
      %lt3A_1418 = arith.constant 1000000 : i32
      %lt3A_1419 = vector.broadcast %lt3A_1418 : i32 to vector<128xi32>
      %lt3A_1420 = arith.cmpi slt, %add3A_1417, %lt3A_1419 : vector<128xi32>
      %broadcast_in_dim3A_1421 = vector.shape_cast %lt3A_1420 : vector<128xi1> to vector<1x128xi1>
      %jit3A_1422 = arith.constant 0.000000e+00 : f32
      %broadcast_in_dim3A_1423 = vector.shape_cast %broadcast_in_dim3A_1421 : vector<1x128xi1> to vector<1x128xi1>
      %broadcast_in_dim3A_1424 = vector.broadcast %broadcast_in_dim3A_1423 : vector<1x128xi1> to vector<64x128xi1>
      %broadcast_in_dim3A_1425 = vector.broadcast %jit3A_1422 : f32 to vector<64x128xf32>
      %select_n3A_1426 = arith.select %broadcast_in_dim3A_1424, %get3A_1412, %broadcast_in_dim3A_1425 : vector<64x128xi1>, vector<64x128xf32>
      %get3A_1427 = arith.constant 7808 : index
      %get3A_1428 = vector.load %arg2[%get3A_1427] : memref<32768xf32, #tpu.memory_space<vmem>>, vector<128xf32>
      %broadcast_in_dim3A_1429 = vector.shape_cast %get3A_1428 : vector<128xf32> to vector<1x128xf32>
      %mul3A_1430 = vector.broadcast %broadcast_in_dim3A_1429 : vector<1x128xf32> to vector<64x128xf32>
      %mul3A_1431 = arith.mulf %select_n3A_1426, %mul3A_1430 : vector<64x128xf32>
      %add3A_1432 = arith.addf %add3A_1409, %mul3A_1431 : vector<64x128xf32>
      %get3A_1433 = arith.constant 0 : index
      %get3A_1434 = arith.constant 7936 : index
      %get3A_1435 = vector.load %arg1[%get3A_1433, %get3A_1434] : memref<64x32768xf32, #tpu.memory_space<vmem>>, vector<64x128xf32>
      %iota3A_1436 = tpu.iota {dimensions = array<i32: 1>} : vector<1x128xi32>
      %iota3A_1437 = vector.shape_cast %iota3A_1436 : vector<1x128xi32> to vector<128xi32>
      %add3A_1438 = arith.constant 990976 : i32
      %add3A_1439 = vector.broadcast %add3A_1438 : i32 to vector<128xi32>
      %add3A_1440 = arith.addi %add3A_1439, %iota3A_1437 : vector<128xi32>
      %lt3A_1441 = arith.constant 1000000 : i32
      %lt3A_1442 = vector.broadcast %lt3A_1441 : i32 to vector<128xi32>
      %lt3A_1443 = arith.cmpi slt, %add3A_1440, %lt3A_1442 : vector<128xi32>
      %broadcast_in_dim3A_1444 = vector.shape_cast %lt3A_1443 : vector<128xi1> to vector<1x128xi1>
      %jit3A_1445 = arith.constant 0.000000e+00 : f32
      %broadcast_in_dim3A_1446 = vector.shape_cast %broadcast_in_dim3A_1444 : vector<1x128xi1> to vector<1x128xi1>
      %broadcast_in_dim3A_1447 = vector.broadcast %broadcast_in_dim3A_1446 : vector<1x128xi1> to vector<64x128xi1>
      %broadcast_in_dim3A_1448 = vector.broadcast %jit3A_1445 : f32 to vector<64x128xf32>
      %select_n3A_1449 = arith.select %broadcast_in_dim3A_1447, %get3A_1435, %broadcast_in_dim3A_1448 : vector<64x128xi1>, vector<64x128xf32>
      %get3A_1450 = arith.constant 7936 : index
      %get3A_1451 = vector.load %arg2[%get3A_1450] : memref<32768xf32, #tpu.memory_space<vmem>>, vector<128xf32>
      %broadcast_in_dim3A_1452 = vector.shape_cast %get3A_1451 : vector<128xf32> to vector<1x128xf32>
      %mul3A_1453 = vector.broadcast %broadcast_in_dim3A_1452 : vector<1x128xf32> to vector<64x128xf32>
      %mul3A_1454 = arith.mulf %select_n3A_1449, %mul3A_1453 : vector<64x128xf32>
      %add3A_1455 = arith.addf %add3A_1432, %mul3A_1454 : vector<64x128xf32>
      %get3A_1456 = arith.constant 0 : index
      %get3A_1457 = arith.constant 8064 : index
      %get3A_1458 = vector.load %arg1[%get3A_1456, %get3A_1457] : memref<64x32768xf32, #tpu.memory_space<vmem>>, vector<64x128xf32>
      %iota3A_1459 = tpu.iota {dimensions = array<i32: 1>} : vector<1x128xi32>
      %iota3A_1460 = vector.shape_cast %iota3A_1459 : vector<1x128xi32> to vector<128xi32>
      %add3A_1461 = arith.constant 991104 : i32
      %add3A_1462 = vector.broadcast %add3A_1461 : i32 to vector<128xi32>
      %add3A_1463 = arith.addi %add3A_1462, %iota3A_1460 : vector<128xi32>
      %lt3A_1464 = arith.constant 1000000 : i32
      %lt3A_1465 = vector.broadcast %lt3A_1464 : i32 to vector<128xi32>
      %lt3A_1466 = arith.cmpi slt, %add3A_1463, %lt3A_1465 : vector<128xi32>
      %broadcast_in_dim3A_1467 = vector.shape_cast %lt3A_1466 : vector<128xi1> to vector<1x128xi1>
      %jit3A_1468 = arith.constant 0.000000e+00 : f32
      %broadcast_in_dim3A_1469 = vector.shape_cast %broadcast_in_dim3A_1467 : vector<1x128xi1> to vector<1x128xi1>
      %broadcast_in_dim3A_1470 = vector.broadcast %broadcast_in_dim3A_1469 : vector<1x128xi1> to vector<64x128xi1>
      %broadcast_in_dim3A_1471 = vector.broadcast %jit3A_1468 : f32 to vector<64x128xf32>
      %select_n3A_1472 = arith.select %broadcast_in_dim3A_1470, %get3A_1458, %broadcast_in_dim3A_1471 : vector<64x128xi1>, vector<64x128xf32>
      %get3A_1473 = arith.constant 8064 : index
      %get3A_1474 = vector.load %arg2[%get3A_1473] : memref<32768xf32, #tpu.memory_space<vmem>>, vector<128xf32>
      %broadcast_in_dim3A_1475 = vector.shape_cast %get3A_1474 : vector<128xf32> to vector<1x128xf32>
      %mul3A_1476 = vector.broadcast %broadcast_in_dim3A_1475 : vector<1x128xf32> to vector<64x128xf32>
      %mul3A_1477 = arith.mulf %select_n3A_1472, %mul3A_1476 : vector<64x128xf32>
      %add3A_1478 = arith.addf %add3A_1455, %mul3A_1477 : vector<64x128xf32>
      %get3A_1479 = arith.constant 0 : index
      %get3A_1480 = arith.constant 8192 : index
      %get3A_1481 = vector.load %arg1[%get3A_1479, %get3A_1480] : memref<64x32768xf32, #tpu.memory_space<vmem>>, vector<64x128xf32>
      %iota3A_1482 = tpu.iota {dimensions = array<i32: 1>} : vector<1x128xi32>
      %iota3A_1483 = vector.shape_cast %iota3A_1482 : vector<1x128xi32> to vector<128xi32>
      %add3A_1484 = arith.constant 991232 : i32
      %add3A_1485 = vector.broadcast %add3A_1484 : i32 to vector<128xi32>
      %add3A_1486 = arith.addi %add3A_1485, %iota3A_1483 : vector<128xi32>
      %lt3A_1487 = arith.constant 1000000 : i32
      %lt3A_1488 = vector.broadcast %lt3A_1487 : i32 to vector<128xi32>
      %lt3A_1489 = arith.cmpi slt, %add3A_1486, %lt3A_1488 : vector<128xi32>
      %broadcast_in_dim3A_1490 = vector.shape_cast %lt3A_1489 : vector<128xi1> to vector<1x128xi1>
      %jit3A_1491 = arith.constant 0.000000e+00 : f32
      %broadcast_in_dim3A_1492 = vector.shape_cast %broadcast_in_dim3A_1490 : vector<1x128xi1> to vector<1x128xi1>
      %broadcast_in_dim3A_1493 = vector.broadcast %broadcast_in_dim3A_1492 : vector<1x128xi1> to vector<64x128xi1>
      %broadcast_in_dim3A_1494 = vector.broadcast %jit3A_1491 : f32 to vector<64x128xf32>
      %select_n3A_1495 = arith.select %broadcast_in_dim3A_1493, %get3A_1481, %broadcast_in_dim3A_1494 : vector<64x128xi1>, vector<64x128xf32>
      %get3A_1496 = arith.constant 8192 : index
      %get3A_1497 = vector.load %arg2[%get3A_1496] : memref<32768xf32, #tpu.memory_space<vmem>>, vector<128xf32>
      %broadcast_in_dim3A_1498 = vector.shape_cast %get3A_1497 : vector<128xf32> to vector<1x128xf32>
      %mul3A_1499 = vector.broadcast %broadcast_in_dim3A_1498 : vector<1x128xf32> to vector<64x128xf32>
      %mul3A_1500 = arith.mulf %select_n3A_1495, %mul3A_1499 : vector<64x128xf32>
      %add3A_1501 = arith.addf %add3A_1478, %mul3A_1500 : vector<64x128xf32>
      %get3A_1502 = arith.constant 0 : index
      %get3A_1503 = arith.constant 8320 : index
      %get3A_1504 = vector.load %arg1[%get3A_1502, %get3A_1503] : memref<64x32768xf32, #tpu.memory_space<vmem>>, vector<64x128xf32>
      %iota3A_1505 = tpu.iota {dimensions = array<i32: 1>} : vector<1x128xi32>
      %iota3A_1506 = vector.shape_cast %iota3A_1505 : vector<1x128xi32> to vector<128xi32>
      %add3A_1507 = arith.constant 991360 : i32
      %add3A_1508 = vector.broadcast %add3A_1507 : i32 to vector<128xi32>
      %add3A_1509 = arith.addi %add3A_1508, %iota3A_1506 : vector<128xi32>
      %lt3A_1510 = arith.constant 1000000 : i32
      %lt3A_1511 = vector.broadcast %lt3A_1510 : i32 to vector<128xi32>
      %lt3A_1512 = arith.cmpi slt, %add3A_1509, %lt3A_1511 : vector<128xi32>
      %broadcast_in_dim3A_1513 = vector.shape_cast %lt3A_1512 : vector<128xi1> to vector<1x128xi1>
      %jit3A_1514 = arith.constant 0.000000e+00 : f32
      %broadcast_in_dim3A_1515 = vector.shape_cast %broadcast_in_dim3A_1513 : vector<1x128xi1> to vector<1x128xi1>
      %broadcast_in_dim3A_1516 = vector.broadcast %broadcast_in_dim3A_1515 : vector<1x128xi1> to vector<64x128xi1>
      %broadcast_in_dim3A_1517 = vector.broadcast %jit3A_1514 : f32 to vector<64x128xf32>
      %select_n3A_1518 = arith.select %broadcast_in_dim3A_1516, %get3A_1504, %broadcast_in_dim3A_1517 : vector<64x128xi1>, vector<64x128xf32>
      %get3A_1519 = arith.constant 8320 : index
      %get3A_1520 = vector.load %arg2[%get3A_1519] : memref<32768xf32, #tpu.memory_space<vmem>>, vector<128xf32>
      %broadcast_in_dim3A_1521 = vector.shape_cast %get3A_1520 : vector<128xf32> to vector<1x128xf32>
      %mul3A_1522 = vector.broadcast %broadcast_in_dim3A_1521 : vector<1x128xf32> to vector<64x128xf32>
      %mul3A_1523 = arith.mulf %select_n3A_1518, %mul3A_1522 : vector<64x128xf32>
      %add3A_1524 = arith.addf %add3A_1501, %mul3A_1523 : vector<64x128xf32>
      %get3A_1525 = arith.constant 0 : index
      %get3A_1526 = arith.constant 8448 : index
      %get3A_1527 = vector.load %arg1[%get3A_1525, %get3A_1526] : memref<64x32768xf32, #tpu.memory_space<vmem>>, vector<64x128xf32>
      %iota3A_1528 = tpu.iota {dimensions = array<i32: 1>} : vector<1x128xi32>
      %iota3A_1529 = vector.shape_cast %iota3A_1528 : vector<1x128xi32> to vector<128xi32>
      %add3A_1530 = arith.constant 991488 : i32
      %add3A_1531 = vector.broadcast %add3A_1530 : i32 to vector<128xi32>
      %add3A_1532 = arith.addi %add3A_1531, %iota3A_1529 : vector<128xi32>
      %lt3A_1533 = arith.constant 1000000 : i32
      %lt3A_1534 = vector.broadcast %lt3A_1533 : i32 to vector<128xi32>
      %lt3A_1535 = arith.cmpi slt, %add3A_1532, %lt3A_1534 : vector<128xi32>
      %broadcast_in_dim3A_1536 = vector.shape_cast %lt3A_1535 : vector<128xi1> to vector<1x128xi1>
      %jit3A_1537 = arith.constant 0.000000e+00 : f32
      %broadcast_in_dim3A_1538 = vector.shape_cast %broadcast_in_dim3A_1536 : vector<1x128xi1> to vector<1x128xi1>
      %broadcast_in_dim3A_1539 = vector.broadcast %broadcast_in_dim3A_1538 : vector<1x128xi1> to vector<64x128xi1>
      %broadcast_in_dim3A_1540 = vector.broadcast %jit3A_1537 : f32 to vector<64x128xf32>
      %select_n3A_1541 = arith.select %broadcast_in_dim3A_1539, %get3A_1527, %broadcast_in_dim3A_1540 : vector<64x128xi1>, vector<64x128xf32>
      %get3A_1542 = arith.constant 8448 : index
      %get3A_1543 = vector.load %arg2[%get3A_1542] : memref<32768xf32, #tpu.memory_space<vmem>>, vector<128xf32>
      %broadcast_in_dim3A_1544 = vector.shape_cast %get3A_1543 : vector<128xf32> to vector<1x128xf32>
      %mul3A_1545 = vector.broadcast %broadcast_in_dim3A_1544 : vector<1x128xf32> to vector<64x128xf32>
      %mul3A_1546 = arith.mulf %select_n3A_1541, %mul3A_1545 : vector<64x128xf32>
      %add3A_1547 = arith.addf %add3A_1524, %mul3A_1546 : vector<64x128xf32>
      %get3A_1548 = arith.constant 0 : index
      %get3A_1549 = arith.constant 8576 : index
      %get3A_1550 = vector.load %arg1[%get3A_1548, %get3A_1549] : memref<64x32768xf32, #tpu.memory_space<vmem>>, vector<64x128xf32>
      %iota3A_1551 = tpu.iota {dimensions = array<i32: 1>} : vector<1x128xi32>
      %iota3A_1552 = vector.shape_cast %iota3A_1551 : vector<1x128xi32> to vector<128xi32>
      %add3A_1553 = arith.constant 991616 : i32
      %add3A_1554 = vector.broadcast %add3A_1553 : i32 to vector<128xi32>
      %add3A_1555 = arith.addi %add3A_1554, %iota3A_1552 : vector<128xi32>
      %lt3A_1556 = arith.constant 1000000 : i32
      %lt3A_1557 = vector.broadcast %lt3A_1556 : i32 to vector<128xi32>
      %lt3A_1558 = arith.cmpi slt, %add3A_1555, %lt3A_1557 : vector<128xi32>
      %broadcast_in_dim3A_1559 = vector.shape_cast %lt3A_1558 : vector<128xi1> to vector<1x128xi1>
      %jit3A_1560 = arith.constant 0.000000e+00 : f32
      %broadcast_in_dim3A_1561 = vector.shape_cast %broadcast_in_dim3A_1559 : vector<1x128xi1> to vector<1x128xi1>
      %broadcast_in_dim3A_1562 = vector.broadcast %broadcast_in_dim3A_1561 : vector<1x128xi1> to vector<64x128xi1>
      %broadcast_in_dim3A_1563 = vector.broadcast %jit3A_1560 : f32 to vector<64x128xf32>
      %select_n3A_1564 = arith.select %broadcast_in_dim3A_1562, %get3A_1550, %broadcast_in_dim3A_1563 : vector<64x128xi1>, vector<64x128xf32>
      %get3A_1565 = arith.constant 8576 : index
      %get3A_1566 = vector.load %arg2[%get3A_1565] : memref<32768xf32, #tpu.memory_space<vmem>>, vector<128xf32>
      %broadcast_in_dim3A_1567 = vector.shape_cast %get3A_1566 : vector<128xf32> to vector<1x128xf32>
      %mul3A_1568 = vector.broadcast %broadcast_in_dim3A_1567 : vector<1x128xf32> to vector<64x128xf32>
      %mul3A_1569 = arith.mulf %select_n3A_1564, %mul3A_1568 : vector<64x128xf32>
      %add3A_1570 = arith.addf %add3A_1547, %mul3A_1569 : vector<64x128xf32>
      %get3A_1571 = arith.constant 0 : index
      %get3A_1572 = arith.constant 8704 : index
      %get3A_1573 = vector.load %arg1[%get3A_1571, %get3A_1572] : memref<64x32768xf32, #tpu.memory_space<vmem>>, vector<64x128xf32>
      %iota3A_1574 = tpu.iota {dimensions = array<i32: 1>} : vector<1x128xi32>
      %iota3A_1575 = vector.shape_cast %iota3A_1574 : vector<1x128xi32> to vector<128xi32>
      %add3A_1576 = arith.constant 991744 : i32
      %add3A_1577 = vector.broadcast %add3A_1576 : i32 to vector<128xi32>
      %add3A_1578 = arith.addi %add3A_1577, %iota3A_1575 : vector<128xi32>
      %lt3A_1579 = arith.constant 1000000 : i32
      %lt3A_1580 = vector.broadcast %lt3A_1579 : i32 to vector<128xi32>
      %lt3A_1581 = arith.cmpi slt, %add3A_1578, %lt3A_1580 : vector<128xi32>
      %broadcast_in_dim3A_1582 = vector.shape_cast %lt3A_1581 : vector<128xi1> to vector<1x128xi1>
      %jit3A_1583 = arith.constant 0.000000e+00 : f32
      %broadcast_in_dim3A_1584 = vector.shape_cast %broadcast_in_dim3A_1582 : vector<1x128xi1> to vector<1x128xi1>
      %broadcast_in_dim3A_1585 = vector.broadcast %broadcast_in_dim3A_1584 : vector<1x128xi1> to vector<64x128xi1>
      %broadcast_in_dim3A_1586 = vector.broadcast %jit3A_1583 : f32 to vector<64x128xf32>
      %select_n3A_1587 = arith.select %broadcast_in_dim3A_1585, %get3A_1573, %broadcast_in_dim3A_1586 : vector<64x128xi1>, vector<64x128xf32>
      %get3A_1588 = arith.constant 8704 : index
      %get3A_1589 = vector.load %arg2[%get3A_1588] : memref<32768xf32, #tpu.memory_space<vmem>>, vector<128xf32>
      %broadcast_in_dim3A_1590 = vector.shape_cast %get3A_1589 : vector<128xf32> to vector<1x128xf32>
      %mul3A_1591 = vector.broadcast %broadcast_in_dim3A_1590 : vector<1x128xf32> to vector<64x128xf32>
      %mul3A_1592 = arith.mulf %select_n3A_1587, %mul3A_1591 : vector<64x128xf32>
      %add3A_1593 = arith.addf %add3A_1570, %mul3A_1592 : vector<64x128xf32>
      %get3A_1594 = arith.constant 0 : index
      %get3A_1595 = arith.constant 8832 : index
      %get3A_1596 = vector.load %arg1[%get3A_1594, %get3A_1595] : memref<64x32768xf32, #tpu.memory_space<vmem>>, vector<64x128xf32>
      %iota3A_1597 = tpu.iota {dimensions = array<i32: 1>} : vector<1x128xi32>
      %iota3A_1598 = vector.shape_cast %iota3A_1597 : vector<1x128xi32> to vector<128xi32>
      %add3A_1599 = arith.constant 991872 : i32
      %add3A_1600 = vector.broadcast %add3A_1599 : i32 to vector<128xi32>
      %add3A_1601 = arith.addi %add3A_1600, %iota3A_1598 : vector<128xi32>
      %lt3A_1602 = arith.constant 1000000 : i32
      %lt3A_1603 = vector.broadcast %lt3A_1602 : i32 to vector<128xi32>
      %lt3A_1604 = arith.cmpi slt, %add3A_1601, %lt3A_1603 : vector<128xi32>
      %broadcast_in_dim3A_1605 = vector.shape_cast %lt3A_1604 : vector<128xi1> to vector<1x128xi1>
      %jit3A_1606 = arith.constant 0.000000e+00 : f32
      %broadcast_in_dim3A_1607 = vector.shape_cast %broadcast_in_dim3A_1605 : vector<1x128xi1> to vector<1x128xi1>
      %broadcast_in_dim3A_1608 = vector.broadcast %broadcast_in_dim3A_1607 : vector<1x128xi1> to vector<64x128xi1>
      %broadcast_in_dim3A_1609 = vector.broadcast %jit3A_1606 : f32 to vector<64x128xf32>
      %select_n3A_1610 = arith.select %broadcast_in_dim3A_1608, %get3A_1596, %broadcast_in_dim3A_1609 : vector<64x128xi1>, vector<64x128xf32>
      %get3A_1611 = arith.constant 8832 : index
      %get3A_1612 = vector.load %arg2[%get3A_1611] : memref<32768xf32, #tpu.memory_space<vmem>>, vector<128xf32>
      %broadcast_in_dim3A_1613 = vector.shape_cast %get3A_1612 : vector<128xf32> to vector<1x128xf32>
      %mul3A_1614 = vector.broadcast %broadcast_in_dim3A_1613 : vector<1x128xf32> to vector<64x128xf32>
      %mul3A_1615 = arith.mulf %select_n3A_1610, %mul3A_1614 : vector<64x128xf32>
      %add3A_1616 = arith.addf %add3A_1593, %mul3A_1615 : vector<64x128xf32>
      %get3A_1617 = arith.constant 0 : index
      %get3A_1618 = arith.constant 8960 : index
      %get3A_1619 = vector.load %arg1[%get3A_1617, %get3A_1618] : memref<64x32768xf32, #tpu.memory_space<vmem>>, vector<64x128xf32>
      %iota3A_1620 = tpu.iota {dimensions = array<i32: 1>} : vector<1x128xi32>
      %iota3A_1621 = vector.shape_cast %iota3A_1620 : vector<1x128xi32> to vector<128xi32>
      %add3A_1622 = arith.constant 992000 : i32
      %add3A_1623 = vector.broadcast %add3A_1622 : i32 to vector<128xi32>
      %add3A_1624 = arith.addi %add3A_1623, %iota3A_1621 : vector<128xi32>
      %lt3A_1625 = arith.constant 1000000 : i32
      %lt3A_1626 = vector.broadcast %lt3A_1625 : i32 to vector<128xi32>
      %lt3A_1627 = arith.cmpi slt, %add3A_1624, %lt3A_1626 : vector<128xi32>
      %broadcast_in_dim3A_1628 = vector.shape_cast %lt3A_1627 : vector<128xi1> to vector<1x128xi1>
      %jit3A_1629 = arith.constant 0.000000e+00 : f32
      %broadcast_in_dim3A_1630 = vector.shape_cast %broadcast_in_dim3A_1628 : vector<1x128xi1> to vector<1x128xi1>
      %broadcast_in_dim3A_1631 = vector.broadcast %broadcast_in_dim3A_1630 : vector<1x128xi1> to vector<64x128xi1>
      %broadcast_in_dim3A_1632 = vector.broadcast %jit3A_1629 : f32 to vector<64x128xf32>
      %select_n3A_1633 = arith.select %broadcast_in_dim3A_1631, %get3A_1619, %broadcast_in_dim3A_1632 : vector<64x128xi1>, vector<64x128xf32>
      %get3A_1634 = arith.constant 8960 : index
      %get3A_1635 = vector.load %arg2[%get3A_1634] : memref<32768xf32, #tpu.memory_space<vmem>>, vector<128xf32>
      %broadcast_in_dim3A_1636 = vector.shape_cast %get3A_1635 : vector<128xf32> to vector<1x128xf32>
      %mul3A_1637 = vector.broadcast %broadcast_in_dim3A_1636 : vector<1x128xf32> to vector<64x128xf32>
      %mul3A_1638 = arith.mulf %select_n3A_1633, %mul3A_1637 : vector<64x128xf32>
      %add3A_1639 = arith.addf %add3A_1616, %mul3A_1638 : vector<64x128xf32>
      %get3A_1640 = arith.constant 0 : index
      %get3A_1641 = arith.constant 9088 : index
      %get3A_1642 = vector.load %arg1[%get3A_1640, %get3A_1641] : memref<64x32768xf32, #tpu.memory_space<vmem>>, vector<64x128xf32>
      %iota3A_1643 = tpu.iota {dimensions = array<i32: 1>} : vector<1x128xi32>
      %iota3A_1644 = vector.shape_cast %iota3A_1643 : vector<1x128xi32> to vector<128xi32>
      %add3A_1645 = arith.constant 992128 : i32
      %add3A_1646 = vector.broadcast %add3A_1645 : i32 to vector<128xi32>
      %add3A_1647 = arith.addi %add3A_1646, %iota3A_1644 : vector<128xi32>
      %lt3A_1648 = arith.constant 1000000 : i32
      %lt3A_1649 = vector.broadcast %lt3A_1648 : i32 to vector<128xi32>
      %lt3A_1650 = arith.cmpi slt, %add3A_1647, %lt3A_1649 : vector<128xi32>
      %broadcast_in_dim3A_1651 = vector.shape_cast %lt3A_1650 : vector<128xi1> to vector<1x128xi1>
      %jit3A_1652 = arith.constant 0.000000e+00 : f32
      %broadcast_in_dim3A_1653 = vector.shape_cast %broadcast_in_dim3A_1651 : vector<1x128xi1> to vector<1x128xi1>
      %broadcast_in_dim3A_1654 = vector.broadcast %broadcast_in_dim3A_1653 : vector<1x128xi1> to vector<64x128xi1>
      %broadcast_in_dim3A_1655 = vector.broadcast %jit3A_1652 : f32 to vector<64x128xf32>
      %select_n3A_1656 = arith.select %broadcast_in_dim3A_1654, %get3A_1642, %broadcast_in_dim3A_1655 : vector<64x128xi1>, vector<64x128xf32>
      %get3A_1657 = arith.constant 9088 : index
      %get3A_1658 = vector.load %arg2[%get3A_1657] : memref<32768xf32, #tpu.memory_space<vmem>>, vector<128xf32>
      %broadcast_in_dim3A_1659 = vector.shape_cast %get3A_1658 : vector<128xf32> to vector<1x128xf32>
      %mul3A_1660 = vector.broadcast %broadcast_in_dim3A_1659 : vector<1x128xf32> to vector<64x128xf32>
      %mul3A_1661 = arith.mulf %select_n3A_1656, %mul3A_1660 : vector<64x128xf32>
      %add3A_1662 = arith.addf %add3A_1639, %mul3A_1661 : vector<64x128xf32>
      %get3A_1663 = arith.constant 0 : index
      %get3A_1664 = arith.constant 9216 : index
      %get3A_1665 = vector.load %arg1[%get3A_1663, %get3A_1664] : memref<64x32768xf32, #tpu.memory_space<vmem>>, vector<64x128xf32>
      %iota3A_1666 = tpu.iota {dimensions = array<i32: 1>} : vector<1x128xi32>
      %iota3A_1667 = vector.shape_cast %iota3A_1666 : vector<1x128xi32> to vector<128xi32>
      %add3A_1668 = arith.constant 992256 : i32
      %add3A_1669 = vector.broadcast %add3A_1668 : i32 to vector<128xi32>
      %add3A_1670 = arith.addi %add3A_1669, %iota3A_1667 : vector<128xi32>
      %lt3A_1671 = arith.constant 1000000 : i32
      %lt3A_1672 = vector.broadcast %lt3A_1671 : i32 to vector<128xi32>
      %lt3A_1673 = arith.cmpi slt, %add3A_1670, %lt3A_1672 : vector<128xi32>
      %broadcast_in_dim3A_1674 = vector.shape_cast %lt3A_1673 : vector<128xi1> to vector<1x128xi1>
      %jit3A_1675 = arith.constant 0.000000e+00 : f32
      %broadcast_in_dim3A_1676 = vector.shape_cast %broadcast_in_dim3A_1674 : vector<1x128xi1> to vector<1x128xi1>
      %broadcast_in_dim3A_1677 = vector.broadcast %broadcast_in_dim3A_1676 : vector<1x128xi1> to vector<64x128xi1>
      %broadcast_in_dim3A_1678 = vector.broadcast %jit3A_1675 : f32 to vector<64x128xf32>
      %select_n3A_1679 = arith.select %broadcast_in_dim3A_1677, %get3A_1665, %broadcast_in_dim3A_1678 : vector<64x128xi1>, vector<64x128xf32>
      %get3A_1680 = arith.constant 9216 : index
      %get3A_1681 = vector.load %arg2[%get3A_1680] : memref<32768xf32, #tpu.memory_space<vmem>>, vector<128xf32>
      %broadcast_in_dim3A_1682 = vector.shape_cast %get3A_1681 : vector<128xf32> to vector<1x128xf32>
      %mul3A_1683 = vector.broadcast %broadcast_in_dim3A_1682 : vector<1x128xf32> to vector<64x128xf32>
      %mul3A_1684 = arith.mulf %select_n3A_1679, %mul3A_1683 : vector<64x128xf32>
      %add3A_1685 = arith.addf %add3A_1662, %mul3A_1684 : vector<64x128xf32>
      %get3A_1686 = arith.constant 0 : index
      %get3A_1687 = arith.constant 9344 : index
      %get3A_1688 = vector.load %arg1[%get3A_1686, %get3A_1687] : memref<64x32768xf32, #tpu.memory_space<vmem>>, vector<64x128xf32>
      %iota3A_1689 = tpu.iota {dimensions = array<i32: 1>} : vector<1x128xi32>
      %iota3A_1690 = vector.shape_cast %iota3A_1689 : vector<1x128xi32> to vector<128xi32>
      %add3A_1691 = arith.constant 992384 : i32
      %add3A_1692 = vector.broadcast %add3A_1691 : i32 to vector<128xi32>
      %add3A_1693 = arith.addi %add3A_1692, %iota3A_1690 : vector<128xi32>
      %lt3A_1694 = arith.constant 1000000 : i32
      %lt3A_1695 = vector.broadcast %lt3A_1694 : i32 to vector<128xi32>
      %lt3A_1696 = arith.cmpi slt, %add3A_1693, %lt3A_1695 : vector<128xi32>
      %broadcast_in_dim3A_1697 = vector.shape_cast %lt3A_1696 : vector<128xi1> to vector<1x128xi1>
      %jit3A_1698 = arith.constant 0.000000e+00 : f32
      %broadcast_in_dim3A_1699 = vector.shape_cast %broadcast_in_dim3A_1697 : vector<1x128xi1> to vector<1x128xi1>
      %broadcast_in_dim3A_1700 = vector.broadcast %broadcast_in_dim3A_1699 : vector<1x128xi1> to vector<64x128xi1>
      %broadcast_in_dim3A_1701 = vector.broadcast %jit3A_1698 : f32 to vector<64x128xf32>
      %select_n3A_1702 = arith.select %broadcast_in_dim3A_1700, %get3A_1688, %broadcast_in_dim3A_1701 : vector<64x128xi1>, vector<64x128xf32>
      %get3A_1703 = arith.constant 9344 : index
      %get3A_1704 = vector.load %arg2[%get3A_1703] : memref<32768xf32, #tpu.memory_space<vmem>>, vector<128xf32>
      %broadcast_in_dim3A_1705 = vector.shape_cast %get3A_1704 : vector<128xf32> to vector<1x128xf32>
      %mul3A_1706 = vector.broadcast %broadcast_in_dim3A_1705 : vector<1x128xf32> to vector<64x128xf32>
      %mul3A_1707 = arith.mulf %select_n3A_1702, %mul3A_1706 : vector<64x128xf32>
      %add3A_1708 = arith.addf %add3A_1685, %mul3A_1707 : vector<64x128xf32>
      %get3A_1709 = arith.constant 0 : index
      %get3A_1710 = arith.constant 9472 : index
      %get3A_1711 = vector.load %arg1[%get3A_1709, %get3A_1710] : memref<64x32768xf32, #tpu.memory_space<vmem>>, vector<64x128xf32>
      %iota3A_1712 = tpu.iota {dimensions = array<i32: 1>} : vector<1x128xi32>
      %iota3A_1713 = vector.shape_cast %iota3A_1712 : vector<1x128xi32> to vector<128xi32>
      %add3A_1714 = arith.constant 992512 : i32
      %add3A_1715 = vector.broadcast %add3A_1714 : i32 to vector<128xi32>
      %add3A_1716 = arith.addi %add3A_1715, %iota3A_1713 : vector<128xi32>
      %lt3A_1717 = arith.constant 1000000 : i32
      %lt3A_1718 = vector.broadcast %lt3A_1717 : i32 to vector<128xi32>
      %lt3A_1719 = arith.cmpi slt, %add3A_1716, %lt3A_1718 : vector<128xi32>
      %broadcast_in_dim3A_1720 = vector.shape_cast %lt3A_1719 : vector<128xi1> to vector<1x128xi1>
      %jit3A_1721 = arith.constant 0.000000e+00 : f32
      %broadcast_in_dim3A_1722 = vector.shape_cast %broadcast_in_dim3A_1720 : vector<1x128xi1> to vector<1x128xi1>
      %broadcast_in_dim3A_1723 = vector.broadcast %broadcast_in_dim3A_1722 : vector<1x128xi1> to vector<64x128xi1>
      %broadcast_in_dim3A_1724 = vector.broadcast %jit3A_1721 : f32 to vector<64x128xf32>
      %select_n3A_1725 = arith.select %broadcast_in_dim3A_1723, %get3A_1711, %broadcast_in_dim3A_1724 : vector<64x128xi1>, vector<64x128xf32>
      %get3A_1726 = arith.constant 9472 : index
      %get3A_1727 = vector.load %arg2[%get3A_1726] : memref<32768xf32, #tpu.memory_space<vmem>>, vector<128xf32>
      %broadcast_in_dim3A_1728 = vector.shape_cast %get3A_1727 : vector<128xf32> to vector<1x128xf32>
      %mul3A_1729 = vector.broadcast %broadcast_in_dim3A_1728 : vector<1x128xf32> to vector<64x128xf32>
      %mul3A_1730 = arith.mulf %select_n3A_1725, %mul3A_1729 : vector<64x128xf32>
      %add3A_1731 = arith.addf %add3A_1708, %mul3A_1730 : vector<64x128xf32>
      %get3A_1732 = arith.constant 0 : index
      %get3A_1733 = arith.constant 9600 : index
      %get3A_1734 = vector.load %arg1[%get3A_1732, %get3A_1733] : memref<64x32768xf32, #tpu.memory_space<vmem>>, vector<64x128xf32>
      %iota3A_1735 = tpu.iota {dimensions = array<i32: 1>} : vector<1x128xi32>
      %iota3A_1736 = vector.shape_cast %iota3A_1735 : vector<1x128xi32> to vector<128xi32>
      %add3A_1737 = arith.constant 992640 : i32
      %add3A_1738 = vector.broadcast %add3A_1737 : i32 to vector<128xi32>
      %add3A_1739 = arith.addi %add3A_1738, %iota3A_1736 : vector<128xi32>
      %lt3A_1740 = arith.constant 1000000 : i32
      %lt3A_1741 = vector.broadcast %lt3A_1740 : i32 to vector<128xi32>
      %lt3A_1742 = arith.cmpi slt, %add3A_1739, %lt3A_1741 : vector<128xi32>
      %broadcast_in_dim3A_1743 = vector.shape_cast %lt3A_1742 : vector<128xi1> to vector<1x128xi1>
      %jit3A_1744 = arith.constant 0.000000e+00 : f32
      %broadcast_in_dim3A_1745 = vector.shape_cast %broadcast_in_dim3A_1743 : vector<1x128xi1> to vector<1x128xi1>
      %broadcast_in_dim3A_1746 = vector.broadcast %broadcast_in_dim3A_1745 : vector<1x128xi1> to vector<64x128xi1>
      %broadcast_in_dim3A_1747 = vector.broadcast %jit3A_1744 : f32 to vector<64x128xf32>
      %select_n3A_1748 = arith.select %broadcast_in_dim3A_1746, %get3A_1734, %broadcast_in_dim3A_1747 : vector<64x128xi1>, vector<64x128xf32>
      %get3A_1749 = arith.constant 9600 : index
      %get3A_1750 = vector.load %arg2[%get3A_1749] : memref<32768xf32, #tpu.memory_space<vmem>>, vector<128xf32>
      %broadcast_in_dim3A_1751 = vector.shape_cast %get3A_1750 : vector<128xf32> to vector<1x128xf32>
      %mul3A_1752 = vector.broadcast %broadcast_in_dim3A_1751 : vector<1x128xf32> to vector<64x128xf32>
      %mul3A_1753 = arith.mulf %select_n3A_1748, %mul3A_1752 : vector<64x128xf32>
      %add3A_1754 = arith.addf %add3A_1731, %mul3A_1753 : vector<64x128xf32>
      %get3A_1755 = arith.constant 0 : index
      %get3A_1756 = arith.constant 9728 : index
      %get3A_1757 = vector.load %arg1[%get3A_1755, %get3A_1756] : memref<64x32768xf32, #tpu.memory_space<vmem>>, vector<64x128xf32>
      %iota3A_1758 = tpu.iota {dimensions = array<i32: 1>} : vector<1x128xi32>
      %iota3A_1759 = vector.shape_cast %iota3A_1758 : vector<1x128xi32> to vector<128xi32>
      %add3A_1760 = arith.constant 992768 : i32
      %add3A_1761 = vector.broadcast %add3A_1760 : i32 to vector<128xi32>
      %add3A_1762 = arith.addi %add3A_1761, %iota3A_1759 : vector<128xi32>
      %lt3A_1763 = arith.constant 1000000 : i32
      %lt3A_1764 = vector.broadcast %lt3A_1763 : i32 to vector<128xi32>
      %lt3A_1765 = arith.cmpi slt, %add3A_1762, %lt3A_1764 : vector<128xi32>
      %broadcast_in_dim3A_1766 = vector.shape_cast %lt3A_1765 : vector<128xi1> to vector<1x128xi1>
      %jit3A_1767 = arith.constant 0.000000e+00 : f32
      %broadcast_in_dim3A_1768 = vector.shape_cast %broadcast_in_dim3A_1766 : vector<1x128xi1> to vector<1x128xi1>
      %broadcast_in_dim3A_1769 = vector.broadcast %broadcast_in_dim3A_1768 : vector<1x128xi1> to vector<64x128xi1>
      %broadcast_in_dim3A_1770 = vector.broadcast %jit3A_1767 : f32 to vector<64x128xf32>
      %select_n3A_1771 = arith.select %broadcast_in_dim3A_1769, %get3A_1757, %broadcast_in_dim3A_1770 : vector<64x128xi1>, vector<64x128xf32>
      %get3A_1772 = arith.constant 9728 : index
      %get3A_1773 = vector.load %arg2[%get3A_1772] : memref<32768xf32, #tpu.memory_space<vmem>>, vector<128xf32>
      %broadcast_in_dim3A_1774 = vector.shape_cast %get3A_1773 : vector<128xf32> to vector<1x128xf32>
      %mul3A_1775 = vector.broadcast %broadcast_in_dim3A_1774 : vector<1x128xf32> to vector<64x128xf32>
      %mul3A_1776 = arith.mulf %select_n3A_1771, %mul3A_1775 : vector<64x128xf32>
      %add3A_1777 = arith.addf %add3A_1754, %mul3A_1776 : vector<64x128xf32>
      %get3A_1778 = arith.constant 0 : index
      %get3A_1779 = arith.constant 9856 : index
      %get3A_1780 = vector.load %arg1[%get3A_1778, %get3A_1779] : memref<64x32768xf32, #tpu.memory_space<vmem>>, vector<64x128xf32>
      %iota3A_1781 = tpu.iota {dimensions = array<i32: 1>} : vector<1x128xi32>
      %iota3A_1782 = vector.shape_cast %iota3A_1781 : vector<1x128xi32> to vector<128xi32>
      %add3A_1783 = arith.constant 992896 : i32
      %add3A_1784 = vector.broadcast %add3A_1783 : i32 to vector<128xi32>
      %add3A_1785 = arith.addi %add3A_1784, %iota3A_1782 : vector<128xi32>
      %lt3A_1786 = arith.constant 1000000 : i32
      %lt3A_1787 = vector.broadcast %lt3A_1786 : i32 to vector<128xi32>
      %lt3A_1788 = arith.cmpi slt, %add3A_1785, %lt3A_1787 : vector<128xi32>
      %broadcast_in_dim3A_1789 = vector.shape_cast %lt3A_1788 : vector<128xi1> to vector<1x128xi1>
      %jit3A_1790 = arith.constant 0.000000e+00 : f32
      %broadcast_in_dim3A_1791 = vector.shape_cast %broadcast_in_dim3A_1789 : vector<1x128xi1> to vector<1x128xi1>
      %broadcast_in_dim3A_1792 = vector.broadcast %broadcast_in_dim3A_1791 : vector<1x128xi1> to vector<64x128xi1>
      %broadcast_in_dim3A_1793 = vector.broadcast %jit3A_1790 : f32 to vector<64x128xf32>
      %select_n3A_1794 = arith.select %broadcast_in_dim3A_1792, %get3A_1780, %broadcast_in_dim3A_1793 : vector<64x128xi1>, vector<64x128xf32>
      %get3A_1795 = arith.constant 9856 : index
      %get3A_1796 = vector.load %arg2[%get3A_1795] : memref<32768xf32, #tpu.memory_space<vmem>>, vector<128xf32>
      %broadcast_in_dim3A_1797 = vector.shape_cast %get3A_1796 : vector<128xf32> to vector<1x128xf32>
      %mul3A_1798 = vector.broadcast %broadcast_in_dim3A_1797 : vector<1x128xf32> to vector<64x128xf32>
      %mul3A_1799 = arith.mulf %select_n3A_1794, %mul3A_1798 : vector<64x128xf32>
      %add3A_1800 = arith.addf %add3A_1777, %mul3A_1799 : vector<64x128xf32>
      %get3A_1801 = arith.constant 0 : index
      %get3A_1802 = arith.constant 9984 : index
      %get3A_1803 = vector.load %arg1[%get3A_1801, %get3A_1802] : memref<64x32768xf32, #tpu.memory_space<vmem>>, vector<64x128xf32>
      %iota3A_1804 = tpu.iota {dimensions = array<i32: 1>} : vector<1x128xi32>
      %iota3A_1805 = vector.shape_cast %iota3A_1804 : vector<1x128xi32> to vector<128xi32>
      %add3A_1806 = arith.constant 993024 : i32
      %add3A_1807 = vector.broadcast %add3A_1806 : i32 to vector<128xi32>
      %add3A_1808 = arith.addi %add3A_1807, %iota3A_1805 : vector<128xi32>
      %lt3A_1809 = arith.constant 1000000 : i32
      %lt3A_1810 = vector.broadcast %lt3A_1809 : i32 to vector<128xi32>
      %lt3A_1811 = arith.cmpi slt, %add3A_1808, %lt3A_1810 : vector<128xi32>
      %broadcast_in_dim3A_1812 = vector.shape_cast %lt3A_1811 : vector<128xi1> to vector<1x128xi1>
      %jit3A_1813 = arith.constant 0.000000e+00 : f32
      %broadcast_in_dim3A_1814 = vector.shape_cast %broadcast_in_dim3A_1812 : vector<1x128xi1> to vector<1x128xi1>
      %broadcast_in_dim3A_1815 = vector.broadcast %broadcast_in_dim3A_1814 : vector<1x128xi1> to vector<64x128xi1>
      %broadcast_in_dim3A_1816 = vector.broadcast %jit3A_1813 : f32 to vector<64x128xf32>
      %select_n3A_1817 = arith.select %broadcast_in_dim3A_1815, %get3A_1803, %broadcast_in_dim3A_1816 : vector<64x128xi1>, vector<64x128xf32>
      %get3A_1818 = arith.constant 9984 : index
      %get3A_1819 = vector.load %arg2[%get3A_1818] : memref<32768xf32, #tpu.memory_space<vmem>>, vector<128xf32>
      %broadcast_in_dim3A_1820 = vector.shape_cast %get3A_1819 : vector<128xf32> to vector<1x128xf32>
      %mul3A_1821 = vector.broadcast %broadcast_in_dim3A_1820 : vector<1x128xf32> to vector<64x128xf32>
      %mul3A_1822 = arith.mulf %select_n3A_1817, %mul3A_1821 : vector<64x128xf32>
      %add3A_1823 = arith.addf %add3A_1800, %mul3A_1822 : vector<64x128xf32>
      %get3A_1824 = arith.constant 0 : index
      %get3A_1825 = arith.constant 10112 : index
      %get3A_1826 = vector.load %arg1[%get3A_1824, %get3A_1825] : memref<64x32768xf32, #tpu.memory_space<vmem>>, vector<64x128xf32>
      %iota3A_1827 = tpu.iota {dimensions = array<i32: 1>} : vector<1x128xi32>
      %iota3A_1828 = vector.shape_cast %iota3A_1827 : vector<1x128xi32> to vector<128xi32>
      %add3A_1829 = arith.constant 993152 : i32
      %add3A_1830 = vector.broadcast %add3A_1829 : i32 to vector<128xi32>
      %add3A_1831 = arith.addi %add3A_1830, %iota3A_1828 : vector<128xi32>
      %lt3A_1832 = arith.constant 1000000 : i32
      %lt3A_1833 = vector.broadcast %lt3A_1832 : i32 to vector<128xi32>
      %lt3A_1834 = arith.cmpi slt, %add3A_1831, %lt3A_1833 : vector<128xi32>
      %broadcast_in_dim3A_1835 = vector.shape_cast %lt3A_1834 : vector<128xi1> to vector<1x128xi1>
      %jit3A_1836 = arith.constant 0.000000e+00 : f32
      %broadcast_in_dim3A_1837 = vector.shape_cast %broadcast_in_dim3A_1835 : vector<1x128xi1> to vector<1x128xi1>
      %broadcast_in_dim3A_1838 = vector.broadcast %broadcast_in_dim3A_1837 : vector<1x128xi1> to vector<64x128xi1>
      %broadcast_in_dim3A_1839 = vector.broadcast %jit3A_1836 : f32 to vector<64x128xf32>
      %select_n3A_1840 = arith.select %broadcast_in_dim3A_1838, %get3A_1826, %broadcast_in_dim3A_1839 : vector<64x128xi1>, vector<64x128xf32>
      %get3A_1841 = arith.constant 10112 : index
      %get3A_1842 = vector.load %arg2[%get3A_1841] : memref<32768xf32, #tpu.memory_space<vmem>>, vector<128xf32>
      %broadcast_in_dim3A_1843 = vector.shape_cast %get3A_1842 : vector<128xf32> to vector<1x128xf32>
      %mul3A_1844 = vector.broadcast %broadcast_in_dim3A_1843 : vector<1x128xf32> to vector<64x128xf32>
      %mul3A_1845 = arith.mulf %select_n3A_1840, %mul3A_1844 : vector<64x128xf32>
      %add3A_1846 = arith.addf %add3A_1823, %mul3A_1845 : vector<64x128xf32>
      %get3A_1847 = arith.constant 0 : index
      %get3A_1848 = arith.constant 10240 : index
      %get3A_1849 = vector.load %arg1[%get3A_1847, %get3A_1848] : memref<64x32768xf32, #tpu.memory_space<vmem>>, vector<64x128xf32>
      %iota3A_1850 = tpu.iota {dimensions = array<i32: 1>} : vector<1x128xi32>
      %iota3A_1851 = vector.shape_cast %iota3A_1850 : vector<1x128xi32> to vector<128xi32>
      %add3A_1852 = arith.constant 993280 : i32
      %add3A_1853 = vector.broadcast %add3A_1852 : i32 to vector<128xi32>
      %add3A_1854 = arith.addi %add3A_1853, %iota3A_1851 : vector<128xi32>
      %lt3A_1855 = arith.constant 1000000 : i32
      %lt3A_1856 = vector.broadcast %lt3A_1855 : i32 to vector<128xi32>
      %lt3A_1857 = arith.cmpi slt, %add3A_1854, %lt3A_1856 : vector<128xi32>
      %broadcast_in_dim3A_1858 = vector.shape_cast %lt3A_1857 : vector<128xi1> to vector<1x128xi1>
      %jit3A_1859 = arith.constant 0.000000e+00 : f32
      %broadcast_in_dim3A_1860 = vector.shape_cast %broadcast_in_dim3A_1858 : vector<1x128xi1> to vector<1x128xi1>
      %broadcast_in_dim3A_1861 = vector.broadcast %broadcast_in_dim3A_1860 : vector<1x128xi1> to vector<64x128xi1>
      %broadcast_in_dim3A_1862 = vector.broadcast %jit3A_1859 : f32 to vector<64x128xf32>
      %select_n3A_1863 = arith.select %broadcast_in_dim3A_1861, %get3A_1849, %broadcast_in_dim3A_1862 : vector<64x128xi1>, vector<64x128xf32>
      %get3A_1864 = arith.constant 10240 : index
      %get3A_1865 = vector.load %arg2[%get3A_1864] : memref<32768xf32, #tpu.memory_space<vmem>>, vector<128xf32>
      %broadcast_in_dim3A_1866 = vector.shape_cast %get3A_1865 : vector<128xf32> to vector<1x128xf32>
      %mul3A_1867 = vector.broadcast %broadcast_in_dim3A_1866 : vector<1x128xf32> to vector<64x128xf32>
      %mul3A_1868 = arith.mulf %select_n3A_1863, %mul3A_1867 : vector<64x128xf32>
      %add3A_1869 = arith.addf %add3A_1846, %mul3A_1868 : vector<64x128xf32>
      %get3A_1870 = arith.constant 0 : index
      %get3A_1871 = arith.constant 10368 : index
      %get3A_1872 = vector.load %arg1[%get3A_1870, %get3A_1871] : memref<64x32768xf32, #tpu.memory_space<vmem>>, vector<64x128xf32>
      %iota3A_1873 = tpu.iota {dimensions = array<i32: 1>} : vector<1x128xi32>
      %iota3A_1874 = vector.shape_cast %iota3A_1873 : vector<1x128xi32> to vector<128xi32>
      %add3A_1875 = arith.constant 993408 : i32
      %add3A_1876 = vector.broadcast %add3A_1875 : i32 to vector<128xi32>
      %add3A_1877 = arith.addi %add3A_1876, %iota3A_1874 : vector<128xi32>
      %lt3A_1878 = arith.constant 1000000 : i32
      %lt3A_1879 = vector.broadcast %lt3A_1878 : i32 to vector<128xi32>
      %lt3A_1880 = arith.cmpi slt, %add3A_1877, %lt3A_1879 : vector<128xi32>
      %broadcast_in_dim3A_1881 = vector.shape_cast %lt3A_1880 : vector<128xi1> to vector<1x128xi1>
      %jit3A_1882 = arith.constant 0.000000e+00 : f32
      %broadcast_in_dim3A_1883 = vector.shape_cast %broadcast_in_dim3A_1881 : vector<1x128xi1> to vector<1x128xi1>
      %broadcast_in_dim3A_1884 = vector.broadcast %broadcast_in_dim3A_1883 : vector<1x128xi1> to vector<64x128xi1>
      %broadcast_in_dim3A_1885 = vector.broadcast %jit3A_1882 : f32 to vector<64x128xf32>
      %select_n3A_1886 = arith.select %broadcast_in_dim3A_1884, %get3A_1872, %broadcast_in_dim3A_1885 : vector<64x128xi1>, vector<64x128xf32>
      %get3A_1887 = arith.constant 10368 : index
      %get3A_1888 = vector.load %arg2[%get3A_1887] : memref<32768xf32, #tpu.memory_space<vmem>>, vector<128xf32>
      %broadcast_in_dim3A_1889 = vector.shape_cast %get3A_1888 : vector<128xf32> to vector<1x128xf32>
      %mul3A_1890 = vector.broadcast %broadcast_in_dim3A_1889 : vector<1x128xf32> to vector<64x128xf32>
      %mul3A_1891 = arith.mulf %select_n3A_1886, %mul3A_1890 : vector<64x128xf32>
      %add3A_1892 = arith.addf %add3A_1869, %mul3A_1891 : vector<64x128xf32>
      %get3A_1893 = arith.constant 0 : index
      %get3A_1894 = arith.constant 10496 : index
      %get3A_1895 = vector.load %arg1[%get3A_1893, %get3A_1894] : memref<64x32768xf32, #tpu.memory_space<vmem>>, vector<64x128xf32>
      %iota3A_1896 = tpu.iota {dimensions = array<i32: 1>} : vector<1x128xi32>
      %iota3A_1897 = vector.shape_cast %iota3A_1896 : vector<1x128xi32> to vector<128xi32>
      %add3A_1898 = arith.constant 993536 : i32
      %add3A_1899 = vector.broadcast %add3A_1898 : i32 to vector<128xi32>
      %add3A_1900 = arith.addi %add3A_1899, %iota3A_1897 : vector<128xi32>
      %lt3A_1901 = arith.constant 1000000 : i32
      %lt3A_1902 = vector.broadcast %lt3A_1901 : i32 to vector<128xi32>
      %lt3A_1903 = arith.cmpi slt, %add3A_1900, %lt3A_1902 : vector<128xi32>
      %broadcast_in_dim3A_1904 = vector.shape_cast %lt3A_1903 : vector<128xi1> to vector<1x128xi1>
      %jit3A_1905 = arith.constant 0.000000e+00 : f32
      %broadcast_in_dim3A_1906 = vector.shape_cast %broadcast_in_dim3A_1904 : vector<1x128xi1> to vector<1x128xi1>
      %broadcast_in_dim3A_1907 = vector.broadcast %broadcast_in_dim3A_1906 : vector<1x128xi1> to vector<64x128xi1>
      %broadcast_in_dim3A_1908 = vector.broadcast %jit3A_1905 : f32 to vector<64x128xf32>
      %select_n3A_1909 = arith.select %broadcast_in_dim3A_1907, %get3A_1895, %broadcast_in_dim3A_1908 : vector<64x128xi1>, vector<64x128xf32>
      %get3A_1910 = arith.constant 10496 : index
      %get3A_1911 = vector.load %arg2[%get3A_1910] : memref<32768xf32, #tpu.memory_space<vmem>>, vector<128xf32>
      %broadcast_in_dim3A_1912 = vector.shape_cast %get3A_1911 : vector<128xf32> to vector<1x128xf32>
      %mul3A_1913 = vector.broadcast %broadcast_in_dim3A_1912 : vector<1x128xf32> to vector<64x128xf32>
      %mul3A_1914 = arith.mulf %select_n3A_1909, %mul3A_1913 : vector<64x128xf32>
      %add3A_1915 = arith.addf %add3A_1892, %mul3A_1914 : vector<64x128xf32>
      %get3A_1916 = arith.constant 0 : index
      %get3A_1917 = arith.constant 10624 : index
      %get3A_1918 = vector.load %arg1[%get3A_1916, %get3A_1917] : memref<64x32768xf32, #tpu.memory_space<vmem>>, vector<64x128xf32>
      %iota3A_1919 = tpu.iota {dimensions = array<i32: 1>} : vector<1x128xi32>
      %iota3A_1920 = vector.shape_cast %iota3A_1919 : vector<1x128xi32> to vector<128xi32>
      %add3A_1921 = arith.constant 993664 : i32
      %add3A_1922 = vector.broadcast %add3A_1921 : i32 to vector<128xi32>
      %add3A_1923 = arith.addi %add3A_1922, %iota3A_1920 : vector<128xi32>
      %lt3A_1924 = arith.constant 1000000 : i32
      %lt3A_1925 = vector.broadcast %lt3A_1924 : i32 to vector<128xi32>
      %lt3A_1926 = arith.cmpi slt, %add3A_1923, %lt3A_1925 : vector<128xi32>
      %broadcast_in_dim3A_1927 = vector.shape_cast %lt3A_1926 : vector<128xi1> to vector<1x128xi1>
      %jit3A_1928 = arith.constant 0.000000e+00 : f32
      %broadcast_in_dim3A_1929 = vector.shape_cast %broadcast_in_dim3A_1927 : vector<1x128xi1> to vector<1x128xi1>
      %broadcast_in_dim3A_1930 = vector.broadcast %broadcast_in_dim3A_1929 : vector<1x128xi1> to vector<64x128xi1>
      %broadcast_in_dim3A_1931 = vector.broadcast %jit3A_1928 : f32 to vector<64x128xf32>
      %select_n3A_1932 = arith.select %broadcast_in_dim3A_1930, %get3A_1918, %broadcast_in_dim3A_1931 : vector<64x128xi1>, vector<64x128xf32>
      %get3A_1933 = arith.constant 10624 : index
      %get3A_1934 = vector.load %arg2[%get3A_1933] : memref<32768xf32, #tpu.memory_space<vmem>>, vector<128xf32>
      %broadcast_in_dim3A_1935 = vector.shape_cast %get3A_1934 : vector<128xf32> to vector<1x128xf32>
      %mul3A_1936 = vector.broadcast %broadcast_in_dim3A_1935 : vector<1x128xf32> to vector<64x128xf32>
      %mul3A_1937 = arith.mulf %select_n3A_1932, %mul3A_1936 : vector<64x128xf32>
      %add3A_1938 = arith.addf %add3A_1915, %mul3A_1937 : vector<64x128xf32>
      %get3A_1939 = arith.constant 0 : index
      %get3A_1940 = arith.constant 10752 : index
      %get3A_1941 = vector.load %arg1[%get3A_1939, %get3A_1940] : memref<64x32768xf32, #tpu.memory_space<vmem>>, vector<64x128xf32>
      %iota3A_1942 = tpu.iota {dimensions = array<i32: 1>} : vector<1x128xi32>
      %iota3A_1943 = vector.shape_cast %iota3A_1942 : vector<1x128xi32> to vector<128xi32>
      %add3A_1944 = arith.constant 993792 : i32
      %add3A_1945 = vector.broadcast %add3A_1944 : i32 to vector<128xi32>
      %add3A_1946 = arith.addi %add3A_1945, %iota3A_1943 : vector<128xi32>
      %lt3A_1947 = arith.constant 1000000 : i32
      %lt3A_1948 = vector.broadcast %lt3A_1947 : i32 to vector<128xi32>
      %lt3A_1949 = arith.cmpi slt, %add3A_1946, %lt3A_1948 : vector<128xi32>
      %broadcast_in_dim3A_1950 = vector.shape_cast %lt3A_1949 : vector<128xi1> to vector<1x128xi1>
      %jit3A_1951 = arith.constant 0.000000e+00 : f32
      %broadcast_in_dim3A_1952 = vector.shape_cast %broadcast_in_dim3A_1950 : vector<1x128xi1> to vector<1x128xi1>
      %broadcast_in_dim3A_1953 = vector.broadcast %broadcast_in_dim3A_1952 : vector<1x128xi1> to vector<64x128xi1>
      %broadcast_in_dim3A_1954 = vector.broadcast %jit3A_1951 : f32 to vector<64x128xf32>
      %select_n3A_1955 = arith.select %broadcast_in_dim3A_1953, %get3A_1941, %broadcast_in_dim3A_1954 : vector<64x128xi1>, vector<64x128xf32>
      %get3A_1956 = arith.constant 10752 : index
      %get3A_1957 = vector.load %arg2[%get3A_1956] : memref<32768xf32, #tpu.memory_space<vmem>>, vector<128xf32>
      %broadcast_in_dim3A_1958 = vector.shape_cast %get3A_1957 : vector<128xf32> to vector<1x128xf32>
      %mul3A_1959 = vector.broadcast %broadcast_in_dim3A_1958 : vector<1x128xf32> to vector<64x128xf32>
      %mul3A_1960 = arith.mulf %select_n3A_1955, %mul3A_1959 : vector<64x128xf32>
      %add3A_1961 = arith.addf %add3A_1938, %mul3A_1960 : vector<64x128xf32>
      %get3A_1962 = arith.constant 0 : index
      %get3A_1963 = arith.constant 10880 : index
      %get3A_1964 = vector.load %arg1[%get3A_1962, %get3A_1963] : memref<64x32768xf32, #tpu.memory_space<vmem>>, vector<64x128xf32>
      %iota3A_1965 = tpu.iota {dimensions = array<i32: 1>} : vector<1x128xi32>
      %iota3A_1966 = vector.shape_cast %iota3A_1965 : vector<1x128xi32> to vector<128xi32>
      %add3A_1967 = arith.constant 993920 : i32
      %add3A_1968 = vector.broadcast %add3A_1967 : i32 to vector<128xi32>
      %add3A_1969 = arith.addi %add3A_1968, %iota3A_1966 : vector<128xi32>
      %lt3A_1970 = arith.constant 1000000 : i32
      %lt3A_1971 = vector.broadcast %lt3A_1970 : i32 to vector<128xi32>
      %lt3A_1972 = arith.cmpi slt, %add3A_1969, %lt3A_1971 : vector<128xi32>
      %broadcast_in_dim3A_1973 = vector.shape_cast %lt3A_1972 : vector<128xi1> to vector<1x128xi1>
      %jit3A_1974 = arith.constant 0.000000e+00 : f32
      %broadcast_in_dim3A_1975 = vector.shape_cast %broadcast_in_dim3A_1973 : vector<1x128xi1> to vector<1x128xi1>
      %broadcast_in_dim3A_1976 = vector.broadcast %broadcast_in_dim3A_1975 : vector<1x128xi1> to vector<64x128xi1>
      %broadcast_in_dim3A_1977 = vector.broadcast %jit3A_1974 : f32 to vector<64x128xf32>
      %select_n3A_1978 = arith.select %broadcast_in_dim3A_1976, %get3A_1964, %broadcast_in_dim3A_1977 : vector<64x128xi1>, vector<64x128xf32>
      %get3A_1979 = arith.constant 10880 : index
      %get3A_1980 = vector.load %arg2[%get3A_1979] : memref<32768xf32, #tpu.memory_space<vmem>>, vector<128xf32>
      %broadcast_in_dim3A_1981 = vector.shape_cast %get3A_1980 : vector<128xf32> to vector<1x128xf32>
      %mul3A_1982 = vector.broadcast %broadcast_in_dim3A_1981 : vector<1x128xf32> to vector<64x128xf32>
      %mul3A_1983 = arith.mulf %select_n3A_1978, %mul3A_1982 : vector<64x128xf32>
      %add3A_1984 = arith.addf %add3A_1961, %mul3A_1983 : vector<64x128xf32>
      %get3A_1985 = arith.constant 0 : index
      %get3A_1986 = arith.constant 11008 : index
      %get3A_1987 = vector.load %arg1[%get3A_1985, %get3A_1986] : memref<64x32768xf32, #tpu.memory_space<vmem>>, vector<64x128xf32>
      %iota3A_1988 = tpu.iota {dimensions = array<i32: 1>} : vector<1x128xi32>
      %iota3A_1989 = vector.shape_cast %iota3A_1988 : vector<1x128xi32> to vector<128xi32>
      %add3A_1990 = arith.constant 994048 : i32
      %add3A_1991 = vector.broadcast %add3A_1990 : i32 to vector<128xi32>
      %add3A_1992 = arith.addi %add3A_1991, %iota3A_1989 : vector<128xi32>
      %lt3A_1993 = arith.constant 1000000 : i32
      %lt3A_1994 = vector.broadcast %lt3A_1993 : i32 to vector<128xi32>
      %lt3A_1995 = arith.cmpi slt, %add3A_1992, %lt3A_1994 : vector<128xi32>
      %broadcast_in_dim3A_1996 = vector.shape_cast %lt3A_1995 : vector<128xi1> to vector<1x128xi1>
      %jit3A_1997 = arith.constant 0.000000e+00 : f32
      %broadcast_in_dim3A_1998 = vector.shape_cast %broadcast_in_dim3A_1996 : vector<1x128xi1> to vector<1x128xi1>
      %broadcast_in_dim3A_1999 = vector.broadcast %broadcast_in_dim3A_1998 : vector<1x128xi1> to vector<64x128xi1>
      %broadcast_in_dim3A_2000 = vector.broadcast %jit3A_1997 : f32 to vector<64x128xf32>
      %select_n3A_2001 = arith.select %broadcast_in_dim3A_1999, %get3A_1987, %broadcast_in_dim3A_2000 : vector<64x128xi1>, vector<64x128xf32>
      %get3A_2002 = arith.constant 11008 : index
      %get3A_2003 = vector.load %arg2[%get3A_2002] : memref<32768xf32, #tpu.memory_space<vmem>>, vector<128xf32>
      %broadcast_in_dim3A_2004 = vector.shape_cast %get3A_2003 : vector<128xf32> to vector<1x128xf32>
      %mul3A_2005 = vector.broadcast %broadcast_in_dim3A_2004 : vector<1x128xf32> to vector<64x128xf32>
      %mul3A_2006 = arith.mulf %select_n3A_2001, %mul3A_2005 : vector<64x128xf32>
      %add3A_2007 = arith.addf %add3A_1984, %mul3A_2006 : vector<64x128xf32>
      %get3A_2008 = arith.constant 0 : index
      %get3A_2009 = arith.constant 11136 : index
      %get3A_2010 = vector.load %arg1[%get3A_2008, %get3A_2009] : memref<64x32768xf32, #tpu.memory_space<vmem>>, vector<64x128xf32>
      %iota3A_2011 = tpu.iota {dimensions = array<i32: 1>} : vector<1x128xi32>
      %iota3A_2012 = vector.shape_cast %iota3A_2011 : vector<1x128xi32> to vector<128xi32>
      %add3A_2013 = arith.constant 994176 : i32
      %add3A_2014 = vector.broadcast %add3A_2013 : i32 to vector<128xi32>
      %add3A_2015 = arith.addi %add3A_2014, %iota3A_2012 : vector<128xi32>
      %lt3A_2016 = arith.constant 1000000 : i32
      %lt3A_2017 = vector.broadcast %lt3A_2016 : i32 to vector<128xi32>
      %lt3A_2018 = arith.cmpi slt, %add3A_2015, %lt3A_2017 : vector<128xi32>
      %broadcast_in_dim3A_2019 = vector.shape_cast %lt3A_2018 : vector<128xi1> to vector<1x128xi1>
      %jit3A_2020 = arith.constant 0.000000e+00 : f32
      %broadcast_in_dim3A_2021 = vector.shape_cast %broadcast_in_dim3A_2019 : vector<1x128xi1> to vector<1x128xi1>
      %broadcast_in_dim3A_2022 = vector.broadcast %broadcast_in_dim3A_2021 : vector<1x128xi1> to vector<64x128xi1>
      %broadcast_in_dim3A_2023 = vector.broadcast %jit3A_2020 : f32 to vector<64x128xf32>
      %select_n3A_2024 = arith.select %broadcast_in_dim3A_2022, %get3A_2010, %broadcast_in_dim3A_2023 : vector<64x128xi1>, vector<64x128xf32>
      %get3A_2025 = arith.constant 11136 : index
      %get3A_2026 = vector.load %arg2[%get3A_2025] : memref<32768xf32, #tpu.memory_space<vmem>>, vector<128xf32>
      %broadcast_in_dim3A_2027 = vector.shape_cast %get3A_2026 : vector<128xf32> to vector<1x128xf32>
      %mul3A_2028 = vector.broadcast %broadcast_in_dim3A_2027 : vector<1x128xf32> to vector<64x128xf32>
      %mul3A_2029 = arith.mulf %select_n3A_2024, %mul3A_2028 : vector<64x128xf32>
      %add3A_2030 = arith.addf %add3A_2007, %mul3A_2029 : vector<64x128xf32>
      %get3A_2031 = arith.constant 0 : index
      %get3A_2032 = arith.constant 11264 : index
      %get3A_2033 = vector.load %arg1[%get3A_2031, %get3A_2032] : memref<64x32768xf32, #tpu.memory_space<vmem>>, vector<64x128xf32>
      %iota3A_2034 = tpu.iota {dimensions = array<i32: 1>} : vector<1x128xi32>
      %iota3A_2035 = vector.shape_cast %iota3A_2034 : vector<1x128xi32> to vector<128xi32>
      %add3A_2036 = arith.constant 994304 : i32
      %add3A_2037 = vector.broadcast %add3A_2036 : i32 to vector<128xi32>
      %add3A_2038 = arith.addi %add3A_2037, %iota3A_2035 : vector<128xi32>
      %lt3A_2039 = arith.constant 1000000 : i32
      %lt3A_2040 = vector.broadcast %lt3A_2039 : i32 to vector<128xi32>
      %lt3A_2041 = arith.cmpi slt, %add3A_2038, %lt3A_2040 : vector<128xi32>
      %broadcast_in_dim3A_2042 = vector.shape_cast %lt3A_2041 : vector<128xi1> to vector<1x128xi1>
      %jit3A_2043 = arith.constant 0.000000e+00 : f32
      %broadcast_in_dim3A_2044 = vector.shape_cast %broadcast_in_dim3A_2042 : vector<1x128xi1> to vector<1x128xi1>
      %broadcast_in_dim3A_2045 = vector.broadcast %broadcast_in_dim3A_2044 : vector<1x128xi1> to vector<64x128xi1>
      %broadcast_in_dim3A_2046 = vector.broadcast %jit3A_2043 : f32 to vector<64x128xf32>
      %select_n3A_2047 = arith.select %broadcast_in_dim3A_2045, %get3A_2033, %broadcast_in_dim3A_2046 : vector<64x128xi1>, vector<64x128xf32>
      %get3A_2048 = arith.constant 11264 : index
      %get3A_2049 = vector.load %arg2[%get3A_2048] : memref<32768xf32, #tpu.memory_space<vmem>>, vector<128xf32>
      %broadcast_in_dim3A_2050 = vector.shape_cast %get3A_2049 : vector<128xf32> to vector<1x128xf32>
      %mul3A_2051 = vector.broadcast %broadcast_in_dim3A_2050 : vector<1x128xf32> to vector<64x128xf32>
      %mul3A_2052 = arith.mulf %select_n3A_2047, %mul3A_2051 : vector<64x128xf32>
      %add3A_2053 = arith.addf %add3A_2030, %mul3A_2052 : vector<64x128xf32>
      %get3A_2054 = arith.constant 0 : index
      %get3A_2055 = arith.constant 11392 : index
      %get3A_2056 = vector.load %arg1[%get3A_2054, %get3A_2055] : memref<64x32768xf32, #tpu.memory_space<vmem>>, vector<64x128xf32>
      %iota3A_2057 = tpu.iota {dimensions = array<i32: 1>} : vector<1x128xi32>
      %iota3A_2058 = vector.shape_cast %iota3A_2057 : vector<1x128xi32> to vector<128xi32>
      %add3A_2059 = arith.constant 994432 : i32
      %add3A_2060 = vector.broadcast %add3A_2059 : i32 to vector<128xi32>
      %add3A_2061 = arith.addi %add3A_2060, %iota3A_2058 : vector<128xi32>
      %lt3A_2062 = arith.constant 1000000 : i32
      %lt3A_2063 = vector.broadcast %lt3A_2062 : i32 to vector<128xi32>
      %lt3A_2064 = arith.cmpi slt, %add3A_2061, %lt3A_2063 : vector<128xi32>
      %broadcast_in_dim3A_2065 = vector.shape_cast %lt3A_2064 : vector<128xi1> to vector<1x128xi1>
      %jit3A_2066 = arith.constant 0.000000e+00 : f32
      %broadcast_in_dim3A_2067 = vector.shape_cast %broadcast_in_dim3A_2065 : vector<1x128xi1> to vector<1x128xi1>
      %broadcast_in_dim3A_2068 = vector.broadcast %broadcast_in_dim3A_2067 : vector<1x128xi1> to vector<64x128xi1>
      %broadcast_in_dim3A_2069 = vector.broadcast %jit3A_2066 : f32 to vector<64x128xf32>
      %select_n3A_2070 = arith.select %broadcast_in_dim3A_2068, %get3A_2056, %broadcast_in_dim3A_2069 : vector<64x128xi1>, vector<64x128xf32>
      %get3A_2071 = arith.constant 11392 : index
      %get3A_2072 = vector.load %arg2[%get3A_2071] : memref<32768xf32, #tpu.memory_space<vmem>>, vector<128xf32>
      %broadcast_in_dim3A_2073 = vector.shape_cast %get3A_2072 : vector<128xf32> to vector<1x128xf32>
      %mul3A_2074 = vector.broadcast %broadcast_in_dim3A_2073 : vector<1x128xf32> to vector<64x128xf32>
      %mul3A_2075 = arith.mulf %select_n3A_2070, %mul3A_2074 : vector<64x128xf32>
      %add3A_2076 = arith.addf %add3A_2053, %mul3A_2075 : vector<64x128xf32>
      %get3A_2077 = arith.constant 0 : index
      %get3A_2078 = arith.constant 11520 : index
      %get3A_2079 = vector.load %arg1[%get3A_2077, %get3A_2078] : memref<64x32768xf32, #tpu.memory_space<vmem>>, vector<64x128xf32>
      %iota3A_2080 = tpu.iota {dimensions = array<i32: 1>} : vector<1x128xi32>
      %iota3A_2081 = vector.shape_cast %iota3A_2080 : vector<1x128xi32> to vector<128xi32>
      %add3A_2082 = arith.constant 994560 : i32
      %add3A_2083 = vector.broadcast %add3A_2082 : i32 to vector<128xi32>
      %add3A_2084 = arith.addi %add3A_2083, %iota3A_2081 : vector<128xi32>
      %lt3A_2085 = arith.constant 1000000 : i32
      %lt3A_2086 = vector.broadcast %lt3A_2085 : i32 to vector<128xi32>
      %lt3A_2087 = arith.cmpi slt, %add3A_2084, %lt3A_2086 : vector<128xi32>
      %broadcast_in_dim3A_2088 = vector.shape_cast %lt3A_2087 : vector<128xi1> to vector<1x128xi1>
      %jit3A_2089 = arith.constant 0.000000e+00 : f32
      %broadcast_in_dim3A_2090 = vector.shape_cast %broadcast_in_dim3A_2088 : vector<1x128xi1> to vector<1x128xi1>
      %broadcast_in_dim3A_2091 = vector.broadcast %broadcast_in_dim3A_2090 : vector<1x128xi1> to vector<64x128xi1>
      %broadcast_in_dim3A_2092 = vector.broadcast %jit3A_2089 : f32 to vector<64x128xf32>
      %select_n3A_2093 = arith.select %broadcast_in_dim3A_2091, %get3A_2079, %broadcast_in_dim3A_2092 : vector<64x128xi1>, vector<64x128xf32>
      %get3A_2094 = arith.constant 11520 : index
      %get3A_2095 = vector.load %arg2[%get3A_2094] : memref<32768xf32, #tpu.memory_space<vmem>>, vector<128xf32>
      %broadcast_in_dim3A_2096 = vector.shape_cast %get3A_2095 : vector<128xf32> to vector<1x128xf32>
      %mul3A_2097 = vector.broadcast %broadcast_in_dim3A_2096 : vector<1x128xf32> to vector<64x128xf32>
      %mul3A_2098 = arith.mulf %select_n3A_2093, %mul3A_2097 : vector<64x128xf32>
      %add3A_2099 = arith.addf %add3A_2076, %mul3A_2098 : vector<64x128xf32>
      %get3A_2100 = arith.constant 0 : index
      %get3A_2101 = arith.constant 11648 : index
      %get3A_2102 = vector.load %arg1[%get3A_2100, %get3A_2101] : memref<64x32768xf32, #tpu.memory_space<vmem>>, vector<64x128xf32>
      %iota3A_2103 = tpu.iota {dimensions = array<i32: 1>} : vector<1x128xi32>
      %iota3A_2104 = vector.shape_cast %iota3A_2103 : vector<1x128xi32> to vector<128xi32>
      %add3A_2105 = arith.constant 994688 : i32
      %add3A_2106 = vector.broadcast %add3A_2105 : i32 to vector<128xi32>
      %add3A_2107 = arith.addi %add3A_2106, %iota3A_2104 : vector<128xi32>
      %lt3A_2108 = arith.constant 1000000 : i32
      %lt3A_2109 = vector.broadcast %lt3A_2108 : i32 to vector<128xi32>
      %lt3A_2110 = arith.cmpi slt, %add3A_2107, %lt3A_2109 : vector<128xi32>
      %broadcast_in_dim3A_2111 = vector.shape_cast %lt3A_2110 : vector<128xi1> to vector<1x128xi1>
      %jit3A_2112 = arith.constant 0.000000e+00 : f32
      %broadcast_in_dim3A_2113 = vector.shape_cast %broadcast_in_dim3A_2111 : vector<1x128xi1> to vector<1x128xi1>
      %broadcast_in_dim3A_2114 = vector.broadcast %broadcast_in_dim3A_2113 : vector<1x128xi1> to vector<64x128xi1>
      %broadcast_in_dim3A_2115 = vector.broadcast %jit3A_2112 : f32 to vector<64x128xf32>
      %select_n3A_2116 = arith.select %broadcast_in_dim3A_2114, %get3A_2102, %broadcast_in_dim3A_2115 : vector<64x128xi1>, vector<64x128xf32>
      %get3A_2117 = arith.constant 11648 : index
      %get3A_2118 = vector.load %arg2[%get3A_2117] : memref<32768xf32, #tpu.memory_space<vmem>>, vector<128xf32>
      %broadcast_in_dim3A_2119 = vector.shape_cast %get3A_2118 : vector<128xf32> to vector<1x128xf32>
      %mul3A_2120 = vector.broadcast %broadcast_in_dim3A_2119 : vector<1x128xf32> to vector<64x128xf32>
      %mul3A_2121 = arith.mulf %select_n3A_2116, %mul3A_2120 : vector<64x128xf32>
      %add3A_2122 = arith.addf %add3A_2099, %mul3A_2121 : vector<64x128xf32>
      %get3A_2123 = arith.constant 0 : index
      %get3A_2124 = arith.constant 11776 : index
      %get3A_2125 = vector.load %arg1[%get3A_2123, %get3A_2124] : memref<64x32768xf32, #tpu.memory_space<vmem>>, vector<64x128xf32>
      %iota3A_2126 = tpu.iota {dimensions = array<i32: 1>} : vector<1x128xi32>
      %iota3A_2127 = vector.shape_cast %iota3A_2126 : vector<1x128xi32> to vector<128xi32>
      %add3A_2128 = arith.constant 994816 : i32
      %add3A_2129 = vector.broadcast %add3A_2128 : i32 to vector<128xi32>
      %add3A_2130 = arith.addi %add3A_2129, %iota3A_2127 : vector<128xi32>
      %lt3A_2131 = arith.constant 1000000 : i32
      %lt3A_2132 = vector.broadcast %lt3A_2131 : i32 to vector<128xi32>
      %lt3A_2133 = arith.cmpi slt, %add3A_2130, %lt3A_2132 : vector<128xi32>
      %broadcast_in_dim3A_2134 = vector.shape_cast %lt3A_2133 : vector<128xi1> to vector<1x128xi1>
      %jit3A_2135 = arith.constant 0.000000e+00 : f32
      %broadcast_in_dim3A_2136 = vector.shape_cast %broadcast_in_dim3A_2134 : vector<1x128xi1> to vector<1x128xi1>
      %broadcast_in_dim3A_2137 = vector.broadcast %broadcast_in_dim3A_2136 : vector<1x128xi1> to vector<64x128xi1>
      %broadcast_in_dim3A_2138 = vector.broadcast %jit3A_2135 : f32 to vector<64x128xf32>
      %select_n3A_2139 = arith.select %broadcast_in_dim3A_2137, %get3A_2125, %broadcast_in_dim3A_2138 : vector<64x128xi1>, vector<64x128xf32>
      %get3A_2140 = arith.constant 11776 : index
      %get3A_2141 = vector.load %arg2[%get3A_2140] : memref<32768xf32, #tpu.memory_space<vmem>>, vector<128xf32>
      %broadcast_in_dim3A_2142 = vector.shape_cast %get3A_2141 : vector<128xf32> to vector<1x128xf32>
      %mul3A_2143 = vector.broadcast %broadcast_in_dim3A_2142 : vector<1x128xf32> to vector<64x128xf32>
      %mul3A_2144 = arith.mulf %select_n3A_2139, %mul3A_2143 : vector<64x128xf32>
      %add3A_2145 = arith.addf %add3A_2122, %mul3A_2144 : vector<64x128xf32>
      %get3A_2146 = arith.constant 0 : index
      %get3A_2147 = arith.constant 11904 : index
      %get3A_2148 = vector.load %arg1[%get3A_2146, %get3A_2147] : memref<64x32768xf32, #tpu.memory_space<vmem>>, vector<64x128xf32>
      %iota3A_2149 = tpu.iota {dimensions = array<i32: 1>} : vector<1x128xi32>
      %iota3A_2150 = vector.shape_cast %iota3A_2149 : vector<1x128xi32> to vector<128xi32>
      %add3A_2151 = arith.constant 994944 : i32
      %add3A_2152 = vector.broadcast %add3A_2151 : i32 to vector<128xi32>
      %add3A_2153 = arith.addi %add3A_2152, %iota3A_2150 : vector<128xi32>
      %lt3A_2154 = arith.constant 1000000 : i32
      %lt3A_2155 = vector.broadcast %lt3A_2154 : i32 to vector<128xi32>
      %lt3A_2156 = arith.cmpi slt, %add3A_2153, %lt3A_2155 : vector<128xi32>
      %broadcast_in_dim3A_2157 = vector.shape_cast %lt3A_2156 : vector<128xi1> to vector<1x128xi1>
      %jit3A_2158 = arith.constant 0.000000e+00 : f32
      %broadcast_in_dim3A_2159 = vector.shape_cast %broadcast_in_dim3A_2157 : vector<1x128xi1> to vector<1x128xi1>
      %broadcast_in_dim3A_2160 = vector.broadcast %broadcast_in_dim3A_2159 : vector<1x128xi1> to vector<64x128xi1>
      %broadcast_in_dim3A_2161 = vector.broadcast %jit3A_2158 : f32 to vector<64x128xf32>
      %select_n3A_2162 = arith.select %broadcast_in_dim3A_2160, %get3A_2148, %broadcast_in_dim3A_2161 : vector<64x128xi1>, vector<64x128xf32>
      %get3A_2163 = arith.constant 11904 : index
      %get3A_2164 = vector.load %arg2[%get3A_2163] : memref<32768xf32, #tpu.memory_space<vmem>>, vector<128xf32>
      %broadcast_in_dim3A_2165 = vector.shape_cast %get3A_2164 : vector<128xf32> to vector<1x128xf32>
      %mul3A_2166 = vector.broadcast %broadcast_in_dim3A_2165 : vector<1x128xf32> to vector<64x128xf32>
      %mul3A_2167 = arith.mulf %select_n3A_2162, %mul3A_2166 : vector<64x128xf32>
      %add3A_2168 = arith.addf %add3A_2145, %mul3A_2167 : vector<64x128xf32>
      %get3A_2169 = arith.constant 0 : index
      %get3A_2170 = arith.constant 12032 : index
      %get3A_2171 = vector.load %arg1[%get3A_2169, %get3A_2170] : memref<64x32768xf32, #tpu.memory_space<vmem>>, vector<64x128xf32>
      %iota3A_2172 = tpu.iota {dimensions = array<i32: 1>} : vector<1x128xi32>
      %iota3A_2173 = vector.shape_cast %iota3A_2172 : vector<1x128xi32> to vector<128xi32>
      %add3A_2174 = arith.constant 995072 : i32
      %add3A_2175 = vector.broadcast %add3A_2174 : i32 to vector<128xi32>
      %add3A_2176 = arith.addi %add3A_2175, %iota3A_2173 : vector<128xi32>
      %lt3A_2177 = arith.constant 1000000 : i32
      %lt3A_2178 = vector.broadcast %lt3A_2177 : i32 to vector<128xi32>
      %lt3A_2179 = arith.cmpi slt, %add3A_2176, %lt3A_2178 : vector<128xi32>
      %broadcast_in_dim3A_2180 = vector.shape_cast %lt3A_2179 : vector<128xi1> to vector<1x128xi1>
      %jit3A_2181 = arith.constant 0.000000e+00 : f32
      %broadcast_in_dim3A_2182 = vector.shape_cast %broadcast_in_dim3A_2180 : vector<1x128xi1> to vector<1x128xi1>
      %broadcast_in_dim3A_2183 = vector.broadcast %broadcast_in_dim3A_2182 : vector<1x128xi1> to vector<64x128xi1>
      %broadcast_in_dim3A_2184 = vector.broadcast %jit3A_2181 : f32 to vector<64x128xf32>
      %select_n3A_2185 = arith.select %broadcast_in_dim3A_2183, %get3A_2171, %broadcast_in_dim3A_2184 : vector<64x128xi1>, vector<64x128xf32>
      %get3A_2186 = arith.constant 12032 : index
      %get3A_2187 = vector.load %arg2[%get3A_2186] : memref<32768xf32, #tpu.memory_space<vmem>>, vector<128xf32>
      %broadcast_in_dim3A_2188 = vector.shape_cast %get3A_2187 : vector<128xf32> to vector<1x128xf32>
      %mul3A_2189 = vector.broadcast %broadcast_in_dim3A_2188 : vector<1x128xf32> to vector<64x128xf32>
      %mul3A_2190 = arith.mulf %select_n3A_2185, %mul3A_2189 : vector<64x128xf32>
      %add3A_2191 = arith.addf %add3A_2168, %mul3A_2190 : vector<64x128xf32>
      %get3A_2192 = arith.constant 0 : index
      %get3A_2193 = arith.constant 12160 : index
      %get3A_2194 = vector.load %arg1[%get3A_2192, %get3A_2193] : memref<64x32768xf32, #tpu.memory_space<vmem>>, vector<64x128xf32>
      %iota3A_2195 = tpu.iota {dimensions = array<i32: 1>} : vector<1x128xi32>
      %iota3A_2196 = vector.shape_cast %iota3A_2195 : vector<1x128xi32> to vector<128xi32>
      %add3A_2197 = arith.constant 995200 : i32
      %add3A_2198 = vector.broadcast %add3A_2197 : i32 to vector<128xi32>
      %add3A_2199 = arith.addi %add3A_2198, %iota3A_2196 : vector<128xi32>
      %lt3A_2200 = arith.constant 1000000 : i32
      %lt3A_2201 = vector.broadcast %lt3A_2200 : i32 to vector<128xi32>
      %lt3A_2202 = arith.cmpi slt, %add3A_2199, %lt3A_2201 : vector<128xi32>
      %broadcast_in_dim3A_2203 = vector.shape_cast %lt3A_2202 : vector<128xi1> to vector<1x128xi1>
      %jit3A_2204 = arith.constant 0.000000e+00 : f32
      %broadcast_in_dim3A_2205 = vector.shape_cast %broadcast_in_dim3A_2203 : vector<1x128xi1> to vector<1x128xi1>
      %broadcast_in_dim3A_2206 = vector.broadcast %broadcast_in_dim3A_2205 : vector<1x128xi1> to vector<64x128xi1>
      %broadcast_in_dim3A_2207 = vector.broadcast %jit3A_2204 : f32 to vector<64x128xf32>
      %select_n3A_2208 = arith.select %broadcast_in_dim3A_2206, %get3A_2194, %broadcast_in_dim3A_2207 : vector<64x128xi1>, vector<64x128xf32>
      %get3A_2209 = arith.constant 12160 : index
      %get3A_2210 = vector.load %arg2[%get3A_2209] : memref<32768xf32, #tpu.memory_space<vmem>>, vector<128xf32>
      %broadcast_in_dim3A_2211 = vector.shape_cast %get3A_2210 : vector<128xf32> to vector<1x128xf32>
      %mul3A_2212 = vector.broadcast %broadcast_in_dim3A_2211 : vector<1x128xf32> to vector<64x128xf32>
      %mul3A_2213 = arith.mulf %select_n3A_2208, %mul3A_2212 : vector<64x128xf32>
      %add3A_2214 = arith.addf %add3A_2191, %mul3A_2213 : vector<64x128xf32>
      %get3A_2215 = arith.constant 0 : index
      %get3A_2216 = arith.constant 12288 : index
      %get3A_2217 = vector.load %arg1[%get3A_2215, %get3A_2216] : memref<64x32768xf32, #tpu.memory_space<vmem>>, vector<64x128xf32>
      %iota3A_2218 = tpu.iota {dimensions = array<i32: 1>} : vector<1x128xi32>
      %iota3A_2219 = vector.shape_cast %iota3A_2218 : vector<1x128xi32> to vector<128xi32>
      %add3A_2220 = arith.constant 995328 : i32
      %add3A_2221 = vector.broadcast %add3A_2220 : i32 to vector<128xi32>
      %add3A_2222 = arith.addi %add3A_2221, %iota3A_2219 : vector<128xi32>
      %lt3A_2223 = arith.constant 1000000 : i32
      %lt3A_2224 = vector.broadcast %lt3A_2223 : i32 to vector<128xi32>
      %lt3A_2225 = arith.cmpi slt, %add3A_2222, %lt3A_2224 : vector<128xi32>
      %broadcast_in_dim3A_2226 = vector.shape_cast %lt3A_2225 : vector<128xi1> to vector<1x128xi1>
      %jit3A_2227 = arith.constant 0.000000e+00 : f32
      %broadcast_in_dim3A_2228 = vector.shape_cast %broadcast_in_dim3A_2226 : vector<1x128xi1> to vector<1x128xi1>
      %broadcast_in_dim3A_2229 = vector.broadcast %broadcast_in_dim3A_2228 : vector<1x128xi1> to vector<64x128xi1>
      %broadcast_in_dim3A_2230 = vector.broadcast %jit3A_2227 : f32 to vector<64x128xf32>
      %select_n3A_2231 = arith.select %broadcast_in_dim3A_2229, %get3A_2217, %broadcast_in_dim3A_2230 : vector<64x128xi1>, vector<64x128xf32>
      %get3A_2232 = arith.constant 12288 : index
      %get3A_2233 = vector.load %arg2[%get3A_2232] : memref<32768xf32, #tpu.memory_space<vmem>>, vector<128xf32>
      %broadcast_in_dim3A_2234 = vector.shape_cast %get3A_2233 : vector<128xf32> to vector<1x128xf32>
      %mul3A_2235 = vector.broadcast %broadcast_in_dim3A_2234 : vector<1x128xf32> to vector<64x128xf32>
      %mul3A_2236 = arith.mulf %select_n3A_2231, %mul3A_2235 : vector<64x128xf32>
      %add3A_2237 = arith.addf %add3A_2214, %mul3A_2236 : vector<64x128xf32>
      %get3A_2238 = arith.constant 0 : index
      %get3A_2239 = arith.constant 12416 : index
      %get3A_2240 = vector.load %arg1[%get3A_2238, %get3A_2239] : memref<64x32768xf32, #tpu.memory_space<vmem>>, vector<64x128xf32>
      %iota3A_2241 = tpu.iota {dimensions = array<i32: 1>} : vector<1x128xi32>
      %iota3A_2242 = vector.shape_cast %iota3A_2241 : vector<1x128xi32> to vector<128xi32>
      %add3A_2243 = arith.constant 995456 : i32
      %add3A_2244 = vector.broadcast %add3A_2243 : i32 to vector<128xi32>
      %add3A_2245 = arith.addi %add3A_2244, %iota3A_2242 : vector<128xi32>
      %lt3A_2246 = arith.constant 1000000 : i32
      %lt3A_2247 = vector.broadcast %lt3A_2246 : i32 to vector<128xi32>
      %lt3A_2248 = arith.cmpi slt, %add3A_2245, %lt3A_2247 : vector<128xi32>
      %broadcast_in_dim3A_2249 = vector.shape_cast %lt3A_2248 : vector<128xi1> to vector<1x128xi1>
      %jit3A_2250 = arith.constant 0.000000e+00 : f32
      %broadcast_in_dim3A_2251 = vector.shape_cast %broadcast_in_dim3A_2249 : vector<1x128xi1> to vector<1x128xi1>
      %broadcast_in_dim3A_2252 = vector.broadcast %broadcast_in_dim3A_2251 : vector<1x128xi1> to vector<64x128xi1>
      %broadcast_in_dim3A_2253 = vector.broadcast %jit3A_2250 : f32 to vector<64x128xf32>
      %select_n3A_2254 = arith.select %broadcast_in_dim3A_2252, %get3A_2240, %broadcast_in_dim3A_2253 : vector<64x128xi1>, vector<64x128xf32>
      %get3A_2255 = arith.constant 12416 : index
      %get3A_2256 = vector.load %arg2[%get3A_2255] : memref<32768xf32, #tpu.memory_space<vmem>>, vector<128xf32>
      %broadcast_in_dim3A_2257 = vector.shape_cast %get3A_2256 : vector<128xf32> to vector<1x128xf32>
      %mul3A_2258 = vector.broadcast %broadcast_in_dim3A_2257 : vector<1x128xf32> to vector<64x128xf32>
      %mul3A_2259 = arith.mulf %select_n3A_2254, %mul3A_2258 : vector<64x128xf32>
      %add3A_2260 = arith.addf %add3A_2237, %mul3A_2259 : vector<64x128xf32>
      %get3A_2261 = arith.constant 0 : index
      %get3A_2262 = arith.constant 12544 : index
      %get3A_2263 = vector.load %arg1[%get3A_2261, %get3A_2262] : memref<64x32768xf32, #tpu.memory_space<vmem>>, vector<64x128xf32>
      %iota3A_2264 = tpu.iota {dimensions = array<i32: 1>} : vector<1x128xi32>
      %iota3A_2265 = vector.shape_cast %iota3A_2264 : vector<1x128xi32> to vector<128xi32>
      %add3A_2266 = arith.constant 995584 : i32
      %add3A_2267 = vector.broadcast %add3A_2266 : i32 to vector<128xi32>
      %add3A_2268 = arith.addi %add3A_2267, %iota3A_2265 : vector<128xi32>
      %lt3A_2269 = arith.constant 1000000 : i32
      %lt3A_2270 = vector.broadcast %lt3A_2269 : i32 to vector<128xi32>
      %lt3A_2271 = arith.cmpi slt, %add3A_2268, %lt3A_2270 : vector<128xi32>
      %broadcast_in_dim3A_2272 = vector.shape_cast %lt3A_2271 : vector<128xi1> to vector<1x128xi1>
      %jit3A_2273 = arith.constant 0.000000e+00 : f32
      %broadcast_in_dim3A_2274 = vector.shape_cast %broadcast_in_dim3A_2272 : vector<1x128xi1> to vector<1x128xi1>
      %broadcast_in_dim3A_2275 = vector.broadcast %broadcast_in_dim3A_2274 : vector<1x128xi1> to vector<64x128xi1>
      %broadcast_in_dim3A_2276 = vector.broadcast %jit3A_2273 : f32 to vector<64x128xf32>
      %select_n3A_2277 = arith.select %broadcast_in_dim3A_2275, %get3A_2263, %broadcast_in_dim3A_2276 : vector<64x128xi1>, vector<64x128xf32>
      %get3A_2278 = arith.constant 12544 : index
      %get3A_2279 = vector.load %arg2[%get3A_2278] : memref<32768xf32, #tpu.memory_space<vmem>>, vector<128xf32>
      %broadcast_in_dim3A_2280 = vector.shape_cast %get3A_2279 : vector<128xf32> to vector<1x128xf32>
      %mul3A_2281 = vector.broadcast %broadcast_in_dim3A_2280 : vector<1x128xf32> to vector<64x128xf32>
      %mul3A_2282 = arith.mulf %select_n3A_2277, %mul3A_2281 : vector<64x128xf32>
      %add3A_2283 = arith.addf %add3A_2260, %mul3A_2282 : vector<64x128xf32>
      %get3A_2284 = arith.constant 0 : index
      %get3A_2285 = arith.constant 12672 : index
      %get3A_2286 = vector.load %arg1[%get3A_2284, %get3A_2285] : memref<64x32768xf32, #tpu.memory_space<vmem>>, vector<64x128xf32>
      %iota3A_2287 = tpu.iota {dimensions = array<i32: 1>} : vector<1x128xi32>
      %iota3A_2288 = vector.shape_cast %iota3A_2287 : vector<1x128xi32> to vector<128xi32>
      %add3A_2289 = arith.constant 995712 : i32
      %add3A_2290 = vector.broadcast %add3A_2289 : i32 to vector<128xi32>
      %add3A_2291 = arith.addi %add3A_2290, %iota3A_2288 : vector<128xi32>
      %lt3A_2292 = arith.constant 1000000 : i32
      %lt3A_2293 = vector.broadcast %lt3A_2292 : i32 to vector<128xi32>
      %lt3A_2294 = arith.cmpi slt, %add3A_2291, %lt3A_2293 : vector<128xi32>
      %broadcast_in_dim3A_2295 = vector.shape_cast %lt3A_2294 : vector<128xi1> to vector<1x128xi1>
      %jit3A_2296 = arith.constant 0.000000e+00 : f32
      %broadcast_in_dim3A_2297 = vector.shape_cast %broadcast_in_dim3A_2295 : vector<1x128xi1> to vector<1x128xi1>
      %broadcast_in_dim3A_2298 = vector.broadcast %broadcast_in_dim3A_2297 : vector<1x128xi1> to vector<64x128xi1>
      %broadcast_in_dim3A_2299 = vector.broadcast %jit3A_2296 : f32 to vector<64x128xf32>
      %select_n3A_2300 = arith.select %broadcast_in_dim3A_2298, %get3A_2286, %broadcast_in_dim3A_2299 : vector<64x128xi1>, vector<64x128xf32>
      %get3A_2301 = arith.constant 12672 : index
      %get3A_2302 = vector.load %arg2[%get3A_2301] : memref<32768xf32, #tpu.memory_space<vmem>>, vector<128xf32>
      %broadcast_in_dim3A_2303 = vector.shape_cast %get3A_2302 : vector<128xf32> to vector<1x128xf32>
      %mul3A_2304 = vector.broadcast %broadcast_in_dim3A_2303 : vector<1x128xf32> to vector<64x128xf32>
      %mul3A_2305 = arith.mulf %select_n3A_2300, %mul3A_2304 : vector<64x128xf32>
      %add3A_2306 = arith.addf %add3A_2283, %mul3A_2305 : vector<64x128xf32>
      %get3A_2307 = arith.constant 0 : index
      %get3A_2308 = arith.constant 12800 : index
      %get3A_2309 = vector.load %arg1[%get3A_2307, %get3A_2308] : memref<64x32768xf32, #tpu.memory_space<vmem>>, vector<64x128xf32>
      %iota3A_2310 = tpu.iota {dimensions = array<i32: 1>} : vector<1x128xi32>
      %iota3A_2311 = vector.shape_cast %iota3A_2310 : vector<1x128xi32> to vector<128xi32>
      %add3A_2312 = arith.constant 995840 : i32
      %add3A_2313 = vector.broadcast %add3A_2312 : i32 to vector<128xi32>
      %add3A_2314 = arith.addi %add3A_2313, %iota3A_2311 : vector<128xi32>
      %lt3A_2315 = arith.constant 1000000 : i32
      %lt3A_2316 = vector.broadcast %lt3A_2315 : i32 to vector<128xi32>
      %lt3A_2317 = arith.cmpi slt, %add3A_2314, %lt3A_2316 : vector<128xi32>
      %broadcast_in_dim3A_2318 = vector.shape_cast %lt3A_2317 : vector<128xi1> to vector<1x128xi1>
      %jit3A_2319 = arith.constant 0.000000e+00 : f32
      %broadcast_in_dim3A_2320 = vector.shape_cast %broadcast_in_dim3A_2318 : vector<1x128xi1> to vector<1x128xi1>
      %broadcast_in_dim3A_2321 = vector.broadcast %broadcast_in_dim3A_2320 : vector<1x128xi1> to vector<64x128xi1>
      %broadcast_in_dim3A_2322 = vector.broadcast %jit3A_2319 : f32 to vector<64x128xf32>
      %select_n3A_2323 = arith.select %broadcast_in_dim3A_2321, %get3A_2309, %broadcast_in_dim3A_2322 : vector<64x128xi1>, vector<64x128xf32>
      %get3A_2324 = arith.constant 12800 : index
      %get3A_2325 = vector.load %arg2[%get3A_2324] : memref<32768xf32, #tpu.memory_space<vmem>>, vector<128xf32>
      %broadcast_in_dim3A_2326 = vector.shape_cast %get3A_2325 : vector<128xf32> to vector<1x128xf32>
      %mul3A_2327 = vector.broadcast %broadcast_in_dim3A_2326 : vector<1x128xf32> to vector<64x128xf32>
      %mul3A_2328 = arith.mulf %select_n3A_2323, %mul3A_2327 : vector<64x128xf32>
      %add3A_2329 = arith.addf %add3A_2306, %mul3A_2328 : vector<64x128xf32>
      %get3A_2330 = arith.constant 0 : index
      %get3A_2331 = arith.constant 12928 : index
      %get3A_2332 = vector.load %arg1[%get3A_2330, %get3A_2331] : memref<64x32768xf32, #tpu.memory_space<vmem>>, vector<64x128xf32>
      %iota3A_2333 = tpu.iota {dimensions = array<i32: 1>} : vector<1x128xi32>
      %iota3A_2334 = vector.shape_cast %iota3A_2333 : vector<1x128xi32> to vector<128xi32>
      %add3A_2335 = arith.constant 995968 : i32
      %add3A_2336 = vector.broadcast %add3A_2335 : i32 to vector<128xi32>
      %add3A_2337 = arith.addi %add3A_2336, %iota3A_2334 : vector<128xi32>
      %lt3A_2338 = arith.constant 1000000 : i32
      %lt3A_2339 = vector.broadcast %lt3A_2338 : i32 to vector<128xi32>
      %lt3A_2340 = arith.cmpi slt, %add3A_2337, %lt3A_2339 : vector<128xi32>
      %broadcast_in_dim3A_2341 = vector.shape_cast %lt3A_2340 : vector<128xi1> to vector<1x128xi1>
      %jit3A_2342 = arith.constant 0.000000e+00 : f32
      %broadcast_in_dim3A_2343 = vector.shape_cast %broadcast_in_dim3A_2341 : vector<1x128xi1> to vector<1x128xi1>
      %broadcast_in_dim3A_2344 = vector.broadcast %broadcast_in_dim3A_2343 : vector<1x128xi1> to vector<64x128xi1>
      %broadcast_in_dim3A_2345 = vector.broadcast %jit3A_2342 : f32 to vector<64x128xf32>
      %select_n3A_2346 = arith.select %broadcast_in_dim3A_2344, %get3A_2332, %broadcast_in_dim3A_2345 : vector<64x128xi1>, vector<64x128xf32>
      %get3A_2347 = arith.constant 12928 : index
      %get3A_2348 = vector.load %arg2[%get3A_2347] : memref<32768xf32, #tpu.memory_space<vmem>>, vector<128xf32>
      %broadcast_in_dim3A_2349 = vector.shape_cast %get3A_2348 : vector<128xf32> to vector<1x128xf32>
      %mul3A_2350 = vector.broadcast %broadcast_in_dim3A_2349 : vector<1x128xf32> to vector<64x128xf32>
      %mul3A_2351 = arith.mulf %select_n3A_2346, %mul3A_2350 : vector<64x128xf32>
      %add3A_2352 = arith.addf %add3A_2329, %mul3A_2351 : vector<64x128xf32>
      %get3A_2353 = arith.constant 0 : index
      %get3A_2354 = arith.constant 13056 : index
      %get3A_2355 = vector.load %arg1[%get3A_2353, %get3A_2354] : memref<64x32768xf32, #tpu.memory_space<vmem>>, vector<64x128xf32>
      %iota3A_2356 = tpu.iota {dimensions = array<i32: 1>} : vector<1x128xi32>
      %iota3A_2357 = vector.shape_cast %iota3A_2356 : vector<1x128xi32> to vector<128xi32>
      %add3A_2358 = arith.constant 996096 : i32
      %add3A_2359 = vector.broadcast %add3A_2358 : i32 to vector<128xi32>
      %add3A_2360 = arith.addi %add3A_2359, %iota3A_2357 : vector<128xi32>
      %lt3A_2361 = arith.constant 1000000 : i32
      %lt3A_2362 = vector.broadcast %lt3A_2361 : i32 to vector<128xi32>
      %lt3A_2363 = arith.cmpi slt, %add3A_2360, %lt3A_2362 : vector<128xi32>
      %broadcast_in_dim3A_2364 = vector.shape_cast %lt3A_2363 : vector<128xi1> to vector<1x128xi1>
      %jit3A_2365 = arith.constant 0.000000e+00 : f32
      %broadcast_in_dim3A_2366 = vector.shape_cast %broadcast_in_dim3A_2364 : vector<1x128xi1> to vector<1x128xi1>
      %broadcast_in_dim3A_2367 = vector.broadcast %broadcast_in_dim3A_2366 : vector<1x128xi1> to vector<64x128xi1>
      %broadcast_in_dim3A_2368 = vector.broadcast %jit3A_2365 : f32 to vector<64x128xf32>
      %select_n3A_2369 = arith.select %broadcast_in_dim3A_2367, %get3A_2355, %broadcast_in_dim3A_2368 : vector<64x128xi1>, vector<64x128xf32>
      %get3A_2370 = arith.constant 13056 : index
      %get3A_2371 = vector.load %arg2[%get3A_2370] : memref<32768xf32, #tpu.memory_space<vmem>>, vector<128xf32>
      %broadcast_in_dim3A_2372 = vector.shape_cast %get3A_2371 : vector<128xf32> to vector<1x128xf32>
      %mul3A_2373 = vector.broadcast %broadcast_in_dim3A_2372 : vector<1x128xf32> to vector<64x128xf32>
      %mul3A_2374 = arith.mulf %select_n3A_2369, %mul3A_2373 : vector<64x128xf32>
      %add3A_2375 = arith.addf %add3A_2352, %mul3A_2374 : vector<64x128xf32>
      %get3A_2376 = arith.constant 0 : index
      %get3A_2377 = arith.constant 13184 : index
      %get3A_2378 = vector.load %arg1[%get3A_2376, %get3A_2377] : memref<64x32768xf32, #tpu.memory_space<vmem>>, vector<64x128xf32>
      %iota3A_2379 = tpu.iota {dimensions = array<i32: 1>} : vector<1x128xi32>
      %iota3A_2380 = vector.shape_cast %iota3A_2379 : vector<1x128xi32> to vector<128xi32>
      %add3A_2381 = arith.constant 996224 : i32
      %add3A_2382 = vector.broadcast %add3A_2381 : i32 to vector<128xi32>
      %add3A_2383 = arith.addi %add3A_2382, %iota3A_2380 : vector<128xi32>
      %lt3A_2384 = arith.constant 1000000 : i32
      %lt3A_2385 = vector.broadcast %lt3A_2384 : i32 to vector<128xi32>
      %lt3A_2386 = arith.cmpi slt, %add3A_2383, %lt3A_2385 : vector<128xi32>
      %broadcast_in_dim3A_2387 = vector.shape_cast %lt3A_2386 : vector<128xi1> to vector<1x128xi1>
      %jit3A_2388 = arith.constant 0.000000e+00 : f32
      %broadcast_in_dim3A_2389 = vector.shape_cast %broadcast_in_dim3A_2387 : vector<1x128xi1> to vector<1x128xi1>
      %broadcast_in_dim3A_2390 = vector.broadcast %broadcast_in_dim3A_2389 : vector<1x128xi1> to vector<64x128xi1>
      %broadcast_in_dim3A_2391 = vector.broadcast %jit3A_2388 : f32 to vector<64x128xf32>
      %select_n3A_2392 = arith.select %broadcast_in_dim3A_2390, %get3A_2378, %broadcast_in_dim3A_2391 : vector<64x128xi1>, vector<64x128xf32>
      %get3A_2393 = arith.constant 13184 : index
      %get3A_2394 = vector.load %arg2[%get3A_2393] : memref<32768xf32, #tpu.memory_space<vmem>>, vector<128xf32>
      %broadcast_in_dim3A_2395 = vector.shape_cast %get3A_2394 : vector<128xf32> to vector<1x128xf32>
      %mul3A_2396 = vector.broadcast %broadcast_in_dim3A_2395 : vector<1x128xf32> to vector<64x128xf32>
      %mul3A_2397 = arith.mulf %select_n3A_2392, %mul3A_2396 : vector<64x128xf32>
      %add3A_2398 = arith.addf %add3A_2375, %mul3A_2397 : vector<64x128xf32>
      %get3A_2399 = arith.constant 0 : index
      %get3A_2400 = arith.constant 13312 : index
      %get3A_2401 = vector.load %arg1[%get3A_2399, %get3A_2400] : memref<64x32768xf32, #tpu.memory_space<vmem>>, vector<64x128xf32>
      %iota3A_2402 = tpu.iota {dimensions = array<i32: 1>} : vector<1x128xi32>
      %iota3A_2403 = vector.shape_cast %iota3A_2402 : vector<1x128xi32> to vector<128xi32>
      %add3A_2404 = arith.constant 996352 : i32
      %add3A_2405 = vector.broadcast %add3A_2404 : i32 to vector<128xi32>
      %add3A_2406 = arith.addi %add3A_2405, %iota3A_2403 : vector<128xi32>
      %lt3A_2407 = arith.constant 1000000 : i32
      %lt3A_2408 = vector.broadcast %lt3A_2407 : i32 to vector<128xi32>
      %lt3A_2409 = arith.cmpi slt, %add3A_2406, %lt3A_2408 : vector<128xi32>
      %broadcast_in_dim3A_2410 = vector.shape_cast %lt3A_2409 : vector<128xi1> to vector<1x128xi1>
      %jit3A_2411 = arith.constant 0.000000e+00 : f32
      %broadcast_in_dim3A_2412 = vector.shape_cast %broadcast_in_dim3A_2410 : vector<1x128xi1> to vector<1x128xi1>
      %broadcast_in_dim3A_2413 = vector.broadcast %broadcast_in_dim3A_2412 : vector<1x128xi1> to vector<64x128xi1>
      %broadcast_in_dim3A_2414 = vector.broadcast %jit3A_2411 : f32 to vector<64x128xf32>
      %select_n3A_2415 = arith.select %broadcast_in_dim3A_2413, %get3A_2401, %broadcast_in_dim3A_2414 : vector<64x128xi1>, vector<64x128xf32>
      %get3A_2416 = arith.constant 13312 : index
      %get3A_2417 = vector.load %arg2[%get3A_2416] : memref<32768xf32, #tpu.memory_space<vmem>>, vector<128xf32>
      %broadcast_in_dim3A_2418 = vector.shape_cast %get3A_2417 : vector<128xf32> to vector<1x128xf32>
      %mul3A_2419 = vector.broadcast %broadcast_in_dim3A_2418 : vector<1x128xf32> to vector<64x128xf32>
      %mul3A_2420 = arith.mulf %select_n3A_2415, %mul3A_2419 : vector<64x128xf32>
      %add3A_2421 = arith.addf %add3A_2398, %mul3A_2420 : vector<64x128xf32>
      %get3A_2422 = arith.constant 0 : index
      %get3A_2423 = arith.constant 13440 : index
      %get3A_2424 = vector.load %arg1[%get3A_2422, %get3A_2423] : memref<64x32768xf32, #tpu.memory_space<vmem>>, vector<64x128xf32>
      %iota3A_2425 = tpu.iota {dimensions = array<i32: 1>} : vector<1x128xi32>
      %iota3A_2426 = vector.shape_cast %iota3A_2425 : vector<1x128xi32> to vector<128xi32>
      %add3A_2427 = arith.constant 996480 : i32
      %add3A_2428 = vector.broadcast %add3A_2427 : i32 to vector<128xi32>
      %add3A_2429 = arith.addi %add3A_2428, %iota3A_2426 : vector<128xi32>
      %lt3A_2430 = arith.constant 1000000 : i32
      %lt3A_2431 = vector.broadcast %lt3A_2430 : i32 to vector<128xi32>
      %lt3A_2432 = arith.cmpi slt, %add3A_2429, %lt3A_2431 : vector<128xi32>
      %broadcast_in_dim3A_2433 = vector.shape_cast %lt3A_2432 : vector<128xi1> to vector<1x128xi1>
      %jit3A_2434 = arith.constant 0.000000e+00 : f32
      %broadcast_in_dim3A_2435 = vector.shape_cast %broadcast_in_dim3A_2433 : vector<1x128xi1> to vector<1x128xi1>
      %broadcast_in_dim3A_2436 = vector.broadcast %broadcast_in_dim3A_2435 : vector<1x128xi1> to vector<64x128xi1>
      %broadcast_in_dim3A_2437 = vector.broadcast %jit3A_2434 : f32 to vector<64x128xf32>
      %select_n3A_2438 = arith.select %broadcast_in_dim3A_2436, %get3A_2424, %broadcast_in_dim3A_2437 : vector<64x128xi1>, vector<64x128xf32>
      %get3A_2439 = arith.constant 13440 : index
      %get3A_2440 = vector.load %arg2[%get3A_2439] : memref<32768xf32, #tpu.memory_space<vmem>>, vector<128xf32>
      %broadcast_in_dim3A_2441 = vector.shape_cast %get3A_2440 : vector<128xf32> to vector<1x128xf32>
      %mul3A_2442 = vector.broadcast %broadcast_in_dim3A_2441 : vector<1x128xf32> to vector<64x128xf32>
      %mul3A_2443 = arith.mulf %select_n3A_2438, %mul3A_2442 : vector<64x128xf32>
      %add3A_2444 = arith.addf %add3A_2421, %mul3A_2443 : vector<64x128xf32>
      %get3A_2445 = arith.constant 0 : index
      %get3A_2446 = arith.constant 13568 : index
      %get3A_2447 = vector.load %arg1[%get3A_2445, %get3A_2446] : memref<64x32768xf32, #tpu.memory_space<vmem>>, vector<64x128xf32>
      %iota3A_2448 = tpu.iota {dimensions = array<i32: 1>} : vector<1x128xi32>
      %iota3A_2449 = vector.shape_cast %iota3A_2448 : vector<1x128xi32> to vector<128xi32>
      %add3A_2450 = arith.constant 996608 : i32
      %add3A_2451 = vector.broadcast %add3A_2450 : i32 to vector<128xi32>
      %add3A_2452 = arith.addi %add3A_2451, %iota3A_2449 : vector<128xi32>
      %lt3A_2453 = arith.constant 1000000 : i32
      %lt3A_2454 = vector.broadcast %lt3A_2453 : i32 to vector<128xi32>
      %lt3A_2455 = arith.cmpi slt, %add3A_2452, %lt3A_2454 : vector<128xi32>
      %broadcast_in_dim3A_2456 = vector.shape_cast %lt3A_2455 : vector<128xi1> to vector<1x128xi1>
      %jit3A_2457 = arith.constant 0.000000e+00 : f32
      %broadcast_in_dim3A_2458 = vector.shape_cast %broadcast_in_dim3A_2456 : vector<1x128xi1> to vector<1x128xi1>
      %broadcast_in_dim3A_2459 = vector.broadcast %broadcast_in_dim3A_2458 : vector<1x128xi1> to vector<64x128xi1>
      %broadcast_in_dim3A_2460 = vector.broadcast %jit3A_2457 : f32 to vector<64x128xf32>
      %select_n3A_2461 = arith.select %broadcast_in_dim3A_2459, %get3A_2447, %broadcast_in_dim3A_2460 : vector<64x128xi1>, vector<64x128xf32>
      %get3A_2462 = arith.constant 13568 : index
      %get3A_2463 = vector.load %arg2[%get3A_2462] : memref<32768xf32, #tpu.memory_space<vmem>>, vector<128xf32>
      %broadcast_in_dim3A_2464 = vector.shape_cast %get3A_2463 : vector<128xf32> to vector<1x128xf32>
      %mul3A_2465 = vector.broadcast %broadcast_in_dim3A_2464 : vector<1x128xf32> to vector<64x128xf32>
      %mul3A_2466 = arith.mulf %select_n3A_2461, %mul3A_2465 : vector<64x128xf32>
      %add3A_2467 = arith.addf %add3A_2444, %mul3A_2466 : vector<64x128xf32>
      %get3A_2468 = arith.constant 0 : index
      %get3A_2469 = arith.constant 13696 : index
      %get3A_2470 = vector.load %arg1[%get3A_2468, %get3A_2469] : memref<64x32768xf32, #tpu.memory_space<vmem>>, vector<64x128xf32>
      %iota3A_2471 = tpu.iota {dimensions = array<i32: 1>} : vector<1x128xi32>
      %iota3A_2472 = vector.shape_cast %iota3A_2471 : vector<1x128xi32> to vector<128xi32>
      %add3A_2473 = arith.constant 996736 : i32
      %add3A_2474 = vector.broadcast %add3A_2473 : i32 to vector<128xi32>
      %add3A_2475 = arith.addi %add3A_2474, %iota3A_2472 : vector<128xi32>
      %lt3A_2476 = arith.constant 1000000 : i32
      %lt3A_2477 = vector.broadcast %lt3A_2476 : i32 to vector<128xi32>
      %lt3A_2478 = arith.cmpi slt, %add3A_2475, %lt3A_2477 : vector<128xi32>
      %broadcast_in_dim3A_2479 = vector.shape_cast %lt3A_2478 : vector<128xi1> to vector<1x128xi1>
      %jit3A_2480 = arith.constant 0.000000e+00 : f32
      %broadcast_in_dim3A_2481 = vector.shape_cast %broadcast_in_dim3A_2479 : vector<1x128xi1> to vector<1x128xi1>
      %broadcast_in_dim3A_2482 = vector.broadcast %broadcast_in_dim3A_2481 : vector<1x128xi1> to vector<64x128xi1>
      %broadcast_in_dim3A_2483 = vector.broadcast %jit3A_2480 : f32 to vector<64x128xf32>
      %select_n3A_2484 = arith.select %broadcast_in_dim3A_2482, %get3A_2470, %broadcast_in_dim3A_2483 : vector<64x128xi1>, vector<64x128xf32>
      %get3A_2485 = arith.constant 13696 : index
      %get3A_2486 = vector.load %arg2[%get3A_2485] : memref<32768xf32, #tpu.memory_space<vmem>>, vector<128xf32>
      %broadcast_in_dim3A_2487 = vector.shape_cast %get3A_2486 : vector<128xf32> to vector<1x128xf32>
      %mul3A_2488 = vector.broadcast %broadcast_in_dim3A_2487 : vector<1x128xf32> to vector<64x128xf32>
      %mul3A_2489 = arith.mulf %select_n3A_2484, %mul3A_2488 : vector<64x128xf32>
      %add3A_2490 = arith.addf %add3A_2467, %mul3A_2489 : vector<64x128xf32>
      %get3A_2491 = arith.constant 0 : index
      %get3A_2492 = arith.constant 13824 : index
      %get3A_2493 = vector.load %arg1[%get3A_2491, %get3A_2492] : memref<64x32768xf32, #tpu.memory_space<vmem>>, vector<64x128xf32>
      %iota3A_2494 = tpu.iota {dimensions = array<i32: 1>} : vector<1x128xi32>
      %iota3A_2495 = vector.shape_cast %iota3A_2494 : vector<1x128xi32> to vector<128xi32>
      %add3A_2496 = arith.constant 996864 : i32
      %add3A_2497 = vector.broadcast %add3A_2496 : i32 to vector<128xi32>
      %add3A_2498 = arith.addi %add3A_2497, %iota3A_2495 : vector<128xi32>
      %lt3A_2499 = arith.constant 1000000 : i32
      %lt3A_2500 = vector.broadcast %lt3A_2499 : i32 to vector<128xi32>
      %lt3A_2501 = arith.cmpi slt, %add3A_2498, %lt3A_2500 : vector<128xi32>
      %broadcast_in_dim3A_2502 = vector.shape_cast %lt3A_2501 : vector<128xi1> to vector<1x128xi1>
      %jit3A_2503 = arith.constant 0.000000e+00 : f32
      %broadcast_in_dim3A_2504 = vector.shape_cast %broadcast_in_dim3A_2502 : vector<1x128xi1> to vector<1x128xi1>
      %broadcast_in_dim3A_2505 = vector.broadcast %broadcast_in_dim3A_2504 : vector<1x128xi1> to vector<64x128xi1>
      %broadcast_in_dim3A_2506 = vector.broadcast %jit3A_2503 : f32 to vector<64x128xf32>
      %select_n3A_2507 = arith.select %broadcast_in_dim3A_2505, %get3A_2493, %broadcast_in_dim3A_2506 : vector<64x128xi1>, vector<64x128xf32>
      %get3A_2508 = arith.constant 13824 : index
      %get3A_2509 = vector.load %arg2[%get3A_2508] : memref<32768xf32, #tpu.memory_space<vmem>>, vector<128xf32>
      %broadcast_in_dim3A_2510 = vector.shape_cast %get3A_2509 : vector<128xf32> to vector<1x128xf32>
      %mul3A_2511 = vector.broadcast %broadcast_in_dim3A_2510 : vector<1x128xf32> to vector<64x128xf32>
      %mul3A_2512 = arith.mulf %select_n3A_2507, %mul3A_2511 : vector<64x128xf32>
      %add3A_2513 = arith.addf %add3A_2490, %mul3A_2512 : vector<64x128xf32>
      %get3A_2514 = arith.constant 0 : index
      %get3A_2515 = arith.constant 13952 : index
      %get3A_2516 = vector.load %arg1[%get3A_2514, %get3A_2515] : memref<64x32768xf32, #tpu.memory_space<vmem>>, vector<64x128xf32>
      %iota3A_2517 = tpu.iota {dimensions = array<i32: 1>} : vector<1x128xi32>
      %iota3A_2518 = vector.shape_cast %iota3A_2517 : vector<1x128xi32> to vector<128xi32>
      %add3A_2519 = arith.constant 996992 : i32
      %add3A_2520 = vector.broadcast %add3A_2519 : i32 to vector<128xi32>
      %add3A_2521 = arith.addi %add3A_2520, %iota3A_2518 : vector<128xi32>
      %lt3A_2522 = arith.constant 1000000 : i32
      %lt3A_2523 = vector.broadcast %lt3A_2522 : i32 to vector<128xi32>
      %lt3A_2524 = arith.cmpi slt, %add3A_2521, %lt3A_2523 : vector<128xi32>
      %broadcast_in_dim3A_2525 = vector.shape_cast %lt3A_2524 : vector<128xi1> to vector<1x128xi1>
      %jit3A_2526 = arith.constant 0.000000e+00 : f32
      %broadcast_in_dim3A_2527 = vector.shape_cast %broadcast_in_dim3A_2525 : vector<1x128xi1> to vector<1x128xi1>
      %broadcast_in_dim3A_2528 = vector.broadcast %broadcast_in_dim3A_2527 : vector<1x128xi1> to vector<64x128xi1>
      %broadcast_in_dim3A_2529 = vector.broadcast %jit3A_2526 : f32 to vector<64x128xf32>
      %select_n3A_2530 = arith.select %broadcast_in_dim3A_2528, %get3A_2516, %broadcast_in_dim3A_2529 : vector<64x128xi1>, vector<64x128xf32>
      %get3A_2531 = arith.constant 13952 : index
      %get3A_2532 = vector.load %arg2[%get3A_2531] : memref<32768xf32, #tpu.memory_space<vmem>>, vector<128xf32>
      %broadcast_in_dim3A_2533 = vector.shape_cast %get3A_2532 : vector<128xf32> to vector<1x128xf32>
      %mul3A_2534 = vector.broadcast %broadcast_in_dim3A_2533 : vector<1x128xf32> to vector<64x128xf32>
      %mul3A_2535 = arith.mulf %select_n3A_2530, %mul3A_2534 : vector<64x128xf32>
      %add3A_2536 = arith.addf %add3A_2513, %mul3A_2535 : vector<64x128xf32>
      %get3A_2537 = arith.constant 0 : index
      %get3A_2538 = arith.constant 14080 : index
      %get3A_2539 = vector.load %arg1[%get3A_2537, %get3A_2538] : memref<64x32768xf32, #tpu.memory_space<vmem>>, vector<64x128xf32>
      %iota3A_2540 = tpu.iota {dimensions = array<i32: 1>} : vector<1x128xi32>
      %iota3A_2541 = vector.shape_cast %iota3A_2540 : vector<1x128xi32> to vector<128xi32>
      %add3A_2542 = arith.constant 997120 : i32
      %add3A_2543 = vector.broadcast %add3A_2542 : i32 to vector<128xi32>
      %add3A_2544 = arith.addi %add3A_2543, %iota3A_2541 : vector<128xi32>
      %lt3A_2545 = arith.constant 1000000 : i32
      %lt3A_2546 = vector.broadcast %lt3A_2545 : i32 to vector<128xi32>
      %lt3A_2547 = arith.cmpi slt, %add3A_2544, %lt3A_2546 : vector<128xi32>
      %broadcast_in_dim3A_2548 = vector.shape_cast %lt3A_2547 : vector<128xi1> to vector<1x128xi1>
      %jit3A_2549 = arith.constant 0.000000e+00 : f32
      %broadcast_in_dim3A_2550 = vector.shape_cast %broadcast_in_dim3A_2548 : vector<1x128xi1> to vector<1x128xi1>
      %broadcast_in_dim3A_2551 = vector.broadcast %broadcast_in_dim3A_2550 : vector<1x128xi1> to vector<64x128xi1>
      %broadcast_in_dim3A_2552 = vector.broadcast %jit3A_2549 : f32 to vector<64x128xf32>
      %select_n3A_2553 = arith.select %broadcast_in_dim3A_2551, %get3A_2539, %broadcast_in_dim3A_2552 : vector<64x128xi1>, vector<64x128xf32>
      %get3A_2554 = arith.constant 14080 : index
      %get3A_2555 = vector.load %arg2[%get3A_2554] : memref<32768xf32, #tpu.memory_space<vmem>>, vector<128xf32>
      %broadcast_in_dim3A_2556 = vector.shape_cast %get3A_2555 : vector<128xf32> to vector<1x128xf32>
      %mul3A_2557 = vector.broadcast %broadcast_in_dim3A_2556 : vector<1x128xf32> to vector<64x128xf32>
      %mul3A_2558 = arith.mulf %select_n3A_2553, %mul3A_2557 : vector<64x128xf32>
      %add3A_2559 = arith.addf %add3A_2536, %mul3A_2558 : vector<64x128xf32>
      %get3A_2560 = arith.constant 0 : index
      %get3A_2561 = arith.constant 14208 : index
      %get3A_2562 = vector.load %arg1[%get3A_2560, %get3A_2561] : memref<64x32768xf32, #tpu.memory_space<vmem>>, vector<64x128xf32>
      %iota3A_2563 = tpu.iota {dimensions = array<i32: 1>} : vector<1x128xi32>
      %iota3A_2564 = vector.shape_cast %iota3A_2563 : vector<1x128xi32> to vector<128xi32>
      %add3A_2565 = arith.constant 997248 : i32
      %add3A_2566 = vector.broadcast %add3A_2565 : i32 to vector<128xi32>
      %add3A_2567 = arith.addi %add3A_2566, %iota3A_2564 : vector<128xi32>
      %lt3A_2568 = arith.constant 1000000 : i32
      %lt3A_2569 = vector.broadcast %lt3A_2568 : i32 to vector<128xi32>
      %lt3A_2570 = arith.cmpi slt, %add3A_2567, %lt3A_2569 : vector<128xi32>
      %broadcast_in_dim3A_2571 = vector.shape_cast %lt3A_2570 : vector<128xi1> to vector<1x128xi1>
      %jit3A_2572 = arith.constant 0.000000e+00 : f32
      %broadcast_in_dim3A_2573 = vector.shape_cast %broadcast_in_dim3A_2571 : vector<1x128xi1> to vector<1x128xi1>
      %broadcast_in_dim3A_2574 = vector.broadcast %broadcast_in_dim3A_2573 : vector<1x128xi1> to vector<64x128xi1>
      %broadcast_in_dim3A_2575 = vector.broadcast %jit3A_2572 : f32 to vector<64x128xf32>
      %select_n3A_2576 = arith.select %broadcast_in_dim3A_2574, %get3A_2562, %broadcast_in_dim3A_2575 : vector<64x128xi1>, vector<64x128xf32>
      %get3A_2577 = arith.constant 14208 : index
      %get3A_2578 = vector.load %arg2[%get3A_2577] : memref<32768xf32, #tpu.memory_space<vmem>>, vector<128xf32>
      %broadcast_in_dim3A_2579 = vector.shape_cast %get3A_2578 : vector<128xf32> to vector<1x128xf32>
      %mul3A_2580 = vector.broadcast %broadcast_in_dim3A_2579 : vector<1x128xf32> to vector<64x128xf32>
      %mul3A_2581 = arith.mulf %select_n3A_2576, %mul3A_2580 : vector<64x128xf32>
      %add3A_2582 = arith.addf %add3A_2559, %mul3A_2581 : vector<64x128xf32>
      %get3A_2583 = arith.constant 0 : index
      %get3A_2584 = arith.constant 14336 : index
      %get3A_2585 = vector.load %arg1[%get3A_2583, %get3A_2584] : memref<64x32768xf32, #tpu.memory_space<vmem>>, vector<64x128xf32>
      %iota3A_2586 = tpu.iota {dimensions = array<i32: 1>} : vector<1x128xi32>
      %iota3A_2587 = vector.shape_cast %iota3A_2586 : vector<1x128xi32> to vector<128xi32>
      %add3A_2588 = arith.constant 997376 : i32
      %add3A_2589 = vector.broadcast %add3A_2588 : i32 to vector<128xi32>
      %add3A_2590 = arith.addi %add3A_2589, %iota3A_2587 : vector<128xi32>
      %lt3A_2591 = arith.constant 1000000 : i32
      %lt3A_2592 = vector.broadcast %lt3A_2591 : i32 to vector<128xi32>
      %lt3A_2593 = arith.cmpi slt, %add3A_2590, %lt3A_2592 : vector<128xi32>
      %broadcast_in_dim3A_2594 = vector.shape_cast %lt3A_2593 : vector<128xi1> to vector<1x128xi1>
      %jit3A_2595 = arith.constant 0.000000e+00 : f32
      %broadcast_in_dim3A_2596 = vector.shape_cast %broadcast_in_dim3A_2594 : vector<1x128xi1> to vector<1x128xi1>
      %broadcast_in_dim3A_2597 = vector.broadcast %broadcast_in_dim3A_2596 : vector<1x128xi1> to vector<64x128xi1>
      %broadcast_in_dim3A_2598 = vector.broadcast %jit3A_2595 : f32 to vector<64x128xf32>
      %select_n3A_2599 = arith.select %broadcast_in_dim3A_2597, %get3A_2585, %broadcast_in_dim3A_2598 : vector<64x128xi1>, vector<64x128xf32>
      %get3A_2600 = arith.constant 14336 : index
      %get3A_2601 = vector.load %arg2[%get3A_2600] : memref<32768xf32, #tpu.memory_space<vmem>>, vector<128xf32>
      %broadcast_in_dim3A_2602 = vector.shape_cast %get3A_2601 : vector<128xf32> to vector<1x128xf32>
      %mul3A_2603 = vector.broadcast %broadcast_in_dim3A_2602 : vector<1x128xf32> to vector<64x128xf32>
      %mul3A_2604 = arith.mulf %select_n3A_2599, %mul3A_2603 : vector<64x128xf32>
      %add3A_2605 = arith.addf %add3A_2582, %mul3A_2604 : vector<64x128xf32>
      %get3A_2606 = arith.constant 0 : index
      %get3A_2607 = arith.constant 14464 : index
      %get3A_2608 = vector.load %arg1[%get3A_2606, %get3A_2607] : memref<64x32768xf32, #tpu.memory_space<vmem>>, vector<64x128xf32>
      %iota3A_2609 = tpu.iota {dimensions = array<i32: 1>} : vector<1x128xi32>
      %iota3A_2610 = vector.shape_cast %iota3A_2609 : vector<1x128xi32> to vector<128xi32>
      %add3A_2611 = arith.constant 997504 : i32
      %add3A_2612 = vector.broadcast %add3A_2611 : i32 to vector<128xi32>
      %add3A_2613 = arith.addi %add3A_2612, %iota3A_2610 : vector<128xi32>
      %lt3A_2614 = arith.constant 1000000 : i32
      %lt3A_2615 = vector.broadcast %lt3A_2614 : i32 to vector<128xi32>
      %lt3A_2616 = arith.cmpi slt, %add3A_2613, %lt3A_2615 : vector<128xi32>
      %broadcast_in_dim3A_2617 = vector.shape_cast %lt3A_2616 : vector<128xi1> to vector<1x128xi1>
      %jit3A_2618 = arith.constant 0.000000e+00 : f32
      %broadcast_in_dim3A_2619 = vector.shape_cast %broadcast_in_dim3A_2617 : vector<1x128xi1> to vector<1x128xi1>
      %broadcast_in_dim3A_2620 = vector.broadcast %broadcast_in_dim3A_2619 : vector<1x128xi1> to vector<64x128xi1>
      %broadcast_in_dim3A_2621 = vector.broadcast %jit3A_2618 : f32 to vector<64x128xf32>
      %select_n3A_2622 = arith.select %broadcast_in_dim3A_2620, %get3A_2608, %broadcast_in_dim3A_2621 : vector<64x128xi1>, vector<64x128xf32>
      %get3A_2623 = arith.constant 14464 : index
      %get3A_2624 = vector.load %arg2[%get3A_2623] : memref<32768xf32, #tpu.memory_space<vmem>>, vector<128xf32>
      %broadcast_in_dim3A_2625 = vector.shape_cast %get3A_2624 : vector<128xf32> to vector<1x128xf32>
      %mul3A_2626 = vector.broadcast %broadcast_in_dim3A_2625 : vector<1x128xf32> to vector<64x128xf32>
      %mul3A_2627 = arith.mulf %select_n3A_2622, %mul3A_2626 : vector<64x128xf32>
      %add3A_2628 = arith.addf %add3A_2605, %mul3A_2627 : vector<64x128xf32>
      %get3A_2629 = arith.constant 0 : index
      %get3A_2630 = arith.constant 14592 : index
      %get3A_2631 = vector.load %arg1[%get3A_2629, %get3A_2630] : memref<64x32768xf32, #tpu.memory_space<vmem>>, vector<64x128xf32>
      %iota3A_2632 = tpu.iota {dimensions = array<i32: 1>} : vector<1x128xi32>
      %iota3A_2633 = vector.shape_cast %iota3A_2632 : vector<1x128xi32> to vector<128xi32>
      %add3A_2634 = arith.constant 997632 : i32
      %add3A_2635 = vector.broadcast %add3A_2634 : i32 to vector<128xi32>
      %add3A_2636 = arith.addi %add3A_2635, %iota3A_2633 : vector<128xi32>
      %lt3A_2637 = arith.constant 1000000 : i32
      %lt3A_2638 = vector.broadcast %lt3A_2637 : i32 to vector<128xi32>
      %lt3A_2639 = arith.cmpi slt, %add3A_2636, %lt3A_2638 : vector<128xi32>
      %broadcast_in_dim3A_2640 = vector.shape_cast %lt3A_2639 : vector<128xi1> to vector<1x128xi1>
      %jit3A_2641 = arith.constant 0.000000e+00 : f32
      %broadcast_in_dim3A_2642 = vector.shape_cast %broadcast_in_dim3A_2640 : vector<1x128xi1> to vector<1x128xi1>
      %broadcast_in_dim3A_2643 = vector.broadcast %broadcast_in_dim3A_2642 : vector<1x128xi1> to vector<64x128xi1>
      %broadcast_in_dim3A_2644 = vector.broadcast %jit3A_2641 : f32 to vector<64x128xf32>
      %select_n3A_2645 = arith.select %broadcast_in_dim3A_2643, %get3A_2631, %broadcast_in_dim3A_2644 : vector<64x128xi1>, vector<64x128xf32>
      %get3A_2646 = arith.constant 14592 : index
      %get3A_2647 = vector.load %arg2[%get3A_2646] : memref<32768xf32, #tpu.memory_space<vmem>>, vector<128xf32>
      %broadcast_in_dim3A_2648 = vector.shape_cast %get3A_2647 : vector<128xf32> to vector<1x128xf32>
      %mul3A_2649 = vector.broadcast %broadcast_in_dim3A_2648 : vector<1x128xf32> to vector<64x128xf32>
      %mul3A_2650 = arith.mulf %select_n3A_2645, %mul3A_2649 : vector<64x128xf32>
      %add3A_2651 = arith.addf %add3A_2628, %mul3A_2650 : vector<64x128xf32>
      %get3A_2652 = arith.constant 0 : index
      %get3A_2653 = arith.constant 14720 : index
      %get3A_2654 = vector.load %arg1[%get3A_2652, %get3A_2653] : memref<64x32768xf32, #tpu.memory_space<vmem>>, vector<64x128xf32>
      %iota3A_2655 = tpu.iota {dimensions = array<i32: 1>} : vector<1x128xi32>
      %iota3A_2656 = vector.shape_cast %iota3A_2655 : vector<1x128xi32> to vector<128xi32>
      %add3A_2657 = arith.constant 997760 : i32
      %add3A_2658 = vector.broadcast %add3A_2657 : i32 to vector<128xi32>
      %add3A_2659 = arith.addi %add3A_2658, %iota3A_2656 : vector<128xi32>
      %lt3A_2660 = arith.constant 1000000 : i32
      %lt3A_2661 = vector.broadcast %lt3A_2660 : i32 to vector<128xi32>
      %lt3A_2662 = arith.cmpi slt, %add3A_2659, %lt3A_2661 : vector<128xi32>
      %broadcast_in_dim3A_2663 = vector.shape_cast %lt3A_2662 : vector<128xi1> to vector<1x128xi1>
      %jit3A_2664 = arith.constant 0.000000e+00 : f32
      %broadcast_in_dim3A_2665 = vector.shape_cast %broadcast_in_dim3A_2663 : vector<1x128xi1> to vector<1x128xi1>
      %broadcast_in_dim3A_2666 = vector.broadcast %broadcast_in_dim3A_2665 : vector<1x128xi1> to vector<64x128xi1>
      %broadcast_in_dim3A_2667 = vector.broadcast %jit3A_2664 : f32 to vector<64x128xf32>
      %select_n3A_2668 = arith.select %broadcast_in_dim3A_2666, %get3A_2654, %broadcast_in_dim3A_2667 : vector<64x128xi1>, vector<64x128xf32>
      %get3A_2669 = arith.constant 14720 : index
      %get3A_2670 = vector.load %arg2[%get3A_2669] : memref<32768xf32, #tpu.memory_space<vmem>>, vector<128xf32>
      %broadcast_in_dim3A_2671 = vector.shape_cast %get3A_2670 : vector<128xf32> to vector<1x128xf32>
      %mul3A_2672 = vector.broadcast %broadcast_in_dim3A_2671 : vector<1x128xf32> to vector<64x128xf32>
      %mul3A_2673 = arith.mulf %select_n3A_2668, %mul3A_2672 : vector<64x128xf32>
      %add3A_2674 = arith.addf %add3A_2651, %mul3A_2673 : vector<64x128xf32>
      %get3A_2675 = arith.constant 0 : index
      %get3A_2676 = arith.constant 14848 : index
      %get3A_2677 = vector.load %arg1[%get3A_2675, %get3A_2676] : memref<64x32768xf32, #tpu.memory_space<vmem>>, vector<64x128xf32>
      %iota3A_2678 = tpu.iota {dimensions = array<i32: 1>} : vector<1x128xi32>
      %iota3A_2679 = vector.shape_cast %iota3A_2678 : vector<1x128xi32> to vector<128xi32>
      %add3A_2680 = arith.constant 997888 : i32
      %add3A_2681 = vector.broadcast %add3A_2680 : i32 to vector<128xi32>
      %add3A_2682 = arith.addi %add3A_2681, %iota3A_2679 : vector<128xi32>
      %lt3A_2683 = arith.constant 1000000 : i32
      %lt3A_2684 = vector.broadcast %lt3A_2683 : i32 to vector<128xi32>
      %lt3A_2685 = arith.cmpi slt, %add3A_2682, %lt3A_2684 : vector<128xi32>
      %broadcast_in_dim3A_2686 = vector.shape_cast %lt3A_2685 : vector<128xi1> to vector<1x128xi1>
      %jit3A_2687 = arith.constant 0.000000e+00 : f32
      %broadcast_in_dim3A_2688 = vector.shape_cast %broadcast_in_dim3A_2686 : vector<1x128xi1> to vector<1x128xi1>
      %broadcast_in_dim3A_2689 = vector.broadcast %broadcast_in_dim3A_2688 : vector<1x128xi1> to vector<64x128xi1>
      %broadcast_in_dim3A_2690 = vector.broadcast %jit3A_2687 : f32 to vector<64x128xf32>
      %select_n3A_2691 = arith.select %broadcast_in_dim3A_2689, %get3A_2677, %broadcast_in_dim3A_2690 : vector<64x128xi1>, vector<64x128xf32>
      %get3A_2692 = arith.constant 14848 : index
      %get3A_2693 = vector.load %arg2[%get3A_2692] : memref<32768xf32, #tpu.memory_space<vmem>>, vector<128xf32>
      %broadcast_in_dim3A_2694 = vector.shape_cast %get3A_2693 : vector<128xf32> to vector<1x128xf32>
      %mul3A_2695 = vector.broadcast %broadcast_in_dim3A_2694 : vector<1x128xf32> to vector<64x128xf32>
      %mul3A_2696 = arith.mulf %select_n3A_2691, %mul3A_2695 : vector<64x128xf32>
      %add3A_2697 = arith.addf %add3A_2674, %mul3A_2696 : vector<64x128xf32>
      %get3A_2698 = arith.constant 0 : index
      %get3A_2699 = arith.constant 14976 : index
      %get3A_2700 = vector.load %arg1[%get3A_2698, %get3A_2699] : memref<64x32768xf32, #tpu.memory_space<vmem>>, vector<64x128xf32>
      %iota3A_2701 = tpu.iota {dimensions = array<i32: 1>} : vector<1x128xi32>
      %iota3A_2702 = vector.shape_cast %iota3A_2701 : vector<1x128xi32> to vector<128xi32>
      %add3A_2703 = arith.constant 998016 : i32
      %add3A_2704 = vector.broadcast %add3A_2703 : i32 to vector<128xi32>
      %add3A_2705 = arith.addi %add3A_2704, %iota3A_2702 : vector<128xi32>
      %lt3A_2706 = arith.constant 1000000 : i32
      %lt3A_2707 = vector.broadcast %lt3A_2706 : i32 to vector<128xi32>
      %lt3A_2708 = arith.cmpi slt, %add3A_2705, %lt3A_2707 : vector<128xi32>
      %broadcast_in_dim3A_2709 = vector.shape_cast %lt3A_2708 : vector<128xi1> to vector<1x128xi1>
      %jit3A_2710 = arith.constant 0.000000e+00 : f32
      %broadcast_in_dim3A_2711 = vector.shape_cast %broadcast_in_dim3A_2709 : vector<1x128xi1> to vector<1x128xi1>
      %broadcast_in_dim3A_2712 = vector.broadcast %broadcast_in_dim3A_2711 : vector<1x128xi1> to vector<64x128xi1>
      %broadcast_in_dim3A_2713 = vector.broadcast %jit3A_2710 : f32 to vector<64x128xf32>
      %select_n3A_2714 = arith.select %broadcast_in_dim3A_2712, %get3A_2700, %broadcast_in_dim3A_2713 : vector<64x128xi1>, vector<64x128xf32>
      %get3A_2715 = arith.constant 14976 : index
      %get3A_2716 = vector.load %arg2[%get3A_2715] : memref<32768xf32, #tpu.memory_space<vmem>>, vector<128xf32>
      %broadcast_in_dim3A_2717 = vector.shape_cast %get3A_2716 : vector<128xf32> to vector<1x128xf32>
      %mul3A_2718 = vector.broadcast %broadcast_in_dim3A_2717 : vector<1x128xf32> to vector<64x128xf32>
      %mul3A_2719 = arith.mulf %select_n3A_2714, %mul3A_2718 : vector<64x128xf32>
      %add3A_2720 = arith.addf %add3A_2697, %mul3A_2719 : vector<64x128xf32>
      %get3A_2721 = arith.constant 0 : index
      %get3A_2722 = arith.constant 15104 : index
      %get3A_2723 = vector.load %arg1[%get3A_2721, %get3A_2722] : memref<64x32768xf32, #tpu.memory_space<vmem>>, vector<64x128xf32>
      %iota3A_2724 = tpu.iota {dimensions = array<i32: 1>} : vector<1x128xi32>
      %iota3A_2725 = vector.shape_cast %iota3A_2724 : vector<1x128xi32> to vector<128xi32>
      %add3A_2726 = arith.constant 998144 : i32
      %add3A_2727 = vector.broadcast %add3A_2726 : i32 to vector<128xi32>
      %add3A_2728 = arith.addi %add3A_2727, %iota3A_2725 : vector<128xi32>
      %lt3A_2729 = arith.constant 1000000 : i32
      %lt3A_2730 = vector.broadcast %lt3A_2729 : i32 to vector<128xi32>
      %lt3A_2731 = arith.cmpi slt, %add3A_2728, %lt3A_2730 : vector<128xi32>
      %broadcast_in_dim3A_2732 = vector.shape_cast %lt3A_2731 : vector<128xi1> to vector<1x128xi1>
      %jit3A_2733 = arith.constant 0.000000e+00 : f32
      %broadcast_in_dim3A_2734 = vector.shape_cast %broadcast_in_dim3A_2732 : vector<1x128xi1> to vector<1x128xi1>
      %broadcast_in_dim3A_2735 = vector.broadcast %broadcast_in_dim3A_2734 : vector<1x128xi1> to vector<64x128xi1>
      %broadcast_in_dim3A_2736 = vector.broadcast %jit3A_2733 : f32 to vector<64x128xf32>
      %select_n3A_2737 = arith.select %broadcast_in_dim3A_2735, %get3A_2723, %broadcast_in_dim3A_2736 : vector<64x128xi1>, vector<64x128xf32>
      %get3A_2738 = arith.constant 15104 : index
      %get3A_2739 = vector.load %arg2[%get3A_2738] : memref<32768xf32, #tpu.memory_space<vmem>>, vector<128xf32>
      %broadcast_in_dim3A_2740 = vector.shape_cast %get3A_2739 : vector<128xf32> to vector<1x128xf32>
      %mul3A_2741 = vector.broadcast %broadcast_in_dim3A_2740 : vector<1x128xf32> to vector<64x128xf32>
      %mul3A_2742 = arith.mulf %select_n3A_2737, %mul3A_2741 : vector<64x128xf32>
      %add3A_2743 = arith.addf %add3A_2720, %mul3A_2742 : vector<64x128xf32>
      %get3A_2744 = arith.constant 0 : index
      %get3A_2745 = arith.constant 15232 : index
      %get3A_2746 = vector.load %arg1[%get3A_2744, %get3A_2745] : memref<64x32768xf32, #tpu.memory_space<vmem>>, vector<64x128xf32>
      %iota3A_2747 = tpu.iota {dimensions = array<i32: 1>} : vector<1x128xi32>
      %iota3A_2748 = vector.shape_cast %iota3A_2747 : vector<1x128xi32> to vector<128xi32>
      %add3A_2749 = arith.constant 998272 : i32
      %add3A_2750 = vector.broadcast %add3A_2749 : i32 to vector<128xi32>
      %add3A_2751 = arith.addi %add3A_2750, %iota3A_2748 : vector<128xi32>
      %lt3A_2752 = arith.constant 1000000 : i32
      %lt3A_2753 = vector.broadcast %lt3A_2752 : i32 to vector<128xi32>
      %lt3A_2754 = arith.cmpi slt, %add3A_2751, %lt3A_2753 : vector<128xi32>
      %broadcast_in_dim3A_2755 = vector.shape_cast %lt3A_2754 : vector<128xi1> to vector<1x128xi1>
      %jit3A_2756 = arith.constant 0.000000e+00 : f32
      %broadcast_in_dim3A_2757 = vector.shape_cast %broadcast_in_dim3A_2755 : vector<1x128xi1> to vector<1x128xi1>
      %broadcast_in_dim3A_2758 = vector.broadcast %broadcast_in_dim3A_2757 : vector<1x128xi1> to vector<64x128xi1>
      %broadcast_in_dim3A_2759 = vector.broadcast %jit3A_2756 : f32 to vector<64x128xf32>
      %select_n3A_2760 = arith.select %broadcast_in_dim3A_2758, %get3A_2746, %broadcast_in_dim3A_2759 : vector<64x128xi1>, vector<64x128xf32>
      %get3A_2761 = arith.constant 15232 : index
      %get3A_2762 = vector.load %arg2[%get3A_2761] : memref<32768xf32, #tpu.memory_space<vmem>>, vector<128xf32>
      %broadcast_in_dim3A_2763 = vector.shape_cast %get3A_2762 : vector<128xf32> to vector<1x128xf32>
      %mul3A_2764 = vector.broadcast %broadcast_in_dim3A_2763 : vector<1x128xf32> to vector<64x128xf32>
      %mul3A_2765 = arith.mulf %select_n3A_2760, %mul3A_2764 : vector<64x128xf32>
      %add3A_2766 = arith.addf %add3A_2743, %mul3A_2765 : vector<64x128xf32>
      %get3A_2767 = arith.constant 0 : index
      %get3A_2768 = arith.constant 15360 : index
      %get3A_2769 = vector.load %arg1[%get3A_2767, %get3A_2768] : memref<64x32768xf32, #tpu.memory_space<vmem>>, vector<64x128xf32>
      %iota3A_2770 = tpu.iota {dimensions = array<i32: 1>} : vector<1x128xi32>
      %iota3A_2771 = vector.shape_cast %iota3A_2770 : vector<1x128xi32> to vector<128xi32>
      %add3A_2772 = arith.constant 998400 : i32
      %add3A_2773 = vector.broadcast %add3A_2772 : i32 to vector<128xi32>
      %add3A_2774 = arith.addi %add3A_2773, %iota3A_2771 : vector<128xi32>
      %lt3A_2775 = arith.constant 1000000 : i32
      %lt3A_2776 = vector.broadcast %lt3A_2775 : i32 to vector<128xi32>
      %lt3A_2777 = arith.cmpi slt, %add3A_2774, %lt3A_2776 : vector<128xi32>
      %broadcast_in_dim3A_2778 = vector.shape_cast %lt3A_2777 : vector<128xi1> to vector<1x128xi1>
      %jit3A_2779 = arith.constant 0.000000e+00 : f32
      %broadcast_in_dim3A_2780 = vector.shape_cast %broadcast_in_dim3A_2778 : vector<1x128xi1> to vector<1x128xi1>
      %broadcast_in_dim3A_2781 = vector.broadcast %broadcast_in_dim3A_2780 : vector<1x128xi1> to vector<64x128xi1>
      %broadcast_in_dim3A_2782 = vector.broadcast %jit3A_2779 : f32 to vector<64x128xf32>
      %select_n3A_2783 = arith.select %broadcast_in_dim3A_2781, %get3A_2769, %broadcast_in_dim3A_2782 : vector<64x128xi1>, vector<64x128xf32>
      %get3A_2784 = arith.constant 15360 : index
      %get3A_2785 = vector.load %arg2[%get3A_2784] : memref<32768xf32, #tpu.memory_space<vmem>>, vector<128xf32>
      %broadcast_in_dim3A_2786 = vector.shape_cast %get3A_2785 : vector<128xf32> to vector<1x128xf32>
      %mul3A_2787 = vector.broadcast %broadcast_in_dim3A_2786 : vector<1x128xf32> to vector<64x128xf32>
      %mul3A_2788 = arith.mulf %select_n3A_2783, %mul3A_2787 : vector<64x128xf32>
      %add3A_2789 = arith.addf %add3A_2766, %mul3A_2788 : vector<64x128xf32>
      %get3A_2790 = arith.constant 0 : index
      %get3A_2791 = arith.constant 15488 : index
      %get3A_2792 = vector.load %arg1[%get3A_2790, %get3A_2791] : memref<64x32768xf32, #tpu.memory_space<vmem>>, vector<64x128xf32>
      %iota3A_2793 = tpu.iota {dimensions = array<i32: 1>} : vector<1x128xi32>
      %iota3A_2794 = vector.shape_cast %iota3A_2793 : vector<1x128xi32> to vector<128xi32>
      %add3A_2795 = arith.constant 998528 : i32
      %add3A_2796 = vector.broadcast %add3A_2795 : i32 to vector<128xi32>
      %add3A_2797 = arith.addi %add3A_2796, %iota3A_2794 : vector<128xi32>
      %lt3A_2798 = arith.constant 1000000 : i32
      %lt3A_2799 = vector.broadcast %lt3A_2798 : i32 to vector<128xi32>
      %lt3A_2800 = arith.cmpi slt, %add3A_2797, %lt3A_2799 : vector<128xi32>
      %broadcast_in_dim3A_2801 = vector.shape_cast %lt3A_2800 : vector<128xi1> to vector<1x128xi1>
      %jit3A_2802 = arith.constant 0.000000e+00 : f32
      %broadcast_in_dim3A_2803 = vector.shape_cast %broadcast_in_dim3A_2801 : vector<1x128xi1> to vector<1x128xi1>
      %broadcast_in_dim3A_2804 = vector.broadcast %broadcast_in_dim3A_2803 : vector<1x128xi1> to vector<64x128xi1>
      %broadcast_in_dim3A_2805 = vector.broadcast %jit3A_2802 : f32 to vector<64x128xf32>
      %select_n3A_2806 = arith.select %broadcast_in_dim3A_2804, %get3A_2792, %broadcast_in_dim3A_2805 : vector<64x128xi1>, vector<64x128xf32>
      %get3A_2807 = arith.constant 15488 : index
      %get3A_2808 = vector.load %arg2[%get3A_2807] : memref<32768xf32, #tpu.memory_space<vmem>>, vector<128xf32>
      %broadcast_in_dim3A_2809 = vector.shape_cast %get3A_2808 : vector<128xf32> to vector<1x128xf32>
      %mul3A_2810 = vector.broadcast %broadcast_in_dim3A_2809 : vector<1x128xf32> to vector<64x128xf32>
      %mul3A_2811 = arith.mulf %select_n3A_2806, %mul3A_2810 : vector<64x128xf32>
      %add3A_2812 = arith.addf %add3A_2789, %mul3A_2811 : vector<64x128xf32>
      %get3A_2813 = arith.constant 0 : index
      %get3A_2814 = arith.constant 15616 : index
      %get3A_2815 = vector.load %arg1[%get3A_2813, %get3A_2814] : memref<64x32768xf32, #tpu.memory_space<vmem>>, vector<64x128xf32>
      %iota3A_2816 = tpu.iota {dimensions = array<i32: 1>} : vector<1x128xi32>
      %iota3A_2817 = vector.shape_cast %iota3A_2816 : vector<1x128xi32> to vector<128xi32>
      %add3A_2818 = arith.constant 998656 : i32
      %add3A_2819 = vector.broadcast %add3A_2818 : i32 to vector<128xi32>
      %add3A_2820 = arith.addi %add3A_2819, %iota3A_2817 : vector<128xi32>
      %lt3A_2821 = arith.constant 1000000 : i32
      %lt3A_2822 = vector.broadcast %lt3A_2821 : i32 to vector<128xi32>
      %lt3A_2823 = arith.cmpi slt, %add3A_2820, %lt3A_2822 : vector<128xi32>
      %broadcast_in_dim3A_2824 = vector.shape_cast %lt3A_2823 : vector<128xi1> to vector<1x128xi1>
      %jit3A_2825 = arith.constant 0.000000e+00 : f32
      %broadcast_in_dim3A_2826 = vector.shape_cast %broadcast_in_dim3A_2824 : vector<1x128xi1> to vector<1x128xi1>
      %broadcast_in_dim3A_2827 = vector.broadcast %broadcast_in_dim3A_2826 : vector<1x128xi1> to vector<64x128xi1>
      %broadcast_in_dim3A_2828 = vector.broadcast %jit3A_2825 : f32 to vector<64x128xf32>
      %select_n3A_2829 = arith.select %broadcast_in_dim3A_2827, %get3A_2815, %broadcast_in_dim3A_2828 : vector<64x128xi1>, vector<64x128xf32>
      %get3A_2830 = arith.constant 15616 : index
      %get3A_2831 = vector.load %arg2[%get3A_2830] : memref<32768xf32, #tpu.memory_space<vmem>>, vector<128xf32>
      %broadcast_in_dim3A_2832 = vector.shape_cast %get3A_2831 : vector<128xf32> to vector<1x128xf32>
      %mul3A_2833 = vector.broadcast %broadcast_in_dim3A_2832 : vector<1x128xf32> to vector<64x128xf32>
      %mul3A_2834 = arith.mulf %select_n3A_2829, %mul3A_2833 : vector<64x128xf32>
      %add3A_2835 = arith.addf %add3A_2812, %mul3A_2834 : vector<64x128xf32>
      %get3A_2836 = arith.constant 0 : index
      %get3A_2837 = arith.constant 15744 : index
      %get3A_2838 = vector.load %arg1[%get3A_2836, %get3A_2837] : memref<64x32768xf32, #tpu.memory_space<vmem>>, vector<64x128xf32>
      %iota3A_2839 = tpu.iota {dimensions = array<i32: 1>} : vector<1x128xi32>
      %iota3A_2840 = vector.shape_cast %iota3A_2839 : vector<1x128xi32> to vector<128xi32>
      %add3A_2841 = arith.constant 998784 : i32
      %add3A_2842 = vector.broadcast %add3A_2841 : i32 to vector<128xi32>
      %add3A_2843 = arith.addi %add3A_2842, %iota3A_2840 : vector<128xi32>
      %lt3A_2844 = arith.constant 1000000 : i32
      %lt3A_2845 = vector.broadcast %lt3A_2844 : i32 to vector<128xi32>
      %lt3A_2846 = arith.cmpi slt, %add3A_2843, %lt3A_2845 : vector<128xi32>
      %broadcast_in_dim3A_2847 = vector.shape_cast %lt3A_2846 : vector<128xi1> to vector<1x128xi1>
      %jit3A_2848 = arith.constant 0.000000e+00 : f32
      %broadcast_in_dim3A_2849 = vector.shape_cast %broadcast_in_dim3A_2847 : vector<1x128xi1> to vector<1x128xi1>
      %broadcast_in_dim3A_2850 = vector.broadcast %broadcast_in_dim3A_2849 : vector<1x128xi1> to vector<64x128xi1>
      %broadcast_in_dim3A_2851 = vector.broadcast %jit3A_2848 : f32 to vector<64x128xf32>
      %select_n3A_2852 = arith.select %broadcast_in_dim3A_2850, %get3A_2838, %broadcast_in_dim3A_2851 : vector<64x128xi1>, vector<64x128xf32>
      %get3A_2853 = arith.constant 15744 : index
      %get3A_2854 = vector.load %arg2[%get3A_2853] : memref<32768xf32, #tpu.memory_space<vmem>>, vector<128xf32>
      %broadcast_in_dim3A_2855 = vector.shape_cast %get3A_2854 : vector<128xf32> to vector<1x128xf32>
      %mul3A_2856 = vector.broadcast %broadcast_in_dim3A_2855 : vector<1x128xf32> to vector<64x128xf32>
      %mul3A_2857 = arith.mulf %select_n3A_2852, %mul3A_2856 : vector<64x128xf32>
      %add3A_2858 = arith.addf %add3A_2835, %mul3A_2857 : vector<64x128xf32>
      %get3A_2859 = arith.constant 0 : index
      %get3A_2860 = arith.constant 15872 : index
      %get3A_2861 = vector.load %arg1[%get3A_2859, %get3A_2860] : memref<64x32768xf32, #tpu.memory_space<vmem>>, vector<64x128xf32>
      %iota3A_2862 = tpu.iota {dimensions = array<i32: 1>} : vector<1x128xi32>
      %iota3A_2863 = vector.shape_cast %iota3A_2862 : vector<1x128xi32> to vector<128xi32>
      %add3A_2864 = arith.constant 998912 : i32
      %add3A_2865 = vector.broadcast %add3A_2864 : i32 to vector<128xi32>
      %add3A_2866 = arith.addi %add3A_2865, %iota3A_2863 : vector<128xi32>
      %lt3A_2867 = arith.constant 1000000 : i32
      %lt3A_2868 = vector.broadcast %lt3A_2867 : i32 to vector<128xi32>
      %lt3A_2869 = arith.cmpi slt, %add3A_2866, %lt3A_2868 : vector<128xi32>
      %broadcast_in_dim3A_2870 = vector.shape_cast %lt3A_2869 : vector<128xi1> to vector<1x128xi1>
      %jit3A_2871 = arith.constant 0.000000e+00 : f32
      %broadcast_in_dim3A_2872 = vector.shape_cast %broadcast_in_dim3A_2870 : vector<1x128xi1> to vector<1x128xi1>
      %broadcast_in_dim3A_2873 = vector.broadcast %broadcast_in_dim3A_2872 : vector<1x128xi1> to vector<64x128xi1>
      %broadcast_in_dim3A_2874 = vector.broadcast %jit3A_2871 : f32 to vector<64x128xf32>
      %select_n3A_2875 = arith.select %broadcast_in_dim3A_2873, %get3A_2861, %broadcast_in_dim3A_2874 : vector<64x128xi1>, vector<64x128xf32>
      %get3A_2876 = arith.constant 15872 : index
      %get3A_2877 = vector.load %arg2[%get3A_2876] : memref<32768xf32, #tpu.memory_space<vmem>>, vector<128xf32>
      %broadcast_in_dim3A_2878 = vector.shape_cast %get3A_2877 : vector<128xf32> to vector<1x128xf32>
      %mul3A_2879 = vector.broadcast %broadcast_in_dim3A_2878 : vector<1x128xf32> to vector<64x128xf32>
      %mul3A_2880 = arith.mulf %select_n3A_2875, %mul3A_2879 : vector<64x128xf32>
      %add3A_2881 = arith.addf %add3A_2858, %mul3A_2880 : vector<64x128xf32>
      %get3A_2882 = arith.constant 0 : index
      %get3A_2883 = arith.constant 16000 : index
      %get3A_2884 = vector.load %arg1[%get3A_2882, %get3A_2883] : memref<64x32768xf32, #tpu.memory_space<vmem>>, vector<64x128xf32>
      %iota3A_2885 = tpu.iota {dimensions = array<i32: 1>} : vector<1x128xi32>
      %iota3A_2886 = vector.shape_cast %iota3A_2885 : vector<1x128xi32> to vector<128xi32>
      %add3A_2887 = arith.constant 999040 : i32
      %add3A_2888 = vector.broadcast %add3A_2887 : i32 to vector<128xi32>
      %add3A_2889 = arith.addi %add3A_2888, %iota3A_2886 : vector<128xi32>
      %lt3A_2890 = arith.constant 1000000 : i32
      %lt3A_2891 = vector.broadcast %lt3A_2890 : i32 to vector<128xi32>
      %lt3A_2892 = arith.cmpi slt, %add3A_2889, %lt3A_2891 : vector<128xi32>
      %broadcast_in_dim3A_2893 = vector.shape_cast %lt3A_2892 : vector<128xi1> to vector<1x128xi1>
      %jit3A_2894 = arith.constant 0.000000e+00 : f32
      %broadcast_in_dim3A_2895 = vector.shape_cast %broadcast_in_dim3A_2893 : vector<1x128xi1> to vector<1x128xi1>
      %broadcast_in_dim3A_2896 = vector.broadcast %broadcast_in_dim3A_2895 : vector<1x128xi1> to vector<64x128xi1>
      %broadcast_in_dim3A_2897 = vector.broadcast %jit3A_2894 : f32 to vector<64x128xf32>
      %select_n3A_2898 = arith.select %broadcast_in_dim3A_2896, %get3A_2884, %broadcast_in_dim3A_2897 : vector<64x128xi1>, vector<64x128xf32>
      %get3A_2899 = arith.constant 16000 : index
      %get3A_2900 = vector.load %arg2[%get3A_2899] : memref<32768xf32, #tpu.memory_space<vmem>>, vector<128xf32>
      %broadcast_in_dim3A_2901 = vector.shape_cast %get3A_2900 : vector<128xf32> to vector<1x128xf32>
      %mul3A_2902 = vector.broadcast %broadcast_in_dim3A_2901 : vector<1x128xf32> to vector<64x128xf32>
      %mul3A_2903 = arith.mulf %select_n3A_2898, %mul3A_2902 : vector<64x128xf32>
      %add3A_2904 = arith.addf %add3A_2881, %mul3A_2903 : vector<64x128xf32>
      %get3A_2905 = arith.constant 0 : index
      %get3A_2906 = arith.constant 16128 : index
      %get3A_2907 = vector.load %arg1[%get3A_2905, %get3A_2906] : memref<64x32768xf32, #tpu.memory_space<vmem>>, vector<64x128xf32>
      %iota3A_2908 = tpu.iota {dimensions = array<i32: 1>} : vector<1x128xi32>
      %iota3A_2909 = vector.shape_cast %iota3A_2908 : vector<1x128xi32> to vector<128xi32>
      %add3A_2910 = arith.constant 999168 : i32
      %add3A_2911 = vector.broadcast %add3A_2910 : i32 to vector<128xi32>
      %add3A_2912 = arith.addi %add3A_2911, %iota3A_2909 : vector<128xi32>
      %lt3A_2913 = arith.constant 1000000 : i32
      %lt3A_2914 = vector.broadcast %lt3A_2913 : i32 to vector<128xi32>
      %lt3A_2915 = arith.cmpi slt, %add3A_2912, %lt3A_2914 : vector<128xi32>
      %broadcast_in_dim3A_2916 = vector.shape_cast %lt3A_2915 : vector<128xi1> to vector<1x128xi1>
      %jit3A_2917 = arith.constant 0.000000e+00 : f32
      %broadcast_in_dim3A_2918 = vector.shape_cast %broadcast_in_dim3A_2916 : vector<1x128xi1> to vector<1x128xi1>
      %broadcast_in_dim3A_2919 = vector.broadcast %broadcast_in_dim3A_2918 : vector<1x128xi1> to vector<64x128xi1>
      %broadcast_in_dim3A_2920 = vector.broadcast %jit3A_2917 : f32 to vector<64x128xf32>
      %select_n3A_2921 = arith.select %broadcast_in_dim3A_2919, %get3A_2907, %broadcast_in_dim3A_2920 : vector<64x128xi1>, vector<64x128xf32>
      %get3A_2922 = arith.constant 16128 : index
      %get3A_2923 = vector.load %arg2[%get3A_2922] : memref<32768xf32, #tpu.memory_space<vmem>>, vector<128xf32>
      %broadcast_in_dim3A_2924 = vector.shape_cast %get3A_2923 : vector<128xf32> to vector<1x128xf32>
      %mul3A_2925 = vector.broadcast %broadcast_in_dim3A_2924 : vector<1x128xf32> to vector<64x128xf32>
      %mul3A_2926 = arith.mulf %select_n3A_2921, %mul3A_2925 : vector<64x128xf32>
      %add3A_2927 = arith.addf %add3A_2904, %mul3A_2926 : vector<64x128xf32>
      %get3A_2928 = arith.constant 0 : index
      %get3A_2929 = arith.constant 16256 : index
      %get3A_2930 = vector.load %arg1[%get3A_2928, %get3A_2929] : memref<64x32768xf32, #tpu.memory_space<vmem>>, vector<64x128xf32>
      %iota3A_2931 = tpu.iota {dimensions = array<i32: 1>} : vector<1x128xi32>
      %iota3A_2932 = vector.shape_cast %iota3A_2931 : vector<1x128xi32> to vector<128xi32>
      %add3A_2933 = arith.constant 999296 : i32
      %add3A_2934 = vector.broadcast %add3A_2933 : i32 to vector<128xi32>
      %add3A_2935 = arith.addi %add3A_2934, %iota3A_2932 : vector<128xi32>
      %lt3A_2936 = arith.constant 1000000 : i32
      %lt3A_2937 = vector.broadcast %lt3A_2936 : i32 to vector<128xi32>
      %lt3A_2938 = arith.cmpi slt, %add3A_2935, %lt3A_2937 : vector<128xi32>
      %broadcast_in_dim3A_2939 = vector.shape_cast %lt3A_2938 : vector<128xi1> to vector<1x128xi1>
      %jit3A_2940 = arith.constant 0.000000e+00 : f32
      %broadcast_in_dim3A_2941 = vector.shape_cast %broadcast_in_dim3A_2939 : vector<1x128xi1> to vector<1x128xi1>
      %broadcast_in_dim3A_2942 = vector.broadcast %broadcast_in_dim3A_2941 : vector<1x128xi1> to vector<64x128xi1>
      %broadcast_in_dim3A_2943 = vector.broadcast %jit3A_2940 : f32 to vector<64x128xf32>
      %select_n3A_2944 = arith.select %broadcast_in_dim3A_2942, %get3A_2930, %broadcast_in_dim3A_2943 : vector<64x128xi1>, vector<64x128xf32>
      %get3A_2945 = arith.constant 16256 : index
      %get3A_2946 = vector.load %arg2[%get3A_2945] : memref<32768xf32, #tpu.memory_space<vmem>>, vector<128xf32>
      %broadcast_in_dim3A_2947 = vector.shape_cast %get3A_2946 : vector<128xf32> to vector<1x128xf32>
      %mul3A_2948 = vector.broadcast %broadcast_in_dim3A_2947 : vector<1x128xf32> to vector<64x128xf32>
      %mul3A_2949 = arith.mulf %select_n3A_2944, %mul3A_2948 : vector<64x128xf32>
      %add3A_2950 = arith.addf %add3A_2927, %mul3A_2949 : vector<64x128xf32>
      %get3A_2951 = arith.constant 0 : index
      %get3A_2952 = arith.constant 16384 : index
      %get3A_2953 = vector.load %arg1[%get3A_2951, %get3A_2952] : memref<64x32768xf32, #tpu.memory_space<vmem>>, vector<64x128xf32>
      %iota3A_2954 = tpu.iota {dimensions = array<i32: 1>} : vector<1x128xi32>
      %iota3A_2955 = vector.shape_cast %iota3A_2954 : vector<1x128xi32> to vector<128xi32>
      %add3A_2956 = arith.constant 999424 : i32
      %add3A_2957 = vector.broadcast %add3A_2956 : i32 to vector<128xi32>
      %add3A_2958 = arith.addi %add3A_2957, %iota3A_2955 : vector<128xi32>
      %lt3A_2959 = arith.constant 1000000 : i32
      %lt3A_2960 = vector.broadcast %lt3A_2959 : i32 to vector<128xi32>
      %lt3A_2961 = arith.cmpi slt, %add3A_2958, %lt3A_2960 : vector<128xi32>
      %broadcast_in_dim3A_2962 = vector.shape_cast %lt3A_2961 : vector<128xi1> to vector<1x128xi1>
      %jit3A_2963 = arith.constant 0.000000e+00 : f32
      %broadcast_in_dim3A_2964 = vector.shape_cast %broadcast_in_dim3A_2962 : vector<1x128xi1> to vector<1x128xi1>
      %broadcast_in_dim3A_2965 = vector.broadcast %broadcast_in_dim3A_2964 : vector<1x128xi1> to vector<64x128xi1>
      %broadcast_in_dim3A_2966 = vector.broadcast %jit3A_2963 : f32 to vector<64x128xf32>
      %select_n3A_2967 = arith.select %broadcast_in_dim3A_2965, %get3A_2953, %broadcast_in_dim3A_2966 : vector<64x128xi1>, vector<64x128xf32>
      %get3A_2968 = arith.constant 16384 : index
      %get3A_2969 = vector.load %arg2[%get3A_2968] : memref<32768xf32, #tpu.memory_space<vmem>>, vector<128xf32>
      %broadcast_in_dim3A_2970 = vector.shape_cast %get3A_2969 : vector<128xf32> to vector<1x128xf32>
      %mul3A_2971 = vector.broadcast %broadcast_in_dim3A_2970 : vector<1x128xf32> to vector<64x128xf32>
      %mul3A_2972 = arith.mulf %select_n3A_2967, %mul3A_2971 : vector<64x128xf32>
      %add3A_2973 = arith.addf %add3A_2950, %mul3A_2972 : vector<64x128xf32>
      %get3A_2974 = arith.constant 0 : index
      %get3A_2975 = arith.constant 16512 : index
      %get3A_2976 = vector.load %arg1[%get3A_2974, %get3A_2975] : memref<64x32768xf32, #tpu.memory_space<vmem>>, vector<64x128xf32>
      %iota3A_2977 = tpu.iota {dimensions = array<i32: 1>} : vector<1x128xi32>
      %iota3A_2978 = vector.shape_cast %iota3A_2977 : vector<1x128xi32> to vector<128xi32>
      %add3A_2979 = arith.constant 999552 : i32
      %add3A_2980 = vector.broadcast %add3A_2979 : i32 to vector<128xi32>
      %add3A_2981 = arith.addi %add3A_2980, %iota3A_2978 : vector<128xi32>
      %lt3A_2982 = arith.constant 1000000 : i32
      %lt3A_2983 = vector.broadcast %lt3A_2982 : i32 to vector<128xi32>
      %lt3A_2984 = arith.cmpi slt, %add3A_2981, %lt3A_2983 : vector<128xi32>
      %broadcast_in_dim3A_2985 = vector.shape_cast %lt3A_2984 : vector<128xi1> to vector<1x128xi1>
      %jit3A_2986 = arith.constant 0.000000e+00 : f32
      %broadcast_in_dim3A_2987 = vector.shape_cast %broadcast_in_dim3A_2985 : vector<1x128xi1> to vector<1x128xi1>
      %broadcast_in_dim3A_2988 = vector.broadcast %broadcast_in_dim3A_2987 : vector<1x128xi1> to vector<64x128xi1>
      %broadcast_in_dim3A_2989 = vector.broadcast %jit3A_2986 : f32 to vector<64x128xf32>
      %select_n3A_2990 = arith.select %broadcast_in_dim3A_2988, %get3A_2976, %broadcast_in_dim3A_2989 : vector<64x128xi1>, vector<64x128xf32>
      %get3A_2991 = arith.constant 16512 : index
      %get3A_2992 = vector.load %arg2[%get3A_2991] : memref<32768xf32, #tpu.memory_space<vmem>>, vector<128xf32>
      %broadcast_in_dim3A_2993 = vector.shape_cast %get3A_2992 : vector<128xf32> to vector<1x128xf32>
      %mul3A_2994 = vector.broadcast %broadcast_in_dim3A_2993 : vector<1x128xf32> to vector<64x128xf32>
      %mul3A_2995 = arith.mulf %select_n3A_2990, %mul3A_2994 : vector<64x128xf32>
      %add3A_2996 = arith.addf %add3A_2973, %mul3A_2995 : vector<64x128xf32>
      %get3A_2997 = arith.constant 0 : index
      %get3A_2998 = arith.constant 16640 : index
      %get3A_2999 = vector.load %arg1[%get3A_2997, %get3A_2998] : memref<64x32768xf32, #tpu.memory_space<vmem>>, vector<64x128xf32>
      %iota3A_3000 = tpu.iota {dimensions = array<i32: 1>} : vector<1x128xi32>
      %iota3A_3001 = vector.shape_cast %iota3A_3000 : vector<1x128xi32> to vector<128xi32>
      %add3A_3002 = arith.constant 999680 : i32
      %add3A_3003 = vector.broadcast %add3A_3002 : i32 to vector<128xi32>
      %add3A_3004 = arith.addi %add3A_3003, %iota3A_3001 : vector<128xi32>
      %lt3A_3005 = arith.constant 1000000 : i32
      %lt3A_3006 = vector.broadcast %lt3A_3005 : i32 to vector<128xi32>
      %lt3A_3007 = arith.cmpi slt, %add3A_3004, %lt3A_3006 : vector<128xi32>
      %broadcast_in_dim3A_3008 = vector.shape_cast %lt3A_3007 : vector<128xi1> to vector<1x128xi1>
      %jit3A_3009 = arith.constant 0.000000e+00 : f32
      %broadcast_in_dim3A_3010 = vector.shape_cast %broadcast_in_dim3A_3008 : vector<1x128xi1> to vector<1x128xi1>
      %broadcast_in_dim3A_3011 = vector.broadcast %broadcast_in_dim3A_3010 : vector<1x128xi1> to vector<64x128xi1>
      %broadcast_in_dim3A_3012 = vector.broadcast %jit3A_3009 : f32 to vector<64x128xf32>
      %select_n3A_3013 = arith.select %broadcast_in_dim3A_3011, %get3A_2999, %broadcast_in_dim3A_3012 : vector<64x128xi1>, vector<64x128xf32>
      %get3A_3014 = arith.constant 16640 : index
      %get3A_3015 = vector.load %arg2[%get3A_3014] : memref<32768xf32, #tpu.memory_space<vmem>>, vector<128xf32>
      %broadcast_in_dim3A_3016 = vector.shape_cast %get3A_3015 : vector<128xf32> to vector<1x128xf32>
      %mul3A_3017 = vector.broadcast %broadcast_in_dim3A_3016 : vector<1x128xf32> to vector<64x128xf32>
      %mul3A_3018 = arith.mulf %select_n3A_3013, %mul3A_3017 : vector<64x128xf32>
      %add3A_3019 = arith.addf %add3A_2996, %mul3A_3018 : vector<64x128xf32>
      %get3A_3020 = arith.constant 0 : index
      %get3A_3021 = arith.constant 16768 : index
      %get3A_3022 = vector.load %arg1[%get3A_3020, %get3A_3021] : memref<64x32768xf32, #tpu.memory_space<vmem>>, vector<64x128xf32>
      %iota3A_3023 = tpu.iota {dimensions = array<i32: 1>} : vector<1x128xi32>
      %iota3A_3024 = vector.shape_cast %iota3A_3023 : vector<1x128xi32> to vector<128xi32>
      %add3A_3025 = arith.constant 999808 : i32
      %add3A_3026 = vector.broadcast %add3A_3025 : i32 to vector<128xi32>
      %add3A_3027 = arith.addi %add3A_3026, %iota3A_3024 : vector<128xi32>
      %lt3A_3028 = arith.constant 1000000 : i32
      %lt3A_3029 = vector.broadcast %lt3A_3028 : i32 to vector<128xi32>
      %lt3A_3030 = arith.cmpi slt, %add3A_3027, %lt3A_3029 : vector<128xi32>
      %broadcast_in_dim3A_3031 = vector.shape_cast %lt3A_3030 : vector<128xi1> to vector<1x128xi1>
      %jit3A_3032 = arith.constant 0.000000e+00 : f32
      %broadcast_in_dim3A_3033 = vector.shape_cast %broadcast_in_dim3A_3031 : vector<1x128xi1> to vector<1x128xi1>
      %broadcast_in_dim3A_3034 = vector.broadcast %broadcast_in_dim3A_3033 : vector<1x128xi1> to vector<64x128xi1>
      %broadcast_in_dim3A_3035 = vector.broadcast %jit3A_3032 : f32 to vector<64x128xf32>
      %select_n3A_3036 = arith.select %broadcast_in_dim3A_3034, %get3A_3022, %broadcast_in_dim3A_3035 : vector<64x128xi1>, vector<64x128xf32>
      %get3A_3037 = arith.constant 16768 : index
      %get3A_3038 = vector.load %arg2[%get3A_3037] : memref<32768xf32, #tpu.memory_space<vmem>>, vector<128xf32>
      %broadcast_in_dim3A_3039 = vector.shape_cast %get3A_3038 : vector<128xf32> to vector<1x128xf32>
      %mul3A_3040 = vector.broadcast %broadcast_in_dim3A_3039 : vector<1x128xf32> to vector<64x128xf32>
      %mul3A_3041 = arith.mulf %select_n3A_3036, %mul3A_3040 : vector<64x128xf32>
      %add3A_3042 = arith.addf %add3A_3019, %mul3A_3041 : vector<64x128xf32>
      %get3A_3043 = arith.constant 0 : index
      %get3A_3044 = arith.constant 16896 : index
      %get3A_3045 = vector.load %arg1[%get3A_3043, %get3A_3044] : memref<64x32768xf32, #tpu.memory_space<vmem>>, vector<64x128xf32>
      %iota3A_3046 = tpu.iota {dimensions = array<i32: 1>} : vector<1x128xi32>
      %iota3A_3047 = vector.shape_cast %iota3A_3046 : vector<1x128xi32> to vector<128xi32>
      %add3A_3048 = arith.constant 999936 : i32
      %add3A_3049 = vector.broadcast %add3A_3048 : i32 to vector<128xi32>
      %add3A_3050 = arith.addi %add3A_3049, %iota3A_3047 : vector<128xi32>
      %lt3A_3051 = arith.constant 1000000 : i32
      %lt3A_3052 = vector.broadcast %lt3A_3051 : i32 to vector<128xi32>
      %lt3A_3053 = arith.cmpi slt, %add3A_3050, %lt3A_3052 : vector<128xi32>
      %broadcast_in_dim3A_3054 = vector.shape_cast %lt3A_3053 : vector<128xi1> to vector<1x128xi1>
      %jit3A_3055 = arith.constant 0.000000e+00 : f32
      %broadcast_in_dim3A_3056 = vector.shape_cast %broadcast_in_dim3A_3054 : vector<1x128xi1> to vector<1x128xi1>
      %broadcast_in_dim3A_3057 = vector.broadcast %broadcast_in_dim3A_3056 : vector<1x128xi1> to vector<64x128xi1>
      %broadcast_in_dim3A_3058 = vector.broadcast %jit3A_3055 : f32 to vector<64x128xf32>
      %select_n3A_3059 = arith.select %broadcast_in_dim3A_3057, %get3A_3045, %broadcast_in_dim3A_3058 : vector<64x128xi1>, vector<64x128xf32>
      %get3A_3060 = arith.constant 16896 : index
      %get3A_3061 = vector.load %arg2[%get3A_3060] : memref<32768xf32, #tpu.memory_space<vmem>>, vector<128xf32>
      %broadcast_in_dim3A_3062 = vector.shape_cast %get3A_3061 : vector<128xf32> to vector<1x128xf32>
      %mul3A_3063 = vector.broadcast %broadcast_in_dim3A_3062 : vector<1x128xf32> to vector<64x128xf32>
      %mul3A_3064 = arith.mulf %select_n3A_3059, %mul3A_3063 : vector<64x128xf32>
      %add3A_3065 = arith.addf %add3A_3042, %mul3A_3064 : vector<64x128xf32>
      %swap3A = arith.constant 0 : index
      %swap3A_3066 = arith.constant 0 : index
      %swap3A_3067 = vector.load %arg6[%swap3A, %swap3A_3066] : memref<64x128xf32, #tpu.memory_space<vmem>>, vector<64x128xf32>
      tpu.vector_store %arg6[%swap3A, %swap3A_3066], %add3A_3065 {strides = array<i32>} : memref<64x128xf32, #tpu.memory_space<vmem>>, vector<64x128xf32>,
      %get3A_3068 = arith.constant 0 : index
      %get3A_3069 = arith.constant 0 : index
      %get3A_3070 = vector.load %arg6[%get3A_3068, %get3A_3069] : memref<64x128xf32, #tpu.memory_space<vmem>>, vector<64x128xf32>
      %reduce_sum3A = arith.constant dense<0.000000e+00> : vector<64xf32>
      %reduce_sum3A_3071 = vector.multi_reduction <add>, %get3A_3070, %reduce_sum3A [1] : vector<64x128xf32> to vector<64xf32>
      %get3A_3072 = arith.constant 0 : index
      %get3A_3073 = arith.constant 0 : index
      %get3A_3074 = vector.load %arg3[%get3A_3072, %get3A_3073] : memref<64x16xf32, #tpu.memory_space<vmem>>, vector<64x16xf32>
      %broadcast_in_dim3A_3075 = vector.shape_cast %reduce_sum3A_3071 : vector<64xf32> to vector<64x1xf32>
      %mul3A_3076 = vector.broadcast %broadcast_in_dim3A_3075 : vector<64x1xf32> to vector<64x16xf32>
      %mul3A_3077 = arith.mulf %get3A_3074, %mul3A_3076 : vector<64x16xf32>
      %reduce_sum3A_3078 = arith.constant dense<0.000000e+00> : vector<16xf32>
      %reduce_sum3A_3079 = vector.multi_reduction <add>, %mul3A_3077, %reduce_sum3A_3078 [0] : vector<64x16xf32> to vector<16xf32>
      %broadcast_in_dim3A_3080 = vector.shape_cast %reduce_sum3A_3079 : vector<16xf32> to vector<1x16xf32>
      %get3A_3081 = arith.constant 0 : index
      %get3A_3082 = arith.constant 0 : index
      %get3A_3083 = vector.load %arg4[%get3A_3081, %get3A_3082] : memref<1x16xf32, #tpu.memory_space<vmem>>, vector<1x16xf32>
      %add3A_3084 = arith.addf %broadcast_in_dim3A_3080, %get3A_3083 : vector<1x16xf32>
      %swap3A_3085 = arith.constant 0 : index
      %swap3A_3086 = arith.constant 0 : index
      %swap3A_3087 = vector.load %arg5[%swap3A_3085, %swap3A_3086] : memref<1x16xf32, #tpu.memory_space<vmem>>, vector<1x16xf32>
      tpu.vector_store %arg5[%swap3A_3085, %swap3A_3086], %add3A_3084 {strides = array<i32>} : memref<1x16xf32, #tpu.memory_space<vmem>>, vector<1x16xf32>,
    } else {
    }
    return
  }
  func.func @transform_0(%arg0: i32) -> (i32, i32) {
    %c0_i32 = arith.constant 0 : i32
    %c0_i32_0 = arith.constant 0 : i32
    return %c0_i32, %arg0 : i32, i32
  }
  func.func @transform_1(%arg0: i32) -> i32 {
    %c0_i32 = arith.constant 0 : i32
    return %arg0 : i32
  }
  func.func @transform_2(%arg0: i32) -> (i32, i32) {
    %c0_i32 = arith.constant 0 : i32
    %c0_i32_0 = arith.constant 0 : i32
    %c0_i32_1 = arith.constant 0 : i32
    return %c0_i32, %c0_i32_0 : i32, i32
  }
  func.func @transform_3(%arg0: i32) -> (i32, i32) {
    %c0_i32 = arith.constant 0 : i32
    %c0_i32_0 = arith.constant 0 : i32
    %c0_i32_1 = arith.constant 0 : i32
    return %c0_i32, %c0_i32_0 : i32, i32
  }
  func.func @transform_4(%arg0: i32) -> (i32, i32) {
    %c0_i32 = arith.constant 0 : i32
    %c0_i32_0 = arith.constant 0 : i32
    %c0_i32_1 = arith.constant 0 : i32
    return %c0_i32, %c0_i32_0 : i32, i32
  }
}

</mosaic_0001>

<sc_bundles>
// kernel: kernel.4.cloned.1.call-start
scs
__scs_entry_jumppad:
0x0: {  	(pc) =	sbr.rel $0x88, $3  }
0x1: {  	(tag) =	ssettag $0x0;
	lr =	simm.s32 $0x1  }
0x2: {  	[smem:$0x3F9D] =	sst lr;
	_ =	strace $0xD0000000  }
0x3: {  	_ = 	snop  }
0x4: {  	_ = 	snop  }
0x5: {  	_ = 	snop  }
0x6: {  	_ = 	snop  }
0x7: {  	_ = 	snop  }
__scs_overlays_trampoline_lowered:
0x8: {  	[smem:$0x3FAC] =	sst s0  }
0x9: {  	[smem:$0x3FAD] =	sst s1  }
0xa: {  	[smem:$0x3FAE] =	sst s2  }
0xb: {  	[smem:$0x3FAF] =	sst s3  }
0xc: {  	[smem:$0x3FB0] =	sst s4  }
0xd: {  	[smem:$0x3FB1] =	sst s5  }
0xe: {  	[smem:$0x3FB2] =	sst s6  }
0xf: {  	[smem:$0x3FB3] =	sst s7  }
0x10: {  	[smem:$0x3FB4] =	sst s8  }
0x11: {  	[smem:$0x3FB5] =	sst s9;
	s0 =	simm.s32 @!p0 $0x0  }
0x12: {  	s1 =	sld [smem:$0x3F9B];
	s0 =	simm.s32 @p0 $0x1  }
0x13: {  	[smem:$0x3FB6] =	sst s0;
	s0 =	simm.s32 @!p1 $0x0  }
0x14: {  	s2 =	sld [smem:$0x3F9A];
	s0 =	simm.s32 @p1 $0x1  }
0x15: {  	[smem:$0x3FB7] =	sst s0;
	s0 =	simm.s32 @!p2 $0x0  }
0x16: {  	s3 =	sld [smem:$0x3FDB];
	s0 =	simm.s32 @p2 $0x1  }
0x17: {  	s4 =	simm.s32 $0x1BF5;
	[smem:$0x3FB9] =	sst s0  }
0x18: {  	s0 =	sld [smem:$0x3F9C];
	_ =	swait.ge [sflag:s4], $0x0  }
0x19: {  	s7 =	sld [smem:$0x3F9D]  }
0x1a: {  	s8 =	sadd.s32 $0xFFFFE003, lr  }
0x1b: {  	s9 =	sadd.s32 $0xFFFFFEF7, lr;
	s5 =	simm.s32 $0xFFFFFFFF;
	p2 =	slt.u32 s8, $0xFFFFF086  }
0x1c: {  	p1 =	slt.u32 s9, $0xF7A;
	s5 =	simm.s32 @!p2 $0x0  }
0x1d: {  	s5 =	simm.s32 @p1 $0x1;
	p0 =	seq.s32 s7, s2  }
0x1e: {  	s7 =	smul.u32 @!p0 $0xF7A, s2;
	p2 =	seq.s32 @!p0 s5, $0x0  }
0x1f: {  	s9 =	smul.u32 $0xF7A, s1;
	s8 =	simm.s32 @!p0 $0x1BF5;
	p2 =	por !p2, p0  }
0x20: {  	[sflag:s8] =	ssyncset.s32 @!p0 $0xFFFFF086;
	s6 =	sadd.s32 @!p0 s3, s7;
	s7 =	simm.s32 @!p0 $0x108  }
0x21: {  	s3 =	sadd.s32 s3, s9;
	s6 =	sadd.s32 @!p0 $0x88, s6;
	s7 =	simm.s32 @p2 $0x1082  }
0x22: {  	[simem:s7], [sflag:s8] =	dma.local @!p0 [hbm:s6], $0xF7A  }
0x23: {  	s9 =	sor.u32 $0xD0000000, s2;
	s6 =	simm.s32 $0x108;
	_ =	swait.ge @!p0 [sflag:s8], $0x0  }
0x24: {  	s3 =	sadd.s32 $0x88, s3;
	s6 =	simm.s32 @!p1 $0x1082;
	[sflag:s4] =	ssyncset.s32 $0xFFFFF086  }
0x25: {  	[simem:s6], [sflag:s4] =	dma.local [hbm:s3], $0xF7A  }
0x26: {  	[smem:$0x3F9D] =	sst s1;
	(tag) =	ssettag s2;
	_ =	strace s9  }
0x27: {  	s1 =	sld [smem:$0x3FAD]  }
0x28: {  	s2 =	sld [smem:$0x3FAE]  }
0x29: {  	s4 =	sld [smem:$0x3FB0]  }
0x2a: {  	p0 =	seq.s32 s5, $0x0;
	s5 =	sld [smem:$0x3FB1]  }
0x2b: {  	s6 =	sld [smem:$0x3FB2]  }
0x2c: {  	s7 =	sld [smem:$0x3FB3]  }
0x2d: {  	s3 =	simm.s32 $0x108;
	s8 =	sld [smem:$0x3FB4]  }
0x2e: {  	s3 =	simm.s32 @!p0 $0x1082;
	s9 =	sld [smem:$0x3FB5]  }
0x2f: {  	lr =	sadd.s32 s0, s3;
	s0 =	sld [smem:$0x3FAC]  }
0x30: {  	s3 =	sld [smem:$0x3FAF]  }
0x31: {  	[smem:$0x3FB8] =	sst s10  }
0x32: {  	s10 =	sld [smem:$0x3FB6];
	_ =	sdelay $0x3  }
0x33: {  	p0 =	seq.s32 s10, $0x1;
	s10 =	sld [smem:$0x3FB8];
	_ =	sdelay $0x3  }
0x34: {  	[smem:$0x3FB8] =	sst s10  }
0x35: {  	s10 =	sld [smem:$0x3FB7];
	_ =	sdelay $0x3  }
0x36: {  	p1 =	seq.s32 s10, $0x1;
	s10 =	sld [smem:$0x3FB8];
	_ =	sdelay $0x3  }
0x37: {  	[smem:$0x3FB8] =	sst s10  }
0x38: {  	s10 =	sld [smem:$0x3FB9]  }
0x39: {  	_ = 	snop;
	(pc) =	sbr.ind lr, $3  }
0x3a: {  	_ = 	snop  }
0x3b: {  	_ = 	snop  }
0x3c: {  	p2 =	seq.s32 s10, $0x1;
	s10 =	sld [smem:$0x3FB8]  }
0x3d: {  	_ =	shalt  }
0x3e: {  	_ =	shalt  }
0x3f: {  	_ =	shalt  }
0x40: {  	_ =	shalt  }
0x41: {  	_ =	shalt  }
0x42: {  	_ =	shalt  }
0x43: {  	_ =	shalt  }
0x44: {  	_ =	shalt  }
0x45: {  	_ =	shalt  }
0x46: {  	_ =	shalt  }
0x47: {  	_ =	shalt  }
0x48: {  	_ =	shalt  }
0x49: {  	_ =	shalt  }
0x4a: {  	_ =	shalt  }
0x4b: {  	_ =	shalt  }
0x4c: {  	_ =	shalt  }
0x4d: {  	_ =	shalt  }
0x4e: {  	_ =	shalt  }
0x4f: {  	_ =	shalt  }
0x50: {  	_ =	shalt  }
0x51: {  	_ =	shalt  }
0x52: {  	_ =	shalt  }
0x53: {  	_ =	shalt  }
0x54: {  	_ =	shalt  }
0x55: {  	_ =	shalt  }
0x56: {  	_ =	shalt  }
0x57: {  	_ =	shalt  }
0x58: {  	_ =	shalt  }
0x59: {  	_ =	shalt  }
0x5a: {  	_ =	shalt  }
0x5b: {  	_ =	shalt  }
0x5c: {  	_ =	shalt  }
0x5d: {  	_ =	shalt  }
0x5e: {  	_ =	shalt  }
0x5f: {  	_ =	shalt  }
0x60: {  	_ =	shalt  }
0x61: {  	_ =	shalt  }
0x62: {  	_ =	shalt  }
0x63: {  	_ =	shalt  }
0x64: {  	_ =	shalt  }
0x65: {  	_ =	shalt  }
0x66: {  	_ =	shalt  }
0x67: {  	_ =	shalt  }
0x68: {  	_ =	shalt  }
0x69: {  	_ =	shalt  }
0x6a: {  	_ =	shalt  }
0x6b: {  	_ =	shalt  }
0x6c: {  	_ =	shalt  }
0x6d: {  	_ =	shalt  }
0x6e: {  	_ =	shalt  }
0x6f: {  	_ =	shalt  }
0x70: {  	_ =	shalt  }
0x71: {  	_ =	shalt  }
0x72: {  	_ =	shalt  }
0x73: {  	_ =	shalt  }
0x74: {  	_ =	shalt  }
0x75: {  	_ =	shalt  }
0x76: {  	_ =	shalt  }
0x77: {  	_ =	shalt  }
0x78: {  	_ =	shalt  }
0x79: {  	_ =	shalt  }
0x7a: {  	_ =	shalt  }
0x7b: {  	_ =	shalt  }
0x7c: {  	_ =	shalt  }
0x7d: {  	_ =	shalt  }
0x7e: {  	_ =	shalt  }
0x7f: {  	_ =	shalt  }
0x80: {  	_ =	shalt  }
0x81: {  	_ =	shalt  }
0x82: {  	_ =	shalt  }
0x83: {  	_ =	shalt  }
0x84: {  	_ =	shalt  }
0x85: {  	_ =	shalt  }
0x86: {  	_ =	shalt  }
0x87: {  	_ =	shalt  }
.Lfunc_end0:
.L_simem_size_0:
called_computation_lowered:
.L_overlay_start_0:
0x88: {  	s0 =	sld [smem:$0x3FD9]  }
0x89: {  	s1 =	sld [smem:$0x3FFE];
	_ =	sdelay $0x3  }
0x8a: {  	s0 =	sadd.s32 s1, s0  }
0x8b: {  	[smem:$0x3FC4] =	sst s0  }
0x8c: {  	_ = 	snop  }
0x8d: {  	s0 =	sld [smem:$0x3FC9];
	(tm) =	ssettm $0x1  }
0x8e: {  	s16 =	sld [smem:$0x3FFB];
	_ =	sdelay $0x3  }
0x8f: {  	_ =	strace s16  }
0x90: {  	s1 =	sld [smem:$0x3FFC];
	_ =	sdelay $0x3  }
0x91: {  	_ =	strace s1  }
0x92: {  	s1 =	sld [smem:$0x3FFD];
	_ =	sdelay $0x3  }
0x93: {  	_ =	strace s1  }
0x94: {  	_ =	strace $0x8FFFFFFF  }
0x95: {  	s17 =	sld [smem:$0x3FDB];
	_ =	sdelay $0x1  }
0x96: {  	s2 =	simm.s32 $_scs_section_size  }
0x97: {  	s3 =	simm.s32 $_size__tile_overlayer_lowered;
	s4 =	simm.s32 $_tile_overlayer_lowered  }
0x98: {  	s20 =	simm.s32 $0x1BFF;
	s19 =	sshll.u32 s4, $0x1;
	s1 =	sadd.s32 s2, s17  }
0x99: {  	s5 =	simm.s32 $0x0;
	s18 =	sshll.u32 s3, $0x1;
	s3 =	sadd.s32 s19, s1  }
0x9a: {  	[timem:s5], [sflag:s20] =	dma.local [hbm:s3], s18  }
0x9b: {  	_ =	swait.ge [sflag:s20], s18  }
0x9c: {  	s2 =	ssub.s32 $0x0, s18;
	[sflag:s20] =	ssyncset.done $0x0  }
0x9d: {  	[sflag:s20] =	ssyncadd.s32 s2;
	_ =	sdelay $0x1  }
0x9e: {  	s21 =	simm.s32 $0x1B8B  }
0x9f: {  	_ =	swait.ge [sflag:s21], $0x1  }
0xa0: {  	[sflag:s21] =	ssyncset.done $0x0  }
0xa1: {  	s23 =	simm.s32 $0x1B8E;
	s22 =	sld [smem:$0x3FFE];
	[sflag:s21] =	ssyncadd.s32 $0xFFFFFFFF  }
0xa2: {  	s24 =	simm.s32 $execute0_lowered;
	[smem:$0x3FD2] =	sst s23  }
0xa3: {  	s3 =	sshll.u32 s24, $0x1;
	_ =	strace $0x80000046;
	[dreg:$0x1] =	wrdreg $0xFFFFFFFF  }
0xa4: {  	s25 =	simm.s32 $_size_execute0_lowered;
	s1 =	sadd.s32 s1, s3;
	[dreg:$0x0] =	wrdreg $0x0  }
0xa5: {  	s3 =	sshll.u32 s25, $0x1;
	[dreg:$0x2] =	wrdreg s1  }
0xa6: {  	[dreg:$0x3] =	wrdreg s3  }
0xa7: {  	[dreg:$0x4] =	wrdreg $0xC0  }
0xa8: {  	_ =	task [dreg:s5], $0x5FFFF  }
0xa9: {  	[dreg:$0x1] =	wrdreg $0xFFFFFFFF  }
0xaa: {  	[dreg:$0x0] =	wrdreg $0x60  }
0xab: {  	[dreg:$0x2] =	wrdreg s0  }
0xac: {  	[dreg:$0x3] =	wrdreg s22  }
0xad: {  	[dreg:$0x4] =	wrdreg $0x44800  }
0xae: {  	[dreg:$0x5] =	wrdreg $0x9  }
0xaf: {  	_ =	task.clear_ibuf [dreg:s5], $0x6FFFF;
	_ =	strace $0x90000046  }
0xb0: {  	s26 =	simm.s32 $0x9;
	_ =	strace $0x80000048  }
0xb1: {  	_ =	swait.ge [sflag:s26], $0x1  }
0xb2: {  	[sflag:s26] =	ssyncadd.s32 $0xFFFFFFFF  }
0xb3: {  	_ =	strace $0x90000048  }
0xb4: {  	_ =	sfence  }
0xb5: {  	s28 =	sld [smem:$0x0];
	_ =	sdelay $0x1  }
0xb6: {  	s29 =	srdreg.scid  }
0xb7: {  	s30 =	sshll.u32 s29, $0xD;
	s31 =	sshrl.u32 s29, $0x2  }
0xb8: {  	s2 =	sand.u32 $0x4000, s30;
	s1 =	sand.u32 $0x1, s29;
	s0 =	sadd.s32 s31, s28  }
0xb9: {  	s1 =	sor.u32 s2, s1;
	s0 =	sshll.u32 s0, $0x11  }
0xba: {  	s0 =	sor.u32 s0, s1  }
0xbb: {  	s0 =	sadd.s32 $0x8F2B, s0  }
0xbc: {  	[sflag:s0] =	ssyncadd.remote.s32 $0x1  }
0xbd: {  	_ =	sfence.sel $0xFFFF  }
0xbe: {  	[dreg:$0x0] =	wrdreg $0xFFFFFFFF;
	(pc) =	sbr.abs _section_cstart, $3  }
0xbf: {  	[dreg:$0x1] =	wrdreg $0xFFFFFFFF  }
0xc0: {  	_ =	task.clear_ibuf [dreg:s5], $0x2FFFF;
	_ =	strace $0x9FFFFFFF  }
0xc1: {  	(tm) =	ssettm $0x7FFFFFFF  }
tec
execute0_lowered:
.L_overlay_start_1:
0x0: {  	(tag) =	ssettag $0x1  }
0x1: {  	s4 =	rddreg [dreg:$0x0]  }
0x2: {  	s3 =	rddreg [dreg:$0x1]  }
0x3: {  	s2 =	rddreg [dreg:$0x2]  }
0x4: {  	s0 =	rddreg [dreg:$0x3];
	s1 =	simm.s32 $0x0  }
0x5: {  	[smem:$0x7FF] =	sst s1;
	s1 =	stileid.u32  }
0x6: {  	s6 =	simm.s32 $0x0;
	s3 =	sadd.s32 $0x800, s3;
	s5 =	sshll.u32 s1, $0x7  }
0x7: {  	v0 =	vimm.f32 $0.0e+00;
	_ =	strace $0x80000047;
	s4 =	sadd.s32 s4, s5;
	s5 =	simm.s32 $0x40  }
.LBB2_1:
0x8: {  	p0 =	sne.s32 s5, $0xFFC0;
	[tilespmem:s6+$0x400] =	vst v0;
	s6 =	smov.u32 s5;
	s5 =	sadd.s32 $0x40, s5  }
.Ltmp0:
0x9: {  	(pc) =	sbr.rel @p0 .LBB2_1-.Ltmp0, $2  }
0xa: {  	_ =	sdelay $0x2  }
0xb: {  	s6 =	sshra.s32 s6, $0x2  }
0xc: {  	[tilespmem:s6+$0x400] =	vst v0;
	v63 =	vimm.f32 $1.000000000e+00  }
0xd: {  	[tilespmem:$0x4400] =	vst v63  }
0xe: {  	[tilespmem:$0x4410] =	vst v63  }
0xf: {  	[tilespmem:$0x4420] =	vst v63  }
0x10: {  	[tilespmem:$0x4430] =	vst v63  }
0x11: {  	[tilespmem:$0x4440] =	vst v63  }
0x12: {  	[tilespmem:$0x4450] =	vst v63  }
0x13: {  	[tilespmem:$0x4460] =	vst v63  }
0x14: {  	s17 =	simm.s32 $0x0;
	s18 =	simm.s32 $0x1;
	[tilespmem:$0x4470] =	vst v63  }
0x15: {  	[tilespmem:s17], [sflag:$0x1] =	stream.linear.gather [hbm4b:s4+s17], $0x400, $0x38;
	[tilespmem:$0x14480] =	vst v63  }
0x16: {  	_ =	swait.ge [sflag:s18], $0x400  }
0x17: {  	s5 =	sshll.u32 s1, $0x10;
	[sflag:s18] =	ssyncset.done $0x0  }
0x18: {  	s7 =	simm.s32 $0x400;
	s5 =	sadd.s32 s5, s2;
	[sflag:s18] =	ssyncadd.s32 $0xFFFFFC00  }
0x19: {  	[spmem:s5] =	stream.linear.scatter [tilespmem:s7], [sflag:$0x1], $0x4000, $0x38;
	[tilespmem:$0x14480] =	vst v63  }
0x1a: {  	_ =	swait.ge [sflag:s18], $0x4000  }
0x1b: {  	[sflag:s18] =	ssyncset.done $0x0  }
0x1c: {  	s8 =	sadd.s32 $0x4000, s5;
	[sflag:s18] =	ssyncadd.s32 $0xFFFFC000  }
0x1d: {  	[spmem:s8] =	stream.linear.scatter [tilespmem:s7], [sflag:$0x1], $0x4000, $0x38;
	[tilespmem:$0x14480] =	vst v63  }
0x1e: {  	_ =	swait.ge [sflag:s18], $0x4000  }
0x1f: {  	[sflag:s18] =	ssyncset.done $0x0  }
0x20: {  	s19 =	sadd.s32 $0x8000, s5;
	[sflag:s18] =	ssyncadd.s32 $0xFFFFC000  }
0x21: {  	[spmem:s19] =	stream.linear.scatter [tilespmem:s7], [sflag:$0x1], $0x4000, $0x38;
	[tilespmem:$0x14480] =	vst v63  }
0x22: {  	_ =	swait.ge [sflag:s18], $0x4000  }
0x23: {  	[sflag:s18] =	ssyncset.done $0x0  }
0x24: {  	s20 =	sadd.s32 $0xC000, s5;
	[sflag:s18] =	ssyncadd.s32 $0xFFFFC000  }
0x25: {  	[spmem:s20] =	stream.linear.scatter [tilespmem:s7], [sflag:$0x1], $0x4000, $0x38;
	[tilespmem:$0x14480] =	vst v63  }
0x26: {  	_ =	swait.ge [sflag:s18], $0x4000  }
0x27: {  	[sflag:s18] =	ssyncset.done $0x0  }
0x28: {  	[sflag:s18] =	ssyncadd.s32 $0xFFFFC000  }
0x29: {  	s21 =	simm.s32 $0x80;
	s22 =	simm.s32 $0x4400;
	[bflag:$0x0] =	sbarrier.arrive $0xFFFF  }
0x2a: {  	[spmem:s2] =	stream.indirect.scatter.add.f32 [tilespmem:s22], [sflag:$0x1], $0x1, s17, s21, $0xb8;
	[tilespmem:$0x14480] =	vst v63  }
0x2b: {  	_ =	swait.ge [sflag:s18], $0x80  }
0x2c: {  	[sflag:s18] =	ssyncset.done $0x0  }
0x2d: {  	[sflag:s18] =	ssyncadd.s32 $0xFFFFFF80  }
0x2e: {  	[spmem:s2] =	stream.indirect.scatter.add.f32 [tilespmem:s22], [sflag:$0x1], $0x1, s21, s21, $0xb8;
	[tilespmem:$0x14480] =	vst v63  }
0x2f: {  	_ =	swait.ge [sflag:s18], $0x80  }
0x30: {  	[sflag:s18] =	ssyncset.done $0x0  }
0x31: {  	s23 =	simm.s32 $0x100;
	[sflag:s18] =	ssyncadd.s32 $0xFFFFFF80  }
0x32: {  	[spmem:s2] =	stream.indirect.scatter.add.f32 [tilespmem:s22], [sflag:$0x1], $0x1, s23, s21, $0xb8;
	[tilespmem:$0x14480] =	vst v63  }
0x33: {  	_ =	swait.ge [sflag:s18], $0x80  }
0x34: {  	[sflag:s18] =	ssyncset.done $0x0  }
0x35: {  	s24 =	simm.s32 $0x180;
	[sflag:s18] =	ssyncadd.s32 $0xFFFFFF80  }
0x36: {  	[spmem:s2] =	stream.indirect.scatter.add.f32 [tilespmem:s22], [sflag:$0x1], $0x1, s24, s21, $0xb8;
	[tilespmem:$0x14480] =	vst v63  }
0x37: {  	_ =	swait.ge [sflag:s18], $0x80  }
0x38: {  	[sflag:s18] =	ssyncset.done $0x0  }
0x39: {  	s25 =	simm.s32 $0x200;
	[sflag:s18] =	ssyncadd.s32 $0xFFFFFF80  }
0x3a: {  	[spmem:s2] =	stream.indirect.scatter.add.f32 [tilespmem:s22], [sflag:$0x1], $0x1, s25, s21, $0xb8;
	[tilespmem:$0x14480] =	vst v63  }
0x3b: {  	_ =	swait.ge [sflag:s18], $0x80  }
0x3c: {  	[sflag:s18] =	ssyncset.done $0x0  }
0x3d: {  	s26 =	simm.s32 $0x280;
	[sflag:s18] =	ssyncadd.s32 $0xFFFFFF80  }
0x3e: {  	[spmem:s2] =	stream.indirect.scatter.add.f32 [tilespmem:s22], [sflag:$0x1], $0x1, s26, s21, $0xb8;
	[tilespmem:$0x14480] =	vst v63  }
0x3f: {  	_ =	swait.ge [sflag:s18], $0x80  }
0x40: {  	[sflag:s18] =	ssyncset.done $0x0  }
0x41: {  	s28 =	simm.s32 $0x300;
	[sflag:s18] =	ssyncadd.s32 $0xFFFFFF80  }
0x42: {  	[spmem:s2] =	stream.indirect.scatter.add.f32 [tilespmem:s22], [sflag:$0x1], $0x1, s28, s21, $0xb8;
	[tilespmem:$0x14480] =	vst v63  }
0x43: {  	_ =	swait.ge [sflag:s18], $0x80  }
0x44: {  	[sflag:s18] =	ssyncset.done $0x0  }
0x45: {  	s29 =	simm.s32 $0x380;
	[sflag:s18] =	ssyncadd.s32 $0xFFFFFF80  }
0x46: {  	[spmem:s2] =	stream.indirect.scatter.add.f32 [tilespmem:s22], [sflag:$0x1], $0x1, s29, s21, $0xb8;
	[tilespmem:$0x14480] =	vst v63  }
0x47: {  	_ =	swait.ge [sflag:s18], $0x80  }
0x48: {  	s30 =	sshll.u32 s1, $0xD;
	[sflag:s18] =	ssyncset.done $0x0  }
0x49: {  	s31 =	sshll.u32 s1, $0x6;
	s5 =	sshrl.u32 s5, $0x3;
	[sflag:s18] =	ssyncadd.s32 $0xFFFFFF80  }
0x4a: {  	s2 =	sadd.s32 s3, s30;
	s3 =	sor.u32 $0x1C01, s31;
	[bflag:$0x0] =	sbarrier.arrive $0xFFFF  }
0x4b: {  	[hbm:s2], [sflag:s3] =	dma.local [spmem:s5], $0x2000  }
0x4c: {  	_ =	swait.ge [sflag:s18], $0x2000  }
0x4d: {  	[sflag:s18] =	ssyncset.done $0x0  }
0x4e: {  	[sflag:s18] =	ssyncadd.s32 $0xFFFFE000  }
0x4f: {  	_ =	sfence.sel $0x180000  }
0x50: {  	[bflag:$0x0] =	sbarrier.arrive $0xFFFF  }
0x51: {  	p0 =	sne.s32 s1, $0x0;
	_ =	strace $0x90000047  }
0x52: {  	s0 =	sadd.s32 @!p0 $0x100000, s0;
	[bflag:$0x2] =	sbarrier.arrive $0xFFFF  }
0x53: {  	[sflag:s0] =	ssyncadd.tile.s32 @!p0 $0x1;
	_ =	shalt  }
.Lfunc_end2:
_tile_overlayer_lowered:
.L_overlay_start_2:
0x54: {  	(tag) =	ssettag $0x2  }
0x55: {  	s0 =	rddreg [dreg:$0x0];
	s2 =	stileid.u32  }
0x56: {  	s1 =	rddreg [dreg:$0x1];
	p0 =	sne.s32 s2, $0x0  }
0x57: {  	s3 =	rddreg [dreg:$0x2];
	[bflag:$0x3] =	sbarrier.arrive $0xFFFF;
	s2 =	simm.s32 @!p0 $0x1C01  }
0x58: {  	[timem:s3], [sflag:s2] =	dma.local @!p0 [hbm:s0], s1  }
0x59: {  	s0 =	simm.s32 @!p0 $0x1  }
0x5a: {  	_ =	swait.ge @!p0 [sflag:s0], s1  }
0x5b: {  	s1 =	ssub.s32 @!p0 $0x0, s1;
	[sflag:s0] =	ssyncset.done @!p0 $0x0  }
0x5c: {  	[sflag:s0] =	ssyncadd.s32 @!p0 s1  }
0x5d: {  	[bflag:$0x3] =	sbarrier.arrive $0xFFFF  }
0x5e: {  	_ =	shalt  }

</sc_bundles>
